<compile_context>
chip_gen: v7x
topology: tpu7x:2x2x1
jax: 0.10.2.dev20260603
libtpu: 0.0.44.dev20260713+nightly
codegen_flags: <defaults>
</compile_context>

<pallas_src>
import functools

import jax
import jax.numpy as jnp
from jax import lax
from jax.experimental import pallas as pl
from jax.experimental.pallas import tpu as pltpu
from jax.experimental.pallas import tpu_sc as plsc

_N = 100000
_E = 6400000
_NROWS = 784
_NPAD = _NROWS * 128
_DUMMY = 100224
_TGT = _N - 1
_NC, _NS = 2, 16
_NW = _NC * _NS
_TROWS = _E // 128
_CR = 16
_TCH = _TROWS // _CR
_BASECH = _TCH // _NW
_EXTRACH = _TCH % _NW
_SLICE = _NPAD // _NS

_mesh = plsc.VectorSubcoreMesh(
    core_axis_name="c", subcore_axis_name="s", num_cores=_NC, num_subcores=_NS
)


def _init_const_bufs(ones_b, zeros_b):
    for i in range(8):
        ones_b[pl.ds(i * 16, 16)] = jnp.ones((16,), jnp.float32)
        zeros_b[pl.ds(i * 16, 16)] = jnp.zeros((16,), jnp.float32)


def _zero_slice(tbl, s, zeros_b):
    def zbody(i, carry):
        pltpu.sync_copy(zeros_b, tbl.at[pl.ds(s * _SLICE + i * 128, 128)])
        return carry

    lax.fori_loop(0, _SLICE // 128, zbody, 0)


def _zero_table(tab):
    z16 = jnp.zeros((16,), jnp.float32)

    def zb(i, cc):
        for kk in range(8):
            tab[pl.ds(i * 128 + kk * 16, 16)] = z16
        return cc

    lax.fori_loop(0, _NPAD // 128, zb, 0)


@functools.partial(
    pl.kernel,
    out_type=jax.ShapeDtypeStruct((_NW, _NPAD), jnp.float32),
    mesh=_mesh,
    compiler_params=pltpu.CompilerParams(needs_layout_passes=False),
    scratch_types=[
        pltpu.VMEM((_NPAD,), jnp.float32),
        pltpu.VMEM((_CR, 128), jnp.int32),
        pltpu.VMEM((_CR, 128), jnp.int32),
        pltpu.SemaphoreType.DMA,
        pltpu.SemaphoreType.DMA,
    ],
)
def _sc_deg(dst_hbm, deg_out, degtab, dstbuf0, dstbuf1, sem0, sem1):
    c = lax.axis_index("c")
    s = lax.axis_index("s")
    w = c * _NS + s
    _zero_table(degtab)
    ones16 = jnp.ones((16,), jnp.float32)
    nch = _BASECH + (w < _EXTRACH).astype(jnp.int32)
    sets = ((dstbuf0, sem0), (dstbuf1, sem1))

    pltpu.async_copy(dst_hbm.at[pl.ds(w * _CR, _CR)], dstbuf0, sem0)
    pltpu.async_copy(dst_hbm.at[pl.ds((w + _NW) * _CR, _CR)], dstbuf1, sem1)

    def _sub(i, p):
        buf, sem = sets[p]
        row0 = (w + _NW * i) * _CR
        pltpu.make_async_copy(dst_hbm.at[pl.ds(row0, _CR)], buf, sem).wait()

        def gb(j, cc):
            for kk in range(8):
                dv = buf[j, pl.ds(kk * 16, 16)]
                plsc.addupdate_scatter(degtab, [dv], ones16)
            return cc

        lax.fori_loop(0, _CR, gb, 0)

        @pl.when(i + 2 < nch)
        def _():
            row2 = (w + _NW * (i + 2)) * _CR
            pltpu.async_copy(dst_hbm.at[pl.ds(row2, _CR)], buf, sem)

    def chunk(i, carry):
        @pl.when(i % 2 == 0)
        def _():
            _sub(i, 0)

        @pl.when(i % 2 == 1)
        def _():
            _sub(i, 1)

        return carry

    lax.fori_loop(0, nch, chunk, 0)
    pltpu.sync_copy(degtab, deg_out.at[w])


@functools.partial(
    pl.kernel,
    out_type=(
        jax.ShapeDtypeStruct((_NC, _NPAD), jnp.float32),
        jax.ShapeDtypeStruct((_NC, _NPAD), jnp.float32),
    ),
    mesh=_mesh,
    compiler_params=pltpu.CompilerParams(needs_layout_passes=False),
    scratch_types=[
        pltpu.VMEM((_NPAD,), jnp.float32),
        pltpu.VMEM((_CR, 128), jnp.int32),
        pltpu.VMEM((_CR, 128), jnp.int32),
        pltpu.VMEM((_CR, 128), jnp.int32),
        pltpu.VMEM((_CR, 128), jnp.int32),
        pltpu.VMEM((_CR, 128), jnp.float32),
        pltpu.VMEM((_CR, 128), jnp.float32),
        pltpu.VMEM((128,), jnp.float32),
        pltpu.VMEM((128,), jnp.float32),
        pltpu.VMEM_SHARED((_NPAD,), jnp.float32),
        pltpu.VMEM_SHARED((_NPAD,), jnp.float32),
        pltpu.SemaphoreType.DMA,
        pltpu.SemaphoreType.DMA,
        pltpu.SemaphoreType.DMA,
        pltpu.SemaphoreType.DMA,
    ],
)
def _sc_scatter(
    src_hbm, dst_hbm, y_hbm, a_out, c2_out,
    ytab, srcbuf, dstbuf0, dstbuf1, midxbuf, valsbuf0, valsbuf1,
    ones_b, zeros_b, ash, c2sh, sem0, sem1, sem_s, sem_d,
):
    c = lax.axis_index("c")
    s = lax.axis_index("s")
    w = c * _NS + s
    _init_const_bufs(ones_b, zeros_b)
    _zero_slice(ash, s, zeros_b)
    _zero_slice(c2sh, s, zeros_b)
    pltpu.sync_copy(y_hbm, ytab)
    plsc.subcore_barrier()

    sets = ((dstbuf0, valsbuf0, sem0), (dstbuf1, valsbuf1, sem1))
    nch = _BASECH + (w < _EXTRACH).astype(jnp.int32)

    def _drain(p):
        dbuf, vbuf, sem = sets[p]

        def drain(j, cc):
            pltpu.make_async_copy(vbuf.at[j], ash.at[dbuf.at[j]], sem).wait()
            return cc

        lax.fori_loop(0, _CR, drain, 0)

    def _sub(i, p):
        dbuf, vbuf, sem = sets[p]

        row0 = (w + _NW * i) * _CR
        pltpu.async_copy(src_hbm.at[pl.ds(row0, _CR)], srcbuf, sem_s)

        @pl.when(i >= 2)
        def _():
            _drain(p)

        pltpu.async_copy(dst_hbm.at[pl.ds(row0, _CR)], dbuf, sem_d)
        pltpu.make_async_copy(src_hbm.at[pl.ds(row0, _CR)], srcbuf, sem_s).wait()
        pltpu.make_async_copy(dst_hbm.at[pl.ds(row0, _CR)], dbuf, sem_d).wait()

        def gbody(j, hits):
            for kk in range(8):
                k = kk * 16
                sv = srcbuf[j, pl.ds(k, 16)]
                dv = dbuf[j, pl.ds(k, 16)]
                vbuf[j, pl.ds(k, 16)] = plsc.load_gather(ytab, [sv])
                m = dv == _TGT
                midxbuf[j, pl.ds(k, 16)] = jnp.where(m, sv, _DUMMY)
                hits = hits + m.astype(jnp.int32)
            return hits

        hits = lax.fori_loop(0, _CR, gbody, jnp.zeros((16,), jnp.int32))

        def fire(j, cc):
            pltpu.async_copy(vbuf.at[j], ash.at[dbuf.at[j]], sem, add=True)
            return cc

        lax.fori_loop(0, _CR, fire, 0)

        nh = jnp.sum(hits)

        @pl.when(nh > 0)
        def _():
            def sbody(j, cc):
                pltpu.sync_copy(ones_b, c2sh.at[midxbuf.at[j]], add=True)
                return cc

            lax.fori_loop(0, _CR, sbody, 0)

    def chunk(i, carry):
        @pl.when(i % 2 == 0)
        def _():
            _sub(i, 0)

        @pl.when(i % 2 == 1)
        def _():
            _sub(i, 1)

        return carry

    lax.fori_loop(0, nch, chunk, 0)
    _drain(0)
    _drain(1)
    plsc.subcore_barrier()
    pltpu.sync_copy(
        ash.at[pl.ds(s * _SLICE, _SLICE)], a_out.at[c, pl.ds(s * _SLICE, _SLICE)]
    )
    pltpu.sync_copy(
        c2sh.at[pl.ds(s * _SLICE, _SLICE)], c2_out.at[c, pl.ds(s * _SLICE, _SLICE)]
    )


def _tc_prep_body(degp_ref, x_ref, dinv_ref, y_ref):
    d = jnp.full((_NROWS // 7, 128), 1.0, jnp.float32)
    for t in range(_NW):
        d = d + degp_ref[t]
    dinv = lax.rsqrt(d)
    dinv_ref[...] = dinv
    y_ref[...] = x_ref[...] * dinv


def _tc_final_body(ap_ref, c2p_ref, y_ref, dinv_ref, p_ref, out_ref):
    a = ap_ref[0:_NROWS, :] + ap_ref[_NROWS : 2 * _NROWS, :]
    c2 = c2p_ref[0:_NROWS, :] + c2p_ref[_NROWS : 2 * _NROWS, :]
    dinv = dinv_ref[...]
    y = y_ref[...]
    s1 = dinv * (a + y)
    row = lax.broadcasted_iota(jnp.int32, (_NROWS, 128), 0)
    col = lax.broadcasted_iota(jnp.int32, (_NROWS, 128), 1)
    v = row * 128 + col
    wv = jnp.where(v < _N, (c2 + (v == _TGT).astype(jnp.float32)) * dinv, 0.0)
    dinv_n = dinv_ref[_TGT // 128, _TGT % 128]
    t = []
    for f in range(16):
        w1f = p_ref[0, f]
        b1f = p_ref[1, f]
        t.append(jnp.sum(jnp.maximum(s1 * w1f + b1f, 0.0) * wv))
    outv = p_ref[5, 0]
    for g in range(8):
        zg = t[0] * p_ref[2, g]
        for f in range(1, 16):
            zg = zg + t[f] * p_ref[2, f * 8 + g]
        h2g = jnp.maximum(zg * dinv_n + p_ref[3, g], 0.0)
        outv = outv + h2g * p_ref[4, g]
    out_ref[...] = jnp.full((8, 128), outv, jnp.float32)


def kernel(x, edge_index, W1, b1, W2, b2, Wfc, bfc):
    src2d = edge_index[0].reshape(_TROWS, 128)
    dst2d = edge_index[1].reshape(_TROWS, 128)
    xp = jnp.pad(x[:, 0], (0, _NPAD - _N))

    deg_parts = _sc_deg(dst2d)

    _BR = _NROWS // 7
    dinv2d, y2d = pl.pallas_call(
        _tc_prep_body,
        grid=(7,),
        in_specs=[
            pl.BlockSpec((_NW, _BR, 128), lambda i: (0, i, 0)),
            pl.BlockSpec((_BR, 128), lambda i: (i, 0)),
        ],
        out_specs=[
            pl.BlockSpec((_BR, 128), lambda i: (i, 0)),
            pl.BlockSpec((_BR, 128), lambda i: (i, 0)),
        ],
        out_shape=(
            jax.ShapeDtypeStruct((_NROWS, 128), jnp.float32),
            jax.ShapeDtypeStruct((_NROWS, 128), jnp.float32),
        ),
    )(deg_parts.reshape(_NW, _NROWS, 128), xp.reshape(_NROWS, 128))

    a_parts, c2_parts = _sc_scatter(src2d, dst2d, y2d.reshape(_NPAD))

    params = jnp.zeros((8, 128), jnp.float32)
    params = params.at[0, :16].set(W1[0])
    params = params.at[1, :16].set(b1)
    params = params.at[2, :128].set(W2.reshape(-1))
    params = params.at[3, :8].set(b2)
    params = params.at[4, :8].set(Wfc[:, 0])
    params = params.at[5, 0].set(bfc[0])

    out8 = pl.pallas_call(
        _tc_final_body,
        out_shape=jax.ShapeDtypeStruct((8, 128), jnp.float32),
    )(
        a_parts.reshape(_NC * _NROWS, 128),
        c2_parts.reshape(_NC * _NROWS, 128),
        y2d,
        dinv2d,
        params,
    )
    return out8[0, 0:1]

# --- scband reference (transcript-rebuilt; emitter-appended) ---
"""Pipeline reference for scband-sogamoso-gcn-7988639170621 (READ-ONLY COPY).

The authoritative reference and input builder live on the scoring server;
editing this copy changes nothing except your own understanding.
"""

import jax, jax.numpy as jnp
import numpy as np

N = 100000
E = 6400000


def gcn_conv(x, src, dst, W, b, n):
    # PyG GCNConv: linear transform, symmetric normalization with self-loops already
    # appended to (src, dst), scatter-add aggregation, then bias.
    h = x @ W
    deg = jnp.zeros((n,), dtype=h.dtype).at[dst].add(1.0)
    dinv = jnp.where(deg > 0, 1.0 / jnp.sqrt(deg), 0.0)
    norm = dinv[src] * dinv[dst]
    msg = h[src] * norm[:, None]
    out = jnp.zeros((n, h.shape[1]), dtype=h.dtype).at[dst].add(msg)
    return out + b


def setup_inputs(seed: int = 0) -> dict:
    key = jax.random.key(seed)
    ks = jax.random.split(key, 8)
    x = jax.random.normal(ks[0], (N, 1), dtype=jnp.float32)
    edge_index = jax.random.randint(ks[1], (2, E), 0, N, dtype=jnp.int32)
    # learned parameters sized per module: GCNConv(1,16), GCNConv(16,8), Linear(8,1)
    W1 = jax.random.normal(ks[2], (1, 16), dtype=jnp.float32) * (1.0 / np.sqrt(1))
    b1 = jnp.zeros((16,), dtype=jnp.float32)
    W2 = jax.random.normal(ks[3], (16, 8), dtype=jnp.float32) * (1.0 / np.sqrt(16))
    b2 = jnp.zeros((8,), dtype=jnp.float32)
    Wfc = jax.random.normal(ks[4], (8, 1), dtype=jnp.float32) * (1.0 / np.sqrt(8))
    bfc = jnp.zeros((1,), dtype=jnp.float32)
    return {"x": x, "edge_index": edge_index, "W1": W1, "b1": b1, "W2": W2, "b2": b2, "Wfc": Wfc, "bfc": bfc}


def reference(x, edge_index, W1, b1, W2, b2, Wfc, bfc):
    n = x.shape[0]
    loop = jnp.arange(n, dtype=edge_index.dtype)
    src = jnp.concatenate([edge_index[0], loop])
    dst = jnp.concatenate([edge_index[1], loop])
    h = jax.nn.relu(gcn_conv(x, src, dst, W1, b1, n))
    h = jax.nn.relu(gcn_conv(h, src, dst, W2, b2, n))
    out = h[-1] @ Wfc + bfc  # fc applied to last node's features, shape [1]
    return out

if __name__ == "__main__":
    import jax
    _d = setup_inputs()
    print(jax.jit(kernel)(*tuple(_d.values())))

</pallas_src>

<mosaic_0001>
#map = affine_map<(d0, d1) -> (0, 0)>
#map1 = affine_map<(d0, d1) -> (0)>
module attributes {stable_mosaic.version = 14 : i64} {
  func.func @_sc_scatter(%arg0: i32, %arg1: i32, %arg2: memref<50000x128xi32, #tpu.memory_space<hbm>>, %arg3: memref<50000x128xi32, #tpu.memory_space<hbm>>, %arg4: memref<100352xf32, #tpu.memory_space<hbm>>, %arg5: memref<2x100352xf32, #tpu.memory_space<hbm>>, %arg6: memref<2x100352xf32, #tpu.memory_space<hbm>>, %arg7: memref<100352xf32, #tpu.memory_space<vmem>>, %arg8: memref<16x128xi32, #tpu.memory_space<vmem>>, %arg9: memref<16x128xi32, #tpu.memory_space<vmem>>, %arg10: memref<16x128xi32, #tpu.memory_space<vmem>>, %arg11: memref<16x128xi32, #tpu.memory_space<vmem>>, %arg12: memref<16x128xf32, #tpu.memory_space<vmem>>, %arg13: memref<16x128xf32, #tpu.memory_space<vmem>>, %arg14: memref<128xf32, #tpu.memory_space<vmem>>, %arg15: memref<128xf32, #tpu.memory_space<vmem>>, %arg16: memref<100352xf32, #tpu.memory_space<vmem_shared>>, %arg17: memref<100352xf32, #tpu.memory_space<vmem_shared>>, %arg18: memref<!tpu.dma_semaphore, #tpu.memory_space<semaphore_mem>>, %arg19: memref<!tpu.dma_semaphore, #tpu.memory_space<semaphore_mem>>, %arg20: memref<!tpu.dma_semaphore, #tpu.memory_space<semaphore_mem>>, %arg21: memref<!tpu.dma_semaphore, #tpu.memory_space<semaphore_mem>>) attributes {dimension_semantics = [#tpu.dimension_semantics<core_parallel>, #tpu.dimension_semantics<subcore_parallel>], iteration_bounds = array<i64: 2, 16>, scalar_prefetch = 0 : i64, scratch_operands = 15 : i64, tpu.core_type = #tpu.core_type<sc_vector_subcore>, window_params = [{transform_indices = #map}, {transform_indices = #map}, {transform_indices = #map1}, {transform_indices = #map}, {transform_indices = #map}]} {
    %mul3A = arith.constant 16 : i32
    %mul3A_0 = arith.muli %arg0, %mul3A : i32
    %add3A = arith.addi %mul3A_0, %arg1 : i32
    %broadcast_in_dim3A = arith.constant 1.000000e+00 : f32
    %broadcast_in_dim3A_1 = vector.broadcast %broadcast_in_dim3A : f32 to vector<16xf32>
    %swap3A = arith.constant 0 : index
    %swap3A_2 = tpu.vector_load %arg14[%swap3A] {strides = array<i32>} : memref<128xf32, #tpu.memory_space<vmem>>, vector<16xf32>,
    tpu.vector_store %arg14[%swap3A], %broadcast_in_dim3A_1 {strides = array<i32>} : memref<128xf32, #tpu.memory_space<vmem>>, vector<16xf32>,
    %broadcast_in_dim3A_3 = arith.constant 0.000000e+00 : f32
    %broadcast_in_dim3A_4 = vector.broadcast %broadcast_in_dim3A_3 : f32 to vector<16xf32>
    %swap3A_5 = arith.constant 0 : index
    %swap3A_6 = tpu.vector_load %arg15[%swap3A_5] {strides = array<i32>} : memref<128xf32, #tpu.memory_space<vmem>>, vector<16xf32>,
    tpu.vector_store %arg15[%swap3A_5], %broadcast_in_dim3A_4 {strides = array<i32>} : memref<128xf32, #tpu.memory_space<vmem>>, vector<16xf32>,
    %broadcast_in_dim3A_7 = arith.constant 1.000000e+00 : f32
    %broadcast_in_dim3A_8 = vector.broadcast %broadcast_in_dim3A_7 : f32 to vector<16xf32>
    %swap3A_9 = arith.constant 16 : index
    %swap3A_10 = tpu.vector_load %arg14[%swap3A_9] {strides = array<i32>} : memref<128xf32, #tpu.memory_space<vmem>>, vector<16xf32>,
    tpu.vector_store %arg14[%swap3A_9], %broadcast_in_dim3A_8 {strides = array<i32>} : memref<128xf32, #tpu.memory_space<vmem>>, vector<16xf32>,
    %broadcast_in_dim3A_11 = arith.constant 0.000000e+00 : f32
    %broadcast_in_dim3A_12 = vector.broadcast %broadcast_in_dim3A_11 : f32 to vector<16xf32>
    %swap3A_13 = arith.constant 16 : index
    %swap3A_14 = tpu.vector_load %arg15[%swap3A_13] {strides = array<i32>} : memref<128xf32, #tpu.memory_space<vmem>>, vector<16xf32>,
    tpu.vector_store %arg15[%swap3A_13], %broadcast_in_dim3A_12 {strides = array<i32>} : memref<128xf32, #tpu.memory_space<vmem>>, vector<16xf32>,
    %broadcast_in_dim3A_15 = arith.constant 1.000000e+00 : f32
    %broadcast_in_dim3A_16 = vector.broadcast %broadcast_in_dim3A_15 : f32 to vector<16xf32>
    %swap3A_17 = arith.constant 32 : index
    %swap3A_18 = tpu.vector_load %arg14[%swap3A_17] {strides = array<i32>} : memref<128xf32, #tpu.memory_space<vmem>>, vector<16xf32>,
    tpu.vector_store %arg14[%swap3A_17], %broadcast_in_dim3A_16 {strides = array<i32>} : memref<128xf32, #tpu.memory_space<vmem>>, vector<16xf32>,
    %broadcast_in_dim3A_19 = arith.constant 0.000000e+00 : f32
    %broadcast_in_dim3A_20 = vector.broadcast %broadcast_in_dim3A_19 : f32 to vector<16xf32>
    %swap3A_21 = arith.constant 32 : index
    %swap3A_22 = tpu.vector_load %arg15[%swap3A_21] {strides = array<i32>} : memref<128xf32, #tpu.memory_space<vmem>>, vector<16xf32>,
    tpu.vector_store %arg15[%swap3A_21], %broadcast_in_dim3A_20 {strides = array<i32>} : memref<128xf32, #tpu.memory_space<vmem>>, vector<16xf32>,
    %broadcast_in_dim3A_23 = arith.constant 1.000000e+00 : f32
    %broadcast_in_dim3A_24 = vector.broadcast %broadcast_in_dim3A_23 : f32 to vector<16xf32>
    %swap3A_25 = arith.constant 48 : index
    %swap3A_26 = tpu.vector_load %arg14[%swap3A_25] {strides = array<i32>} : memref<128xf32, #tpu.memory_space<vmem>>, vector<16xf32>,
    tpu.vector_store %arg14[%swap3A_25], %broadcast_in_dim3A_24 {strides = array<i32>} : memref<128xf32, #tpu.memory_space<vmem>>, vector<16xf32>,
    %broadcast_in_dim3A_27 = arith.constant 0.000000e+00 : f32
    %broadcast_in_dim3A_28 = vector.broadcast %broadcast_in_dim3A_27 : f32 to vector<16xf32>
    %swap3A_29 = arith.constant 48 : index
    %swap3A_30 = tpu.vector_load %arg15[%swap3A_29] {strides = array<i32>} : memref<128xf32, #tpu.memory_space<vmem>>, vector<16xf32>,
    tpu.vector_store %arg15[%swap3A_29], %broadcast_in_dim3A_28 {strides = array<i32>} : memref<128xf32, #tpu.memory_space<vmem>>, vector<16xf32>,
    %broadcast_in_dim3A_31 = arith.constant 1.000000e+00 : f32
    %broadcast_in_dim3A_32 = vector.broadcast %broadcast_in_dim3A_31 : f32 to vector<16xf32>
    %swap3A_33 = arith.constant 64 : index
    %swap3A_34 = tpu.vector_load %arg14[%swap3A_33] {strides = array<i32>} : memref<128xf32, #tpu.memory_space<vmem>>, vector<16xf32>,
    tpu.vector_store %arg14[%swap3A_33], %broadcast_in_dim3A_32 {strides = array<i32>} : memref<128xf32, #tpu.memory_space<vmem>>, vector<16xf32>,
    %broadcast_in_dim3A_35 = arith.constant 0.000000e+00 : f32
    %broadcast_in_dim3A_36 = vector.broadcast %broadcast_in_dim3A_35 : f32 to vector<16xf32>
    %swap3A_37 = arith.constant 64 : index
    %swap3A_38 = tpu.vector_load %arg15[%swap3A_37] {strides = array<i32>} : memref<128xf32, #tpu.memory_space<vmem>>, vector<16xf32>,
    tpu.vector_store %arg15[%swap3A_37], %broadcast_in_dim3A_36 {strides = array<i32>} : memref<128xf32, #tpu.memory_space<vmem>>, vector<16xf32>,
    %broadcast_in_dim3A_39 = arith.constant 1.000000e+00 : f32
    %broadcast_in_dim3A_40 = vector.broadcast %broadcast_in_dim3A_39 : f32 to vector<16xf32>
    %swap3A_41 = arith.constant 80 : index
    %swap3A_42 = tpu.vector_load %arg14[%swap3A_41] {strides = array<i32>} : memref<128xf32, #tpu.memory_space<vmem>>, vector<16xf32>,
    tpu.vector_store %arg14[%swap3A_41], %broadcast_in_dim3A_40 {strides = array<i32>} : memref<128xf32, #tpu.memory_space<vmem>>, vector<16xf32>,
    %broadcast_in_dim3A_43 = arith.constant 0.000000e+00 : f32
    %broadcast_in_dim3A_44 = vector.broadcast %broadcast_in_dim3A_43 : f32 to vector<16xf32>
    %swap3A_45 = arith.constant 80 : index
    %swap3A_46 = tpu.vector_load %arg15[%swap3A_45] {strides = array<i32>} : memref<128xf32, #tpu.memory_space<vmem>>, vector<16xf32>,
    tpu.vector_store %arg15[%swap3A_45], %broadcast_in_dim3A_44 {strides = array<i32>} : memref<128xf32, #tpu.memory_space<vmem>>, vector<16xf32>,
    %broadcast_in_dim3A_47 = arith.constant 1.000000e+00 : f32
    %broadcast_in_dim3A_48 = vector.broadcast %broadcast_in_dim3A_47 : f32 to vector<16xf32>
    %swap3A_49 = arith.constant 96 : index
    %swap3A_50 = tpu.vector_load %arg14[%swap3A_49] {strides = array<i32>} : memref<128xf32, #tpu.memory_space<vmem>>, vector<16xf32>,
    tpu.vector_store %arg14[%swap3A_49], %broadcast_in_dim3A_48 {strides = array<i32>} : memref<128xf32, #tpu.memory_space<vmem>>, vector<16xf32>,
    %broadcast_in_dim3A_51 = arith.constant 0.000000e+00 : f32
    %broadcast_in_dim3A_52 = vector.broadcast %broadcast_in_dim3A_51 : f32 to vector<16xf32>
    %swap3A_53 = arith.constant 96 : index
    %swap3A_54 = tpu.vector_load %arg15[%swap3A_53] {strides = array<i32>} : memref<128xf32, #tpu.memory_space<vmem>>, vector<16xf32>,
    tpu.vector_store %arg15[%swap3A_53], %broadcast_in_dim3A_52 {strides = array<i32>} : memref<128xf32, #tpu.memory_space<vmem>>, vector<16xf32>,
    %broadcast_in_dim3A_55 = arith.constant 1.000000e+00 : f32
    %broadcast_in_dim3A_56 = vector.broadcast %broadcast_in_dim3A_55 : f32 to vector<16xf32>
    %swap3A_57 = arith.constant 112 : index
    %swap3A_58 = tpu.vector_load %arg14[%swap3A_57] {strides = array<i32>} : memref<128xf32, #tpu.memory_space<vmem>>, vector<16xf32>,
    tpu.vector_store %arg14[%swap3A_57], %broadcast_in_dim3A_56 {strides = array<i32>} : memref<128xf32, #tpu.memory_space<vmem>>, vector<16xf32>,
    %broadcast_in_dim3A_59 = arith.constant 0.000000e+00 : f32
    %broadcast_in_dim3A_60 = vector.broadcast %broadcast_in_dim3A_59 : f32 to vector<16xf32>
    %swap3A_61 = arith.constant 112 : index
    %swap3A_62 = tpu.vector_load %arg15[%swap3A_61] {strides = array<i32>} : memref<128xf32, #tpu.memory_space<vmem>>, vector<16xf32>,
    tpu.vector_store %arg15[%swap3A_61], %broadcast_in_dim3A_60 {strides = array<i32>} : memref<128xf32, #tpu.memory_space<vmem>>, vector<16xf32>,
    %scan3A = arith.constant 0 : i32
    %scan3A_63 = arith.constant 0 : i32
    %scan3A_64 = arith.constant 49 : i32
    %scan3A_65 = arith.addi %scan3A_63, %scan3A_64 : i32
    %scan3A_66 = arith.constant 1 : i32
    scf.for %scan3A_107 = %scan3A_63 to %scan3A_65 step %scan3A_66  : i32 {
      %mul3A_108 = arith.constant 6272 : i32
      %mul3A_109 = arith.muli %arg1, %mul3A_108 : i32
      %mul3A_110 = arith.constant 128 : i32
      %mul3A_111 = arith.muli %scan3A_107, %mul3A_110 : i32
      %add3A_112 = arith.addi %mul3A_109, %mul3A_111 : i32
      "tpu.region"() ({
        %run_scoped3A = tpu.sem_alloc : memref<!tpu.dma_semaphore, #tpu.memory_space<semaphore_mem>>
        %dma_start3A = tpu.memref_slice %arg16[%add3A_112] : memref<100352xf32, #tpu.memory_space<vmem_shared>> -> memref<128xf32, #tpu.memory_space<vmem_shared>>
        %dma_start3A_113 = tpu.memref_slice %arg16[%add3A_112] : memref<100352xf32, #tpu.memory_space<vmem_shared>> -> memref<128xf32, #tpu.memory_space<vmem_shared>>
        tpu.enqueue_dma source(%arg15 : memref<128xf32, #tpu.memory_space<vmem>>) target(%dma_start3A_113 : memref<128xf32, #tpu.memory_space<vmem_shared>>) target_semaphore(%run_scoped3A : memref<!tpu.dma_semaphore, #tpu.memory_space<semaphore_mem>>)
        %dma_wait3A = tpu.memref_slice %arg16[%add3A_112] : memref<100352xf32, #tpu.memory_space<vmem_shared>> -> memref<128xf32, #tpu.memory_space<vmem_shared>>
        %dma_wait3A_114 = tpu.memref_slice %arg16[%add3A_112] : memref<100352xf32, #tpu.memory_space<vmem_shared>> -> memref<128xf32, #tpu.memory_space<vmem_shared>>
        tpu.wait_dma2 semaphore(%run_scoped3A : memref<!tpu.dma_semaphore, #tpu.memory_space<semaphore_mem>>) src(%arg15 : memref<128xf32, #tpu.memory_space<vmem>>) dst(%dma_wait3A_114 : memref<128xf32, #tpu.memory_space<vmem_shared>>)
        tpu.yield
      }) : () -> ()
    }
    %scan3A_67 = arith.constant 49 : i32
    %scan3A_68 = arith.constant 0 : i32
    %scan3A_69 = arith.constant 0 : i32
    %scan3A_70 = arith.constant 49 : i32
    %scan3A_71 = arith.addi %scan3A_69, %scan3A_70 : i32
    %scan3A_72 = arith.constant 1 : i32
    scf.for %scan3A_107 = %scan3A_69 to %scan3A_71 step %scan3A_72  : i32 {
      %mul3A_108 = arith.constant 6272 : i32
      %mul3A_109 = arith.muli %arg1, %mul3A_108 : i32
      %mul3A_110 = arith.constant 128 : i32
      %mul3A_111 = arith.muli %scan3A_107, %mul3A_110 : i32
      %add3A_112 = arith.addi %mul3A_109, %mul3A_111 : i32
      "tpu.region"() ({
        %run_scoped3A = tpu.sem_alloc : memref<!tpu.dma_semaphore, #tpu.memory_space<semaphore_mem>>
        %dma_start3A = tpu.memref_slice %arg17[%add3A_112] : memref<100352xf32, #tpu.memory_space<vmem_shared>> -> memref<128xf32, #tpu.memory_space<vmem_shared>>
        %dma_start3A_113 = tpu.memref_slice %arg17[%add3A_112] : memref<100352xf32, #tpu.memory_space<vmem_shared>> -> memref<128xf32, #tpu.memory_space<vmem_shared>>
        tpu.enqueue_dma source(%arg15 : memref<128xf32, #tpu.memory_space<vmem>>) target(%dma_start3A_113 : memref<128xf32, #tpu.memory_space<vmem_shared>>) target_semaphore(%run_scoped3A : memref<!tpu.dma_semaphore, #tpu.memory_space<semaphore_mem>>)
        %dma_wait3A = tpu.memref_slice %arg17[%add3A_112] : memref<100352xf32, #tpu.memory_space<vmem_shared>> -> memref<128xf32, #tpu.memory_space<vmem_shared>>
        %dma_wait3A_114 = tpu.memref_slice %arg17[%add3A_112] : memref<100352xf32, #tpu.memory_space<vmem_shared>> -> memref<128xf32, #tpu.memory_space<vmem_shared>>
        tpu.wait_dma2 semaphore(%run_scoped3A : memref<!tpu.dma_semaphore, #tpu.memory_space<semaphore_mem>>) src(%arg15 : memref<128xf32, #tpu.memory_space<vmem>>) dst(%dma_wait3A_114 : memref<128xf32, #tpu.memory_space<vmem_shared>>)
        tpu.yield
      }) : () -> ()
    }
    %scan3A_73 = arith.constant 49 : i32
    "tpu.region"() ({
      %run_scoped3A = tpu.sem_alloc : memref<!tpu.dma_semaphore, #tpu.memory_space<semaphore_mem>>
      tpu.enqueue_dma source(%arg4 : memref<100352xf32, #tpu.memory_space<hbm>>) target(%arg7 : memref<100352xf32, #tpu.memory_space<vmem>>) target_semaphore(%run_scoped3A : memref<!tpu.dma_semaphore, #tpu.memory_space<semaphore_mem>>)
      tpu.wait_dma2 semaphore(%run_scoped3A : memref<!tpu.dma_semaphore, #tpu.memory_space<semaphore_mem>>) src(%arg4 : memref<100352xf32, #tpu.memory_space<hbm>>) dst(%arg7 : memref<100352xf32, #tpu.memory_space<vmem>>)
      tpu.yield
    }) : () -> ()
    %barrier3A = arith.constant 0 : index
    tpu.barrier barrier_id(%barrier3A)
    %lt3A = arith.constant 21 : i32
    %lt3A_74 = arith.cmpi slt, %add3A, %lt3A : i32
    %convert_element_type3A = arith.extui %lt3A_74 : i1 to i32
    %add3A_75 = arith.constant 97 : i32
    %add3A_76 = arith.addi %add3A_75, %convert_element_type3A : i32
    %while3A = arith.constant 0 : i32
    %while3A_77 = arith.constant 0 : i32
    %while3A_78 = arith.subi %add3A_76, %while3A_77 : i32
    %while3A_79 = arith.addi %while3A_77, %while3A_78 : i32
    %while3A_80 = arith.constant 1 : i32
    %while3A_81 = arith.divsi %while3A_78, %while3A_80 : i32
    %while3A_82 = arith.muli %while3A_81, %while3A_80 : i32
    %while3A_83 = arith.addi %while3A_77, %while3A_82 : i32
    %while3A_84 = arith.constant 1 : i32
    scf.for %while3A_107 = %while3A_77 to %while3A_83 step %while3A_84  : i32 {
      %jit3A = arith.constant 2 : i32
      %eq3A = arith.constant 0 : i32
      %eq3A_108 = arith.cmpi eq, %jit3A, %eq3A : i32
      %jit3A_109 = arith.constant 1 : i32
      %select_n3A = arith.select %eq3A_108, %jit3A_109, %jit3A : i32
      %rem3A = arith.remsi %while3A_107, %select_n3A : i32
      %ne3A = arith.constant 0 : i32
      %ne3A_110 = arith.cmpi ne, %rem3A, %ne3A : i32
      %lt3A_111 = arith.constant 0 : i32
      %lt3A_112 = arith.cmpi slt, %rem3A, %lt3A_111 : i32
      %lt3A_113 = arith.constant 0 : i32
      %lt3A_114 = arith.cmpi slt, %select_n3A, %lt3A_113 : i32
      %ne3A_115 = arith.xori %lt3A_112, %lt3A_114 : i1
      %and3A = arith.andi %ne3A_115, %ne3A_110 : i1
      %add3A_116 = arith.addi %rem3A, %select_n3A : i32
      %select_n3A_117 = arith.select %and3A, %add3A_116, %rem3A : i32
      %eq3A_118 = arith.constant 0 : i32
      %eq3A_119 = arith.cmpi eq, %select_n3A_117, %eq3A_118 : i32
      %convert_element_type3A_120 = arith.extui %eq3A_119 : i1 to i32
      %cond3A = arith.constant 0 : i32
      %cond3A_121 = arith.cmpi ne, %convert_element_type3A_120, %cond3A : i32
      scf.if %cond3A_121 {
        %mul3A_143 = arith.constant 32 : i32
        %mul3A_144 = arith.muli %mul3A_143, %while3A_107 : i32
        %add3A_145 = arith.addi %add3A, %mul3A_144 : i32
        %mul3A_146 = arith.constant 16 : i32
        %mul3A_147 = arith.muli %add3A_145, %mul3A_146 : i32
        %dma_start3A = arith.constant 0 : i32
        %dma_start3A_148 = tpu.memref_slice %arg2[%mul3A_147, %dma_start3A] : memref<50000x128xi32, #tpu.memory_space<hbm>> -> memref<16x128xi32, #tpu.memory_space<hbm>>
        %dma_start3A_149 = arith.constant 0 : i32
        %dma_start3A_150 = tpu.memref_slice %arg2[%mul3A_147, %dma_start3A_149] : memref<50000x128xi32, #tpu.memory_space<hbm>> -> memref<16x128xi32, #tpu.memory_space<hbm>>
        tpu.enqueue_dma source(%dma_start3A_150 : memref<16x128xi32, #tpu.memory_space<hbm>>) target(%arg8 : memref<16x128xi32, #tpu.memory_space<vmem>>) target_semaphore(%arg20 : memref<!tpu.dma_semaphore, #tpu.memory_space<semaphore_mem>>)
        %ge3A = arith.constant 2 : i32
        %ge3A_151 = arith.cmpi sge, %while3A_107, %ge3A : i32
        %convert_element_type3A_152 = arith.extui %ge3A_151 : i1 to i32
        %cond3A_153 = arith.constant 0 : i32
        %cond3A_154 = arith.cmpi ne, %convert_element_type3A_152, %cond3A_153 : i32
        scf.if %cond3A_154 {
          %scan3A_187 = arith.constant 0 : i32
          %scan3A_188 = arith.constant 0 : i32
          %scan3A_189 = arith.constant 16 : i32
          %scan3A_190 = arith.addi %scan3A_188, %scan3A_189 : i32
          %scan3A_191 = arith.constant 1 : i32
          scf.for %scan3A_193 = %scan3A_188 to %scan3A_190 step %scan3A_191  : i32 {
            %dma_wait3A_194 = arith.constant 0 : i32
            %dma_wait3A_195 = tpu.memref_slice %arg12[%scan3A_193, %dma_wait3A_194] : memref<16x128xf32, #tpu.memory_space<vmem>> -> memref<1x128xf32, #tpu.memory_space<vmem>>
            %dma_wait3A_196 = tpu.memref_squeeze %dma_wait3A_195 : memref<1x128xf32, #tpu.memory_space<vmem>> -> memref<128xf32, #tpu.memory_space<vmem>>
            %dma_wait3A_197 = arith.constant 0 : i32
            %dma_wait3A_198 = tpu.memref_slice %arg9[%scan3A_193, %dma_wait3A_197] : memref<16x128xi32, #tpu.memory_space<vmem>> -> memref<1x128xi32, #tpu.memory_space<vmem>>
            %dma_wait3A_199 = tpu.memref_squeeze %dma_wait3A_198 : memref<1x128xi32, #tpu.memory_space<vmem>> -> memref<128xi32, #tpu.memory_space<vmem>>
            %dma_wait3A_200 = arith.constant 0 : i32
            %dma_wait3A_201 = tpu.memref_slice %arg16[%dma_wait3A_200] : memref<100352xf32, #tpu.memory_space<vmem_shared>> -> memref<100352xf32, #tpu.memory_space<vmem_shared>>
            tpu.wait_indirect_dma semaphore(%arg18 : memref<!tpu.dma_semaphore, #tpu.memory_space<semaphore_mem>>) src(%dma_wait3A_196 : memref<128xf32, #tpu.memory_space<vmem>>) dst(%dma_wait3A_201 : memref<100352xf32, #tpu.memory_space<vmem_shared>>)
          }
          %scan3A_192 = arith.constant 16 : i32
        } else {
        }
        %dma_start3A_155 = arith.constant 0 : i32
        %dma_start3A_156 = tpu.memref_slice %arg3[%mul3A_147, %dma_start3A_155] : memref<50000x128xi32, #tpu.memory_space<hbm>> -> memref<16x128xi32, #tpu.memory_space<hbm>>
        %dma_start3A_157 = arith.constant 0 : i32
        %dma_start3A_158 = tpu.memref_slice %arg3[%mul3A_147, %dma_start3A_157] : memref<50000x128xi32, #tpu.memory_space<hbm>> -> memref<16x128xi32, #tpu.memory_space<hbm>>
        tpu.enqueue_dma source(%dma_start3A_158 : memref<16x128xi32, #tpu.memory_space<hbm>>) target(%arg9 : memref<16x128xi32, #tpu.memory_space<vmem>>) target_semaphore(%arg21 : memref<!tpu.dma_semaphore, #tpu.memory_space<semaphore_mem>>)
        %dma_wait3A = arith.constant 0 : i32
        %dma_wait3A_159 = tpu.memref_slice %arg2[%mul3A_147, %dma_wait3A] : memref<50000x128xi32, #tpu.memory_space<hbm>> -> memref<16x128xi32, #tpu.memory_space<hbm>>
        %dma_wait3A_160 = arith.constant 0 : i32
        %dma_wait3A_161 = tpu.memref_slice %arg2[%mul3A_147, %dma_wait3A_160] : memref<50000x128xi32, #tpu.memory_space<hbm>> -> memref<16x128xi32, #tpu.memory_space<hbm>>
        tpu.wait_dma2 semaphore(%arg20 : memref<!tpu.dma_semaphore, #tpu.memory_space<semaphore_mem>>) src(%dma_wait3A_161 : memref<16x128xi32, #tpu.memory_space<hbm>>) dst(%arg8 : memref<16x128xi32, #tpu.memory_space<vmem>>)
        %dma_wait3A_162 = arith.constant 0 : i32
        %dma_wait3A_163 = tpu.memref_slice %arg3[%mul3A_147, %dma_wait3A_162] : memref<50000x128xi32, #tpu.memory_space<hbm>> -> memref<16x128xi32, #tpu.memory_space<hbm>>
        %dma_wait3A_164 = arith.constant 0 : i32
        %dma_wait3A_165 = tpu.memref_slice %arg3[%mul3A_147, %dma_wait3A_164] : memref<50000x128xi32, #tpu.memory_space<hbm>> -> memref<16x128xi32, #tpu.memory_space<hbm>>
        tpu.wait_dma2 semaphore(%arg21 : memref<!tpu.dma_semaphore, #tpu.memory_space<semaphore_mem>>) src(%dma_wait3A_165 : memref<16x128xi32, #tpu.memory_space<hbm>>) dst(%arg9 : memref<16x128xi32, #tpu.memory_space<vmem>>)
        %broadcast_in_dim3A_166 = arith.constant 0 : i32
        %broadcast_in_dim3A_167 = vector.broadcast %broadcast_in_dim3A_166 : i32 to vector<16xi32>
        %scan3A_168 = arith.constant 0 : i32
        %scan3A_169 = arith.constant 16 : i32
        %scan3A_170 = arith.addi %scan3A_168, %scan3A_169 : i32
        %scan3A_171 = arith.constant 1 : i32
        %scan3A_172 = scf.for %scan3A_187 = %scan3A_168 to %scan3A_170 step %scan3A_171 iter_args(%scan3A_188 = %broadcast_in_dim3A_167) -> (vector<16xi32>)  : i32 {
          %get3A = arith.index_cast %scan3A_187 : i32 to index
          %get3A_189 = arith.constant 0 : index
          %get3A_190 = tpu.vector_load %arg8[%get3A, %get3A_189] {strides = array<i32>} : memref<16x128xi32, #tpu.memory_space<vmem>>, vector<16xi32>,
          %get3A_191 = arith.index_cast %scan3A_187 : i32 to index
          %get3A_192 = arith.constant 0 : index
          %get3A_193 = tpu.vector_load %arg9[%get3A_191, %get3A_192] {strides = array<i32>} : memref<16x128xi32, #tpu.memory_space<vmem>>, vector<16xi32>,
          %gather3A = tpu.vector_load_idx %arg7[%get3A_190] : memref<100352xf32, #tpu.memory_space<vmem>>[vector<16xi32>], vector<16xf32>,
          %swap3A_194 = arith.index_cast %scan3A_187 : i32 to index
          %swap3A_195 = arith.constant 0 : index
          %swap3A_196 = tpu.vector_load %arg12[%swap3A_194, %swap3A_195] {strides = array<i32>} : memref<16x128xf32, #tpu.memory_space<vmem>>, vector<16xf32>,
          tpu.vector_store %arg12[%swap3A_194, %swap3A_195], %gather3A {strides = array<i32>} : memref<16x128xf32, #tpu.memory_space<vmem>>, vector<16xf32>,
          %eq3A_197 = arith.constant 99999 : i32
          %eq3A_198 = vector.broadcast %eq3A_197 : i32 to vector<16xi32>
          %eq3A_199 = arith.cmpi eq, %get3A_193, %eq3A_198 : vector<16xi32>
          %jit3A_200 = arith.constant 100224 : i32
          %broadcast_in_dim3A_201 = vector.broadcast %jit3A_200 : i32 to vector<16xi32>
          %select_n3A_202 = arith.select %eq3A_199, %get3A_190, %broadcast_in_dim3A_201 : vector<16xi1>, vector<16xi32>
          %swap3A_203 = arith.index_cast %scan3A_187 : i32 to index
          %swap3A_204 = arith.constant 0 : index
          %swap3A_205 = tpu.vector_load %arg11[%swap3A_203, %swap3A_204] {strides = array<i32>} : memref<16x128xi32, #tpu.memory_space<vmem>>, vector<16xi32>,
          tpu.vector_store %arg11[%swap3A_203, %swap3A_204], %select_n3A_202 {strides = array<i32>} : memref<16x128xi32, #tpu.memory_space<vmem>>, vector<16xi32>,
          %convert_element_type3A_206 = arith.extui %eq3A_199 : vector<16xi1> to vector<16xi32>
          %add3A_207 = arith.addi %scan3A_188, %convert_element_type3A_206 : vector<16xi32>
          %get3A_208 = arith.index_cast %scan3A_187 : i32 to index
          %get3A_209 = arith.constant 16 : index
          %get3A_210 = tpu.vector_load %arg8[%get3A_208, %get3A_209] {strides = array<i32>} : memref<16x128xi32, #tpu.memory_space<vmem>>, vector<16xi32>,
          %get3A_211 = arith.index_cast %scan3A_187 : i32 to index
          %get3A_212 = arith.constant 16 : index
          %get3A_213 = tpu.vector_load %arg9[%get3A_211, %get3A_212] {strides = array<i32>} : memref<16x128xi32, #tpu.memory_space<vmem>>, vector<16xi32>,
          %gather3A_214 = tpu.vector_load_idx %arg7[%get3A_210] : memref<100352xf32, #tpu.memory_space<vmem>>[vector<16xi32>], vector<16xf32>,
          %swap3A_215 = arith.index_cast %scan3A_187 : i32 to index
          %swap3A_216 = arith.constant 16 : index
          %swap3A_217 = tpu.vector_load %arg12[%swap3A_215, %swap3A_216] {strides = array<i32>} : memref<16x128xf32, #tpu.memory_space<vmem>>, vector<16xf32>,
          tpu.vector_store %arg12[%swap3A_215, %swap3A_216], %gather3A_214 {strides = array<i32>} : memref<16x128xf32, #tpu.memory_space<vmem>>, vector<16xf32>,
          %eq3A_218 = arith.constant 99999 : i32
          %eq3A_219 = vector.broadcast %eq3A_218 : i32 to vector<16xi32>
          %eq3A_220 = arith.cmpi eq, %get3A_213, %eq3A_219 : vector<16xi32>
          %jit3A_221 = arith.constant 100224 : i32
          %broadcast_in_dim3A_222 = vector.broadcast %jit3A_221 : i32 to vector<16xi32>
          %select_n3A_223 = arith.select %eq3A_220, %get3A_210, %broadcast_in_dim3A_222 : vector<16xi1>, vector<16xi32>
          %swap3A_224 = arith.index_cast %scan3A_187 : i32 to index
          %swap3A_225 = arith.constant 16 : index
          %swap3A_226 = tpu.vector_load %arg11[%swap3A_224, %swap3A_225] {strides = array<i32>} : memref<16x128xi32, #tpu.memory_space<vmem>>, vector<16xi32>,
          tpu.vector_store %arg11[%swap3A_224, %swap3A_225], %select_n3A_223 {strides = array<i32>} : memref<16x128xi32, #tpu.memory_space<vmem>>, vector<16xi32>,
          %convert_element_type3A_227 = arith.extui %eq3A_220 : vector<16xi1> to vector<16xi32>
          %add3A_228 = arith.addi %add3A_207, %convert_element_type3A_227 : vector<16xi32>
          %get3A_229 = arith.index_cast %scan3A_187 : i32 to index
          %get3A_230 = arith.constant 32 : index
          %get3A_231 = tpu.vector_load %arg8[%get3A_229, %get3A_230] {strides = array<i32>} : memref<16x128xi32, #tpu.memory_space<vmem>>, vector<16xi32>,
          %get3A_232 = arith.index_cast %scan3A_187 : i32 to index
          %get3A_233 = arith.constant 32 : index
          %get3A_234 = tpu.vector_load %arg9[%get3A_232, %get3A_233] {strides = array<i32>} : memref<16x128xi32, #tpu.memory_space<vmem>>, vector<16xi32>,
          %gather3A_235 = tpu.vector_load_idx %arg7[%get3A_231] : memref<100352xf32, #tpu.memory_space<vmem>>[vector<16xi32>], vector<16xf32>,
          %swap3A_236 = arith.index_cast %scan3A_187 : i32 to index
          %swap3A_237 = arith.constant 32 : index
          %swap3A_238 = tpu.vector_load %arg12[%swap3A_236, %swap3A_237] {strides = array<i32>} : memref<16x128xf32, #tpu.memory_space<vmem>>, vector<16xf32>,
          tpu.vector_store %arg12[%swap3A_236, %swap3A_237], %gather3A_235 {strides = array<i32>} : memref<16x128xf32, #tpu.memory_space<vmem>>, vector<16xf32>,
          %eq3A_239 = arith.constant 99999 : i32
          %eq3A_240 = vector.broadcast %eq3A_239 : i32 to vector<16xi32>
          %eq3A_241 = arith.cmpi eq, %get3A_234, %eq3A_240 : vector<16xi32>
          %jit3A_242 = arith.constant 100224 : i32
          %broadcast_in_dim3A_243 = vector.broadcast %jit3A_242 : i32 to vector<16xi32>
          %select_n3A_244 = arith.select %eq3A_241, %get3A_231, %broadcast_in_dim3A_243 : vector<16xi1>, vector<16xi32>
          %swap3A_245 = arith.index_cast %scan3A_187 : i32 to index
          %swap3A_246 = arith.constant 32 : index
          %swap3A_247 = tpu.vector_load %arg11[%swap3A_245, %swap3A_246] {strides = array<i32>} : memref<16x128xi32, #tpu.memory_space<vmem>>, vector<16xi32>,
          tpu.vector_store %arg11[%swap3A_245, %swap3A_246], %select_n3A_244 {strides = array<i32>} : memref<16x128xi32, #tpu.memory_space<vmem>>, vector<16xi32>,
          %convert_element_type3A_248 = arith.extui %eq3A_241 : vector<16xi1> to vector<16xi32>
          %add3A_249 = arith.addi %add3A_228, %convert_element_type3A_248 : vector<16xi32>
          %get3A_250 = arith.index_cast %scan3A_187 : i32 to index
          %get3A_251 = arith.constant 48 : index
          %get3A_252 = tpu.vector_load %arg8[%get3A_250, %get3A_251] {strides = array<i32>} : memref<16x128xi32, #tpu.memory_space<vmem>>, vector<16xi32>,
          %get3A_253 = arith.index_cast %scan3A_187 : i32 to index
          %get3A_254 = arith.constant 48 : index
          %get3A_255 = tpu.vector_load %arg9[%get3A_253, %get3A_254] {strides = array<i32>} : memref<16x128xi32, #tpu.memory_space<vmem>>, vector<16xi32>,
          %gather3A_256 = tpu.vector_load_idx %arg7[%get3A_252] : memref<100352xf32, #tpu.memory_space<vmem>>[vector<16xi32>], vector<16xf32>,
          %swap3A_257 = arith.index_cast %scan3A_187 : i32 to index
          %swap3A_258 = arith.constant 48 : index
          %swap3A_259 = tpu.vector_load %arg12[%swap3A_257, %swap3A_258] {strides = array<i32>} : memref<16x128xf32, #tpu.memory_space<vmem>>, vector<16xf32>,
          tpu.vector_store %arg12[%swap3A_257, %swap3A_258], %gather3A_256 {strides = array<i32>} : memref<16x128xf32, #tpu.memory_space<vmem>>, vector<16xf32>,
          %eq3A_260 = arith.constant 99999 : i32
          %eq3A_261 = vector.broadcast %eq3A_260 : i32 to vector<16xi32>
          %eq3A_262 = arith.cmpi eq, %get3A_255, %eq3A_261 : vector<16xi32>
          %jit3A_263 = arith.constant 100224 : i32
          %broadcast_in_dim3A_264 = vector.broadcast %jit3A_263 : i32 to vector<16xi32>
          %select_n3A_265 = arith.select %eq3A_262, %get3A_252, %broadcast_in_dim3A_264 : vector<16xi1>, vector<16xi32>
          %swap3A_266 = arith.index_cast %scan3A_187 : i32 to index
          %swap3A_267 = arith.constant 48 : index
          %swap3A_268 = tpu.vector_load %arg11[%swap3A_266, %swap3A_267] {strides = array<i32>} : memref<16x128xi32, #tpu.memory_space<vmem>>, vector<16xi32>,
          tpu.vector_store %arg11[%swap3A_266, %swap3A_267], %select_n3A_265 {strides = array<i32>} : memref<16x128xi32, #tpu.memory_space<vmem>>, vector<16xi32>,
          %convert_element_type3A_269 = arith.extui %eq3A_262 : vector<16xi1> to vector<16xi32>
          %add3A_270 = arith.addi %add3A_249, %convert_element_type3A_269 : vector<16xi32>
          %get3A_271 = arith.index_cast %scan3A_187 : i32 to index
          %get3A_272 = arith.constant 64 : index
          %get3A_273 = tpu.vector_load %arg8[%get3A_271, %get3A_272] {strides = array<i32>} : memref<16x128xi32, #tpu.memory_space<vmem>>, vector<16xi32>,
          %get3A_274 = arith.index_cast %scan3A_187 : i32 to index
          %get3A_275 = arith.constant 64 : index
          %get3A_276 = tpu.vector_load %arg9[%get3A_274, %get3A_275] {strides = array<i32>} : memref<16x128xi32, #tpu.memory_space<vmem>>, vector<16xi32>,
          %gather3A_277 = tpu.vector_load_idx %arg7[%get3A_273] : memref<100352xf32, #tpu.memory_space<vmem>>[vector<16xi32>], vector<16xf32>,
          %swap3A_278 = arith.index_cast %scan3A_187 : i32 to index
          %swap3A_279 = arith.constant 64 : index
          %swap3A_280 = tpu.vector_load %arg12[%swap3A_278, %swap3A_279] {strides = array<i32>} : memref<16x128xf32, #tpu.memory_space<vmem>>, vector<16xf32>,
          tpu.vector_store %arg12[%swap3A_278, %swap3A_279], %gather3A_277 {strides = array<i32>} : memref<16x128xf32, #tpu.memory_space<vmem>>, vector<16xf32>,
          %eq3A_281 = arith.constant 99999 : i32
          %eq3A_282 = vector.broadcast %eq3A_281 : i32 to vector<16xi32>
          %eq3A_283 = arith.cmpi eq, %get3A_276, %eq3A_282 : vector<16xi32>
          %jit3A_284 = arith.constant 100224 : i32
          %broadcast_in_dim3A_285 = vector.broadcast %jit3A_284 : i32 to vector<16xi32>
          %select_n3A_286 = arith.select %eq3A_283, %get3A_273, %broadcast_in_dim3A_285 : vector<16xi1>, vector<16xi32>
          %swap3A_287 = arith.index_cast %scan3A_187 : i32 to index
          %swap3A_288 = arith.constant 64 : index
          %swap3A_289 = tpu.vector_load %arg11[%swap3A_287, %swap3A_288] {strides = array<i32>} : memref<16x128xi32, #tpu.memory_space<vmem>>, vector<16xi32>,
          tpu.vector_store %arg11[%swap3A_287, %swap3A_288], %select_n3A_286 {strides = array<i32>} : memref<16x128xi32, #tpu.memory_space<vmem>>, vector<16xi32>,
          %convert_element_type3A_290 = arith.extui %eq3A_283 : vector<16xi1> to vector<16xi32>
          %add3A_291 = arith.addi %add3A_270, %convert_element_type3A_290 : vector<16xi32>
          %get3A_292 = arith.index_cast %scan3A_187 : i32 to index
          %get3A_293 = arith.constant 80 : index
          %get3A_294 = tpu.vector_load %arg8[%get3A_292, %get3A_293] {strides = array<i32>} : memref<16x128xi32, #tpu.memory_space<vmem>>, vector<16xi32>,
          %get3A_295 = arith.index_cast %scan3A_187 : i32 to index
          %get3A_296 = arith.constant 80 : index
          %get3A_297 = tpu.vector_load %arg9[%get3A_295, %get3A_296] {strides = array<i32>} : memref<16x128xi32, #tpu.memory_space<vmem>>, vector<16xi32>,
          %gather3A_298 = tpu.vector_load_idx %arg7[%get3A_294] : memref<100352xf32, #tpu.memory_space<vmem>>[vector<16xi32>], vector<16xf32>,
          %swap3A_299 = arith.index_cast %scan3A_187 : i32 to index
          %swap3A_300 = arith.constant 80 : index
          %swap3A_301 = tpu.vector_load %arg12[%swap3A_299, %swap3A_300] {strides = array<i32>} : memref<16x128xf32, #tpu.memory_space<vmem>>, vector<16xf32>,
          tpu.vector_store %arg12[%swap3A_299, %swap3A_300], %gather3A_298 {strides = array<i32>} : memref<16x128xf32, #tpu.memory_space<vmem>>, vector<16xf32>,
          %eq3A_302 = arith.constant 99999 : i32
          %eq3A_303 = vector.broadcast %eq3A_302 : i32 to vector<16xi32>
          %eq3A_304 = arith.cmpi eq, %get3A_297, %eq3A_303 : vector<16xi32>
          %jit3A_305 = arith.constant 100224 : i32
          %broadcast_in_dim3A_306 = vector.broadcast %jit3A_305 : i32 to vector<16xi32>
          %select_n3A_307 = arith.select %eq3A_304, %get3A_294, %broadcast_in_dim3A_306 : vector<16xi1>, vector<16xi32>
          %swap3A_308 = arith.index_cast %scan3A_187 : i32 to index
          %swap3A_309 = arith.constant 80 : index
          %swap3A_310 = tpu.vector_load %arg11[%swap3A_308, %swap3A_309] {strides = array<i32>} : memref<16x128xi32, #tpu.memory_space<vmem>>, vector<16xi32>,
          tpu.vector_store %arg11[%swap3A_308, %swap3A_309], %select_n3A_307 {strides = array<i32>} : memref<16x128xi32, #tpu.memory_space<vmem>>, vector<16xi32>,
          %convert_element_type3A_311 = arith.extui %eq3A_304 : vector<16xi1> to vector<16xi32>
          %add3A_312 = arith.addi %add3A_291, %convert_element_type3A_311 : vector<16xi32>
          %get3A_313 = arith.index_cast %scan3A_187 : i32 to index
          %get3A_314 = arith.constant 96 : index
          %get3A_315 = tpu.vector_load %arg8[%get3A_313, %get3A_314] {strides = array<i32>} : memref<16x128xi32, #tpu.memory_space<vmem>>, vector<16xi32>,
          %get3A_316 = arith.index_cast %scan3A_187 : i32 to index
          %get3A_317 = arith.constant 96 : index
          %get3A_318 = tpu.vector_load %arg9[%get3A_316, %get3A_317] {strides = array<i32>} : memref<16x128xi32, #tpu.memory_space<vmem>>, vector<16xi32>,
          %gather3A_319 = tpu.vector_load_idx %arg7[%get3A_315] : memref<100352xf32, #tpu.memory_space<vmem>>[vector<16xi32>], vector<16xf32>,
          %swap3A_320 = arith.index_cast %scan3A_187 : i32 to index
          %swap3A_321 = arith.constant 96 : index
          %swap3A_322 = tpu.vector_load %arg12[%swap3A_320, %swap3A_321] {strides = array<i32>} : memref<16x128xf32, #tpu.memory_space<vmem>>, vector<16xf32>,
          tpu.vector_store %arg12[%swap3A_320, %swap3A_321], %gather3A_319 {strides = array<i32>} : memref<16x128xf32, #tpu.memory_space<vmem>>, vector<16xf32>,
          %eq3A_323 = arith.constant 99999 : i32
          %eq3A_324 = vector.broadcast %eq3A_323 : i32 to vector<16xi32>
          %eq3A_325 = arith.cmpi eq, %get3A_318, %eq3A_324 : vector<16xi32>
          %jit3A_326 = arith.constant 100224 : i32
          %broadcast_in_dim3A_327 = vector.broadcast %jit3A_326 : i32 to vector<16xi32>
          %select_n3A_328 = arith.select %eq3A_325, %get3A_315, %broadcast_in_dim3A_327 : vector<16xi1>, vector<16xi32>
          %swap3A_329 = arith.index_cast %scan3A_187 : i32 to index
          %swap3A_330 = arith.constant 96 : index
          %swap3A_331 = tpu.vector_load %arg11[%swap3A_329, %swap3A_330] {strides = array<i32>} : memref<16x128xi32, #tpu.memory_space<vmem>>, vector<16xi32>,
          tpu.vector_store %arg11[%swap3A_329, %swap3A_330], %select_n3A_328 {strides = array<i32>} : memref<16x128xi32, #tpu.memory_space<vmem>>, vector<16xi32>,
          %convert_element_type3A_332 = arith.extui %eq3A_325 : vector<16xi1> to vector<16xi32>
          %add3A_333 = arith.addi %add3A_312, %convert_element_type3A_332 : vector<16xi32>
          %get3A_334 = arith.index_cast %scan3A_187 : i32 to index
          %get3A_335 = arith.constant 112 : index
          %get3A_336 = tpu.vector_load %arg8[%get3A_334, %get3A_335] {strides = array<i32>} : memref<16x128xi32, #tpu.memory_space<vmem>>, vector<16xi32>,
          %get3A_337 = arith.index_cast %scan3A_187 : i32 to index
          %get3A_338 = arith.constant 112 : index
          %get3A_339 = tpu.vector_load %arg9[%get3A_337, %get3A_338] {strides = array<i32>} : memref<16x128xi32, #tpu.memory_space<vmem>>, vector<16xi32>,
          %gather3A_340 = tpu.vector_load_idx %arg7[%get3A_336] : memref<100352xf32, #tpu.memory_space<vmem>>[vector<16xi32>], vector<16xf32>,
          %swap3A_341 = arith.index_cast %scan3A_187 : i32 to index
          %swap3A_342 = arith.constant 112 : index
          %swap3A_343 = tpu.vector_load %arg12[%swap3A_341, %swap3A_342] {strides = array<i32>} : memref<16x128xf32, #tpu.memory_space<vmem>>, vector<16xf32>,
          tpu.vector_store %arg12[%swap3A_341, %swap3A_342], %gather3A_340 {strides = array<i32>} : memref<16x128xf32, #tpu.memory_space<vmem>>, vector<16xf32>,
          %eq3A_344 = arith.constant 99999 : i32
          %eq3A_345 = vector.broadcast %eq3A_344 : i32 to vector<16xi32>
          %eq3A_346 = arith.cmpi eq, %get3A_339, %eq3A_345 : vector<16xi32>
          %jit3A_347 = arith.constant 100224 : i32
          %broadcast_in_dim3A_348 = vector.broadcast %jit3A_347 : i32 to vector<16xi32>
          %select_n3A_349 = arith.select %eq3A_346, %get3A_336, %broadcast_in_dim3A_348 : vector<16xi1>, vector<16xi32>
          %swap3A_350 = arith.index_cast %scan3A_187 : i32 to index
          %swap3A_351 = arith.constant 112 : index
          %swap3A_352 = tpu.vector_load %arg11[%swap3A_350, %swap3A_351] {strides = array<i32>} : memref<16x128xi32, #tpu.memory_space<vmem>>, vector<16xi32>,
          tpu.vector_store %arg11[%swap3A_350, %swap3A_351], %select_n3A_349 {strides = array<i32>} : memref<16x128xi32, #tpu.memory_space<vmem>>, vector<16xi32>,
          %convert_element_type3A_353 = arith.extui %eq3A_346 : vector<16xi1> to vector<16xi32>
          %add3A_354 = arith.addi %add3A_333, %convert_element_type3A_353 : vector<16xi32>
          scf.yield %add3A_354 : vector<16xi32>
        }
        %scan3A_173 = arith.constant 16 : i32
        %scan3A_174 = arith.constant 0 : i32
        %scan3A_175 = arith.constant 0 : i32
        %scan3A_176 = arith.constant 16 : i32
        %scan3A_177 = arith.addi %scan3A_175, %scan3A_176 : i32
        %scan3A_178 = arith.constant 1 : i32
        scf.for %scan3A_187 = %scan3A_175 to %scan3A_177 step %scan3A_178  : i32 {
          %dma_start3A_188 = arith.constant 0 : i32
          %dma_start3A_189 = tpu.memref_slice %arg12[%scan3A_187, %dma_start3A_188] : memref<16x128xf32, #tpu.memory_space<vmem>> -> memref<1x128xf32, #tpu.memory_space<vmem>>
          %dma_start3A_190 = tpu.memref_squeeze %dma_start3A_189 : memref<1x128xf32, #tpu.memory_space<vmem>> -> memref<128xf32, #tpu.memory_space<vmem>>
          %dma_start3A_191 = arith.constant 0 : i32
          %dma_start3A_192 = tpu.memref_slice %arg9[%scan3A_187, %dma_start3A_191] : memref<16x128xi32, #tpu.memory_space<vmem>> -> memref<1x128xi32, #tpu.memory_space<vmem>>
          %dma_start3A_193 = tpu.memref_squeeze %dma_start3A_192 : memref<1x128xi32, #tpu.memory_space<vmem>> -> memref<128xi32, #tpu.memory_space<vmem>>
          %dma_start3A_194 = arith.constant 0 : i32
          %dma_start3A_195 = tpu.memref_slice %arg16[%dma_start3A_194] : memref<100352xf32, #tpu.memory_space<vmem_shared>> -> memref<100352xf32, #tpu.memory_space<vmem_shared>>
          tpu.enqueue_indirect_dma source(%dma_start3A_190 : memref<128xf32, #tpu.memory_space<vmem>>) target(%dma_start3A_195 : memref<100352xf32, #tpu.memory_space<vmem_shared>>) offsets(%dma_start3A_193 : memref<128xi32, #tpu.memory_space<vmem>>) semaphore(%arg18 : memref<!tpu.dma_semaphore, #tpu.memory_space<semaphore_mem>>) {add = true}
        }
        %scan3A_179 = arith.constant 16 : i32
        %reduce_sum3A = arith.constant true
        %reduce_sum3A_180 = vector.broadcast %reduce_sum3A : i1 to vector<16xi1>
        %reduce_sum3A_181 = tpu.scan <sum>, %scan3A_172 masked %reduce_sum3A_180 : vector<16xi32>, vector<16xi1> -> vector<16xi32>
        %reduce_sum3A_182 = vector.extract %reduce_sum3A_181[15] : i32 from vector<16xi32>
        %gt3A = arith.constant 0 : i32
        %gt3A_183 = arith.cmpi sgt, %reduce_sum3A_182, %gt3A : i32
        %convert_element_type3A_184 = arith.extui %gt3A_183 : i1 to i32
        %cond3A_185 = arith.constant 0 : i32
        %cond3A_186 = arith.cmpi ne, %convert_element_type3A_184, %cond3A_185 : i32
        scf.if %cond3A_186 {
          %scan3A_187 = arith.constant 0 : i32
          %scan3A_188 = arith.constant 0 : i32
          %scan3A_189 = arith.constant 16 : i32
          %scan3A_190 = arith.addi %scan3A_188, %scan3A_189 : i32
          %scan3A_191 = arith.constant 1 : i32
          scf.for %scan3A_193 = %scan3A_188 to %scan3A_190 step %scan3A_191  : i32 {
            "tpu.region"() ({
              %run_scoped3A = tpu.sem_alloc : memref<!tpu.dma_semaphore, #tpu.memory_space<semaphore_mem>>
              %dma_start3A_194 = arith.constant 0 : i32
              %dma_start3A_195 = tpu.memref_slice %arg11[%scan3A_193, %dma_start3A_194] : memref<16x128xi32, #tpu.memory_space<vmem>> -> memref<1x128xi32, #tpu.memory_space<vmem>>
              %dma_start3A_196 = tpu.memref_squeeze %dma_start3A_195 : memref<1x128xi32, #tpu.memory_space<vmem>> -> memref<128xi32, #tpu.memory_space<vmem>>
              %dma_start3A_197 = arith.constant 0 : i32
              %dma_start3A_198 = tpu.memref_slice %arg17[%dma_start3A_197] : memref<100352xf32, #tpu.memory_space<vmem_shared>> -> memref<100352xf32, #tpu.memory_space<vmem_shared>>
              tpu.enqueue_indirect_dma source(%arg14 : memref<128xf32, #tpu.memory_space<vmem>>) target(%dma_start3A_198 : memref<100352xf32, #tpu.memory_space<vmem_shared>>) offsets(%dma_start3A_196 : memref<128xi32, #tpu.memory_space<vmem>>) semaphore(%run_scoped3A : memref<!tpu.dma_semaphore, #tpu.memory_space<semaphore_mem>>) {add = true}
              %dma_wait3A_199 = arith.constant 0 : i32
              %dma_wait3A_200 = tpu.memref_slice %arg11[%scan3A_193, %dma_wait3A_199] : memref<16x128xi32, #tpu.memory_space<vmem>> -> memref<1x128xi32, #tpu.memory_space<vmem>>
              %dma_wait3A_201 = tpu.memref_squeeze %dma_wait3A_200 : memref<1x128xi32, #tpu.memory_space<vmem>> -> memref<128xi32, #tpu.memory_space<vmem>>
              %dma_wait3A_202 = arith.constant 0 : i32
              %dma_wait3A_203 = tpu.memref_slice %arg17[%dma_wait3A_202] : memref<100352xf32, #tpu.memory_space<vmem_shared>> -> memref<100352xf32, #tpu.memory_space<vmem_shared>>
              tpu.wait_indirect_dma semaphore(%run_scoped3A : memref<!tpu.dma_semaphore, #tpu.memory_space<semaphore_mem>>) src(%arg14 : memref<128xf32, #tpu.memory_space<vmem>>) dst(%dma_wait3A_203 : memref<100352xf32, #tpu.memory_space<vmem_shared>>)
              tpu.yield
            }) : () -> ()
          }
          %scan3A_192 = arith.constant 16 : i32
        } else {
        }
      } else {
      }
      %jit3A_122 = arith.constant 2 : i32
      %eq3A_123 = arith.constant 0 : i32
      %eq3A_124 = arith.cmpi eq, %jit3A_122, %eq3A_123 : i32
      %jit3A_125 = arith.constant 1 : i32
      %select_n3A_126 = arith.select %eq3A_124, %jit3A_125, %jit3A_122 : i32
      %rem3A_127 = arith.remsi %while3A_107, %select_n3A_126 : i32
      %ne3A_128 = arith.constant 0 : i32
      %ne3A_129 = arith.cmpi ne, %rem3A_127, %ne3A_128 : i32
      %lt3A_130 = arith.constant 0 : i32
      %lt3A_131 = arith.cmpi slt, %rem3A_127, %lt3A_130 : i32
      %lt3A_132 = arith.constant 0 : i32
      %lt3A_133 = arith.cmpi slt, %select_n3A_126, %lt3A_132 : i32
      %ne3A_134 = arith.xori %lt3A_131, %lt3A_133 : i1
      %and3A_135 = arith.andi %ne3A_134, %ne3A_129 : i1
      %add3A_136 = arith.addi %rem3A_127, %select_n3A_126 : i32
      %select_n3A_137 = arith.select %and3A_135, %add3A_136, %rem3A_127 : i32
      %eq3A_138 = arith.constant 1 : i32
      %eq3A_139 = arith.cmpi eq, %select_n3A_137, %eq3A_138 : i32
      %convert_element_type3A_140 = arith.extui %eq3A_139 : i1 to i32
      %cond3A_141 = arith.constant 0 : i32
      %cond3A_142 = arith.cmpi ne, %convert_element_type3A_140, %cond3A_141 : i32
      scf.if %cond3A_142 {
        %mul3A_143 = arith.constant 32 : i32
        %mul3A_144 = arith.muli %mul3A_143, %while3A_107 : i32
        %add3A_145 = arith.addi %add3A, %mul3A_144 : i32
        %mul3A_146 = arith.constant 16 : i32
        %mul3A_147 = arith.muli %add3A_145, %mul3A_146 : i32
        %dma_start3A = arith.constant 0 : i32
        %dma_start3A_148 = tpu.memref_slice %arg2[%mul3A_147, %dma_start3A] : memref<50000x128xi32, #tpu.memory_space<hbm>> -> memref<16x128xi32, #tpu.memory_space<hbm>>
        %dma_start3A_149 = arith.constant 0 : i32
        %dma_start3A_150 = tpu.memref_slice %arg2[%mul3A_147, %dma_start3A_149] : memref<50000x128xi32, #tpu.memory_space<hbm>> -> memref<16x128xi32, #tpu.memory_space<hbm>>
        tpu.enqueue_dma source(%dma_start3A_150 : memref<16x128xi32, #tpu.memory_space<hbm>>) target(%arg8 : memref<16x128xi32, #tpu.memory_space<vmem>>) target_semaphore(%arg20 : memref<!tpu.dma_semaphore, #tpu.memory_space<semaphore_mem>>)
        %ge3A = arith.constant 2 : i32
        %ge3A_151 = arith.cmpi sge, %while3A_107, %ge3A : i32
        %convert_element_type3A_152 = arith.extui %ge3A_151 : i1 to i32
        %cond3A_153 = arith.constant 0 : i32
        %cond3A_154 = arith.cmpi ne, %convert_element_type3A_152, %cond3A_153 : i32
        scf.if %cond3A_154 {
          %scan3A_187 = arith.constant 0 : i32
          %scan3A_188 = arith.constant 0 : i32
          %scan3A_189 = arith.constant 16 : i32
          %scan3A_190 = arith.addi %scan3A_188, %scan3A_189 : i32
          %scan3A_191 = arith.constant 1 : i32
          scf.for %scan3A_193 = %scan3A_188 to %scan3A_190 step %scan3A_191  : i32 {
            %dma_wait3A_194 = arith.constant 0 : i32
            %dma_wait3A_195 = tpu.memref_slice %arg13[%scan3A_193, %dma_wait3A_194] : memref<16x128xf32, #tpu.memory_space<vmem>> -> memref<1x128xf32, #tpu.memory_space<vmem>>
            %dma_wait3A_196 = tpu.memref_squeeze %dma_wait3A_195 : memref<1x128xf32, #tpu.memory_space<vmem>> -> memref<128xf32, #tpu.memory_space<vmem>>
            %dma_wait3A_197 = arith.constant 0 : i32
            %dma_wait3A_198 = tpu.memref_slice %arg10[%scan3A_193, %dma_wait3A_197] : memref<16x128xi32, #tpu.memory_space<vmem>> -> memref<1x128xi32, #tpu.memory_space<vmem>>
            %dma_wait3A_199 = tpu.memref_squeeze %dma_wait3A_198 : memref<1x128xi32, #tpu.memory_space<vmem>> -> memref<128xi32, #tpu.memory_space<vmem>>
            %dma_wait3A_200 = arith.constant 0 : i32
            %dma_wait3A_201 = tpu.memref_slice %arg16[%dma_wait3A_200] : memref<100352xf32, #tpu.memory_space<vmem_shared>> -> memref<100352xf32, #tpu.memory_space<vmem_shared>>
            tpu.wait_indirect_dma semaphore(%arg19 : memref<!tpu.dma_semaphore, #tpu.memory_space<semaphore_mem>>) src(%dma_wait3A_196 : memref<128xf32, #tpu.memory_space<vmem>>) dst(%dma_wait3A_201 : memref<100352xf32, #tpu.memory_space<vmem_shared>>)
          }
          %scan3A_192 = arith.constant 16 : i32
        } else {
        }
        %dma_start3A_155 = arith.constant 0 : i32
        %dma_start3A_156 = tpu.memref_slice %arg3[%mul3A_147, %dma_start3A_155] : memref<50000x128xi32, #tpu.memory_space<hbm>> -> memref<16x128xi32, #tpu.memory_space<hbm>>
        %dma_start3A_157 = arith.constant 0 : i32
        %dma_start3A_158 = tpu.memref_slice %arg3[%mul3A_147, %dma_start3A_157] : memref<50000x128xi32, #tpu.memory_space<hbm>> -> memref<16x128xi32, #tpu.memory_space<hbm>>
        tpu.enqueue_dma source(%dma_start3A_158 : memref<16x128xi32, #tpu.memory_space<hbm>>) target(%arg10 : memref<16x128xi32, #tpu.memory_space<vmem>>) target_semaphore(%arg21 : memref<!tpu.dma_semaphore, #tpu.memory_space<semaphore_mem>>)
        %dma_wait3A = arith.constant 0 : i32
        %dma_wait3A_159 = tpu.memref_slice %arg2[%mul3A_147, %dma_wait3A] : memref<50000x128xi32, #tpu.memory_space<hbm>> -> memref<16x128xi32, #tpu.memory_space<hbm>>
        %dma_wait3A_160 = arith.constant 0 : i32
        %dma_wait3A_161 = tpu.memref_slice %arg2[%mul3A_147, %dma_wait3A_160] : memref<50000x128xi32, #tpu.memory_space<hbm>> -> memref<16x128xi32, #tpu.memory_space<hbm>>
        tpu.wait_dma2 semaphore(%arg20 : memref<!tpu.dma_semaphore, #tpu.memory_space<semaphore_mem>>) src(%dma_wait3A_161 : memref<16x128xi32, #tpu.memory_space<hbm>>) dst(%arg8 : memref<16x128xi32, #tpu.memory_space<vmem>>)
        %dma_wait3A_162 = arith.constant 0 : i32
        %dma_wait3A_163 = tpu.memref_slice %arg3[%mul3A_147, %dma_wait3A_162] : memref<50000x128xi32, #tpu.memory_space<hbm>> -> memref<16x128xi32, #tpu.memory_space<hbm>>
        %dma_wait3A_164 = arith.constant 0 : i32
        %dma_wait3A_165 = tpu.memref_slice %arg3[%mul3A_147, %dma_wait3A_164] : memref<50000x128xi32, #tpu.memory_space<hbm>> -> memref<16x128xi32, #tpu.memory_space<hbm>>
        tpu.wait_dma2 semaphore(%arg21 : memref<!tpu.dma_semaphore, #tpu.memory_space<semaphore_mem>>) src(%dma_wait3A_165 : memref<16x128xi32, #tpu.memory_space<hbm>>) dst(%arg10 : memref<16x128xi32, #tpu.memory_space<vmem>>)
        %broadcast_in_dim3A_166 = arith.constant 0 : i32
        %broadcast_in_dim3A_167 = vector.broadcast %broadcast_in_dim3A_166 : i32 to vector<16xi32>
        %scan3A_168 = arith.constant 0 : i32
        %scan3A_169 = arith.constant 16 : i32
        %scan3A_170 = arith.addi %scan3A_168, %scan3A_169 : i32
        %scan3A_171 = arith.constant 1 : i32
        %scan3A_172 = scf.for %scan3A_187 = %scan3A_168 to %scan3A_170 step %scan3A_171 iter_args(%scan3A_188 = %broadcast_in_dim3A_167) -> (vector<16xi32>)  : i32 {
          %get3A = arith.index_cast %scan3A_187 : i32 to index
          %get3A_189 = arith.constant 0 : index
          %get3A_190 = tpu.vector_load %arg8[%get3A, %get3A_189] {strides = array<i32>} : memref<16x128xi32, #tpu.memory_space<vmem>>, vector<16xi32>,
          %get3A_191 = arith.index_cast %scan3A_187 : i32 to index
          %get3A_192 = arith.constant 0 : index
          %get3A_193 = tpu.vector_load %arg10[%get3A_191, %get3A_192] {strides = array<i32>} : memref<16x128xi32, #tpu.memory_space<vmem>>, vector<16xi32>,
          %gather3A = tpu.vector_load_idx %arg7[%get3A_190] : memref<100352xf32, #tpu.memory_space<vmem>>[vector<16xi32>], vector<16xf32>,
          %swap3A_194 = arith.index_cast %scan3A_187 : i32 to index
          %swap3A_195 = arith.constant 0 : index
          %swap3A_196 = tpu.vector_load %arg13[%swap3A_194, %swap3A_195] {strides = array<i32>} : memref<16x128xf32, #tpu.memory_space<vmem>>, vector<16xf32>,
          tpu.vector_store %arg13[%swap3A_194, %swap3A_195], %gather3A {strides = array<i32>} : memref<16x128xf32, #tpu.memory_space<vmem>>, vector<16xf32>,
          %eq3A_197 = arith.constant 99999 : i32
          %eq3A_198 = vector.broadcast %eq3A_197 : i32 to vector<16xi32>
          %eq3A_199 = arith.cmpi eq, %get3A_193, %eq3A_198 : vector<16xi32>
          %jit3A_200 = arith.constant 100224 : i32
          %broadcast_in_dim3A_201 = vector.broadcast %jit3A_200 : i32 to vector<16xi32>
          %select_n3A_202 = arith.select %eq3A_199, %get3A_190, %broadcast_in_dim3A_201 : vector<16xi1>, vector<16xi32>
          %swap3A_203 = arith.index_cast %scan3A_187 : i32 to index
          %swap3A_204 = arith.constant 0 : index
          %swap3A_205 = tpu.vector_load %arg11[%swap3A_203, %swap3A_204] {strides = array<i32>} : memref<16x128xi32, #tpu.memory_space<vmem>>, vector<16xi32>,
          tpu.vector_store %arg11[%swap3A_203, %swap3A_204], %select_n3A_202 {strides = array<i32>} : memref<16x128xi32, #tpu.memory_space<vmem>>, vector<16xi32>,
          %convert_element_type3A_206 = arith.extui %eq3A_199 : vector<16xi1> to vector<16xi32>
          %add3A_207 = arith.addi %scan3A_188, %convert_element_type3A_206 : vector<16xi32>
          %get3A_208 = arith.index_cast %scan3A_187 : i32 to index
          %get3A_209 = arith.constant 16 : index
          %get3A_210 = tpu.vector_load %arg8[%get3A_208, %get3A_209] {strides = array<i32>} : memref<16x128xi32, #tpu.memory_space<vmem>>, vector<16xi32>,
          %get3A_211 = arith.index_cast %scan3A_187 : i32 to index
          %get3A_212 = arith.constant 16 : index
          %get3A_213 = tpu.vector_load %arg10[%get3A_211, %get3A_212] {strides = array<i32>} : memref<16x128xi32, #tpu.memory_space<vmem>>, vector<16xi32>,
          %gather3A_214 = tpu.vector_load_idx %arg7[%get3A_210] : memref<100352xf32, #tpu.memory_space<vmem>>[vector<16xi32>], vector<16xf32>,
          %swap3A_215 = arith.index_cast %scan3A_187 : i32 to index
          %swap3A_216 = arith.constant 16 : index
          %swap3A_217 = tpu.vector_load %arg13[%swap3A_215, %swap3A_216] {strides = array<i32>} : memref<16x128xf32, #tpu.memory_space<vmem>>, vector<16xf32>,
          tpu.vector_store %arg13[%swap3A_215, %swap3A_216], %gather3A_214 {strides = array<i32>} : memref<16x128xf32, #tpu.memory_space<vmem>>, vector<16xf32>,
          %eq3A_218 = arith.constant 99999 : i32
          %eq3A_219 = vector.broadcast %eq3A_218 : i32 to vector<16xi32>
          %eq3A_220 = arith.cmpi eq, %get3A_213, %eq3A_219 : vector<16xi32>
          %jit3A_221 = arith.constant 100224 : i32
          %broadcast_in_dim3A_222 = vector.broadcast %jit3A_221 : i32 to vector<16xi32>
          %select_n3A_223 = arith.select %eq3A_220, %get3A_210, %broadcast_in_dim3A_222 : vector<16xi1>, vector<16xi32>
          %swap3A_224 = arith.index_cast %scan3A_187 : i32 to index
          %swap3A_225 = arith.constant 16 : index
          %swap3A_226 = tpu.vector_load %arg11[%swap3A_224, %swap3A_225] {strides = array<i32>} : memref<16x128xi32, #tpu.memory_space<vmem>>, vector<16xi32>,
          tpu.vector_store %arg11[%swap3A_224, %swap3A_225], %select_n3A_223 {strides = array<i32>} : memref<16x128xi32, #tpu.memory_space<vmem>>, vector<16xi32>,
          %convert_element_type3A_227 = arith.extui %eq3A_220 : vector<16xi1> to vector<16xi32>
          %add3A_228 = arith.addi %add3A_207, %convert_element_type3A_227 : vector<16xi32>
          %get3A_229 = arith.index_cast %scan3A_187 : i32 to index
          %get3A_230 = arith.constant 32 : index
          %get3A_231 = tpu.vector_load %arg8[%get3A_229, %get3A_230] {strides = array<i32>} : memref<16x128xi32, #tpu.memory_space<vmem>>, vector<16xi32>,
          %get3A_232 = arith.index_cast %scan3A_187 : i32 to index
          %get3A_233 = arith.constant 32 : index
          %get3A_234 = tpu.vector_load %arg10[%get3A_232, %get3A_233] {strides = array<i32>} : memref<16x128xi32, #tpu.memory_space<vmem>>, vector<16xi32>,
          %gather3A_235 = tpu.vector_load_idx %arg7[%get3A_231] : memref<100352xf32, #tpu.memory_space<vmem>>[vector<16xi32>], vector<16xf32>,
          %swap3A_236 = arith.index_cast %scan3A_187 : i32 to index
          %swap3A_237 = arith.constant 32 : index
          %swap3A_238 = tpu.vector_load %arg13[%swap3A_236, %swap3A_237] {strides = array<i32>} : memref<16x128xf32, #tpu.memory_space<vmem>>, vector<16xf32>,
          tpu.vector_store %arg13[%swap3A_236, %swap3A_237], %gather3A_235 {strides = array<i32>} : memref<16x128xf32, #tpu.memory_space<vmem>>, vector<16xf32>,
          %eq3A_239 = arith.constant 99999 : i32
          %eq3A_240 = vector.broadcast %eq3A_239 : i32 to vector<16xi32>
          %eq3A_241 = arith.cmpi eq, %get3A_234, %eq3A_240 : vector<16xi32>
          %jit3A_242 = arith.constant 100224 : i32
          %broadcast_in_dim3A_243 = vector.broadcast %jit3A_242 : i32 to vector<16xi32>
          %select_n3A_244 = arith.select %eq3A_241, %get3A_231, %broadcast_in_dim3A_243 : vector<16xi1>, vector<16xi32>
          %swap3A_245 = arith.index_cast %scan3A_187 : i32 to index
          %swap3A_246 = arith.constant 32 : index
          %swap3A_247 = tpu.vector_load %arg11[%swap3A_245, %swap3A_246] {strides = array<i32>} : memref<16x128xi32, #tpu.memory_space<vmem>>, vector<16xi32>,
          tpu.vector_store %arg11[%swap3A_245, %swap3A_246], %select_n3A_244 {strides = array<i32>} : memref<16x128xi32, #tpu.memory_space<vmem>>, vector<16xi32>,
          %convert_element_type3A_248 = arith.extui %eq3A_241 : vector<16xi1> to vector<16xi32>
          %add3A_249 = arith.addi %add3A_228, %convert_element_type3A_248 : vector<16xi32>
          %get3A_250 = arith.index_cast %scan3A_187 : i32 to index
          %get3A_251 = arith.constant 48 : index
          %get3A_252 = tpu.vector_load %arg8[%get3A_250, %get3A_251] {strides = array<i32>} : memref<16x128xi32, #tpu.memory_space<vmem>>, vector<16xi32>,
          %get3A_253 = arith.index_cast %scan3A_187 : i32 to index
          %get3A_254 = arith.constant 48 : index
          %get3A_255 = tpu.vector_load %arg10[%get3A_253, %get3A_254] {strides = array<i32>} : memref<16x128xi32, #tpu.memory_space<vmem>>, vector<16xi32>,
          %gather3A_256 = tpu.vector_load_idx %arg7[%get3A_252] : memref<100352xf32, #tpu.memory_space<vmem>>[vector<16xi32>], vector<16xf32>,
          %swap3A_257 = arith.index_cast %scan3A_187 : i32 to index
          %swap3A_258 = arith.constant 48 : index
          %swap3A_259 = tpu.vector_load %arg13[%swap3A_257, %swap3A_258] {strides = array<i32>} : memref<16x128xf32, #tpu.memory_space<vmem>>, vector<16xf32>,
          tpu.vector_store %arg13[%swap3A_257, %swap3A_258], %gather3A_256 {strides = array<i32>} : memref<16x128xf32, #tpu.memory_space<vmem>>, vector<16xf32>,
          %eq3A_260 = arith.constant 99999 : i32
          %eq3A_261 = vector.broadcast %eq3A_260 : i32 to vector<16xi32>
          %eq3A_262 = arith.cmpi eq, %get3A_255, %eq3A_261 : vector<16xi32>
          %jit3A_263 = arith.constant 100224 : i32
          %broadcast_in_dim3A_264 = vector.broadcast %jit3A_263 : i32 to vector<16xi32>
          %select_n3A_265 = arith.select %eq3A_262, %get3A_252, %broadcast_in_dim3A_264 : vector<16xi1>, vector<16xi32>
          %swap3A_266 = arith.index_cast %scan3A_187 : i32 to index
          %swap3A_267 = arith.constant 48 : index
          %swap3A_268 = tpu.vector_load %arg11[%swap3A_266, %swap3A_267] {strides = array<i32>} : memref<16x128xi32, #tpu.memory_space<vmem>>, vector<16xi32>,
          tpu.vector_store %arg11[%swap3A_266, %swap3A_267], %select_n3A_265 {strides = array<i32>} : memref<16x128xi32, #tpu.memory_space<vmem>>, vector<16xi32>,
          %convert_element_type3A_269 = arith.extui %eq3A_262 : vector<16xi1> to vector<16xi32>
          %add3A_270 = arith.addi %add3A_249, %convert_element_type3A_269 : vector<16xi32>
          %get3A_271 = arith.index_cast %scan3A_187 : i32 to index
          %get3A_272 = arith.constant 64 : index
          %get3A_273 = tpu.vector_load %arg8[%get3A_271, %get3A_272] {strides = array<i32>} : memref<16x128xi32, #tpu.memory_space<vmem>>, vector<16xi32>,
          %get3A_274 = arith.index_cast %scan3A_187 : i32 to index
          %get3A_275 = arith.constant 64 : index
          %get3A_276 = tpu.vector_load %arg10[%get3A_274, %get3A_275] {strides = array<i32>} : memref<16x128xi32, #tpu.memory_space<vmem>>, vector<16xi32>,
          %gather3A_277 = tpu.vector_load_idx %arg7[%get3A_273] : memref<100352xf32, #tpu.memory_space<vmem>>[vector<16xi32>], vector<16xf32>,
          %swap3A_278 = arith.index_cast %scan3A_187 : i32 to index
          %swap3A_279 = arith.constant 64 : index
          %swap3A_280 = tpu.vector_load %arg13[%swap3A_278, %swap3A_279] {strides = array<i32>} : memref<16x128xf32, #tpu.memory_space<vmem>>, vector<16xf32>,
          tpu.vector_store %arg13[%swap3A_278, %swap3A_279], %gather3A_277 {strides = array<i32>} : memref<16x128xf32, #tpu.memory_space<vmem>>, vector<16xf32>,
          %eq3A_281 = arith.constant 99999 : i32
          %eq3A_282 = vector.broadcast %eq3A_281 : i32 to vector<16xi32>
          %eq3A_283 = arith.cmpi eq, %get3A_276, %eq3A_282 : vector<16xi32>
          %jit3A_284 = arith.constant 100224 : i32
          %broadcast_in_dim3A_285 = vector.broadcast %jit3A_284 : i32 to vector<16xi32>
          %select_n3A_286 = arith.select %eq3A_283, %get3A_273, %broadcast_in_dim3A_285 : vector<16xi1>, vector<16xi32>
          %swap3A_287 = arith.index_cast %scan3A_187 : i32 to index
          %swap3A_288 = arith.constant 64 : index
          %swap3A_289 = tpu.vector_load %arg11[%swap3A_287, %swap3A_288] {strides = array<i32>} : memref<16x128xi32, #tpu.memory_space<vmem>>, vector<16xi32>,
          tpu.vector_store %arg11[%swap3A_287, %swap3A_288], %select_n3A_286 {strides = array<i32>} : memref<16x128xi32, #tpu.memory_space<vmem>>, vector<16xi32>,
          %convert_element_type3A_290 = arith.extui %eq3A_283 : vector<16xi1> to vector<16xi32>
          %add3A_291 = arith.addi %add3A_270, %convert_element_type3A_290 : vector<16xi32>
          %get3A_292 = arith.index_cast %scan3A_187 : i32 to index
          %get3A_293 = arith.constant 80 : index
          %get3A_294 = tpu.vector_load %arg8[%get3A_292, %get3A_293] {strides = array<i32>} : memref<16x128xi32, #tpu.memory_space<vmem>>, vector<16xi32>,
          %get3A_295 = arith.index_cast %scan3A_187 : i32 to index
          %get3A_296 = arith.constant 80 : index
          %get3A_297 = tpu.vector_load %arg10[%get3A_295, %get3A_296] {strides = array<i32>} : memref<16x128xi32, #tpu.memory_space<vmem>>, vector<16xi32>,
          %gather3A_298 = tpu.vector_load_idx %arg7[%get3A_294] : memref<100352xf32, #tpu.memory_space<vmem>>[vector<16xi32>], vector<16xf32>,
          %swap3A_299 = arith.index_cast %scan3A_187 : i32 to index
          %swap3A_300 = arith.constant 80 : index
          %swap3A_301 = tpu.vector_load %arg13[%swap3A_299, %swap3A_300] {strides = array<i32>} : memref<16x128xf32, #tpu.memory_space<vmem>>, vector<16xf32>,
          tpu.vector_store %arg13[%swap3A_299, %swap3A_300], %gather3A_298 {strides = array<i32>} : memref<16x128xf32, #tpu.memory_space<vmem>>, vector<16xf32>,
          %eq3A_302 = arith.constant 99999 : i32
          %eq3A_303 = vector.broadcast %eq3A_302 : i32 to vector<16xi32>
          %eq3A_304 = arith.cmpi eq, %get3A_297, %eq3A_303 : vector<16xi32>
          %jit3A_305 = arith.constant 100224 : i32
          %broadcast_in_dim3A_306 = vector.broadcast %jit3A_305 : i32 to vector<16xi32>
          %select_n3A_307 = arith.select %eq3A_304, %get3A_294, %broadcast_in_dim3A_306 : vector<16xi1>, vector<16xi32>
          %swap3A_308 = arith.index_cast %scan3A_187 : i32 to index
          %swap3A_309 = arith.constant 80 : index
          %swap3A_310 = tpu.vector_load %arg11[%swap3A_308, %swap3A_309] {strides = array<i32>} : memref<16x128xi32, #tpu.memory_space<vmem>>, vector<16xi32>,
          tpu.vector_store %arg11[%swap3A_308, %swap3A_309], %select_n3A_307 {strides = array<i32>} : memref<16x128xi32, #tpu.memory_space<vmem>>, vector<16xi32>,
          %convert_element_type3A_311 = arith.extui %eq3A_304 : vector<16xi1> to vector<16xi32>
          %add3A_312 = arith.addi %add3A_291, %convert_element_type3A_311 : vector<16xi32>
          %get3A_313 = arith.index_cast %scan3A_187 : i32 to index
          %get3A_314 = arith.constant 96 : index
          %get3A_315 = tpu.vector_load %arg8[%get3A_313, %get3A_314] {strides = array<i32>} : memref<16x128xi32, #tpu.memory_space<vmem>>, vector<16xi32>,
          %get3A_316 = arith.index_cast %scan3A_187 : i32 to index
          %get3A_317 = arith.constant 96 : index
          %get3A_318 = tpu.vector_load %arg10[%get3A_316, %get3A_317] {strides = array<i32>} : memref<16x128xi32, #tpu.memory_space<vmem>>, vector<16xi32>,
          %gather3A_319 = tpu.vector_load_idx %arg7[%get3A_315] : memref<100352xf32, #tpu.memory_space<vmem>>[vector<16xi32>], vector<16xf32>,
          %swap3A_320 = arith.index_cast %scan3A_187 : i32 to index
          %swap3A_321 = arith.constant 96 : index
          %swap3A_322 = tpu.vector_load %arg13[%swap3A_320, %swap3A_321] {strides = array<i32>} : memref<16x128xf32, #tpu.memory_space<vmem>>, vector<16xf32>,
          tpu.vector_store %arg13[%swap3A_320, %swap3A_321], %gather3A_319 {strides = array<i32>} : memref<16x128xf32, #tpu.memory_space<vmem>>, vector<16xf32>,
          %eq3A_323 = arith.constant 99999 : i32
          %eq3A_324 = vector.broadcast %eq3A_323 : i32 to vector<16xi32>
          %eq3A_325 = arith.cmpi eq, %get3A_318, %eq3A_324 : vector<16xi32>
          %jit3A_326 = arith.constant 100224 : i32
          %broadcast_in_dim3A_327 = vector.broadcast %jit3A_326 : i32 to vector<16xi32>
          %select_n3A_328 = arith.select %eq3A_325, %get3A_315, %broadcast_in_dim3A_327 : vector<16xi1>, vector<16xi32>
          %swap3A_329 = arith.index_cast %scan3A_187 : i32 to index
          %swap3A_330 = arith.constant 96 : index
          %swap3A_331 = tpu.vector_load %arg11[%swap3A_329, %swap3A_330] {strides = array<i32>} : memref<16x128xi32, #tpu.memory_space<vmem>>, vector<16xi32>,
          tpu.vector_store %arg11[%swap3A_329, %swap3A_330], %select_n3A_328 {strides = array<i32>} : memref<16x128xi32, #tpu.memory_space<vmem>>, vector<16xi32>,
          %convert_element_type3A_332 = arith.extui %eq3A_325 : vector<16xi1> to vector<16xi32>
          %add3A_333 = arith.addi %add3A_312, %convert_element_type3A_332 : vector<16xi32>
          %get3A_334 = arith.index_cast %scan3A_187 : i32 to index
          %get3A_335 = arith.constant 112 : index
          %get3A_336 = tpu.vector_load %arg8[%get3A_334, %get3A_335] {strides = array<i32>} : memref<16x128xi32, #tpu.memory_space<vmem>>, vector<16xi32>,
          %get3A_337 = arith.index_cast %scan3A_187 : i32 to index
          %get3A_338 = arith.constant 112 : index
          %get3A_339 = tpu.vector_load %arg10[%get3A_337, %get3A_338] {strides = array<i32>} : memref<16x128xi32, #tpu.memory_space<vmem>>, vector<16xi32>,
          %gather3A_340 = tpu.vector_load_idx %arg7[%get3A_336] : memref<100352xf32, #tpu.memory_space<vmem>>[vector<16xi32>], vector<16xf32>,
          %swap3A_341 = arith.index_cast %scan3A_187 : i32 to index
          %swap3A_342 = arith.constant 112 : index
          %swap3A_343 = tpu.vector_load %arg13[%swap3A_341, %swap3A_342] {strides = array<i32>} : memref<16x128xf32, #tpu.memory_space<vmem>>, vector<16xf32>,
          tpu.vector_store %arg13[%swap3A_341, %swap3A_342], %gather3A_340 {strides = array<i32>} : memref<16x128xf32, #tpu.memory_space<vmem>>, vector<16xf32>,
          %eq3A_344 = arith.constant 99999 : i32
          %eq3A_345 = vector.broadcast %eq3A_344 : i32 to vector<16xi32>
          %eq3A_346 = arith.cmpi eq, %get3A_339, %eq3A_345 : vector<16xi32>
          %jit3A_347 = arith.constant 100224 : i32
          %broadcast_in_dim3A_348 = vector.broadcast %jit3A_347 : i32 to vector<16xi32>
          %select_n3A_349 = arith.select %eq3A_346, %get3A_336, %broadcast_in_dim3A_348 : vector<16xi1>, vector<16xi32>
          %swap3A_350 = arith.index_cast %scan3A_187 : i32 to index
          %swap3A_351 = arith.constant 112 : index
          %swap3A_352 = tpu.vector_load %arg11[%swap3A_350, %swap3A_351] {strides = array<i32>} : memref<16x128xi32, #tpu.memory_space<vmem>>, vector<16xi32>,
          tpu.vector_store %arg11[%swap3A_350, %swap3A_351], %select_n3A_349 {strides = array<i32>} : memref<16x128xi32, #tpu.memory_space<vmem>>, vector<16xi32>,
          %convert_element_type3A_353 = arith.extui %eq3A_346 : vector<16xi1> to vector<16xi32>
          %add3A_354 = arith.addi %add3A_333, %convert_element_type3A_353 : vector<16xi32>
          scf.yield %add3A_354 : vector<16xi32>
        }
        %scan3A_173 = arith.constant 16 : i32
        %scan3A_174 = arith.constant 0 : i32
        %scan3A_175 = arith.constant 0 : i32
        %scan3A_176 = arith.constant 16 : i32
        %scan3A_177 = arith.addi %scan3A_175, %scan3A_176 : i32
        %scan3A_178 = arith.constant 1 : i32
        scf.for %scan3A_187 = %scan3A_175 to %scan3A_177 step %scan3A_178  : i32 {
          %dma_start3A_188 = arith.constant 0 : i32
          %dma_start3A_189 = tpu.memref_slice %arg13[%scan3A_187, %dma_start3A_188] : memref<16x128xf32, #tpu.memory_space<vmem>> -> memref<1x128xf32, #tpu.memory_space<vmem>>
          %dma_start3A_190 = tpu.memref_squeeze %dma_start3A_189 : memref<1x128xf32, #tpu.memory_space<vmem>> -> memref<128xf32, #tpu.memory_space<vmem>>
          %dma_start3A_191 = arith.constant 0 : i32
          %dma_start3A_192 = tpu.memref_slice %arg10[%scan3A_187, %dma_start3A_191] : memref<16x128xi32, #tpu.memory_space<vmem>> -> memref<1x128xi32, #tpu.memory_space<vmem>>
          %dma_start3A_193 = tpu.memref_squeeze %dma_start3A_192 : memref<1x128xi32, #tpu.memory_space<vmem>> -> memref<128xi32, #tpu.memory_space<vmem>>
          %dma_start3A_194 = arith.constant 0 : i32
          %dma_start3A_195 = tpu.memref_slice %arg16[%dma_start3A_194] : memref<100352xf32, #tpu.memory_space<vmem_shared>> -> memref<100352xf32, #tpu.memory_space<vmem_shared>>
          tpu.enqueue_indirect_dma source(%dma_start3A_190 : memref<128xf32, #tpu.memory_space<vmem>>) target(%dma_start3A_195 : memref<100352xf32, #tpu.memory_space<vmem_shared>>) offsets(%dma_start3A_193 : memref<128xi32, #tpu.memory_space<vmem>>) semaphore(%arg19 : memref<!tpu.dma_semaphore, #tpu.memory_space<semaphore_mem>>) {add = true}
        }
        %scan3A_179 = arith.constant 16 : i32
        %reduce_sum3A = arith.constant true
        %reduce_sum3A_180 = vector.broadcast %reduce_sum3A : i1 to vector<16xi1>
        %reduce_sum3A_181 = tpu.scan <sum>, %scan3A_172 masked %reduce_sum3A_180 : vector<16xi32>, vector<16xi1> -> vector<16xi32>
        %reduce_sum3A_182 = vector.extract %reduce_sum3A_181[15] : i32 from vector<16xi32>
        %gt3A = arith.constant 0 : i32
        %gt3A_183 = arith.cmpi sgt, %reduce_sum3A_182, %gt3A : i32
        %convert_element_type3A_184 = arith.extui %gt3A_183 : i1 to i32
        %cond3A_185 = arith.constant 0 : i32
        %cond3A_186 = arith.cmpi ne, %convert_element_type3A_184, %cond3A_185 : i32
        scf.if %cond3A_186 {
          %scan3A_187 = arith.constant 0 : i32
          %scan3A_188 = arith.constant 0 : i32
          %scan3A_189 = arith.constant 16 : i32
          %scan3A_190 = arith.addi %scan3A_188, %scan3A_189 : i32
          %scan3A_191 = arith.constant 1 : i32
          scf.for %scan3A_193 = %scan3A_188 to %scan3A_190 step %scan3A_191  : i32 {
            "tpu.region"() ({
              %run_scoped3A = tpu.sem_alloc : memref<!tpu.dma_semaphore, #tpu.memory_space<semaphore_mem>>
              %dma_start3A_194 = arith.constant 0 : i32
              %dma_start3A_195 = tpu.memref_slice %arg11[%scan3A_193, %dma_start3A_194] : memref<16x128xi32, #tpu.memory_space<vmem>> -> memref<1x128xi32, #tpu.memory_space<vmem>>
              %dma_start3A_196 = tpu.memref_squeeze %dma_start3A_195 : memref<1x128xi32, #tpu.memory_space<vmem>> -> memref<128xi32, #tpu.memory_space<vmem>>
              %dma_start3A_197 = arith.constant 0 : i32
              %dma_start3A_198 = tpu.memref_slice %arg17[%dma_start3A_197] : memref<100352xf32, #tpu.memory_space<vmem_shared>> -> memref<100352xf32, #tpu.memory_space<vmem_shared>>
              tpu.enqueue_indirect_dma source(%arg14 : memref<128xf32, #tpu.memory_space<vmem>>) target(%dma_start3A_198 : memref<100352xf32, #tpu.memory_space<vmem_shared>>) offsets(%dma_start3A_196 : memref<128xi32, #tpu.memory_space<vmem>>) semaphore(%run_scoped3A : memref<!tpu.dma_semaphore, #tpu.memory_space<semaphore_mem>>) {add = true}
              %dma_wait3A_199 = arith.constant 0 : i32
              %dma_wait3A_200 = tpu.memref_slice %arg11[%scan3A_193, %dma_wait3A_199] : memref<16x128xi32, #tpu.memory_space<vmem>> -> memref<1x128xi32, #tpu.memory_space<vmem>>
              %dma_wait3A_201 = tpu.memref_squeeze %dma_wait3A_200 : memref<1x128xi32, #tpu.memory_space<vmem>> -> memref<128xi32, #tpu.memory_space<vmem>>
              %dma_wait3A_202 = arith.constant 0 : i32
              %dma_wait3A_203 = tpu.memref_slice %arg17[%dma_wait3A_202] : memref<100352xf32, #tpu.memory_space<vmem_shared>> -> memref<100352xf32, #tpu.memory_space<vmem_shared>>
              tpu.wait_indirect_dma semaphore(%run_scoped3A : memref<!tpu.dma_semaphore, #tpu.memory_space<semaphore_mem>>) src(%arg14 : memref<128xf32, #tpu.memory_space<vmem>>) dst(%dma_wait3A_203 : memref<100352xf32, #tpu.memory_space<vmem_shared>>)
              tpu.yield
            }) : () -> ()
          }
          %scan3A_192 = arith.constant 16 : i32
        } else {
        }
      } else {
      }
    }
    %while3A_85 = arith.constant 1 : i32
    scf.for %while3A_107 = %while3A_83 to %while3A_79 step %while3A_85  : i32 {
      %jit3A = arith.constant 2 : i32
      %eq3A = arith.constant 0 : i32
      %eq3A_108 = arith.cmpi eq, %jit3A, %eq3A : i32
      %jit3A_109 = arith.constant 1 : i32
      %select_n3A = arith.select %eq3A_108, %jit3A_109, %jit3A : i32
      %rem3A = arith.remsi %while3A_107, %select_n3A : i32
      %ne3A = arith.constant 0 : i32
      %ne3A_110 = arith.cmpi ne, %rem3A, %ne3A : i32
      %lt3A_111 = arith.constant 0 : i32
      %lt3A_112 = arith.cmpi slt, %rem3A, %lt3A_111 : i32
      %lt3A_113 = arith.constant 0 : i32
      %lt3A_114 = arith.cmpi slt, %select_n3A, %lt3A_113 : i32
      %ne3A_115 = arith.xori %lt3A_112, %lt3A_114 : i1
      %and3A = arith.andi %ne3A_115, %ne3A_110 : i1
      %add3A_116 = arith.addi %rem3A, %select_n3A : i32
      %select_n3A_117 = arith.select %and3A, %add3A_116, %rem3A : i32
      %eq3A_118 = arith.constant 0 : i32
      %eq3A_119 = arith.cmpi eq, %select_n3A_117, %eq3A_118 : i32
      %convert_element_type3A_120 = arith.extui %eq3A_119 : i1 to i32
      %cond3A = arith.constant 0 : i32
      %cond3A_121 = arith.cmpi ne, %convert_element_type3A_120, %cond3A : i32
      scf.if %cond3A_121 {
        %mul3A_143 = arith.constant 32 : i32
        %mul3A_144 = arith.muli %mul3A_143, %while3A_107 : i32
        %add3A_145 = arith.addi %add3A, %mul3A_144 : i32
        %mul3A_146 = arith.constant 16 : i32
        %mul3A_147 = arith.muli %add3A_145, %mul3A_146 : i32
        %dma_start3A = arith.constant 0 : i32
        %dma_start3A_148 = tpu.memref_slice %arg2[%mul3A_147, %dma_start3A] : memref<50000x128xi32, #tpu.memory_space<hbm>> -> memref<16x128xi32, #tpu.memory_space<hbm>>
        %dma_start3A_149 = arith.constant 0 : i32
        %dma_start3A_150 = tpu.memref_slice %arg2[%mul3A_147, %dma_start3A_149] : memref<50000x128xi32, #tpu.memory_space<hbm>> -> memref<16x128xi32, #tpu.memory_space<hbm>>
        tpu.enqueue_dma source(%dma_start3A_150 : memref<16x128xi32, #tpu.memory_space<hbm>>) target(%arg8 : memref<16x128xi32, #tpu.memory_space<vmem>>) target_semaphore(%arg20 : memref<!tpu.dma_semaphore, #tpu.memory_space<semaphore_mem>>)
        %ge3A = arith.constant 2 : i32
        %ge3A_151 = arith.cmpi sge, %while3A_107, %ge3A : i32
        %convert_element_type3A_152 = arith.extui %ge3A_151 : i1 to i32
        %cond3A_153 = arith.constant 0 : i32
        %cond3A_154 = arith.cmpi ne, %convert_element_type3A_152, %cond3A_153 : i32
        scf.if %cond3A_154 {
          %scan3A_187 = arith.constant 0 : i32
          %scan3A_188 = arith.constant 0 : i32
          %scan3A_189 = arith.constant 16 : i32
          %scan3A_190 = arith.addi %scan3A_188, %scan3A_189 : i32
          %scan3A_191 = arith.constant 1 : i32
          scf.for %scan3A_193 = %scan3A_188 to %scan3A_190 step %scan3A_191  : i32 {
            %dma_wait3A_194 = arith.constant 0 : i32
            %dma_wait3A_195 = tpu.memref_slice %arg12[%scan3A_193, %dma_wait3A_194] : memref<16x128xf32, #tpu.memory_space<vmem>> -> memref<1x128xf32, #tpu.memory_space<vmem>>
            %dma_wait3A_196 = tpu.memref_squeeze %dma_wait3A_195 : memref<1x128xf32, #tpu.memory_space<vmem>> -> memref<128xf32, #tpu.memory_space<vmem>>
            %dma_wait3A_197 = arith.constant 0 : i32
            %dma_wait3A_198 = tpu.memref_slice %arg9[%scan3A_193, %dma_wait3A_197] : memref<16x128xi32, #tpu.memory_space<vmem>> -> memref<1x128xi32, #tpu.memory_space<vmem>>
            %dma_wait3A_199 = tpu.memref_squeeze %dma_wait3A_198 : memref<1x128xi32, #tpu.memory_space<vmem>> -> memref<128xi32, #tpu.memory_space<vmem>>
            %dma_wait3A_200 = arith.constant 0 : i32
            %dma_wait3A_201 = tpu.memref_slice %arg16[%dma_wait3A_200] : memref<100352xf32, #tpu.memory_space<vmem_shared>> -> memref<100352xf32, #tpu.memory_space<vmem_shared>>
            tpu.wait_indirect_dma semaphore(%arg18 : memref<!tpu.dma_semaphore, #tpu.memory_space<semaphore_mem>>) src(%dma_wait3A_196 : memref<128xf32, #tpu.memory_space<vmem>>) dst(%dma_wait3A_201 : memref<100352xf32, #tpu.memory_space<vmem_shared>>)
          }
          %scan3A_192 = arith.constant 16 : i32
        } else {
        }
        %dma_start3A_155 = arith.constant 0 : i32
        %dma_start3A_156 = tpu.memref_slice %arg3[%mul3A_147, %dma_start3A_155] : memref<50000x128xi32, #tpu.memory_space<hbm>> -> memref<16x128xi32, #tpu.memory_space<hbm>>
        %dma_start3A_157 = arith.constant 0 : i32
        %dma_start3A_158 = tpu.memref_slice %arg3[%mul3A_147, %dma_start3A_157] : memref<50000x128xi32, #tpu.memory_space<hbm>> -> memref<16x128xi32, #tpu.memory_space<hbm>>
        tpu.enqueue_dma source(%dma_start3A_158 : memref<16x128xi32, #tpu.memory_space<hbm>>) target(%arg9 : memref<16x128xi32, #tpu.memory_space<vmem>>) target_semaphore(%arg21 : memref<!tpu.dma_semaphore, #tpu.memory_space<semaphore_mem>>)
        %dma_wait3A = arith.constant 0 : i32
        %dma_wait3A_159 = tpu.memref_slice %arg2[%mul3A_147, %dma_wait3A] : memref<50000x128xi32, #tpu.memory_space<hbm>> -> memref<16x128xi32, #tpu.memory_space<hbm>>
        %dma_wait3A_160 = arith.constant 0 : i32
        %dma_wait3A_161 = tpu.memref_slice %arg2[%mul3A_147, %dma_wait3A_160] : memref<50000x128xi32, #tpu.memory_space<hbm>> -> memref<16x128xi32, #tpu.memory_space<hbm>>
        tpu.wait_dma2 semaphore(%arg20 : memref<!tpu.dma_semaphore, #tpu.memory_space<semaphore_mem>>) src(%dma_wait3A_161 : memref<16x128xi32, #tpu.memory_space<hbm>>) dst(%arg8 : memref<16x128xi32, #tpu.memory_space<vmem>>)
        %dma_wait3A_162 = arith.constant 0 : i32
        %dma_wait3A_163 = tpu.memref_slice %arg3[%mul3A_147, %dma_wait3A_162] : memref<50000x128xi32, #tpu.memory_space<hbm>> -> memref<16x128xi32, #tpu.memory_space<hbm>>
        %dma_wait3A_164 = arith.constant 0 : i32
        %dma_wait3A_165 = tpu.memref_slice %arg3[%mul3A_147, %dma_wait3A_164] : memref<50000x128xi32, #tpu.memory_space<hbm>> -> memref<16x128xi32, #tpu.memory_space<hbm>>
        tpu.wait_dma2 semaphore(%arg21 : memref<!tpu.dma_semaphore, #tpu.memory_space<semaphore_mem>>) src(%dma_wait3A_165 : memref<16x128xi32, #tpu.memory_space<hbm>>) dst(%arg9 : memref<16x128xi32, #tpu.memory_space<vmem>>)
        %broadcast_in_dim3A_166 = arith.constant 0 : i32
        %broadcast_in_dim3A_167 = vector.broadcast %broadcast_in_dim3A_166 : i32 to vector<16xi32>
        %scan3A_168 = arith.constant 0 : i32
        %scan3A_169 = arith.constant 16 : i32
        %scan3A_170 = arith.addi %scan3A_168, %scan3A_169 : i32
        %scan3A_171 = arith.constant 1 : i32
        %scan3A_172 = scf.for %scan3A_187 = %scan3A_168 to %scan3A_170 step %scan3A_171 iter_args(%scan3A_188 = %broadcast_in_dim3A_167) -> (vector<16xi32>)  : i32 {
          %get3A = arith.index_cast %scan3A_187 : i32 to index
          %get3A_189 = arith.constant 0 : index
          %get3A_190 = tpu.vector_load %arg8[%get3A, %get3A_189] {strides = array<i32>} : memref<16x128xi32, #tpu.memory_space<vmem>>, vector<16xi32>,
          %get3A_191 = arith.index_cast %scan3A_187 : i32 to index
          %get3A_192 = arith.constant 0 : index
          %get3A_193 = tpu.vector_load %arg9[%get3A_191, %get3A_192] {strides = array<i32>} : memref<16x128xi32, #tpu.memory_space<vmem>>, vector<16xi32>,
          %gather3A = tpu.vector_load_idx %arg7[%get3A_190] : memref<100352xf32, #tpu.memory_space<vmem>>[vector<16xi32>], vector<16xf32>,
          %swap3A_194 = arith.index_cast %scan3A_187 : i32 to index
          %swap3A_195 = arith.constant 0 : index
          %swap3A_196 = tpu.vector_load %arg12[%swap3A_194, %swap3A_195] {strides = array<i32>} : memref<16x128xf32, #tpu.memory_space<vmem>>, vector<16xf32>,
          tpu.vector_store %arg12[%swap3A_194, %swap3A_195], %gather3A {strides = array<i32>} : memref<16x128xf32, #tpu.memory_space<vmem>>, vector<16xf32>,
          %eq3A_197 = arith.constant 99999 : i32
          %eq3A_198 = vector.broadcast %eq3A_197 : i32 to vector<16xi32>
          %eq3A_199 = arith.cmpi eq, %get3A_193, %eq3A_198 : vector<16xi32>
          %jit3A_200 = arith.constant 100224 : i32
          %broadcast_in_dim3A_201 = vector.broadcast %jit3A_200 : i32 to vector<16xi32>
          %select_n3A_202 = arith.select %eq3A_199, %get3A_190, %broadcast_in_dim3A_201 : vector<16xi1>, vector<16xi32>
          %swap3A_203 = arith.index_cast %scan3A_187 : i32 to index
          %swap3A_204 = arith.constant 0 : index
          %swap3A_205 = tpu.vector_load %arg11[%swap3A_203, %swap3A_204] {strides = array<i32>} : memref<16x128xi32, #tpu.memory_space<vmem>>, vector<16xi32>,
          tpu.vector_store %arg11[%swap3A_203, %swap3A_204], %select_n3A_202 {strides = array<i32>} : memref<16x128xi32, #tpu.memory_space<vmem>>, vector<16xi32>,
          %convert_element_type3A_206 = arith.extui %eq3A_199 : vector<16xi1> to vector<16xi32>
          %add3A_207 = arith.addi %scan3A_188, %convert_element_type3A_206 : vector<16xi32>
          %get3A_208 = arith.index_cast %scan3A_187 : i32 to index
          %get3A_209 = arith.constant 16 : index
          %get3A_210 = tpu.vector_load %arg8[%get3A_208, %get3A_209] {strides = array<i32>} : memref<16x128xi32, #tpu.memory_space<vmem>>, vector<16xi32>,
          %get3A_211 = arith.index_cast %scan3A_187 : i32 to index
          %get3A_212 = arith.constant 16 : index
          %get3A_213 = tpu.vector_load %arg9[%get3A_211, %get3A_212] {strides = array<i32>} : memref<16x128xi32, #tpu.memory_space<vmem>>, vector<16xi32>,
          %gather3A_214 = tpu.vector_load_idx %arg7[%get3A_210] : memref<100352xf32, #tpu.memory_space<vmem>>[vector<16xi32>], vector<16xf32>,
          %swap3A_215 = arith.index_cast %scan3A_187 : i32 to index
          %swap3A_216 = arith.constant 16 : index
          %swap3A_217 = tpu.vector_load %arg12[%swap3A_215, %swap3A_216] {strides = array<i32>} : memref<16x128xf32, #tpu.memory_space<vmem>>, vector<16xf32>,
          tpu.vector_store %arg12[%swap3A_215, %swap3A_216], %gather3A_214 {strides = array<i32>} : memref<16x128xf32, #tpu.memory_space<vmem>>, vector<16xf32>,
          %eq3A_218 = arith.constant 99999 : i32
          %eq3A_219 = vector.broadcast %eq3A_218 : i32 to vector<16xi32>
          %eq3A_220 = arith.cmpi eq, %get3A_213, %eq3A_219 : vector<16xi32>
          %jit3A_221 = arith.constant 100224 : i32
          %broadcast_in_dim3A_222 = vector.broadcast %jit3A_221 : i32 to vector<16xi32>
          %select_n3A_223 = arith.select %eq3A_220, %get3A_210, %broadcast_in_dim3A_222 : vector<16xi1>, vector<16xi32>
          %swap3A_224 = arith.index_cast %scan3A_187 : i32 to index
          %swap3A_225 = arith.constant 16 : index
          %swap3A_226 = tpu.vector_load %arg11[%swap3A_224, %swap3A_225] {strides = array<i32>} : memref<16x128xi32, #tpu.memory_space<vmem>>, vector<16xi32>,
          tpu.vector_store %arg11[%swap3A_224, %swap3A_225], %select_n3A_223 {strides = array<i32>} : memref<16x128xi32, #tpu.memory_space<vmem>>, vector<16xi32>,
          %convert_element_type3A_227 = arith.extui %eq3A_220 : vector<16xi1> to vector<16xi32>
          %add3A_228 = arith.addi %add3A_207, %convert_element_type3A_227 : vector<16xi32>
          %get3A_229 = arith.index_cast %scan3A_187 : i32 to index
          %get3A_230 = arith.constant 32 : index
          %get3A_231 = tpu.vector_load %arg8[%get3A_229, %get3A_230] {strides = array<i32>} : memref<16x128xi32, #tpu.memory_space<vmem>>, vector<16xi32>,
          %get3A_232 = arith.index_cast %scan3A_187 : i32 to index
          %get3A_233 = arith.constant 32 : index
          %get3A_234 = tpu.vector_load %arg9[%get3A_232, %get3A_233] {strides = array<i32>} : memref<16x128xi32, #tpu.memory_space<vmem>>, vector<16xi32>,
          %gather3A_235 = tpu.vector_load_idx %arg7[%get3A_231] : memref<100352xf32, #tpu.memory_space<vmem>>[vector<16xi32>], vector<16xf32>,
          %swap3A_236 = arith.index_cast %scan3A_187 : i32 to index
          %swap3A_237 = arith.constant 32 : index
          %swap3A_238 = tpu.vector_load %arg12[%swap3A_236, %swap3A_237] {strides = array<i32>} : memref<16x128xf32, #tpu.memory_space<vmem>>, vector<16xf32>,
          tpu.vector_store %arg12[%swap3A_236, %swap3A_237], %gather3A_235 {strides = array<i32>} : memref<16x128xf32, #tpu.memory_space<vmem>>, vector<16xf32>,
          %eq3A_239 = arith.constant 99999 : i32
          %eq3A_240 = vector.broadcast %eq3A_239 : i32 to vector<16xi32>
          %eq3A_241 = arith.cmpi eq, %get3A_234, %eq3A_240 : vector<16xi32>
          %jit3A_242 = arith.constant 100224 : i32
          %broadcast_in_dim3A_243 = vector.broadcast %jit3A_242 : i32 to vector<16xi32>
          %select_n3A_244 = arith.select %eq3A_241, %get3A_231, %broadcast_in_dim3A_243 : vector<16xi1>, vector<16xi32>
          %swap3A_245 = arith.index_cast %scan3A_187 : i32 to index
          %swap3A_246 = arith.constant 32 : index
          %swap3A_247 = tpu.vector_load %arg11[%swap3A_245, %swap3A_246] {strides = array<i32>} : memref<16x128xi32, #tpu.memory_space<vmem>>, vector<16xi32>,
          tpu.vector_store %arg11[%swap3A_245, %swap3A_246], %select_n3A_244 {strides = array<i32>} : memref<16x128xi32, #tpu.memory_space<vmem>>, vector<16xi32>,
          %convert_element_type3A_248 = arith.extui %eq3A_241 : vector<16xi1> to vector<16xi32>
          %add3A_249 = arith.addi %add3A_228, %convert_element_type3A_248 : vector<16xi32>
          %get3A_250 = arith.index_cast %scan3A_187 : i32 to index
          %get3A_251 = arith.constant 48 : index
          %get3A_252 = tpu.vector_load %arg8[%get3A_250, %get3A_251] {strides = array<i32>} : memref<16x128xi32, #tpu.memory_space<vmem>>, vector<16xi32>,
          %get3A_253 = arith.index_cast %scan3A_187 : i32 to index
          %get3A_254 = arith.constant 48 : index
          %get3A_255 = tpu.vector_load %arg9[%get3A_253, %get3A_254] {strides = array<i32>} : memref<16x128xi32, #tpu.memory_space<vmem>>, vector<16xi32>,
          %gather3A_256 = tpu.vector_load_idx %arg7[%get3A_252] : memref<100352xf32, #tpu.memory_space<vmem>>[vector<16xi32>], vector<16xf32>,
          %swap3A_257 = arith.index_cast %scan3A_187 : i32 to index
          %swap3A_258 = arith.constant 48 : index
          %swap3A_259 = tpu.vector_load %arg12[%swap3A_257, %swap3A_258] {strides = array<i32>} : memref<16x128xf32, #tpu.memory_space<vmem>>, vector<16xf32>,
          tpu.vector_store %arg12[%swap3A_257, %swap3A_258], %gather3A_256 {strides = array<i32>} : memref<16x128xf32, #tpu.memory_space<vmem>>, vector<16xf32>,
          %eq3A_260 = arith.constant 99999 : i32
          %eq3A_261 = vector.broadcast %eq3A_260 : i32 to vector<16xi32>
          %eq3A_262 = arith.cmpi eq, %get3A_255, %eq3A_261 : vector<16xi32>
          %jit3A_263 = arith.constant 100224 : i32
          %broadcast_in_dim3A_264 = vector.broadcast %jit3A_263 : i32 to vector<16xi32>
          %select_n3A_265 = arith.select %eq3A_262, %get3A_252, %broadcast_in_dim3A_264 : vector<16xi1>, vector<16xi32>
          %swap3A_266 = arith.index_cast %scan3A_187 : i32 to index
          %swap3A_267 = arith.constant 48 : index
          %swap3A_268 = tpu.vector_load %arg11[%swap3A_266, %swap3A_267] {strides = array<i32>} : memref<16x128xi32, #tpu.memory_space<vmem>>, vector<16xi32>,
          tpu.vector_store %arg11[%swap3A_266, %swap3A_267], %select_n3A_265 {strides = array<i32>} : memref<16x128xi32, #tpu.memory_space<vmem>>, vector<16xi32>,
          %convert_element_type3A_269 = arith.extui %eq3A_262 : vector<16xi1> to vector<16xi32>
          %add3A_270 = arith.addi %add3A_249, %convert_element_type3A_269 : vector<16xi32>
          %get3A_271 = arith.index_cast %scan3A_187 : i32 to index
          %get3A_272 = arith.constant 64 : index
          %get3A_273 = tpu.vector_load %arg8[%get3A_271, %get3A_272] {strides = array<i32>} : memref<16x128xi32, #tpu.memory_space<vmem>>, vector<16xi32>,
          %get3A_274 = arith.index_cast %scan3A_187 : i32 to index
          %get3A_275 = arith.constant 64 : index
          %get3A_276 = tpu.vector_load %arg9[%get3A_274, %get3A_275] {strides = array<i32>} : memref<16x128xi32, #tpu.memory_space<vmem>>, vector<16xi32>,
          %gather3A_277 = tpu.vector_load_idx %arg7[%get3A_273] : memref<100352xf32, #tpu.memory_space<vmem>>[vector<16xi32>], vector<16xf32>,
          %swap3A_278 = arith.index_cast %scan3A_187 : i32 to index
          %swap3A_279 = arith.constant 64 : index
          %swap3A_280 = tpu.vector_load %arg12[%swap3A_278, %swap3A_279] {strides = array<i32>} : memref<16x128xf32, #tpu.memory_space<vmem>>, vector<16xf32>,
          tpu.vector_store %arg12[%swap3A_278, %swap3A_279], %gather3A_277 {strides = array<i32>} : memref<16x128xf32, #tpu.memory_space<vmem>>, vector<16xf32>,
          %eq3A_281 = arith.constant 99999 : i32
          %eq3A_282 = vector.broadcast %eq3A_281 : i32 to vector<16xi32>
          %eq3A_283 = arith.cmpi eq, %get3A_276, %eq3A_282 : vector<16xi32>
          %jit3A_284 = arith.constant 100224 : i32
          %broadcast_in_dim3A_285 = vector.broadcast %jit3A_284 : i32 to vector<16xi32>
          %select_n3A_286 = arith.select %eq3A_283, %get3A_273, %broadcast_in_dim3A_285 : vector<16xi1>, vector<16xi32>
          %swap3A_287 = arith.index_cast %scan3A_187 : i32 to index
          %swap3A_288 = arith.constant 64 : index
          %swap3A_289 = tpu.vector_load %arg11[%swap3A_287, %swap3A_288] {strides = array<i32>} : memref<16x128xi32, #tpu.memory_space<vmem>>, vector<16xi32>,
          tpu.vector_store %arg11[%swap3A_287, %swap3A_288], %select_n3A_286 {strides = array<i32>} : memref<16x128xi32, #tpu.memory_space<vmem>>, vector<16xi32>,
          %convert_element_type3A_290 = arith.extui %eq3A_283 : vector<16xi1> to vector<16xi32>
          %add3A_291 = arith.addi %add3A_270, %convert_element_type3A_290 : vector<16xi32>
          %get3A_292 = arith.index_cast %scan3A_187 : i32 to index
          %get3A_293 = arith.constant 80 : index
          %get3A_294 = tpu.vector_load %arg8[%get3A_292, %get3A_293] {strides = array<i32>} : memref<16x128xi32, #tpu.memory_space<vmem>>, vector<16xi32>,
          %get3A_295 = arith.index_cast %scan3A_187 : i32 to index
          %get3A_296 = arith.constant 80 : index
          %get3A_297 = tpu.vector_load %arg9[%get3A_295, %get3A_296] {strides = array<i32>} : memref<16x128xi32, #tpu.memory_space<vmem>>, vector<16xi32>,
          %gather3A_298 = tpu.vector_load_idx %arg7[%get3A_294] : memref<100352xf32, #tpu.memory_space<vmem>>[vector<16xi32>], vector<16xf32>,
          %swap3A_299 = arith.index_cast %scan3A_187 : i32 to index
          %swap3A_300 = arith.constant 80 : index
          %swap3A_301 = tpu.vector_load %arg12[%swap3A_299, %swap3A_300] {strides = array<i32>} : memref<16x128xf32, #tpu.memory_space<vmem>>, vector<16xf32>,
          tpu.vector_store %arg12[%swap3A_299, %swap3A_300], %gather3A_298 {strides = array<i32>} : memref<16x128xf32, #tpu.memory_space<vmem>>, vector<16xf32>,
          %eq3A_302 = arith.constant 99999 : i32
          %eq3A_303 = vector.broadcast %eq3A_302 : i32 to vector<16xi32>
          %eq3A_304 = arith.cmpi eq, %get3A_297, %eq3A_303 : vector<16xi32>
          %jit3A_305 = arith.constant 100224 : i32
          %broadcast_in_dim3A_306 = vector.broadcast %jit3A_305 : i32 to vector<16xi32>
          %select_n3A_307 = arith.select %eq3A_304, %get3A_294, %broadcast_in_dim3A_306 : vector<16xi1>, vector<16xi32>
          %swap3A_308 = arith.index_cast %scan3A_187 : i32 to index
          %swap3A_309 = arith.constant 80 : index
          %swap3A_310 = tpu.vector_load %arg11[%swap3A_308, %swap3A_309] {strides = array<i32>} : memref<16x128xi32, #tpu.memory_space<vmem>>, vector<16xi32>,
          tpu.vector_store %arg11[%swap3A_308, %swap3A_309], %select_n3A_307 {strides = array<i32>} : memref<16x128xi32, #tpu.memory_space<vmem>>, vector<16xi32>,
          %convert_element_type3A_311 = arith.extui %eq3A_304 : vector<16xi1> to vector<16xi32>
          %add3A_312 = arith.addi %add3A_291, %convert_element_type3A_311 : vector<16xi32>
          %get3A_313 = arith.index_cast %scan3A_187 : i32 to index
          %get3A_314 = arith.constant 96 : index
          %get3A_315 = tpu.vector_load %arg8[%get3A_313, %get3A_314] {strides = array<i32>} : memref<16x128xi32, #tpu.memory_space<vmem>>, vector<16xi32>,
          %get3A_316 = arith.index_cast %scan3A_187 : i32 to index
          %get3A_317 = arith.constant 96 : index
          %get3A_318 = tpu.vector_load %arg9[%get3A_316, %get3A_317] {strides = array<i32>} : memref<16x128xi32, #tpu.memory_space<vmem>>, vector<16xi32>,
          %gather3A_319 = tpu.vector_load_idx %arg7[%get3A_315] : memref<100352xf32, #tpu.memory_space<vmem>>[vector<16xi32>], vector<16xf32>,
          %swap3A_320 = arith.index_cast %scan3A_187 : i32 to index
          %swap3A_321 = arith.constant 96 : index
          %swap3A_322 = tpu.vector_load %arg12[%swap3A_320, %swap3A_321] {strides = array<i32>} : memref<16x128xf32, #tpu.memory_space<vmem>>, vector<16xf32>,
          tpu.vector_store %arg12[%swap3A_320, %swap3A_321], %gather3A_319 {strides = array<i32>} : memref<16x128xf32, #tpu.memory_space<vmem>>, vector<16xf32>,
          %eq3A_323 = arith.constant 99999 : i32
          %eq3A_324 = vector.broadcast %eq3A_323 : i32 to vector<16xi32>
          %eq3A_325 = arith.cmpi eq, %get3A_318, %eq3A_324 : vector<16xi32>
          %jit3A_326 = arith.constant 100224 : i32
          %broadcast_in_dim3A_327 = vector.broadcast %jit3A_326 : i32 to vector<16xi32>
          %select_n3A_328 = arith.select %eq3A_325, %get3A_315, %broadcast_in_dim3A_327 : vector<16xi1>, vector<16xi32>
          %swap3A_329 = arith.index_cast %scan3A_187 : i32 to index
          %swap3A_330 = arith.constant 96 : index
          %swap3A_331 = tpu.vector_load %arg11[%swap3A_329, %swap3A_330] {strides = array<i32>} : memref<16x128xi32, #tpu.memory_space<vmem>>, vector<16xi32>,
          tpu.vector_store %arg11[%swap3A_329, %swap3A_330], %select_n3A_328 {strides = array<i32>} : memref<16x128xi32, #tpu.memory_space<vmem>>, vector<16xi32>,
          %convert_element_type3A_332 = arith.extui %eq3A_325 : vector<16xi1> to vector<16xi32>
          %add3A_333 = arith.addi %add3A_312, %convert_element_type3A_332 : vector<16xi32>
          %get3A_334 = arith.index_cast %scan3A_187 : i32 to index
          %get3A_335 = arith.constant 112 : index
          %get3A_336 = tpu.vector_load %arg8[%get3A_334, %get3A_335] {strides = array<i32>} : memref<16x128xi32, #tpu.memory_space<vmem>>, vector<16xi32>,
          %get3A_337 = arith.index_cast %scan3A_187 : i32 to index
          %get3A_338 = arith.constant 112 : index
          %get3A_339 = tpu.vector_load %arg9[%get3A_337, %get3A_338] {strides = array<i32>} : memref<16x128xi32, #tpu.memory_space<vmem>>, vector<16xi32>,
          %gather3A_340 = tpu.vector_load_idx %arg7[%get3A_336] : memref<100352xf32, #tpu.memory_space<vmem>>[vector<16xi32>], vector<16xf32>,
          %swap3A_341 = arith.index_cast %scan3A_187 : i32 to index
          %swap3A_342 = arith.constant 112 : index
          %swap3A_343 = tpu.vector_load %arg12[%swap3A_341, %swap3A_342] {strides = array<i32>} : memref<16x128xf32, #tpu.memory_space<vmem>>, vector<16xf32>,
          tpu.vector_store %arg12[%swap3A_341, %swap3A_342], %gather3A_340 {strides = array<i32>} : memref<16x128xf32, #tpu.memory_space<vmem>>, vector<16xf32>,
          %eq3A_344 = arith.constant 99999 : i32
          %eq3A_345 = vector.broadcast %eq3A_344 : i32 to vector<16xi32>
          %eq3A_346 = arith.cmpi eq, %get3A_339, %eq3A_345 : vector<16xi32>
          %jit3A_347 = arith.constant 100224 : i32
          %broadcast_in_dim3A_348 = vector.broadcast %jit3A_347 : i32 to vector<16xi32>
          %select_n3A_349 = arith.select %eq3A_346, %get3A_336, %broadcast_in_dim3A_348 : vector<16xi1>, vector<16xi32>
          %swap3A_350 = arith.index_cast %scan3A_187 : i32 to index
          %swap3A_351 = arith.constant 112 : index
          %swap3A_352 = tpu.vector_load %arg11[%swap3A_350, %swap3A_351] {strides = array<i32>} : memref<16x128xi32, #tpu.memory_space<vmem>>, vector<16xi32>,
          tpu.vector_store %arg11[%swap3A_350, %swap3A_351], %select_n3A_349 {strides = array<i32>} : memref<16x128xi32, #tpu.memory_space<vmem>>, vector<16xi32>,
          %convert_element_type3A_353 = arith.extui %eq3A_346 : vector<16xi1> to vector<16xi32>
          %add3A_354 = arith.addi %add3A_333, %convert_element_type3A_353 : vector<16xi32>
          scf.yield %add3A_354 : vector<16xi32>
        }
        %scan3A_173 = arith.constant 16 : i32
        %scan3A_174 = arith.constant 0 : i32
        %scan3A_175 = arith.constant 0 : i32
        %scan3A_176 = arith.constant 16 : i32
        %scan3A_177 = arith.addi %scan3A_175, %scan3A_176 : i32
        %scan3A_178 = arith.constant 1 : i32
        scf.for %scan3A_187 = %scan3A_175 to %scan3A_177 step %scan3A_178  : i32 {
          %dma_start3A_188 = arith.constant 0 : i32
          %dma_start3A_189 = tpu.memref_slice %arg12[%scan3A_187, %dma_start3A_188] : memref<16x128xf32, #tpu.memory_space<vmem>> -> memref<1x128xf32, #tpu.memory_space<vmem>>
          %dma_start3A_190 = tpu.memref_squeeze %dma_start3A_189 : memref<1x128xf32, #tpu.memory_space<vmem>> -> memref<128xf32, #tpu.memory_space<vmem>>
          %dma_start3A_191 = arith.constant 0 : i32
          %dma_start3A_192 = tpu.memref_slice %arg9[%scan3A_187, %dma_start3A_191] : memref<16x128xi32, #tpu.memory_space<vmem>> -> memref<1x128xi32, #tpu.memory_space<vmem>>
          %dma_start3A_193 = tpu.memref_squeeze %dma_start3A_192 : memref<1x128xi32, #tpu.memory_space<vmem>> -> memref<128xi32, #tpu.memory_space<vmem>>
          %dma_start3A_194 = arith.constant 0 : i32
          %dma_start3A_195 = tpu.memref_slice %arg16[%dma_start3A_194] : memref<100352xf32, #tpu.memory_space<vmem_shared>> -> memref<100352xf32, #tpu.memory_space<vmem_shared>>
          tpu.enqueue_indirect_dma source(%dma_start3A_190 : memref<128xf32, #tpu.memory_space<vmem>>) target(%dma_start3A_195 : memref<100352xf32, #tpu.memory_space<vmem_shared>>) offsets(%dma_start3A_193 : memref<128xi32, #tpu.memory_space<vmem>>) semaphore(%arg18 : memref<!tpu.dma_semaphore, #tpu.memory_space<semaphore_mem>>) {add = true}
        }
        %scan3A_179 = arith.constant 16 : i32
        %reduce_sum3A = arith.constant true
        %reduce_sum3A_180 = vector.broadcast %reduce_sum3A : i1 to vector<16xi1>
        %reduce_sum3A_181 = tpu.scan <sum>, %scan3A_172 masked %reduce_sum3A_180 : vector<16xi32>, vector<16xi1> -> vector<16xi32>
        %reduce_sum3A_182 = vector.extract %reduce_sum3A_181[15] : i32 from vector<16xi32>
        %gt3A = arith.constant 0 : i32
        %gt3A_183 = arith.cmpi sgt, %reduce_sum3A_182, %gt3A : i32
        %convert_element_type3A_184 = arith.extui %gt3A_183 : i1 to i32
        %cond3A_185 = arith.constant 0 : i32
        %cond3A_186 = arith.cmpi ne, %convert_element_type3A_184, %cond3A_185 : i32
        scf.if %cond3A_186 {
          %scan3A_187 = arith.constant 0 : i32
          %scan3A_188 = arith.constant 0 : i32
          %scan3A_189 = arith.constant 16 : i32
          %scan3A_190 = arith.addi %scan3A_188, %scan3A_189 : i32
          %scan3A_191 = arith.constant 1 : i32
          scf.for %scan3A_193 = %scan3A_188 to %scan3A_190 step %scan3A_191  : i32 {
            "tpu.region"() ({
              %run_scoped3A = tpu.sem_alloc : memref<!tpu.dma_semaphore, #tpu.memory_space<semaphore_mem>>
              %dma_start3A_194 = arith.constant 0 : i32
              %dma_start3A_195 = tpu.memref_slice %arg11[%scan3A_193, %dma_start3A_194] : memref<16x128xi32, #tpu.memory_space<vmem>> -> memref<1x128xi32, #tpu.memory_space<vmem>>
              %dma_start3A_196 = tpu.memref_squeeze %dma_start3A_195 : memref<1x128xi32, #tpu.memory_space<vmem>> -> memref<128xi32, #tpu.memory_space<vmem>>
              %dma_start3A_197 = arith.constant 0 : i32
              %dma_start3A_198 = tpu.memref_slice %arg17[%dma_start3A_197] : memref<100352xf32, #tpu.memory_space<vmem_shared>> -> memref<100352xf32, #tpu.memory_space<vmem_shared>>
              tpu.enqueue_indirect_dma source(%arg14 : memref<128xf32, #tpu.memory_space<vmem>>) target(%dma_start3A_198 : memref<100352xf32, #tpu.memory_space<vmem_shared>>) offsets(%dma_start3A_196 : memref<128xi32, #tpu.memory_space<vmem>>) semaphore(%run_scoped3A : memref<!tpu.dma_semaphore, #tpu.memory_space<semaphore_mem>>) {add = true}
              %dma_wait3A_199 = arith.constant 0 : i32
              %dma_wait3A_200 = tpu.memref_slice %arg11[%scan3A_193, %dma_wait3A_199] : memref<16x128xi32, #tpu.memory_space<vmem>> -> memref<1x128xi32, #tpu.memory_space<vmem>>
              %dma_wait3A_201 = tpu.memref_squeeze %dma_wait3A_200 : memref<1x128xi32, #tpu.memory_space<vmem>> -> memref<128xi32, #tpu.memory_space<vmem>>
              %dma_wait3A_202 = arith.constant 0 : i32
              %dma_wait3A_203 = tpu.memref_slice %arg17[%dma_wait3A_202] : memref<100352xf32, #tpu.memory_space<vmem_shared>> -> memref<100352xf32, #tpu.memory_space<vmem_shared>>
              tpu.wait_indirect_dma semaphore(%run_scoped3A : memref<!tpu.dma_semaphore, #tpu.memory_space<semaphore_mem>>) src(%arg14 : memref<128xf32, #tpu.memory_space<vmem>>) dst(%dma_wait3A_203 : memref<100352xf32, #tpu.memory_space<vmem_shared>>)
              tpu.yield
            }) : () -> ()
          }
          %scan3A_192 = arith.constant 16 : i32
        } else {
        }
      } else {
      }
      %jit3A_122 = arith.constant 2 : i32
      %eq3A_123 = arith.constant 0 : i32
      %eq3A_124 = arith.cmpi eq, %jit3A_122, %eq3A_123 : i32
      %jit3A_125 = arith.constant 1 : i32
      %select_n3A_126 = arith.select %eq3A_124, %jit3A_125, %jit3A_122 : i32
      %rem3A_127 = arith.remsi %while3A_107, %select_n3A_126 : i32
      %ne3A_128 = arith.constant 0 : i32
      %ne3A_129 = arith.cmpi ne, %rem3A_127, %ne3A_128 : i32
      %lt3A_130 = arith.constant 0 : i32
      %lt3A_131 = arith.cmpi slt, %rem3A_127, %lt3A_130 : i32
      %lt3A_132 = arith.constant 0 : i32
      %lt3A_133 = arith.cmpi slt, %select_n3A_126, %lt3A_132 : i32
      %ne3A_134 = arith.xori %lt3A_131, %lt3A_133 : i1
      %and3A_135 = arith.andi %ne3A_134, %ne3A_129 : i1
      %add3A_136 = arith.addi %rem3A_127, %select_n3A_126 : i32
      %select_n3A_137 = arith.select %and3A_135, %add3A_136, %rem3A_127 : i32
      %eq3A_138 = arith.constant 1 : i32
      %eq3A_139 = arith.cmpi eq, %select_n3A_137, %eq3A_138 : i32
      %convert_element_type3A_140 = arith.extui %eq3A_139 : i1 to i32
      %cond3A_141 = arith.constant 0 : i32
      %cond3A_142 = arith.cmpi ne, %convert_element_type3A_140, %cond3A_141 : i32
      scf.if %cond3A_142 {
        %mul3A_143 = arith.constant 32 : i32
        %mul3A_144 = arith.muli %mul3A_143, %while3A_107 : i32
        %add3A_145 = arith.addi %add3A, %mul3A_144 : i32
        %mul3A_146 = arith.constant 16 : i32
        %mul3A_147 = arith.muli %add3A_145, %mul3A_146 : i32
        %dma_start3A = arith.constant 0 : i32
        %dma_start3A_148 = tpu.memref_slice %arg2[%mul3A_147, %dma_start3A] : memref<50000x128xi32, #tpu.memory_space<hbm>> -> memref<16x128xi32, #tpu.memory_space<hbm>>
        %dma_start3A_149 = arith.constant 0 : i32
        %dma_start3A_150 = tpu.memref_slice %arg2[%mul3A_147, %dma_start3A_149] : memref<50000x128xi32, #tpu.memory_space<hbm>> -> memref<16x128xi32, #tpu.memory_space<hbm>>
        tpu.enqueue_dma source(%dma_start3A_150 : memref<16x128xi32, #tpu.memory_space<hbm>>) target(%arg8 : memref<16x128xi32, #tpu.memory_space<vmem>>) target_semaphore(%arg20 : memref<!tpu.dma_semaphore, #tpu.memory_space<semaphore_mem>>)
        %ge3A = arith.constant 2 : i32
        %ge3A_151 = arith.cmpi sge, %while3A_107, %ge3A : i32
        %convert_element_type3A_152 = arith.extui %ge3A_151 : i1 to i32
        %cond3A_153 = arith.constant 0 : i32
        %cond3A_154 = arith.cmpi ne, %convert_element_type3A_152, %cond3A_153 : i32
        scf.if %cond3A_154 {
          %scan3A_187 = arith.constant 0 : i32
          %scan3A_188 = arith.constant 0 : i32
          %scan3A_189 = arith.constant 16 : i32
          %scan3A_190 = arith.addi %scan3A_188, %scan3A_189 : i32
          %scan3A_191 = arith.constant 1 : i32
          scf.for %scan3A_193 = %scan3A_188 to %scan3A_190 step %scan3A_191  : i32 {
            %dma_wait3A_194 = arith.constant 0 : i32
            %dma_wait3A_195 = tpu.memref_slice %arg13[%scan3A_193, %dma_wait3A_194] : memref<16x128xf32, #tpu.memory_space<vmem>> -> memref<1x128xf32, #tpu.memory_space<vmem>>
            %dma_wait3A_196 = tpu.memref_squeeze %dma_wait3A_195 : memref<1x128xf32, #tpu.memory_space<vmem>> -> memref<128xf32, #tpu.memory_space<vmem>>
            %dma_wait3A_197 = arith.constant 0 : i32
            %dma_wait3A_198 = tpu.memref_slice %arg10[%scan3A_193, %dma_wait3A_197] : memref<16x128xi32, #tpu.memory_space<vmem>> -> memref<1x128xi32, #tpu.memory_space<vmem>>
            %dma_wait3A_199 = tpu.memref_squeeze %dma_wait3A_198 : memref<1x128xi32, #tpu.memory_space<vmem>> -> memref<128xi32, #tpu.memory_space<vmem>>
            %dma_wait3A_200 = arith.constant 0 : i32
            %dma_wait3A_201 = tpu.memref_slice %arg16[%dma_wait3A_200] : memref<100352xf32, #tpu.memory_space<vmem_shared>> -> memref<100352xf32, #tpu.memory_space<vmem_shared>>
            tpu.wait_indirect_dma semaphore(%arg19 : memref<!tpu.dma_semaphore, #tpu.memory_space<semaphore_mem>>) src(%dma_wait3A_196 : memref<128xf32, #tpu.memory_space<vmem>>) dst(%dma_wait3A_201 : memref<100352xf32, #tpu.memory_space<vmem_shared>>)
          }
          %scan3A_192 = arith.constant 16 : i32
        } else {
        }
        %dma_start3A_155 = arith.constant 0 : i32
        %dma_start3A_156 = tpu.memref_slice %arg3[%mul3A_147, %dma_start3A_155] : memref<50000x128xi32, #tpu.memory_space<hbm>> -> memref<16x128xi32, #tpu.memory_space<hbm>>
        %dma_start3A_157 = arith.constant 0 : i32
        %dma_start3A_158 = tpu.memref_slice %arg3[%mul3A_147, %dma_start3A_157] : memref<50000x128xi32, #tpu.memory_space<hbm>> -> memref<16x128xi32, #tpu.memory_space<hbm>>
        tpu.enqueue_dma source(%dma_start3A_158 : memref<16x128xi32, #tpu.memory_space<hbm>>) target(%arg10 : memref<16x128xi32, #tpu.memory_space<vmem>>) target_semaphore(%arg21 : memref<!tpu.dma_semaphore, #tpu.memory_space<semaphore_mem>>)
        %dma_wait3A = arith.constant 0 : i32
        %dma_wait3A_159 = tpu.memref_slice %arg2[%mul3A_147, %dma_wait3A] : memref<50000x128xi32, #tpu.memory_space<hbm>> -> memref<16x128xi32, #tpu.memory_space<hbm>>
        %dma_wait3A_160 = arith.constant 0 : i32
        %dma_wait3A_161 = tpu.memref_slice %arg2[%mul3A_147, %dma_wait3A_160] : memref<50000x128xi32, #tpu.memory_space<hbm>> -> memref<16x128xi32, #tpu.memory_space<hbm>>
        tpu.wait_dma2 semaphore(%arg20 : memref<!tpu.dma_semaphore, #tpu.memory_space<semaphore_mem>>) src(%dma_wait3A_161 : memref<16x128xi32, #tpu.memory_space<hbm>>) dst(%arg8 : memref<16x128xi32, #tpu.memory_space<vmem>>)
        %dma_wait3A_162 = arith.constant 0 : i32
        %dma_wait3A_163 = tpu.memref_slice %arg3[%mul3A_147, %dma_wait3A_162] : memref<50000x128xi32, #tpu.memory_space<hbm>> -> memref<16x128xi32, #tpu.memory_space<hbm>>
        %dma_wait3A_164 = arith.constant 0 : i32
        %dma_wait3A_165 = tpu.memref_slice %arg3[%mul3A_147, %dma_wait3A_164] : memref<50000x128xi32, #tpu.memory_space<hbm>> -> memref<16x128xi32, #tpu.memory_space<hbm>>
        tpu.wait_dma2 semaphore(%arg21 : memref<!tpu.dma_semaphore, #tpu.memory_space<semaphore_mem>>) src(%dma_wait3A_165 : memref<16x128xi32, #tpu.memory_space<hbm>>) dst(%arg10 : memref<16x128xi32, #tpu.memory_space<vmem>>)
        %broadcast_in_dim3A_166 = arith.constant 0 : i32
        %broadcast_in_dim3A_167 = vector.broadcast %broadcast_in_dim3A_166 : i32 to vector<16xi32>
        %scan3A_168 = arith.constant 0 : i32
        %scan3A_169 = arith.constant 16 : i32
        %scan3A_170 = arith.addi %scan3A_168, %scan3A_169 : i32
        %scan3A_171 = arith.constant 1 : i32
        %scan3A_172 = scf.for %scan3A_187 = %scan3A_168 to %scan3A_170 step %scan3A_171 iter_args(%scan3A_188 = %broadcast_in_dim3A_167) -> (vector<16xi32>)  : i32 {
          %get3A = arith.index_cast %scan3A_187 : i32 to index
          %get3A_189 = arith.constant 0 : index
          %get3A_190 = tpu.vector_load %arg8[%get3A, %get3A_189] {strides = array<i32>} : memref<16x128xi32, #tpu.memory_space<vmem>>, vector<16xi32>,
          %get3A_191 = arith.index_cast %scan3A_187 : i32 to index
          %get3A_192 = arith.constant 0 : index
          %get3A_193 = tpu.vector_load %arg10[%get3A_191, %get3A_192] {strides = array<i32>} : memref<16x128xi32, #tpu.memory_space<vmem>>, vector<16xi32>,
          %gather3A = tpu.vector_load_idx %arg7[%get3A_190] : memref<100352xf32, #tpu.memory_space<vmem>>[vector<16xi32>], vector<16xf32>,
          %swap3A_194 = arith.index_cast %scan3A_187 : i32 to index
          %swap3A_195 = arith.constant 0 : index
          %swap3A_196 = tpu.vector_load %arg13[%swap3A_194, %swap3A_195] {strides = array<i32>} : memref<16x128xf32, #tpu.memory_space<vmem>>, vector<16xf32>,
          tpu.vector_store %arg13[%swap3A_194, %swap3A_195], %gather3A {strides = array<i32>} : memref<16x128xf32, #tpu.memory_space<vmem>>, vector<16xf32>,
          %eq3A_197 = arith.constant 99999 : i32
          %eq3A_198 = vector.broadcast %eq3A_197 : i32 to vector<16xi32>
          %eq3A_199 = arith.cmpi eq, %get3A_193, %eq3A_198 : vector<16xi32>
          %jit3A_200 = arith.constant 100224 : i32
          %broadcast_in_dim3A_201 = vector.broadcast %jit3A_200 : i32 to vector<16xi32>
          %select_n3A_202 = arith.select %eq3A_199, %get3A_190, %broadcast_in_dim3A_201 : vector<16xi1>, vector<16xi32>
          %swap3A_203 = arith.index_cast %scan3A_187 : i32 to index
          %swap3A_204 = arith.constant 0 : index
          %swap3A_205 = tpu.vector_load %arg11[%swap3A_203, %swap3A_204] {strides = array<i32>} : memref<16x128xi32, #tpu.memory_space<vmem>>, vector<16xi32>,
          tpu.vector_store %arg11[%swap3A_203, %swap3A_204], %select_n3A_202 {strides = array<i32>} : memref<16x128xi32, #tpu.memory_space<vmem>>, vector<16xi32>,
          %convert_element_type3A_206 = arith.extui %eq3A_199 : vector<16xi1> to vector<16xi32>
          %add3A_207 = arith.addi %scan3A_188, %convert_element_type3A_206 : vector<16xi32>
          %get3A_208 = arith.index_cast %scan3A_187 : i32 to index
          %get3A_209 = arith.constant 16 : index
          %get3A_210 = tpu.vector_load %arg8[%get3A_208, %get3A_209] {strides = array<i32>} : memref<16x128xi32, #tpu.memory_space<vmem>>, vector<16xi32>,
          %get3A_211 = arith.index_cast %scan3A_187 : i32 to index
          %get3A_212 = arith.constant 16 : index
          %get3A_213 = tpu.vector_load %arg10[%get3A_211, %get3A_212] {strides = array<i32>} : memref<16x128xi32, #tpu.memory_space<vmem>>, vector<16xi32>,
          %gather3A_214 = tpu.vector_load_idx %arg7[%get3A_210] : memref<100352xf32, #tpu.memory_space<vmem>>[vector<16xi32>], vector<16xf32>,
          %swap3A_215 = arith.index_cast %scan3A_187 : i32 to index
          %swap3A_216 = arith.constant 16 : index
          %swap3A_217 = tpu.vector_load %arg13[%swap3A_215, %swap3A_216] {strides = array<i32>} : memref<16x128xf32, #tpu.memory_space<vmem>>, vector<16xf32>,
          tpu.vector_store %arg13[%swap3A_215, %swap3A_216], %gather3A_214 {strides = array<i32>} : memref<16x128xf32, #tpu.memory_space<vmem>>, vector<16xf32>,
          %eq3A_218 = arith.constant 99999 : i32
          %eq3A_219 = vector.broadcast %eq3A_218 : i32 to vector<16xi32>
          %eq3A_220 = arith.cmpi eq, %get3A_213, %eq3A_219 : vector<16xi32>
          %jit3A_221 = arith.constant 100224 : i32
          %broadcast_in_dim3A_222 = vector.broadcast %jit3A_221 : i32 to vector<16xi32>
          %select_n3A_223 = arith.select %eq3A_220, %get3A_210, %broadcast_in_dim3A_222 : vector<16xi1>, vector<16xi32>
          %swap3A_224 = arith.index_cast %scan3A_187 : i32 to index
          %swap3A_225 = arith.constant 16 : index
          %swap3A_226 = tpu.vector_load %arg11[%swap3A_224, %swap3A_225] {strides = array<i32>} : memref<16x128xi32, #tpu.memory_space<vmem>>, vector<16xi32>,
          tpu.vector_store %arg11[%swap3A_224, %swap3A_225], %select_n3A_223 {strides = array<i32>} : memref<16x128xi32, #tpu.memory_space<vmem>>, vector<16xi32>,
          %convert_element_type3A_227 = arith.extui %eq3A_220 : vector<16xi1> to vector<16xi32>
          %add3A_228 = arith.addi %add3A_207, %convert_element_type3A_227 : vector<16xi32>
          %get3A_229 = arith.index_cast %scan3A_187 : i32 to index
          %get3A_230 = arith.constant 32 : index
          %get3A_231 = tpu.vector_load %arg8[%get3A_229, %get3A_230] {strides = array<i32>} : memref<16x128xi32, #tpu.memory_space<vmem>>, vector<16xi32>,
          %get3A_232 = arith.index_cast %scan3A_187 : i32 to index
          %get3A_233 = arith.constant 32 : index
          %get3A_234 = tpu.vector_load %arg10[%get3A_232, %get3A_233] {strides = array<i32>} : memref<16x128xi32, #tpu.memory_space<vmem>>, vector<16xi32>,
          %gather3A_235 = tpu.vector_load_idx %arg7[%get3A_231] : memref<100352xf32, #tpu.memory_space<vmem>>[vector<16xi32>], vector<16xf32>,
          %swap3A_236 = arith.index_cast %scan3A_187 : i32 to index
          %swap3A_237 = arith.constant 32 : index
          %swap3A_238 = tpu.vector_load %arg13[%swap3A_236, %swap3A_237] {strides = array<i32>} : memref<16x128xf32, #tpu.memory_space<vmem>>, vector<16xf32>,
          tpu.vector_store %arg13[%swap3A_236, %swap3A_237], %gather3A_235 {strides = array<i32>} : memref<16x128xf32, #tpu.memory_space<vmem>>, vector<16xf32>,
          %eq3A_239 = arith.constant 99999 : i32
          %eq3A_240 = vector.broadcast %eq3A_239 : i32 to vector<16xi32>
          %eq3A_241 = arith.cmpi eq, %get3A_234, %eq3A_240 : vector<16xi32>
          %jit3A_242 = arith.constant 100224 : i32
          %broadcast_in_dim3A_243 = vector.broadcast %jit3A_242 : i32 to vector<16xi32>
          %select_n3A_244 = arith.select %eq3A_241, %get3A_231, %broadcast_in_dim3A_243 : vector<16xi1>, vector<16xi32>
          %swap3A_245 = arith.index_cast %scan3A_187 : i32 to index
          %swap3A_246 = arith.constant 32 : index
          %swap3A_247 = tpu.vector_load %arg11[%swap3A_245, %swap3A_246] {strides = array<i32>} : memref<16x128xi32, #tpu.memory_space<vmem>>, vector<16xi32>,
          tpu.vector_store %arg11[%swap3A_245, %swap3A_246], %select_n3A_244 {strides = array<i32>} : memref<16x128xi32, #tpu.memory_space<vmem>>, vector<16xi32>,
          %convert_element_type3A_248 = arith.extui %eq3A_241 : vector<16xi1> to vector<16xi32>
          %add3A_249 = arith.addi %add3A_228, %convert_element_type3A_248 : vector<16xi32>
          %get3A_250 = arith.index_cast %scan3A_187 : i32 to index
          %get3A_251 = arith.constant 48 : index
          %get3A_252 = tpu.vector_load %arg8[%get3A_250, %get3A_251] {strides = array<i32>} : memref<16x128xi32, #tpu.memory_space<vmem>>, vector<16xi32>,
          %get3A_253 = arith.index_cast %scan3A_187 : i32 to index
          %get3A_254 = arith.constant 48 : index
          %get3A_255 = tpu.vector_load %arg10[%get3A_253, %get3A_254] {strides = array<i32>} : memref<16x128xi32, #tpu.memory_space<vmem>>, vector<16xi32>,
          %gather3A_256 = tpu.vector_load_idx %arg7[%get3A_252] : memref<100352xf32, #tpu.memory_space<vmem>>[vector<16xi32>], vector<16xf32>,
          %swap3A_257 = arith.index_cast %scan3A_187 : i32 to index
          %swap3A_258 = arith.constant 48 : index
          %swap3A_259 = tpu.vector_load %arg13[%swap3A_257, %swap3A_258] {strides = array<i32>} : memref<16x128xf32, #tpu.memory_space<vmem>>, vector<16xf32>,
          tpu.vector_store %arg13[%swap3A_257, %swap3A_258], %gather3A_256 {strides = array<i32>} : memref<16x128xf32, #tpu.memory_space<vmem>>, vector<16xf32>,
          %eq3A_260 = arith.constant 99999 : i32
          %eq3A_261 = vector.broadcast %eq3A_260 : i32 to vector<16xi32>
          %eq3A_262 = arith.cmpi eq, %get3A_255, %eq3A_261 : vector<16xi32>
          %jit3A_263 = arith.constant 100224 : i32
          %broadcast_in_dim3A_264 = vector.broadcast %jit3A_263 : i32 to vector<16xi32>
          %select_n3A_265 = arith.select %eq3A_262, %get3A_252, %broadcast_in_dim3A_264 : vector<16xi1>, vector<16xi32>
          %swap3A_266 = arith.index_cast %scan3A_187 : i32 to index
          %swap3A_267 = arith.constant 48 : index
          %swap3A_268 = tpu.vector_load %arg11[%swap3A_266, %swap3A_267] {strides = array<i32>} : memref<16x128xi32, #tpu.memory_space<vmem>>, vector<16xi32>,
          tpu.vector_store %arg11[%swap3A_266, %swap3A_267], %select_n3A_265 {strides = array<i32>} : memref<16x128xi32, #tpu.memory_space<vmem>>, vector<16xi32>,
          %convert_element_type3A_269 = arith.extui %eq3A_262 : vector<16xi1> to vector<16xi32>
          %add3A_270 = arith.addi %add3A_249, %convert_element_type3A_269 : vector<16xi32>
          %get3A_271 = arith.index_cast %scan3A_187 : i32 to index
          %get3A_272 = arith.constant 64 : index
          %get3A_273 = tpu.vector_load %arg8[%get3A_271, %get3A_272] {strides = array<i32>} : memref<16x128xi32, #tpu.memory_space<vmem>>, vector<16xi32>,
          %get3A_274 = arith.index_cast %scan3A_187 : i32 to index
          %get3A_275 = arith.constant 64 : index
          %get3A_276 = tpu.vector_load %arg10[%get3A_274, %get3A_275] {strides = array<i32>} : memref<16x128xi32, #tpu.memory_space<vmem>>, vector<16xi32>,
          %gather3A_277 = tpu.vector_load_idx %arg7[%get3A_273] : memref<100352xf32, #tpu.memory_space<vmem>>[vector<16xi32>], vector<16xf32>,
          %swap3A_278 = arith.index_cast %scan3A_187 : i32 to index
          %swap3A_279 = arith.constant 64 : index
          %swap3A_280 = tpu.vector_load %arg13[%swap3A_278, %swap3A_279] {strides = array<i32>} : memref<16x128xf32, #tpu.memory_space<vmem>>, vector<16xf32>,
          tpu.vector_store %arg13[%swap3A_278, %swap3A_279], %gather3A_277 {strides = array<i32>} : memref<16x128xf32, #tpu.memory_space<vmem>>, vector<16xf32>,
          %eq3A_281 = arith.constant 99999 : i32
          %eq3A_282 = vector.broadcast %eq3A_281 : i32 to vector<16xi32>
          %eq3A_283 = arith.cmpi eq, %get3A_276, %eq3A_282 : vector<16xi32>
          %jit3A_284 = arith.constant 100224 : i32
          %broadcast_in_dim3A_285 = vector.broadcast %jit3A_284 : i32 to vector<16xi32>
          %select_n3A_286 = arith.select %eq3A_283, %get3A_273, %broadcast_in_dim3A_285 : vector<16xi1>, vector<16xi32>
          %swap3A_287 = arith.index_cast %scan3A_187 : i32 to index
          %swap3A_288 = arith.constant 64 : index
          %swap3A_289 = tpu.vector_load %arg11[%swap3A_287, %swap3A_288] {strides = array<i32>} : memref<16x128xi32, #tpu.memory_space<vmem>>, vector<16xi32>,
          tpu.vector_store %arg11[%swap3A_287, %swap3A_288], %select_n3A_286 {strides = array<i32>} : memref<16x128xi32, #tpu.memory_space<vmem>>, vector<16xi32>,
          %convert_element_type3A_290 = arith.extui %eq3A_283 : vector<16xi1> to vector<16xi32>
          %add3A_291 = arith.addi %add3A_270, %convert_element_type3A_290 : vector<16xi32>
          %get3A_292 = arith.index_cast %scan3A_187 : i32 to index
          %get3A_293 = arith.constant 80 : index
          %get3A_294 = tpu.vector_load %arg8[%get3A_292, %get3A_293] {strides = array<i32>} : memref<16x128xi32, #tpu.memory_space<vmem>>, vector<16xi32>,
          %get3A_295 = arith.index_cast %scan3A_187 : i32 to index
          %get3A_296 = arith.constant 80 : index
          %get3A_297 = tpu.vector_load %arg10[%get3A_295, %get3A_296] {strides = array<i32>} : memref<16x128xi32, #tpu.memory_space<vmem>>, vector<16xi32>,
          %gather3A_298 = tpu.vector_load_idx %arg7[%get3A_294] : memref<100352xf32, #tpu.memory_space<vmem>>[vector<16xi32>], vector<16xf32>,
          %swap3A_299 = arith.index_cast %scan3A_187 : i32 to index
          %swap3A_300 = arith.constant 80 : index
          %swap3A_301 = tpu.vector_load %arg13[%swap3A_299, %swap3A_300] {strides = array<i32>} : memref<16x128xf32, #tpu.memory_space<vmem>>, vector<16xf32>,
          tpu.vector_store %arg13[%swap3A_299, %swap3A_300], %gather3A_298 {strides = array<i32>} : memref<16x128xf32, #tpu.memory_space<vmem>>, vector<16xf32>,
          %eq3A_302 = arith.constant 99999 : i32
          %eq3A_303 = vector.broadcast %eq3A_302 : i32 to vector<16xi32>
          %eq3A_304 = arith.cmpi eq, %get3A_297, %eq3A_303 : vector<16xi32>
          %jit3A_305 = arith.constant 100224 : i32
          %broadcast_in_dim3A_306 = vector.broadcast %jit3A_305 : i32 to vector<16xi32>
          %select_n3A_307 = arith.select %eq3A_304, %get3A_294, %broadcast_in_dim3A_306 : vector<16xi1>, vector<16xi32>
          %swap3A_308 = arith.index_cast %scan3A_187 : i32 to index
          %swap3A_309 = arith.constant 80 : index
          %swap3A_310 = tpu.vector_load %arg11[%swap3A_308, %swap3A_309] {strides = array<i32>} : memref<16x128xi32, #tpu.memory_space<vmem>>, vector<16xi32>,
          tpu.vector_store %arg11[%swap3A_308, %swap3A_309], %select_n3A_307 {strides = array<i32>} : memref<16x128xi32, #tpu.memory_space<vmem>>, vector<16xi32>,
          %convert_element_type3A_311 = arith.extui %eq3A_304 : vector<16xi1> to vector<16xi32>
          %add3A_312 = arith.addi %add3A_291, %convert_element_type3A_311 : vector<16xi32>
          %get3A_313 = arith.index_cast %scan3A_187 : i32 to index
          %get3A_314 = arith.constant 96 : index
          %get3A_315 = tpu.vector_load %arg8[%get3A_313, %get3A_314] {strides = array<i32>} : memref<16x128xi32, #tpu.memory_space<vmem>>, vector<16xi32>,
          %get3A_316 = arith.index_cast %scan3A_187 : i32 to index
          %get3A_317 = arith.constant 96 : index
          %get3A_318 = tpu.vector_load %arg10[%get3A_316, %get3A_317] {strides = array<i32>} : memref<16x128xi32, #tpu.memory_space<vmem>>, vector<16xi32>,
          %gather3A_319 = tpu.vector_load_idx %arg7[%get3A_315] : memref<100352xf32, #tpu.memory_space<vmem>>[vector<16xi32>], vector<16xf32>,
          %swap3A_320 = arith.index_cast %scan3A_187 : i32 to index
          %swap3A_321 = arith.constant 96 : index
          %swap3A_322 = tpu.vector_load %arg13[%swap3A_320, %swap3A_321] {strides = array<i32>} : memref<16x128xf32, #tpu.memory_space<vmem>>, vector<16xf32>,
          tpu.vector_store %arg13[%swap3A_320, %swap3A_321], %gather3A_319 {strides = array<i32>} : memref<16x128xf32, #tpu.memory_space<vmem>>, vector<16xf32>,
          %eq3A_323 = arith.constant 99999 : i32
          %eq3A_324 = vector.broadcast %eq3A_323 : i32 to vector<16xi32>
          %eq3A_325 = arith.cmpi eq, %get3A_318, %eq3A_324 : vector<16xi32>
          %jit3A_326 = arith.constant 100224 : i32
          %broadcast_in_dim3A_327 = vector.broadcast %jit3A_326 : i32 to vector<16xi32>
          %select_n3A_328 = arith.select %eq3A_325, %get3A_315, %broadcast_in_dim3A_327 : vector<16xi1>, vector<16xi32>
          %swap3A_329 = arith.index_cast %scan3A_187 : i32 to index
          %swap3A_330 = arith.constant 96 : index
          %swap3A_331 = tpu.vector_load %arg11[%swap3A_329, %swap3A_330] {strides = array<i32>} : memref<16x128xi32, #tpu.memory_space<vmem>>, vector<16xi32>,
          tpu.vector_store %arg11[%swap3A_329, %swap3A_330], %select_n3A_328 {strides = array<i32>} : memref<16x128xi32, #tpu.memory_space<vmem>>, vector<16xi32>,
          %convert_element_type3A_332 = arith.extui %eq3A_325 : vector<16xi1> to vector<16xi32>
          %add3A_333 = arith.addi %add3A_312, %convert_element_type3A_332 : vector<16xi32>
          %get3A_334 = arith.index_cast %scan3A_187 : i32 to index
          %get3A_335 = arith.constant 112 : index
          %get3A_336 = tpu.vector_load %arg8[%get3A_334, %get3A_335] {strides = array<i32>} : memref<16x128xi32, #tpu.memory_space<vmem>>, vector<16xi32>,
          %get3A_337 = arith.index_cast %scan3A_187 : i32 to index
          %get3A_338 = arith.constant 112 : index
          %get3A_339 = tpu.vector_load %arg10[%get3A_337, %get3A_338] {strides = array<i32>} : memref<16x128xi32, #tpu.memory_space<vmem>>, vector<16xi32>,
          %gather3A_340 = tpu.vector_load_idx %arg7[%get3A_336] : memref<100352xf32, #tpu.memory_space<vmem>>[vector<16xi32>], vector<16xf32>,
          %swap3A_341 = arith.index_cast %scan3A_187 : i32 to index
          %swap3A_342 = arith.constant 112 : index
          %swap3A_343 = tpu.vector_load %arg13[%swap3A_341, %swap3A_342] {strides = array<i32>} : memref<16x128xf32, #tpu.memory_space<vmem>>, vector<16xf32>,
          tpu.vector_store %arg13[%swap3A_341, %swap3A_342], %gather3A_340 {strides = array<i32>} : memref<16x128xf32, #tpu.memory_space<vmem>>, vector<16xf32>,
          %eq3A_344 = arith.constant 99999 : i32
          %eq3A_345 = vector.broadcast %eq3A_344 : i32 to vector<16xi32>
          %eq3A_346 = arith.cmpi eq, %get3A_339, %eq3A_345 : vector<16xi32>
          %jit3A_347 = arith.constant 100224 : i32
          %broadcast_in_dim3A_348 = vector.broadcast %jit3A_347 : i32 to vector<16xi32>
          %select_n3A_349 = arith.select %eq3A_346, %get3A_336, %broadcast_in_dim3A_348 : vector<16xi1>, vector<16xi32>
          %swap3A_350 = arith.index_cast %scan3A_187 : i32 to index
          %swap3A_351 = arith.constant 112 : index
          %swap3A_352 = tpu.vector_load %arg11[%swap3A_350, %swap3A_351] {strides = array<i32>} : memref<16x128xi32, #tpu.memory_space<vmem>>, vector<16xi32>,
          tpu.vector_store %arg11[%swap3A_350, %swap3A_351], %select_n3A_349 {strides = array<i32>} : memref<16x128xi32, #tpu.memory_space<vmem>>, vector<16xi32>,
          %convert_element_type3A_353 = arith.extui %eq3A_346 : vector<16xi1> to vector<16xi32>
          %add3A_354 = arith.addi %add3A_333, %convert_element_type3A_353 : vector<16xi32>
          scf.yield %add3A_354 : vector<16xi32>
        }
        %scan3A_173 = arith.constant 16 : i32
        %scan3A_174 = arith.constant 0 : i32
        %scan3A_175 = arith.constant 0 : i32
        %scan3A_176 = arith.constant 16 : i32
        %scan3A_177 = arith.addi %scan3A_175, %scan3A_176 : i32
        %scan3A_178 = arith.constant 1 : i32
        scf.for %scan3A_187 = %scan3A_175 to %scan3A_177 step %scan3A_178  : i32 {
          %dma_start3A_188 = arith.constant 0 : i32
          %dma_start3A_189 = tpu.memref_slice %arg13[%scan3A_187, %dma_start3A_188] : memref<16x128xf32, #tpu.memory_space<vmem>> -> memref<1x128xf32, #tpu.memory_space<vmem>>
          %dma_start3A_190 = tpu.memref_squeeze %dma_start3A_189 : memref<1x128xf32, #tpu.memory_space<vmem>> -> memref<128xf32, #tpu.memory_space<vmem>>
          %dma_start3A_191 = arith.constant 0 : i32
          %dma_start3A_192 = tpu.memref_slice %arg10[%scan3A_187, %dma_start3A_191] : memref<16x128xi32, #tpu.memory_space<vmem>> -> memref<1x128xi32, #tpu.memory_space<vmem>>
          %dma_start3A_193 = tpu.memref_squeeze %dma_start3A_192 : memref<1x128xi32, #tpu.memory_space<vmem>> -> memref<128xi32, #tpu.memory_space<vmem>>
          %dma_start3A_194 = arith.constant 0 : i32
          %dma_start3A_195 = tpu.memref_slice %arg16[%dma_start3A_194] : memref<100352xf32, #tpu.memory_space<vmem_shared>> -> memref<100352xf32, #tpu.memory_space<vmem_shared>>
          tpu.enqueue_indirect_dma source(%dma_start3A_190 : memref<128xf32, #tpu.memory_space<vmem>>) target(%dma_start3A_195 : memref<100352xf32, #tpu.memory_space<vmem_shared>>) offsets(%dma_start3A_193 : memref<128xi32, #tpu.memory_space<vmem>>) semaphore(%arg19 : memref<!tpu.dma_semaphore, #tpu.memory_space<semaphore_mem>>) {add = true}
        }
        %scan3A_179 = arith.constant 16 : i32
        %reduce_sum3A = arith.constant true
        %reduce_sum3A_180 = vector.broadcast %reduce_sum3A : i1 to vector<16xi1>
        %reduce_sum3A_181 = tpu.scan <sum>, %scan3A_172 masked %reduce_sum3A_180 : vector<16xi32>, vector<16xi1> -> vector<16xi32>
        %reduce_sum3A_182 = vector.extract %reduce_sum3A_181[15] : i32 from vector<16xi32>
        %gt3A = arith.constant 0 : i32
        %gt3A_183 = arith.cmpi sgt, %reduce_sum3A_182, %gt3A : i32
        %convert_element_type3A_184 = arith.extui %gt3A_183 : i1 to i32
        %cond3A_185 = arith.constant 0 : i32
        %cond3A_186 = arith.cmpi ne, %convert_element_type3A_184, %cond3A_185 : i32
        scf.if %cond3A_186 {
          %scan3A_187 = arith.constant 0 : i32
          %scan3A_188 = arith.constant 0 : i32
          %scan3A_189 = arith.constant 16 : i32
          %scan3A_190 = arith.addi %scan3A_188, %scan3A_189 : i32
          %scan3A_191 = arith.constant 1 : i32
          scf.for %scan3A_193 = %scan3A_188 to %scan3A_190 step %scan3A_191  : i32 {
            "tpu.region"() ({
              %run_scoped3A = tpu.sem_alloc : memref<!tpu.dma_semaphore, #tpu.memory_space<semaphore_mem>>
              %dma_start3A_194 = arith.constant 0 : i32
              %dma_start3A_195 = tpu.memref_slice %arg11[%scan3A_193, %dma_start3A_194] : memref<16x128xi32, #tpu.memory_space<vmem>> -> memref<1x128xi32, #tpu.memory_space<vmem>>
              %dma_start3A_196 = tpu.memref_squeeze %dma_start3A_195 : memref<1x128xi32, #tpu.memory_space<vmem>> -> memref<128xi32, #tpu.memory_space<vmem>>
              %dma_start3A_197 = arith.constant 0 : i32
              %dma_start3A_198 = tpu.memref_slice %arg17[%dma_start3A_197] : memref<100352xf32, #tpu.memory_space<vmem_shared>> -> memref<100352xf32, #tpu.memory_space<vmem_shared>>
              tpu.enqueue_indirect_dma source(%arg14 : memref<128xf32, #tpu.memory_space<vmem>>) target(%dma_start3A_198 : memref<100352xf32, #tpu.memory_space<vmem_shared>>) offsets(%dma_start3A_196 : memref<128xi32, #tpu.memory_space<vmem>>) semaphore(%run_scoped3A : memref<!tpu.dma_semaphore, #tpu.memory_space<semaphore_mem>>) {add = true}
              %dma_wait3A_199 = arith.constant 0 : i32
              %dma_wait3A_200 = tpu.memref_slice %arg11[%scan3A_193, %dma_wait3A_199] : memref<16x128xi32, #tpu.memory_space<vmem>> -> memref<1x128xi32, #tpu.memory_space<vmem>>
              %dma_wait3A_201 = tpu.memref_squeeze %dma_wait3A_200 : memref<1x128xi32, #tpu.memory_space<vmem>> -> memref<128xi32, #tpu.memory_space<vmem>>
              %dma_wait3A_202 = arith.constant 0 : i32
              %dma_wait3A_203 = tpu.memref_slice %arg17[%dma_wait3A_202] : memref<100352xf32, #tpu.memory_space<vmem_shared>> -> memref<100352xf32, #tpu.memory_space<vmem_shared>>
              tpu.wait_indirect_dma semaphore(%run_scoped3A : memref<!tpu.dma_semaphore, #tpu.memory_space<semaphore_mem>>) src(%arg14 : memref<128xf32, #tpu.memory_space<vmem>>) dst(%dma_wait3A_203 : memref<100352xf32, #tpu.memory_space<vmem_shared>>)
              tpu.yield
            }) : () -> ()
          }
          %scan3A_192 = arith.constant 16 : i32
        } else {
        }
      } else {
      }
    }
    %scan3A_86 = arith.constant 0 : i32
    %scan3A_87 = arith.constant 0 : i32
    %scan3A_88 = arith.constant 16 : i32
    %scan3A_89 = arith.addi %scan3A_87, %scan3A_88 : i32
    %scan3A_90 = arith.constant 1 : i32
    scf.for %scan3A_107 = %scan3A_87 to %scan3A_89 step %scan3A_90  : i32 {
      %dma_wait3A = arith.constant 0 : i32
      %dma_wait3A_108 = tpu.memref_slice %arg12[%scan3A_107, %dma_wait3A] : memref<16x128xf32, #tpu.memory_space<vmem>> -> memref<1x128xf32, #tpu.memory_space<vmem>>
      %dma_wait3A_109 = tpu.memref_squeeze %dma_wait3A_108 : memref<1x128xf32, #tpu.memory_space<vmem>> -> memref<128xf32, #tpu.memory_space<vmem>>
      %dma_wait3A_110 = arith.constant 0 : i32
      %dma_wait3A_111 = tpu.memref_slice %arg9[%scan3A_107, %dma_wait3A_110] : memref<16x128xi32, #tpu.memory_space<vmem>> -> memref<1x128xi32, #tpu.memory_space<vmem>>
      %dma_wait3A_112 = tpu.memref_squeeze %dma_wait3A_111 : memref<1x128xi32, #tpu.memory_space<vmem>> -> memref<128xi32, #tpu.memory_space<vmem>>
      %dma_wait3A_113 = arith.constant 0 : i32
      %dma_wait3A_114 = tpu.memref_slice %arg16[%dma_wait3A_113] : memref<100352xf32, #tpu.memory_space<vmem_shared>> -> memref<100352xf32, #tpu.memory_space<vmem_shared>>
      tpu.wait_indirect_dma semaphore(%arg18 : memref<!tpu.dma_semaphore, #tpu.memory_space<semaphore_mem>>) src(%dma_wait3A_109 : memref<128xf32, #tpu.memory_space<vmem>>) dst(%dma_wait3A_114 : memref<100352xf32, #tpu.memory_space<vmem_shared>>)
    }
    %scan3A_91 = arith.constant 16 : i32
    %scan3A_92 = arith.constant 0 : i32
    %scan3A_93 = arith.constant 0 : i32
    %scan3A_94 = arith.constant 16 : i32
    %scan3A_95 = arith.addi %scan3A_93, %scan3A_94 : i32
    %scan3A_96 = arith.constant 1 : i32
    scf.for %scan3A_107 = %scan3A_93 to %scan3A_95 step %scan3A_96  : i32 {
      %dma_wait3A = arith.constant 0 : i32
      %dma_wait3A_108 = tpu.memref_slice %arg13[%scan3A_107, %dma_wait3A] : memref<16x128xf32, #tpu.memory_space<vmem>> -> memref<1x128xf32, #tpu.memory_space<vmem>>
      %dma_wait3A_109 = tpu.memref_squeeze %dma_wait3A_108 : memref<1x128xf32, #tpu.memory_space<vmem>> -> memref<128xf32, #tpu.memory_space<vmem>>
      %dma_wait3A_110 = arith.constant 0 : i32
      %dma_wait3A_111 = tpu.memref_slice %arg10[%scan3A_107, %dma_wait3A_110] : memref<16x128xi32, #tpu.memory_space<vmem>> -> memref<1x128xi32, #tpu.memory_space<vmem>>
      %dma_wait3A_112 = tpu.memref_squeeze %dma_wait3A_111 : memref<1x128xi32, #tpu.memory_space<vmem>> -> memref<128xi32, #tpu.memory_space<vmem>>
      %dma_wait3A_113 = arith.constant 0 : i32
      %dma_wait3A_114 = tpu.memref_slice %arg16[%dma_wait3A_113] : memref<100352xf32, #tpu.memory_space<vmem_shared>> -> memref<100352xf32, #tpu.memory_space<vmem_shared>>
      tpu.wait_indirect_dma semaphore(%arg19 : memref<!tpu.dma_semaphore, #tpu.memory_space<semaphore_mem>>) src(%dma_wait3A_109 : memref<128xf32, #tpu.memory_space<vmem>>) dst(%dma_wait3A_114 : memref<100352xf32, #tpu.memory_space<vmem_shared>>)
    }
    %scan3A_97 = arith.constant 16 : i32
    %barrier3A_98 = arith.constant 0 : index
    tpu.barrier barrier_id(%barrier3A_98)
    %mul3A_99 = arith.constant 6272 : i32
    %mul3A_100 = arith.muli %arg1, %mul3A_99 : i32
    %mul3A_101 = arith.constant 6272 : i32
    %mul3A_102 = arith.muli %arg1, %mul3A_101 : i32
    "tpu.region"() ({
      %run_scoped3A = tpu.sem_alloc : memref<!tpu.dma_semaphore, #tpu.memory_space<semaphore_mem>>
      %dma_start3A = tpu.memref_slice %arg5[%arg0, %mul3A_102] : memref<2x100352xf32, #tpu.memory_space<hbm>> -> memref<1x6272xf32, #tpu.memory_space<hbm>>
      %dma_start3A_107 = tpu.memref_squeeze %dma_start3A : memref<1x6272xf32, #tpu.memory_space<hbm>> -> memref<6272xf32, #tpu.memory_space<hbm>>
      %dma_start3A_108 = tpu.memref_slice %arg16[%mul3A_100] : memref<100352xf32, #tpu.memory_space<vmem_shared>> -> memref<6272xf32, #tpu.memory_space<vmem_shared>>
      tpu.enqueue_dma source(%dma_start3A_108 : memref<6272xf32, #tpu.memory_space<vmem_shared>>) target(%dma_start3A_107 : memref<6272xf32, #tpu.memory_space<hbm>>) target_semaphore(%run_scoped3A : memref<!tpu.dma_semaphore, #tpu.memory_space<semaphore_mem>>)
      %dma_wait3A = tpu.memref_slice %arg5[%arg0, %mul3A_102] : memref<2x100352xf32, #tpu.memory_space<hbm>> -> memref<1x6272xf32, #tpu.memory_space<hbm>>
      %dma_wait3A_109 = tpu.memref_squeeze %dma_wait3A : memref<1x6272xf32, #tpu.memory_space<hbm>> -> memref<6272xf32, #tpu.memory_space<hbm>>
      %dma_wait3A_110 = tpu.memref_slice %arg16[%mul3A_100] : memref<100352xf32, #tpu.memory_space<vmem_shared>> -> memref<6272xf32, #tpu.memory_space<vmem_shared>>
      tpu.wait_dma2 semaphore(%run_scoped3A : memref<!tpu.dma_semaphore, #tpu.memory_space<semaphore_mem>>) src(%dma_wait3A_110 : memref<6272xf32, #tpu.memory_space<vmem_shared>>) dst(%dma_wait3A_109 : memref<6272xf32, #tpu.memory_space<hbm>>)
      tpu.yield
    }) : () -> ()
    %mul3A_103 = arith.constant 6272 : i32
    %mul3A_104 = arith.muli %arg1, %mul3A_103 : i32
    %mul3A_105 = arith.constant 6272 : i32
    %mul3A_106 = arith.muli %arg1, %mul3A_105 : i32
    "tpu.region"() ({
      %run_scoped3A = tpu.sem_alloc : memref<!tpu.dma_semaphore, #tpu.memory_space<semaphore_mem>>
      %dma_start3A = tpu.memref_slice %arg6[%arg0, %mul3A_106] : memref<2x100352xf32, #tpu.memory_space<hbm>> -> memref<1x6272xf32, #tpu.memory_space<hbm>>
      %dma_start3A_107 = tpu.memref_squeeze %dma_start3A : memref<1x6272xf32, #tpu.memory_space<hbm>> -> memref<6272xf32, #tpu.memory_space<hbm>>
      %dma_start3A_108 = tpu.memref_slice %arg17[%mul3A_104] : memref<100352xf32, #tpu.memory_space<vmem_shared>> -> memref<6272xf32, #tpu.memory_space<vmem_shared>>
      tpu.enqueue_dma source(%dma_start3A_108 : memref<6272xf32, #tpu.memory_space<vmem_shared>>) target(%dma_start3A_107 : memref<6272xf32, #tpu.memory_space<hbm>>) target_semaphore(%run_scoped3A : memref<!tpu.dma_semaphore, #tpu.memory_space<semaphore_mem>>)
      %dma_wait3A = tpu.memref_slice %arg6[%arg0, %mul3A_106] : memref<2x100352xf32, #tpu.memory_space<hbm>> -> memref<1x6272xf32, #tpu.memory_space<hbm>>
      %dma_wait3A_109 = tpu.memref_squeeze %dma_wait3A : memref<1x6272xf32, #tpu.memory_space<hbm>> -> memref<6272xf32, #tpu.memory_space<hbm>>
      %dma_wait3A_110 = tpu.memref_slice %arg17[%mul3A_104] : memref<100352xf32, #tpu.memory_space<vmem_shared>> -> memref<6272xf32, #tpu.memory_space<vmem_shared>>
      tpu.wait_dma2 semaphore(%run_scoped3A : memref<!tpu.dma_semaphore, #tpu.memory_space<semaphore_mem>>) src(%dma_wait3A_110 : memref<6272xf32, #tpu.memory_space<vmem_shared>>) dst(%dma_wait3A_109 : memref<6272xf32, #tpu.memory_space<hbm>>)
      tpu.yield
    }) : () -> ()
    return
  }
}

#map = affine_map<(d0, d1) -> (0, 0)>
module attributes {stable_mosaic.version = 14 : i64} {
  func.func @_sc_deg(%arg0: i32, %arg1: i32, %arg2: memref<50000x128xi32, #tpu.memory_space<hbm>>, %arg3: memref<32x100352xf32, #tpu.memory_space<hbm>>, %arg4: memref<100352xf32, #tpu.memory_space<vmem>>, %arg5: memref<16x128xi32, #tpu.memory_space<vmem>>, %arg6: memref<16x128xi32, #tpu.memory_space<vmem>>, %arg7: memref<!tpu.dma_semaphore, #tpu.memory_space<semaphore_mem>>, %arg8: memref<!tpu.dma_semaphore, #tpu.memory_space<semaphore_mem>>) attributes {dimension_semantics = [#tpu.dimension_semantics<core_parallel>, #tpu.dimension_semantics<subcore_parallel>], iteration_bounds = array<i64: 2, 16>, scalar_prefetch = 0 : i64, scratch_operands = 5 : i64, tpu.core_type = #tpu.core_type<sc_vector_subcore>, window_params = [{transform_indices = #map}, {transform_indices = #map}]} {
    %mul3A = arith.constant 16 : i32
    %mul3A_0 = arith.muli %arg0, %mul3A : i32
    %add3A = arith.addi %mul3A_0, %arg1 : i32
    %broadcast_in_dim3A = arith.constant 0.000000e+00 : f32
    %broadcast_in_dim3A_1 = vector.broadcast %broadcast_in_dim3A : f32 to vector<16xf32>
    %scan3A = arith.constant 0 : i32
    %scan3A_2 = arith.constant 0 : i32
    %scan3A_3 = arith.constant 784 : i32
    %scan3A_4 = arith.addi %scan3A_2, %scan3A_3 : i32
    %scan3A_5 = arith.constant 1 : i32
    scf.for %scan3A_34 = %scan3A_2 to %scan3A_4 step %scan3A_5  : i32 {
      %mul3A_35 = arith.constant 128 : i32
      %mul3A_36 = arith.muli %scan3A_34, %mul3A_35 : i32
      %add3A_37 = arith.constant 0 : i32
      %add3A_38 = arith.addi %mul3A_36, %add3A_37 : i32
      %swap3A = arith.index_cast %add3A_38 : i32 to index
      %swap3A_39 = tpu.vector_load %arg4[%swap3A] {strides = array<i32>} : memref<100352xf32, #tpu.memory_space<vmem>>, vector<16xf32>,
      tpu.vector_store %arg4[%swap3A], %broadcast_in_dim3A_1 {strides = array<i32>} : memref<100352xf32, #tpu.memory_space<vmem>>, vector<16xf32>,
      %mul3A_40 = arith.constant 128 : i32
      %mul3A_41 = arith.muli %scan3A_34, %mul3A_40 : i32
      %add3A_42 = arith.constant 16 : i32
      %add3A_43 = arith.addi %mul3A_41, %add3A_42 : i32
      %swap3A_44 = arith.index_cast %add3A_43 : i32 to index
      %swap3A_45 = tpu.vector_load %arg4[%swap3A_44] {strides = array<i32>} : memref<100352xf32, #tpu.memory_space<vmem>>, vector<16xf32>,
      tpu.vector_store %arg4[%swap3A_44], %broadcast_in_dim3A_1 {strides = array<i32>} : memref<100352xf32, #tpu.memory_space<vmem>>, vector<16xf32>,
      %mul3A_46 = arith.constant 128 : i32
      %mul3A_47 = arith.muli %scan3A_34, %mul3A_46 : i32
      %add3A_48 = arith.constant 32 : i32
      %add3A_49 = arith.addi %mul3A_47, %add3A_48 : i32
      %swap3A_50 = arith.index_cast %add3A_49 : i32 to index
      %swap3A_51 = tpu.vector_load %arg4[%swap3A_50] {strides = array<i32>} : memref<100352xf32, #tpu.memory_space<vmem>>, vector<16xf32>,
      tpu.vector_store %arg4[%swap3A_50], %broadcast_in_dim3A_1 {strides = array<i32>} : memref<100352xf32, #tpu.memory_space<vmem>>, vector<16xf32>,
      %mul3A_52 = arith.constant 128 : i32
      %mul3A_53 = arith.muli %scan3A_34, %mul3A_52 : i32
      %add3A_54 = arith.constant 48 : i32
      %add3A_55 = arith.addi %mul3A_53, %add3A_54 : i32
      %swap3A_56 = arith.index_cast %add3A_55 : i32 to index
      %swap3A_57 = tpu.vector_load %arg4[%swap3A_56] {strides = array<i32>} : memref<100352xf32, #tpu.memory_space<vmem>>, vector<16xf32>,
      tpu.vector_store %arg4[%swap3A_56], %broadcast_in_dim3A_1 {strides = array<i32>} : memref<100352xf32, #tpu.memory_space<vmem>>, vector<16xf32>,
      %mul3A_58 = arith.constant 128 : i32
      %mul3A_59 = arith.muli %scan3A_34, %mul3A_58 : i32
      %add3A_60 = arith.constant 64 : i32
      %add3A_61 = arith.addi %mul3A_59, %add3A_60 : i32
      %swap3A_62 = arith.index_cast %add3A_61 : i32 to index
      %swap3A_63 = tpu.vector_load %arg4[%swap3A_62] {strides = array<i32>} : memref<100352xf32, #tpu.memory_space<vmem>>, vector<16xf32>,
      tpu.vector_store %arg4[%swap3A_62], %broadcast_in_dim3A_1 {strides = array<i32>} : memref<100352xf32, #tpu.memory_space<vmem>>, vector<16xf32>,
      %mul3A_64 = arith.constant 128 : i32
      %mul3A_65 = arith.muli %scan3A_34, %mul3A_64 : i32
      %add3A_66 = arith.constant 80 : i32
      %add3A_67 = arith.addi %mul3A_65, %add3A_66 : i32
      %swap3A_68 = arith.index_cast %add3A_67 : i32 to index
      %swap3A_69 = tpu.vector_load %arg4[%swap3A_68] {strides = array<i32>} : memref<100352xf32, #tpu.memory_space<vmem>>, vector<16xf32>,
      tpu.vector_store %arg4[%swap3A_68], %broadcast_in_dim3A_1 {strides = array<i32>} : memref<100352xf32, #tpu.memory_space<vmem>>, vector<16xf32>,
      %mul3A_70 = arith.constant 128 : i32
      %mul3A_71 = arith.muli %scan3A_34, %mul3A_70 : i32
      %add3A_72 = arith.constant 96 : i32
      %add3A_73 = arith.addi %mul3A_71, %add3A_72 : i32
      %swap3A_74 = arith.index_cast %add3A_73 : i32 to index
      %swap3A_75 = tpu.vector_load %arg4[%swap3A_74] {strides = array<i32>} : memref<100352xf32, #tpu.memory_space<vmem>>, vector<16xf32>,
      tpu.vector_store %arg4[%swap3A_74], %broadcast_in_dim3A_1 {strides = array<i32>} : memref<100352xf32, #tpu.memory_space<vmem>>, vector<16xf32>,
      %mul3A_76 = arith.constant 128 : i32
      %mul3A_77 = arith.muli %scan3A_34, %mul3A_76 : i32
      %add3A_78 = arith.constant 112 : i32
      %add3A_79 = arith.addi %mul3A_77, %add3A_78 : i32
      %swap3A_80 = arith.index_cast %add3A_79 : i32 to index
      %swap3A_81 = tpu.vector_load %arg4[%swap3A_80] {strides = array<i32>} : memref<100352xf32, #tpu.memory_space<vmem>>, vector<16xf32>,
      tpu.vector_store %arg4[%swap3A_80], %broadcast_in_dim3A_1 {strides = array<i32>} : memref<100352xf32, #tpu.memory_space<vmem>>, vector<16xf32>,
    }
    %scan3A_6 = arith.constant 784 : i32
    %broadcast_in_dim3A_7 = arith.constant 1.000000e+00 : f32
    %broadcast_in_dim3A_8 = vector.broadcast %broadcast_in_dim3A_7 : f32 to vector<16xf32>
    %lt3A = arith.constant 21 : i32
    %lt3A_9 = arith.cmpi slt, %add3A, %lt3A : i32
    %convert_element_type3A = arith.extui %lt3A_9 : i1 to i32
    %add3A_10 = arith.constant 97 : i32
    %add3A_11 = arith.addi %add3A_10, %convert_element_type3A : i32
    %mul3A_12 = arith.constant 16 : i32
    %mul3A_13 = arith.muli %add3A, %mul3A_12 : i32
    %dma_start3A = arith.constant 0 : i32
    %dma_start3A_14 = tpu.memref_slice %arg2[%mul3A_13, %dma_start3A] : memref<50000x128xi32, #tpu.memory_space<hbm>> -> memref<16x128xi32, #tpu.memory_space<hbm>>
    %dma_start3A_15 = arith.constant 0 : i32
    %dma_start3A_16 = tpu.memref_slice %arg2[%mul3A_13, %dma_start3A_15] : memref<50000x128xi32, #tpu.memory_space<hbm>> -> memref<16x128xi32, #tpu.memory_space<hbm>>
    tpu.enqueue_dma source(%dma_start3A_16 : memref<16x128xi32, #tpu.memory_space<hbm>>) target(%arg5 : memref<16x128xi32, #tpu.memory_space<vmem>>) target_semaphore(%arg7 : memref<!tpu.dma_semaphore, #tpu.memory_space<semaphore_mem>>)
    %add3A_17 = arith.constant 32 : i32
    %add3A_18 = arith.addi %add3A, %add3A_17 : i32
    %mul3A_19 = arith.constant 16 : i32
    %mul3A_20 = arith.muli %add3A_18, %mul3A_19 : i32
    %dma_start3A_21 = arith.constant 0 : i32
    %dma_start3A_22 = tpu.memref_slice %arg2[%mul3A_20, %dma_start3A_21] : memref<50000x128xi32, #tpu.memory_space<hbm>> -> memref<16x128xi32, #tpu.memory_space<hbm>>
    %dma_start3A_23 = arith.constant 0 : i32
    %dma_start3A_24 = tpu.memref_slice %arg2[%mul3A_20, %dma_start3A_23] : memref<50000x128xi32, #tpu.memory_space<hbm>> -> memref<16x128xi32, #tpu.memory_space<hbm>>
    tpu.enqueue_dma source(%dma_start3A_24 : memref<16x128xi32, #tpu.memory_space<hbm>>) target(%arg6 : memref<16x128xi32, #tpu.memory_space<vmem>>) target_semaphore(%arg8 : memref<!tpu.dma_semaphore, #tpu.memory_space<semaphore_mem>>)
    %while3A = arith.constant 0 : i32
    %while3A_25 = arith.constant 0 : i32
    %while3A_26 = arith.subi %add3A_11, %while3A_25 : i32
    %while3A_27 = arith.addi %while3A_25, %while3A_26 : i32
    %while3A_28 = arith.constant 1 : i32
    %while3A_29 = arith.divsi %while3A_26, %while3A_28 : i32
    %while3A_30 = arith.muli %while3A_29, %while3A_28 : i32
    %while3A_31 = arith.addi %while3A_25, %while3A_30 : i32
    %while3A_32 = arith.constant 1 : i32
    scf.for %while3A_34 = %while3A_25 to %while3A_31 step %while3A_32  : i32 {
      %jit3A = arith.constant 2 : i32
      %eq3A = arith.constant 0 : i32
      %eq3A_35 = arith.cmpi eq, %jit3A, %eq3A : i32
      %jit3A_36 = arith.constant 1 : i32
      %select_n3A = arith.select %eq3A_35, %jit3A_36, %jit3A : i32
      %rem3A = arith.remsi %while3A_34, %select_n3A : i32
      %ne3A = arith.constant 0 : i32
      %ne3A_37 = arith.cmpi ne, %rem3A, %ne3A : i32
      %lt3A_38 = arith.constant 0 : i32
      %lt3A_39 = arith.cmpi slt, %rem3A, %lt3A_38 : i32
      %lt3A_40 = arith.constant 0 : i32
      %lt3A_41 = arith.cmpi slt, %select_n3A, %lt3A_40 : i32
      %ne3A_42 = arith.xori %lt3A_39, %lt3A_41 : i1
      %and3A = arith.andi %ne3A_42, %ne3A_37 : i1
      %add3A_43 = arith.addi %rem3A, %select_n3A : i32
      %select_n3A_44 = arith.select %and3A, %add3A_43, %rem3A : i32
      %eq3A_45 = arith.constant 0 : i32
      %eq3A_46 = arith.cmpi eq, %select_n3A_44, %eq3A_45 : i32
      %convert_element_type3A_47 = arith.extui %eq3A_46 : i1 to i32
      %cond3A = arith.constant 0 : i32
      %cond3A_48 = arith.cmpi ne, %convert_element_type3A_47, %cond3A : i32
      scf.if %cond3A_48 {
        %mul3A_70 = arith.constant 32 : i32
        %mul3A_71 = arith.muli %mul3A_70, %while3A_34 : i32
        %add3A_72 = arith.addi %add3A, %mul3A_71 : i32
        %mul3A_73 = arith.constant 16 : i32
        %mul3A_74 = arith.muli %add3A_72, %mul3A_73 : i32
        %dma_wait3A = arith.constant 0 : i32
        %dma_wait3A_75 = tpu.memref_slice %arg2[%mul3A_74, %dma_wait3A] : memref<50000x128xi32, #tpu.memory_space<hbm>> -> memref<16x128xi32, #tpu.memory_space<hbm>>
        %dma_wait3A_76 = arith.constant 0 : i32
        %dma_wait3A_77 = tpu.memref_slice %arg2[%mul3A_74, %dma_wait3A_76] : memref<50000x128xi32, #tpu.memory_space<hbm>> -> memref<16x128xi32, #tpu.memory_space<hbm>>
        tpu.wait_dma2 semaphore(%arg7 : memref<!tpu.dma_semaphore, #tpu.memory_space<semaphore_mem>>) src(%dma_wait3A_77 : memref<16x128xi32, #tpu.memory_space<hbm>>) dst(%arg5 : memref<16x128xi32, #tpu.memory_space<vmem>>)
        %scan3A_78 = arith.constant 0 : i32
        %scan3A_79 = arith.constant 0 : i32
        %scan3A_80 = arith.constant 16 : i32
        %scan3A_81 = arith.addi %scan3A_79, %scan3A_80 : i32
        %scan3A_82 = arith.constant 1 : i32
        scf.for %scan3A_90 = %scan3A_79 to %scan3A_81 step %scan3A_82  : i32 {
          %get3A = arith.index_cast %scan3A_90 : i32 to index
          %get3A_91 = arith.constant 0 : index
          %get3A_92 = tpu.vector_load %arg5[%get3A, %get3A_91] {strides = array<i32>} : memref<16x128xi32, #tpu.memory_space<vmem>>, vector<16xi32>,
          tpu.vector_store_idx %arg4[%get3A_92], %broadcast_in_dim3A_8 {add = true} : memref<100352xf32, #tpu.memory_space<vmem>>[vector<16xi32>], vector<16xf32>,
          %get3A_93 = arith.index_cast %scan3A_90 : i32 to index
          %get3A_94 = arith.constant 16 : index
          %get3A_95 = tpu.vector_load %arg5[%get3A_93, %get3A_94] {strides = array<i32>} : memref<16x128xi32, #tpu.memory_space<vmem>>, vector<16xi32>,
          tpu.vector_store_idx %arg4[%get3A_95], %broadcast_in_dim3A_8 {add = true} : memref<100352xf32, #tpu.memory_space<vmem>>[vector<16xi32>], vector<16xf32>,
          %get3A_96 = arith.index_cast %scan3A_90 : i32 to index
          %get3A_97 = arith.constant 32 : index
          %get3A_98 = tpu.vector_load %arg5[%get3A_96, %get3A_97] {strides = array<i32>} : memref<16x128xi32, #tpu.memory_space<vmem>>, vector<16xi32>,
          tpu.vector_store_idx %arg4[%get3A_98], %broadcast_in_dim3A_8 {add = true} : memref<100352xf32, #tpu.memory_space<vmem>>[vector<16xi32>], vector<16xf32>,
          %get3A_99 = arith.index_cast %scan3A_90 : i32 to index
          %get3A_100 = arith.constant 48 : index
          %get3A_101 = tpu.vector_load %arg5[%get3A_99, %get3A_100] {strides = array<i32>} : memref<16x128xi32, #tpu.memory_space<vmem>>, vector<16xi32>,
          tpu.vector_store_idx %arg4[%get3A_101], %broadcast_in_dim3A_8 {add = true} : memref<100352xf32, #tpu.memory_space<vmem>>[vector<16xi32>], vector<16xf32>,
          %get3A_102 = arith.index_cast %scan3A_90 : i32 to index
          %get3A_103 = arith.constant 64 : index
          %get3A_104 = tpu.vector_load %arg5[%get3A_102, %get3A_103] {strides = array<i32>} : memref<16x128xi32, #tpu.memory_space<vmem>>, vector<16xi32>,
          tpu.vector_store_idx %arg4[%get3A_104], %broadcast_in_dim3A_8 {add = true} : memref<100352xf32, #tpu.memory_space<vmem>>[vector<16xi32>], vector<16xf32>,
          %get3A_105 = arith.index_cast %scan3A_90 : i32 to index
          %get3A_106 = arith.constant 80 : index
          %get3A_107 = tpu.vector_load %arg5[%get3A_105, %get3A_106] {strides = array<i32>} : memref<16x128xi32, #tpu.memory_space<vmem>>, vector<16xi32>,
          tpu.vector_store_idx %arg4[%get3A_107], %broadcast_in_dim3A_8 {add = true} : memref<100352xf32, #tpu.memory_space<vmem>>[vector<16xi32>], vector<16xf32>,
          %get3A_108 = arith.index_cast %scan3A_90 : i32 to index
          %get3A_109 = arith.constant 96 : index
          %get3A_110 = tpu.vector_load %arg5[%get3A_108, %get3A_109] {strides = array<i32>} : memref<16x128xi32, #tpu.memory_space<vmem>>, vector<16xi32>,
          tpu.vector_store_idx %arg4[%get3A_110], %broadcast_in_dim3A_8 {add = true} : memref<100352xf32, #tpu.memory_space<vmem>>[vector<16xi32>], vector<16xf32>,
          %get3A_111 = arith.index_cast %scan3A_90 : i32 to index
          %get3A_112 = arith.constant 112 : index
          %get3A_113 = tpu.vector_load %arg5[%get3A_111, %get3A_112] {strides = array<i32>} : memref<16x128xi32, #tpu.memory_space<vmem>>, vector<16xi32>,
          tpu.vector_store_idx %arg4[%get3A_113], %broadcast_in_dim3A_8 {add = true} : memref<100352xf32, #tpu.memory_space<vmem>>[vector<16xi32>], vector<16xf32>,
        }
        %scan3A_83 = arith.constant 16 : i32
        %add3A_84 = arith.constant 2 : i32
        %add3A_85 = arith.addi %while3A_34, %add3A_84 : i32
        %lt3A_86 = arith.cmpi slt, %add3A_85, %add3A_11 : i32
        %convert_element_type3A_87 = arith.extui %lt3A_86 : i1 to i32
        %cond3A_88 = arith.constant 0 : i32
        %cond3A_89 = arith.cmpi ne, %convert_element_type3A_87, %cond3A_88 : i32
        scf.if %cond3A_89 {
          %add3A_90 = arith.constant 2 : i32
          %add3A_91 = arith.addi %while3A_34, %add3A_90 : i32
          %mul3A_92 = arith.constant 32 : i32
          %mul3A_93 = arith.muli %mul3A_92, %add3A_91 : i32
          %add3A_94 = arith.addi %add3A, %mul3A_93 : i32
          %mul3A_95 = arith.constant 16 : i32
          %mul3A_96 = arith.muli %add3A_94, %mul3A_95 : i32
          %dma_start3A_97 = arith.constant 0 : i32
          %dma_start3A_98 = tpu.memref_slice %arg2[%mul3A_96, %dma_start3A_97] : memref<50000x128xi32, #tpu.memory_space<hbm>> -> memref<16x128xi32, #tpu.memory_space<hbm>>
          %dma_start3A_99 = arith.constant 0 : i32
          %dma_start3A_100 = tpu.memref_slice %arg2[%mul3A_96, %dma_start3A_99] : memref<50000x128xi32, #tpu.memory_space<hbm>> -> memref<16x128xi32, #tpu.memory_space<hbm>>
          tpu.enqueue_dma source(%dma_start3A_100 : memref<16x128xi32, #tpu.memory_space<hbm>>) target(%arg5 : memref<16x128xi32, #tpu.memory_space<vmem>>) target_semaphore(%arg7 : memref<!tpu.dma_semaphore, #tpu.memory_space<semaphore_mem>>)
        } else {
        }
      } else {
      }
      %jit3A_49 = arith.constant 2 : i32
      %eq3A_50 = arith.constant 0 : i32
      %eq3A_51 = arith.cmpi eq, %jit3A_49, %eq3A_50 : i32
      %jit3A_52 = arith.constant 1 : i32
      %select_n3A_53 = arith.select %eq3A_51, %jit3A_52, %jit3A_49 : i32
      %rem3A_54 = arith.remsi %while3A_34, %select_n3A_53 : i32
      %ne3A_55 = arith.constant 0 : i32
      %ne3A_56 = arith.cmpi ne, %rem3A_54, %ne3A_55 : i32
      %lt3A_57 = arith.constant 0 : i32
      %lt3A_58 = arith.cmpi slt, %rem3A_54, %lt3A_57 : i32
      %lt3A_59 = arith.constant 0 : i32
      %lt3A_60 = arith.cmpi slt, %select_n3A_53, %lt3A_59 : i32
      %ne3A_61 = arith.xori %lt3A_58, %lt3A_60 : i1
      %and3A_62 = arith.andi %ne3A_61, %ne3A_56 : i1
      %add3A_63 = arith.addi %rem3A_54, %select_n3A_53 : i32
      %select_n3A_64 = arith.select %and3A_62, %add3A_63, %rem3A_54 : i32
      %eq3A_65 = arith.constant 1 : i32
      %eq3A_66 = arith.cmpi eq, %select_n3A_64, %eq3A_65 : i32
      %convert_element_type3A_67 = arith.extui %eq3A_66 : i1 to i32
      %cond3A_68 = arith.constant 0 : i32
      %cond3A_69 = arith.cmpi ne, %convert_element_type3A_67, %cond3A_68 : i32
      scf.if %cond3A_69 {
        %mul3A_70 = arith.constant 32 : i32
        %mul3A_71 = arith.muli %mul3A_70, %while3A_34 : i32
        %add3A_72 = arith.addi %add3A, %mul3A_71 : i32
        %mul3A_73 = arith.constant 16 : i32
        %mul3A_74 = arith.muli %add3A_72, %mul3A_73 : i32
        %dma_wait3A = arith.constant 0 : i32
        %dma_wait3A_75 = tpu.memref_slice %arg2[%mul3A_74, %dma_wait3A] : memref<50000x128xi32, #tpu.memory_space<hbm>> -> memref<16x128xi32, #tpu.memory_space<hbm>>
        %dma_wait3A_76 = arith.constant 0 : i32
        %dma_wait3A_77 = tpu.memref_slice %arg2[%mul3A_74, %dma_wait3A_76] : memref<50000x128xi32, #tpu.memory_space<hbm>> -> memref<16x128xi32, #tpu.memory_space<hbm>>
        tpu.wait_dma2 semaphore(%arg8 : memref<!tpu.dma_semaphore, #tpu.memory_space<semaphore_mem>>) src(%dma_wait3A_77 : memref<16x128xi32, #tpu.memory_space<hbm>>) dst(%arg6 : memref<16x128xi32, #tpu.memory_space<vmem>>)
        %scan3A_78 = arith.constant 0 : i32
        %scan3A_79 = arith.constant 0 : i32
        %scan3A_80 = arith.constant 16 : i32
        %scan3A_81 = arith.addi %scan3A_79, %scan3A_80 : i32
        %scan3A_82 = arith.constant 1 : i32
        scf.for %scan3A_90 = %scan3A_79 to %scan3A_81 step %scan3A_82  : i32 {
          %get3A = arith.index_cast %scan3A_90 : i32 to index
          %get3A_91 = arith.constant 0 : index
          %get3A_92 = tpu.vector_load %arg6[%get3A, %get3A_91] {strides = array<i32>} : memref<16x128xi32, #tpu.memory_space<vmem>>, vector<16xi32>,
          tpu.vector_store_idx %arg4[%get3A_92], %broadcast_in_dim3A_8 {add = true} : memref<100352xf32, #tpu.memory_space<vmem>>[vector<16xi32>], vector<16xf32>,
          %get3A_93 = arith.index_cast %scan3A_90 : i32 to index
          %get3A_94 = arith.constant 16 : index
          %get3A_95 = tpu.vector_load %arg6[%get3A_93, %get3A_94] {strides = array<i32>} : memref<16x128xi32, #tpu.memory_space<vmem>>, vector<16xi32>,
          tpu.vector_store_idx %arg4[%get3A_95], %broadcast_in_dim3A_8 {add = true} : memref<100352xf32, #tpu.memory_space<vmem>>[vector<16xi32>], vector<16xf32>,
          %get3A_96 = arith.index_cast %scan3A_90 : i32 to index
          %get3A_97 = arith.constant 32 : index
          %get3A_98 = tpu.vector_load %arg6[%get3A_96, %get3A_97] {strides = array<i32>} : memref<16x128xi32, #tpu.memory_space<vmem>>, vector<16xi32>,
          tpu.vector_store_idx %arg4[%get3A_98], %broadcast_in_dim3A_8 {add = true} : memref<100352xf32, #tpu.memory_space<vmem>>[vector<16xi32>], vector<16xf32>,
          %get3A_99 = arith.index_cast %scan3A_90 : i32 to index
          %get3A_100 = arith.constant 48 : index
          %get3A_101 = tpu.vector_load %arg6[%get3A_99, %get3A_100] {strides = array<i32>} : memref<16x128xi32, #tpu.memory_space<vmem>>, vector<16xi32>,
          tpu.vector_store_idx %arg4[%get3A_101], %broadcast_in_dim3A_8 {add = true} : memref<100352xf32, #tpu.memory_space<vmem>>[vector<16xi32>], vector<16xf32>,
          %get3A_102 = arith.index_cast %scan3A_90 : i32 to index
          %get3A_103 = arith.constant 64 : index
          %get3A_104 = tpu.vector_load %arg6[%get3A_102, %get3A_103] {strides = array<i32>} : memref<16x128xi32, #tpu.memory_space<vmem>>, vector<16xi32>,
          tpu.vector_store_idx %arg4[%get3A_104], %broadcast_in_dim3A_8 {add = true} : memref<100352xf32, #tpu.memory_space<vmem>>[vector<16xi32>], vector<16xf32>,
          %get3A_105 = arith.index_cast %scan3A_90 : i32 to index
          %get3A_106 = arith.constant 80 : index
          %get3A_107 = tpu.vector_load %arg6[%get3A_105, %get3A_106] {strides = array<i32>} : memref<16x128xi32, #tpu.memory_space<vmem>>, vector<16xi32>,
          tpu.vector_store_idx %arg4[%get3A_107], %broadcast_in_dim3A_8 {add = true} : memref<100352xf32, #tpu.memory_space<vmem>>[vector<16xi32>], vector<16xf32>,
          %get3A_108 = arith.index_cast %scan3A_90 : i32 to index
          %get3A_109 = arith.constant 96 : index
          %get3A_110 = tpu.vector_load %arg6[%get3A_108, %get3A_109] {strides = array<i32>} : memref<16x128xi32, #tpu.memory_space<vmem>>, vector<16xi32>,
          tpu.vector_store_idx %arg4[%get3A_110], %broadcast_in_dim3A_8 {add = true} : memref<100352xf32, #tpu.memory_space<vmem>>[vector<16xi32>], vector<16xf32>,
          %get3A_111 = arith.index_cast %scan3A_90 : i32 to index
          %get3A_112 = arith.constant 112 : index
          %get3A_113 = tpu.vector_load %arg6[%get3A_111, %get3A_112] {strides = array<i32>} : memref<16x128xi32, #tpu.memory_space<vmem>>, vector<16xi32>,
          tpu.vector_store_idx %arg4[%get3A_113], %broadcast_in_dim3A_8 {add = true} : memref<100352xf32, #tpu.memory_space<vmem>>[vector<16xi32>], vector<16xf32>,
        }
        %scan3A_83 = arith.constant 16 : i32
        %add3A_84 = arith.constant 2 : i32
        %add3A_85 = arith.addi %while3A_34, %add3A_84 : i32
        %lt3A_86 = arith.cmpi slt, %add3A_85, %add3A_11 : i32
        %convert_element_type3A_87 = arith.extui %lt3A_86 : i1 to i32
        %cond3A_88 = arith.constant 0 : i32
        %cond3A_89 = arith.cmpi ne, %convert_element_type3A_87, %cond3A_88 : i32
        scf.if %cond3A_89 {
          %add3A_90 = arith.constant 2 : i32
          %add3A_91 = arith.addi %while3A_34, %add3A_90 : i32
          %mul3A_92 = arith.constant 32 : i32
          %mul3A_93 = arith.muli %mul3A_92, %add3A_91 : i32
          %add3A_94 = arith.addi %add3A, %mul3A_93 : i32
          %mul3A_95 = arith.constant 16 : i32
          %mul3A_96 = arith.muli %add3A_94, %mul3A_95 : i32
          %dma_start3A_97 = arith.constant 0 : i32
          %dma_start3A_98 = tpu.memref_slice %arg2[%mul3A_96, %dma_start3A_97] : memref<50000x128xi32, #tpu.memory_space<hbm>> -> memref<16x128xi32, #tpu.memory_space<hbm>>
          %dma_start3A_99 = arith.constant 0 : i32
          %dma_start3A_100 = tpu.memref_slice %arg2[%mul3A_96, %dma_start3A_99] : memref<50000x128xi32, #tpu.memory_space<hbm>> -> memref<16x128xi32, #tpu.memory_space<hbm>>
          tpu.enqueue_dma source(%dma_start3A_100 : memref<16x128xi32, #tpu.memory_space<hbm>>) target(%arg6 : memref<16x128xi32, #tpu.memory_space<vmem>>) target_semaphore(%arg8 : memref<!tpu.dma_semaphore, #tpu.memory_space<semaphore_mem>>)
        } else {
        }
      } else {
      }
    }
    %while3A_33 = arith.constant 1 : i32
    scf.for %while3A_34 = %while3A_31 to %while3A_27 step %while3A_33  : i32 {
      %jit3A = arith.constant 2 : i32
      %eq3A = arith.constant 0 : i32
      %eq3A_35 = arith.cmpi eq, %jit3A, %eq3A : i32
      %jit3A_36 = arith.constant 1 : i32
      %select_n3A = arith.select %eq3A_35, %jit3A_36, %jit3A : i32
      %rem3A = arith.remsi %while3A_34, %select_n3A : i32
      %ne3A = arith.constant 0 : i32
      %ne3A_37 = arith.cmpi ne, %rem3A, %ne3A : i32
      %lt3A_38 = arith.constant 0 : i32
      %lt3A_39 = arith.cmpi slt, %rem3A, %lt3A_38 : i32
      %lt3A_40 = arith.constant 0 : i32
      %lt3A_41 = arith.cmpi slt, %select_n3A, %lt3A_40 : i32
      %ne3A_42 = arith.xori %lt3A_39, %lt3A_41 : i1
      %and3A = arith.andi %ne3A_42, %ne3A_37 : i1
      %add3A_43 = arith.addi %rem3A, %select_n3A : i32
      %select_n3A_44 = arith.select %and3A, %add3A_43, %rem3A : i32
      %eq3A_45 = arith.constant 0 : i32
      %eq3A_46 = arith.cmpi eq, %select_n3A_44, %eq3A_45 : i32
      %convert_element_type3A_47 = arith.extui %eq3A_46 : i1 to i32
      %cond3A = arith.constant 0 : i32
      %cond3A_48 = arith.cmpi ne, %convert_element_type3A_47, %cond3A : i32
      scf.if %cond3A_48 {
        %mul3A_70 = arith.constant 32 : i32
        %mul3A_71 = arith.muli %mul3A_70, %while3A_34 : i32
        %add3A_72 = arith.addi %add3A, %mul3A_71 : i32
        %mul3A_73 = arith.constant 16 : i32
        %mul3A_74 = arith.muli %add3A_72, %mul3A_73 : i32
        %dma_wait3A = arith.constant 0 : i32
        %dma_wait3A_75 = tpu.memref_slice %arg2[%mul3A_74, %dma_wait3A] : memref<50000x128xi32, #tpu.memory_space<hbm>> -> memref<16x128xi32, #tpu.memory_space<hbm>>
        %dma_wait3A_76 = arith.constant 0 : i32
        %dma_wait3A_77 = tpu.memref_slice %arg2[%mul3A_74, %dma_wait3A_76] : memref<50000x128xi32, #tpu.memory_space<hbm>> -> memref<16x128xi32, #tpu.memory_space<hbm>>
        tpu.wait_dma2 semaphore(%arg7 : memref<!tpu.dma_semaphore, #tpu.memory_space<semaphore_mem>>) src(%dma_wait3A_77 : memref<16x128xi32, #tpu.memory_space<hbm>>) dst(%arg5 : memref<16x128xi32, #tpu.memory_space<vmem>>)
        %scan3A_78 = arith.constant 0 : i32
        %scan3A_79 = arith.constant 0 : i32
        %scan3A_80 = arith.constant 16 : i32
        %scan3A_81 = arith.addi %scan3A_79, %scan3A_80 : i32
        %scan3A_82 = arith.constant 1 : i32
        scf.for %scan3A_90 = %scan3A_79 to %scan3A_81 step %scan3A_82  : i32 {
          %get3A = arith.index_cast %scan3A_90 : i32 to index
          %get3A_91 = arith.constant 0 : index
          %get3A_92 = tpu.vector_load %arg5[%get3A, %get3A_91] {strides = array<i32>} : memref<16x128xi32, #tpu.memory_space<vmem>>, vector<16xi32>,
          tpu.vector_store_idx %arg4[%get3A_92], %broadcast_in_dim3A_8 {add = true} : memref<100352xf32, #tpu.memory_space<vmem>>[vector<16xi32>], vector<16xf32>,
          %get3A_93 = arith.index_cast %scan3A_90 : i32 to index
          %get3A_94 = arith.constant 16 : index
          %get3A_95 = tpu.vector_load %arg5[%get3A_93, %get3A_94] {strides = array<i32>} : memref<16x128xi32, #tpu.memory_space<vmem>>, vector<16xi32>,
          tpu.vector_store_idx %arg4[%get3A_95], %broadcast_in_dim3A_8 {add = true} : memref<100352xf32, #tpu.memory_space<vmem>>[vector<16xi32>], vector<16xf32>,
          %get3A_96 = arith.index_cast %scan3A_90 : i32 to index
          %get3A_97 = arith.constant 32 : index
          %get3A_98 = tpu.vector_load %arg5[%get3A_96, %get3A_97] {strides = array<i32>} : memref<16x128xi32, #tpu.memory_space<vmem>>, vector<16xi32>,
          tpu.vector_store_idx %arg4[%get3A_98], %broadcast_in_dim3A_8 {add = true} : memref<100352xf32, #tpu.memory_space<vmem>>[vector<16xi32>], vector<16xf32>,
          %get3A_99 = arith.index_cast %scan3A_90 : i32 to index
          %get3A_100 = arith.constant 48 : index
          %get3A_101 = tpu.vector_load %arg5[%get3A_99, %get3A_100] {strides = array<i32>} : memref<16x128xi32, #tpu.memory_space<vmem>>, vector<16xi32>,
          tpu.vector_store_idx %arg4[%get3A_101], %broadcast_in_dim3A_8 {add = true} : memref<100352xf32, #tpu.memory_space<vmem>>[vector<16xi32>], vector<16xf32>,
          %get3A_102 = arith.index_cast %scan3A_90 : i32 to index
          %get3A_103 = arith.constant 64 : index
          %get3A_104 = tpu.vector_load %arg5[%get3A_102, %get3A_103] {strides = array<i32>} : memref<16x128xi32, #tpu.memory_space<vmem>>, vector<16xi32>,
          tpu.vector_store_idx %arg4[%get3A_104], %broadcast_in_dim3A_8 {add = true} : memref<100352xf32, #tpu.memory_space<vmem>>[vector<16xi32>], vector<16xf32>,
          %get3A_105 = arith.index_cast %scan3A_90 : i32 to index
          %get3A_106 = arith.constant 80 : index
          %get3A_107 = tpu.vector_load %arg5[%get3A_105, %get3A_106] {strides = array<i32>} : memref<16x128xi32, #tpu.memory_space<vmem>>, vector<16xi32>,
          tpu.vector_store_idx %arg4[%get3A_107], %broadcast_in_dim3A_8 {add = true} : memref<100352xf32, #tpu.memory_space<vmem>>[vector<16xi32>], vector<16xf32>,
          %get3A_108 = arith.index_cast %scan3A_90 : i32 to index
          %get3A_109 = arith.constant 96 : index
          %get3A_110 = tpu.vector_load %arg5[%get3A_108, %get3A_109] {strides = array<i32>} : memref<16x128xi32, #tpu.memory_space<vmem>>, vector<16xi32>,
          tpu.vector_store_idx %arg4[%get3A_110], %broadcast_in_dim3A_8 {add = true} : memref<100352xf32, #tpu.memory_space<vmem>>[vector<16xi32>], vector<16xf32>,
          %get3A_111 = arith.index_cast %scan3A_90 : i32 to index
          %get3A_112 = arith.constant 112 : index
          %get3A_113 = tpu.vector_load %arg5[%get3A_111, %get3A_112] {strides = array<i32>} : memref<16x128xi32, #tpu.memory_space<vmem>>, vector<16xi32>,
          tpu.vector_store_idx %arg4[%get3A_113], %broadcast_in_dim3A_8 {add = true} : memref<100352xf32, #tpu.memory_space<vmem>>[vector<16xi32>], vector<16xf32>,
        }
        %scan3A_83 = arith.constant 16 : i32
        %add3A_84 = arith.constant 2 : i32
        %add3A_85 = arith.addi %while3A_34, %add3A_84 : i32
        %lt3A_86 = arith.cmpi slt, %add3A_85, %add3A_11 : i32
        %convert_element_type3A_87 = arith.extui %lt3A_86 : i1 to i32
        %cond3A_88 = arith.constant 0 : i32
        %cond3A_89 = arith.cmpi ne, %convert_element_type3A_87, %cond3A_88 : i32
        scf.if %cond3A_89 {
          %add3A_90 = arith.constant 2 : i32
          %add3A_91 = arith.addi %while3A_34, %add3A_90 : i32
          %mul3A_92 = arith.constant 32 : i32
          %mul3A_93 = arith.muli %mul3A_92, %add3A_91 : i32
          %add3A_94 = arith.addi %add3A, %mul3A_93 : i32
          %mul3A_95 = arith.constant 16 : i32
          %mul3A_96 = arith.muli %add3A_94, %mul3A_95 : i32
          %dma_start3A_97 = arith.constant 0 : i32
          %dma_start3A_98 = tpu.memref_slice %arg2[%mul3A_96, %dma_start3A_97] : memref<50000x128xi32, #tpu.memory_space<hbm>> -> memref<16x128xi32, #tpu.memory_space<hbm>>
          %dma_start3A_99 = arith.constant 0 : i32
          %dma_start3A_100 = tpu.memref_slice %arg2[%mul3A_96, %dma_start3A_99] : memref<50000x128xi32, #tpu.memory_space<hbm>> -> memref<16x128xi32, #tpu.memory_space<hbm>>
          tpu.enqueue_dma source(%dma_start3A_100 : memref<16x128xi32, #tpu.memory_space<hbm>>) target(%arg5 : memref<16x128xi32, #tpu.memory_space<vmem>>) target_semaphore(%arg7 : memref<!tpu.dma_semaphore, #tpu.memory_space<semaphore_mem>>)
        } else {
        }
      } else {
      }
      %jit3A_49 = arith.constant 2 : i32
      %eq3A_50 = arith.constant 0 : i32
      %eq3A_51 = arith.cmpi eq, %jit3A_49, %eq3A_50 : i32
      %jit3A_52 = arith.constant 1 : i32
      %select_n3A_53 = arith.select %eq3A_51, %jit3A_52, %jit3A_49 : i32
      %rem3A_54 = arith.remsi %while3A_34, %select_n3A_53 : i32
      %ne3A_55 = arith.constant 0 : i32
      %ne3A_56 = arith.cmpi ne, %rem3A_54, %ne3A_55 : i32
      %lt3A_57 = arith.constant 0 : i32
      %lt3A_58 = arith.cmpi slt, %rem3A_54, %lt3A_57 : i32
      %lt3A_59 = arith.constant 0 : i32
      %lt3A_60 = arith.cmpi slt, %select_n3A_53, %lt3A_59 : i32
      %ne3A_61 = arith.xori %lt3A_58, %lt3A_60 : i1
      %and3A_62 = arith.andi %ne3A_61, %ne3A_56 : i1
      %add3A_63 = arith.addi %rem3A_54, %select_n3A_53 : i32
      %select_n3A_64 = arith.select %and3A_62, %add3A_63, %rem3A_54 : i32
      %eq3A_65 = arith.constant 1 : i32
      %eq3A_66 = arith.cmpi eq, %select_n3A_64, %eq3A_65 : i32
      %convert_element_type3A_67 = arith.extui %eq3A_66 : i1 to i32
      %cond3A_68 = arith.constant 0 : i32
      %cond3A_69 = arith.cmpi ne, %convert_element_type3A_67, %cond3A_68 : i32
      scf.if %cond3A_69 {
        %mul3A_70 = arith.constant 32 : i32
        %mul3A_71 = arith.muli %mul3A_70, %while3A_34 : i32
        %add3A_72 = arith.addi %add3A, %mul3A_71 : i32
        %mul3A_73 = arith.constant 16 : i32
        %mul3A_74 = arith.muli %add3A_72, %mul3A_73 : i32
        %dma_wait3A = arith.constant 0 : i32
        %dma_wait3A_75 = tpu.memref_slice %arg2[%mul3A_74, %dma_wait3A] : memref<50000x128xi32, #tpu.memory_space<hbm>> -> memref<16x128xi32, #tpu.memory_space<hbm>>
        %dma_wait3A_76 = arith.constant 0 : i32
        %dma_wait3A_77 = tpu.memref_slice %arg2[%mul3A_74, %dma_wait3A_76] : memref<50000x128xi32, #tpu.memory_space<hbm>> -> memref<16x128xi32, #tpu.memory_space<hbm>>
        tpu.wait_dma2 semaphore(%arg8 : memref<!tpu.dma_semaphore, #tpu.memory_space<semaphore_mem>>) src(%dma_wait3A_77 : memref<16x128xi32, #tpu.memory_space<hbm>>) dst(%arg6 : memref<16x128xi32, #tpu.memory_space<vmem>>)
        %scan3A_78 = arith.constant 0 : i32
        %scan3A_79 = arith.constant 0 : i32
        %scan3A_80 = arith.constant 16 : i32
        %scan3A_81 = arith.addi %scan3A_79, %scan3A_80 : i32
        %scan3A_82 = arith.constant 1 : i32
        scf.for %scan3A_90 = %scan3A_79 to %scan3A_81 step %scan3A_82  : i32 {
          %get3A = arith.index_cast %scan3A_90 : i32 to index
          %get3A_91 = arith.constant 0 : index
          %get3A_92 = tpu.vector_load %arg6[%get3A, %get3A_91] {strides = array<i32>} : memref<16x128xi32, #tpu.memory_space<vmem>>, vector<16xi32>,
          tpu.vector_store_idx %arg4[%get3A_92], %broadcast_in_dim3A_8 {add = true} : memref<100352xf32, #tpu.memory_space<vmem>>[vector<16xi32>], vector<16xf32>,
          %get3A_93 = arith.index_cast %scan3A_90 : i32 to index
          %get3A_94 = arith.constant 16 : index
          %get3A_95 = tpu.vector_load %arg6[%get3A_93, %get3A_94] {strides = array<i32>} : memref<16x128xi32, #tpu.memory_space<vmem>>, vector<16xi32>,
          tpu.vector_store_idx %arg4[%get3A_95], %broadcast_in_dim3A_8 {add = true} : memref<100352xf32, #tpu.memory_space<vmem>>[vector<16xi32>], vector<16xf32>,
          %get3A_96 = arith.index_cast %scan3A_90 : i32 to index
          %get3A_97 = arith.constant 32 : index
          %get3A_98 = tpu.vector_load %arg6[%get3A_96, %get3A_97] {strides = array<i32>} : memref<16x128xi32, #tpu.memory_space<vmem>>, vector<16xi32>,
          tpu.vector_store_idx %arg4[%get3A_98], %broadcast_in_dim3A_8 {add = true} : memref<100352xf32, #tpu.memory_space<vmem>>[vector<16xi32>], vector<16xf32>,
          %get3A_99 = arith.index_cast %scan3A_90 : i32 to index
          %get3A_100 = arith.constant 48 : index
          %get3A_101 = tpu.vector_load %arg6[%get3A_99, %get3A_100] {strides = array<i32>} : memref<16x128xi32, #tpu.memory_space<vmem>>, vector<16xi32>,
          tpu.vector_store_idx %arg4[%get3A_101], %broadcast_in_dim3A_8 {add = true} : memref<100352xf32, #tpu.memory_space<vmem>>[vector<16xi32>], vector<16xf32>,
          %get3A_102 = arith.index_cast %scan3A_90 : i32 to index
          %get3A_103 = arith.constant 64 : index
          %get3A_104 = tpu.vector_load %arg6[%get3A_102, %get3A_103] {strides = array<i32>} : memref<16x128xi32, #tpu.memory_space<vmem>>, vector<16xi32>,
          tpu.vector_store_idx %arg4[%get3A_104], %broadcast_in_dim3A_8 {add = true} : memref<100352xf32, #tpu.memory_space<vmem>>[vector<16xi32>], vector<16xf32>,
          %get3A_105 = arith.index_cast %scan3A_90 : i32 to index
          %get3A_106 = arith.constant 80 : index
          %get3A_107 = tpu.vector_load %arg6[%get3A_105, %get3A_106] {strides = array<i32>} : memref<16x128xi32, #tpu.memory_space<vmem>>, vector<16xi32>,
          tpu.vector_store_idx %arg4[%get3A_107], %broadcast_in_dim3A_8 {add = true} : memref<100352xf32, #tpu.memory_space<vmem>>[vector<16xi32>], vector<16xf32>,
          %get3A_108 = arith.index_cast %scan3A_90 : i32 to index
          %get3A_109 = arith.constant 96 : index
          %get3A_110 = tpu.vector_load %arg6[%get3A_108, %get3A_109] {strides = array<i32>} : memref<16x128xi32, #tpu.memory_space<vmem>>, vector<16xi32>,
          tpu.vector_store_idx %arg4[%get3A_110], %broadcast_in_dim3A_8 {add = true} : memref<100352xf32, #tpu.memory_space<vmem>>[vector<16xi32>], vector<16xf32>,
          %get3A_111 = arith.index_cast %scan3A_90 : i32 to index
          %get3A_112 = arith.constant 112 : index
          %get3A_113 = tpu.vector_load %arg6[%get3A_111, %get3A_112] {strides = array<i32>} : memref<16x128xi32, #tpu.memory_space<vmem>>, vector<16xi32>,
          tpu.vector_store_idx %arg4[%get3A_113], %broadcast_in_dim3A_8 {add = true} : memref<100352xf32, #tpu.memory_space<vmem>>[vector<16xi32>], vector<16xf32>,
        }
        %scan3A_83 = arith.constant 16 : i32
        %add3A_84 = arith.constant 2 : i32
        %add3A_85 = arith.addi %while3A_34, %add3A_84 : i32
        %lt3A_86 = arith.cmpi slt, %add3A_85, %add3A_11 : i32
        %convert_element_type3A_87 = arith.extui %lt3A_86 : i1 to i32
        %cond3A_88 = arith.constant 0 : i32
        %cond3A_89 = arith.cmpi ne, %convert_element_type3A_87, %cond3A_88 : i32
        scf.if %cond3A_89 {
          %add3A_90 = arith.constant 2 : i32
          %add3A_91 = arith.addi %while3A_34, %add3A_90 : i32
          %mul3A_92 = arith.constant 32 : i32
          %mul3A_93 = arith.muli %mul3A_92, %add3A_91 : i32
          %add3A_94 = arith.addi %add3A, %mul3A_93 : i32
          %mul3A_95 = arith.constant 16 : i32
          %mul3A_96 = arith.muli %add3A_94, %mul3A_95 : i32
          %dma_start3A_97 = arith.constant 0 : i32
          %dma_start3A_98 = tpu.memref_slice %arg2[%mul3A_96, %dma_start3A_97] : memref<50000x128xi32, #tpu.memory_space<hbm>> -> memref<16x128xi32, #tpu.memory_space<hbm>>
          %dma_start3A_99 = arith.constant 0 : i32
          %dma_start3A_100 = tpu.memref_slice %arg2[%mul3A_96, %dma_start3A_99] : memref<50000x128xi32, #tpu.memory_space<hbm>> -> memref<16x128xi32, #tpu.memory_space<hbm>>
          tpu.enqueue_dma source(%dma_start3A_100 : memref<16x128xi32, #tpu.memory_space<hbm>>) target(%arg6 : memref<16x128xi32, #tpu.memory_space<vmem>>) target_semaphore(%arg8 : memref<!tpu.dma_semaphore, #tpu.memory_space<semaphore_mem>>)
        } else {
        }
      } else {
      }
    }
    "tpu.region"() ({
      %run_scoped3A = tpu.sem_alloc : memref<!tpu.dma_semaphore, #tpu.memory_space<semaphore_mem>>
      %dma_start3A_34 = arith.constant 0 : i32
      %dma_start3A_35 = tpu.memref_slice %arg3[%add3A, %dma_start3A_34] : memref<32x100352xf32, #tpu.memory_space<hbm>> -> memref<1x100352xf32, #tpu.memory_space<hbm>>
      %dma_start3A_36 = tpu.memref_squeeze %dma_start3A_35 : memref<1x100352xf32, #tpu.memory_space<hbm>> -> memref<100352xf32, #tpu.memory_space<hbm>>
      %dma_start3A_37 = arith.constant 0 : i32
      %dma_start3A_38 = tpu.memref_slice %arg3[%add3A, %dma_start3A_37] : memref<32x100352xf32, #tpu.memory_space<hbm>> -> memref<1x100352xf32, #tpu.memory_space<hbm>>
      %dma_start3A_39 = tpu.memref_squeeze %dma_start3A_38 : memref<1x100352xf32, #tpu.memory_space<hbm>> -> memref<100352xf32, #tpu.memory_space<hbm>>
      tpu.enqueue_dma source(%arg4 : memref<100352xf32, #tpu.memory_space<vmem>>) target(%dma_start3A_39 : memref<100352xf32, #tpu.memory_space<hbm>>) target_semaphore(%run_scoped3A : memref<!tpu.dma_semaphore, #tpu.memory_space<semaphore_mem>>)
      %dma_wait3A = arith.constant 0 : i32
      %dma_wait3A_40 = tpu.memref_slice %arg3[%add3A, %dma_wait3A] : memref<32x100352xf32, #tpu.memory_space<hbm>> -> memref<1x100352xf32, #tpu.memory_space<hbm>>
      %dma_wait3A_41 = tpu.memref_squeeze %dma_wait3A_40 : memref<1x100352xf32, #tpu.memory_space<hbm>> -> memref<100352xf32, #tpu.memory_space<hbm>>
      %dma_wait3A_42 = arith.constant 0 : i32
      %dma_wait3A_43 = tpu.memref_slice %arg3[%add3A, %dma_wait3A_42] : memref<32x100352xf32, #tpu.memory_space<hbm>> -> memref<1x100352xf32, #tpu.memory_space<hbm>>
      %dma_wait3A_44 = tpu.memref_squeeze %dma_wait3A_43 : memref<1x100352xf32, #tpu.memory_space<hbm>> -> memref<100352xf32, #tpu.memory_space<hbm>>
      tpu.wait_dma2 semaphore(%run_scoped3A : memref<!tpu.dma_semaphore, #tpu.memory_space<semaphore_mem>>) src(%arg4 : memref<100352xf32, #tpu.memory_space<vmem>>) dst(%dma_wait3A_44 : memref<100352xf32, #tpu.memory_space<hbm>>)
      tpu.yield
    }) : () -> ()
    return
  }
}

module attributes {stable_mosaic.version = 14 : i64} {
  func.func @_tc_prep_body(%arg0: i32, %arg1: memref<32x112x128xf32, #tpu.memory_space<vmem>>, %arg2: memref<112x128xf32, #tpu.memory_space<vmem>>, %arg3: memref<112x128xf32, #tpu.memory_space<vmem>>, %arg4: memref<112x128xf32, #tpu.memory_space<vmem>>) attributes {dimension_semantics = [#tpu.dimension_semantics<arbitrary>], iteration_bounds = array<i64: 7>, scalar_prefetch = 0 : i64, scratch_operands = 0 : i64, tpu.core_type = #tpu.core_type<tc>, window_params = [{transform_indices = @transform_0, window_bounds = array<i64: 32, 112, 128>}, {transform_indices = @transform_1, window_bounds = array<i64: 112, 128>}, {transform_indices = @transform_2, window_bounds = array<i64: 112, 128>}, {transform_indices = @transform_3, window_bounds = array<i64: 112, 128>}]} {
    %broadcast_in_dim3A = arith.constant 1.000000e+00 : f32
    %broadcast_in_dim3A_0 = vector.broadcast %broadcast_in_dim3A : f32 to vector<112x128xf32>
    %get3A = arith.constant 0 : index
    %get3A_1 = arith.constant 0 : index
    %get3A_2 = arith.constant 0 : index
    %get3A_3 = vector.load %arg1[%get3A, %get3A_1, %get3A_2] : memref<32x112x128xf32, #tpu.memory_space<vmem>>, vector<1x112x128xf32>
    %get3A_4 = vector.shape_cast %get3A_3 : vector<1x112x128xf32> to vector<112x128xf32>
    %add3A = arith.addf %broadcast_in_dim3A_0, %get3A_4 : vector<112x128xf32>
    %get3A_5 = arith.constant 1 : index
    %get3A_6 = arith.constant 0 : index
    %get3A_7 = arith.constant 0 : index
    %get3A_8 = vector.load %arg1[%get3A_5, %get3A_6, %get3A_7] : memref<32x112x128xf32, #tpu.memory_space<vmem>>, vector<1x112x128xf32>
    %get3A_9 = vector.shape_cast %get3A_8 : vector<1x112x128xf32> to vector<112x128xf32>
    %add3A_10 = arith.addf %add3A, %get3A_9 : vector<112x128xf32>
    %get3A_11 = arith.constant 2 : index
    %get3A_12 = arith.constant 0 : index
    %get3A_13 = arith.constant 0 : index
    %get3A_14 = vector.load %arg1[%get3A_11, %get3A_12, %get3A_13] : memref<32x112x128xf32, #tpu.memory_space<vmem>>, vector<1x112x128xf32>
    %get3A_15 = vector.shape_cast %get3A_14 : vector<1x112x128xf32> to vector<112x128xf32>
    %add3A_16 = arith.addf %add3A_10, %get3A_15 : vector<112x128xf32>
    %get3A_17 = arith.constant 3 : index
    %get3A_18 = arith.constant 0 : index
    %get3A_19 = arith.constant 0 : index
    %get3A_20 = vector.load %arg1[%get3A_17, %get3A_18, %get3A_19] : memref<32x112x128xf32, #tpu.memory_space<vmem>>, vector<1x112x128xf32>
    %get3A_21 = vector.shape_cast %get3A_20 : vector<1x112x128xf32> to vector<112x128xf32>
    %add3A_22 = arith.addf %add3A_16, %get3A_21 : vector<112x128xf32>
    %get3A_23 = arith.constant 4 : index
    %get3A_24 = arith.constant 0 : index
    %get3A_25 = arith.constant 0 : index
    %get3A_26 = vector.load %arg1[%get3A_23, %get3A_24, %get3A_25] : memref<32x112x128xf32, #tpu.memory_space<vmem>>, vector<1x112x128xf32>
    %get3A_27 = vector.shape_cast %get3A_26 : vector<1x112x128xf32> to vector<112x128xf32>
    %add3A_28 = arith.addf %add3A_22, %get3A_27 : vector<112x128xf32>
    %get3A_29 = arith.constant 5 : index
    %get3A_30 = arith.constant 0 : index
    %get3A_31 = arith.constant 0 : index
    %get3A_32 = vector.load %arg1[%get3A_29, %get3A_30, %get3A_31] : memref<32x112x128xf32, #tpu.memory_space<vmem>>, vector<1x112x128xf32>
    %get3A_33 = vector.shape_cast %get3A_32 : vector<1x112x128xf32> to vector<112x128xf32>
    %add3A_34 = arith.addf %add3A_28, %get3A_33 : vector<112x128xf32>
    %get3A_35 = arith.constant 6 : index
    %get3A_36 = arith.constant 0 : index
    %get3A_37 = arith.constant 0 : index
    %get3A_38 = vector.load %arg1[%get3A_35, %get3A_36, %get3A_37] : memref<32x112x128xf32, #tpu.memory_space<vmem>>, vector<1x112x128xf32>
    %get3A_39 = vector.shape_cast %get3A_38 : vector<1x112x128xf32> to vector<112x128xf32>
    %add3A_40 = arith.addf %add3A_34, %get3A_39 : vector<112x128xf32>
    %get3A_41 = arith.constant 7 : index
    %get3A_42 = arith.constant 0 : index
    %get3A_43 = arith.constant 0 : index
    %get3A_44 = vector.load %arg1[%get3A_41, %get3A_42, %get3A_43] : memref<32x112x128xf32, #tpu.memory_space<vmem>>, vector<1x112x128xf32>
    %get3A_45 = vector.shape_cast %get3A_44 : vector<1x112x128xf32> to vector<112x128xf32>
    %add3A_46 = arith.addf %add3A_40, %get3A_45 : vector<112x128xf32>
    %get3A_47 = arith.constant 8 : index
    %get3A_48 = arith.constant 0 : index
    %get3A_49 = arith.constant 0 : index
    %get3A_50 = vector.load %arg1[%get3A_47, %get3A_48, %get3A_49] : memref<32x112x128xf32, #tpu.memory_space<vmem>>, vector<1x112x128xf32>
    %get3A_51 = vector.shape_cast %get3A_50 : vector<1x112x128xf32> to vector<112x128xf32>
    %add3A_52 = arith.addf %add3A_46, %get3A_51 : vector<112x128xf32>
    %get3A_53 = arith.constant 9 : index
    %get3A_54 = arith.constant 0 : index
    %get3A_55 = arith.constant 0 : index
    %get3A_56 = vector.load %arg1[%get3A_53, %get3A_54, %get3A_55] : memref<32x112x128xf32, #tpu.memory_space<vmem>>, vector<1x112x128xf32>
    %get3A_57 = vector.shape_cast %get3A_56 : vector<1x112x128xf32> to vector<112x128xf32>
    %add3A_58 = arith.addf %add3A_52, %get3A_57 : vector<112x128xf32>
    %get3A_59 = arith.constant 10 : index
    %get3A_60 = arith.constant 0 : index
    %get3A_61 = arith.constant 0 : index
    %get3A_62 = vector.load %arg1[%get3A_59, %get3A_60, %get3A_61] : memref<32x112x128xf32, #tpu.memory_space<vmem>>, vector<1x112x128xf32>
    %get3A_63 = vector.shape_cast %get3A_62 : vector<1x112x128xf32> to vector<112x128xf32>
    %add3A_64 = arith.addf %add3A_58, %get3A_63 : vector<112x128xf32>
    %get3A_65 = arith.constant 11 : index
    %get3A_66 = arith.constant 0 : index
    %get3A_67 = arith.constant 0 : index
    %get3A_68 = vector.load %arg1[%get3A_65, %get3A_66, %get3A_67] : memref<32x112x128xf32, #tpu.memory_space<vmem>>, vector<1x112x128xf32>
    %get3A_69 = vector.shape_cast %get3A_68 : vector<1x112x128xf32> to vector<112x128xf32>
    %add3A_70 = arith.addf %add3A_64, %get3A_69 : vector<112x128xf32>
    %get3A_71 = arith.constant 12 : index
    %get3A_72 = arith.constant 0 : index
    %get3A_73 = arith.constant 0 : index
    %get3A_74 = vector.load %arg1[%get3A_71, %get3A_72, %get3A_73] : memref<32x112x128xf32, #tpu.memory_space<vmem>>, vector<1x112x128xf32>
    %get3A_75 = vector.shape_cast %get3A_74 : vector<1x112x128xf32> to vector<112x128xf32>
    %add3A_76 = arith.addf %add3A_70, %get3A_75 : vector<112x128xf32>
    %get3A_77 = arith.constant 13 : index
    %get3A_78 = arith.constant 0 : index
    %get3A_79 = arith.constant 0 : index
    %get3A_80 = vector.load %arg1[%get3A_77, %get3A_78, %get3A_79] : memref<32x112x128xf32, #tpu.memory_space<vmem>>, vector<1x112x128xf32>
    %get3A_81 = vector.shape_cast %get3A_80 : vector<1x112x128xf32> to vector<112x128xf32>
    %add3A_82 = arith.addf %add3A_76, %get3A_81 : vector<112x128xf32>
    %get3A_83 = arith.constant 14 : index
    %get3A_84 = arith.constant 0 : index
    %get3A_85 = arith.constant 0 : index
    %get3A_86 = vector.load %arg1[%get3A_83, %get3A_84, %get3A_85] : memref<32x112x128xf32, #tpu.memory_space<vmem>>, vector<1x112x128xf32>
    %get3A_87 = vector.shape_cast %get3A_86 : vector<1x112x128xf32> to vector<112x128xf32>
    %add3A_88 = arith.addf %add3A_82, %get3A_87 : vector<112x128xf32>
    %get3A_89 = arith.constant 15 : index
    %get3A_90 = arith.constant 0 : index
    %get3A_91 = arith.constant 0 : index
    %get3A_92 = vector.load %arg1[%get3A_89, %get3A_90, %get3A_91] : memref<32x112x128xf32, #tpu.memory_space<vmem>>, vector<1x112x128xf32>
    %get3A_93 = vector.shape_cast %get3A_92 : vector<1x112x128xf32> to vector<112x128xf32>
    %add3A_94 = arith.addf %add3A_88, %get3A_93 : vector<112x128xf32>
    %get3A_95 = arith.constant 16 : index
    %get3A_96 = arith.constant 0 : index
    %get3A_97 = arith.constant 0 : index
    %get3A_98 = vector.load %arg1[%get3A_95, %get3A_96, %get3A_97] : memref<32x112x128xf32, #tpu.memory_space<vmem>>, vector<1x112x128xf32>
    %get3A_99 = vector.shape_cast %get3A_98 : vector<1x112x128xf32> to vector<112x128xf32>
    %add3A_100 = arith.addf %add3A_94, %get3A_99 : vector<112x128xf32>
    %get3A_101 = arith.constant 17 : index
    %get3A_102 = arith.constant 0 : index
    %get3A_103 = arith.constant 0 : index
    %get3A_104 = vector.load %arg1[%get3A_101, %get3A_102, %get3A_103] : memref<32x112x128xf32, #tpu.memory_space<vmem>>, vector<1x112x128xf32>
    %get3A_105 = vector.shape_cast %get3A_104 : vector<1x112x128xf32> to vector<112x128xf32>
    %add3A_106 = arith.addf %add3A_100, %get3A_105 : vector<112x128xf32>
    %get3A_107 = arith.constant 18 : index
    %get3A_108 = arith.constant 0 : index
    %get3A_109 = arith.constant 0 : index
    %get3A_110 = vector.load %arg1[%get3A_107, %get3A_108, %get3A_109] : memref<32x112x128xf32, #tpu.memory_space<vmem>>, vector<1x112x128xf32>
    %get3A_111 = vector.shape_cast %get3A_110 : vector<1x112x128xf32> to vector<112x128xf32>
    %add3A_112 = arith.addf %add3A_106, %get3A_111 : vector<112x128xf32>
    %get3A_113 = arith.constant 19 : index
    %get3A_114 = arith.constant 0 : index
    %get3A_115 = arith.constant 0 : index
    %get3A_116 = vector.load %arg1[%get3A_113, %get3A_114, %get3A_115] : memref<32x112x128xf32, #tpu.memory_space<vmem>>, vector<1x112x128xf32>
    %get3A_117 = vector.shape_cast %get3A_116 : vector<1x112x128xf32> to vector<112x128xf32>
    %add3A_118 = arith.addf %add3A_112, %get3A_117 : vector<112x128xf32>
    %get3A_119 = arith.constant 20 : index
    %get3A_120 = arith.constant 0 : index
    %get3A_121 = arith.constant 0 : index
    %get3A_122 = vector.load %arg1[%get3A_119, %get3A_120, %get3A_121] : memref<32x112x128xf32, #tpu.memory_space<vmem>>, vector<1x112x128xf32>
    %get3A_123 = vector.shape_cast %get3A_122 : vector<1x112x128xf32> to vector<112x128xf32>
    %add3A_124 = arith.addf %add3A_118, %get3A_123 : vector<112x128xf32>
    %get3A_125 = arith.constant 21 : index
    %get3A_126 = arith.constant 0 : index
    %get3A_127 = arith.constant 0 : index
    %get3A_128 = vector.load %arg1[%get3A_125, %get3A_126, %get3A_127] : memref<32x112x128xf32, #tpu.memory_space<vmem>>, vector<1x112x128xf32>
    %get3A_129 = vector.shape_cast %get3A_128 : vector<1x112x128xf32> to vector<112x128xf32>
    %add3A_130 = arith.addf %add3A_124, %get3A_129 : vector<112x128xf32>
    %get3A_131 = arith.constant 22 : index
    %get3A_132 = arith.constant 0 : index
    %get3A_133 = arith.constant 0 : index
    %get3A_134 = vector.load %arg1[%get3A_131, %get3A_132, %get3A_133] : memref<32x112x128xf32, #tpu.memory_space<vmem>>, vector<1x112x128xf32>
    %get3A_135 = vector.shape_cast %get3A_134 : vector<1x112x128xf32> to vector<112x128xf32>
    %add3A_136 = arith.addf %add3A_130, %get3A_135 : vector<112x128xf32>
    %get3A_137 = arith.constant 23 : index
    %get3A_138 = arith.constant 0 : index
    %get3A_139 = arith.constant 0 : index
    %get3A_140 = vector.load %arg1[%get3A_137, %get3A_138, %get3A_139] : memref<32x112x128xf32, #tpu.memory_space<vmem>>, vector<1x112x128xf32>
    %get3A_141 = vector.shape_cast %get3A_140 : vector<1x112x128xf32> to vector<112x128xf32>
    %add3A_142 = arith.addf %add3A_136, %get3A_141 : vector<112x128xf32>
    %get3A_143 = arith.constant 24 : index
    %get3A_144 = arith.constant 0 : index
    %get3A_145 = arith.constant 0 : index
    %get3A_146 = vector.load %arg1[%get3A_143, %get3A_144, %get3A_145] : memref<32x112x128xf32, #tpu.memory_space<vmem>>, vector<1x112x128xf32>
    %get3A_147 = vector.shape_cast %get3A_146 : vector<1x112x128xf32> to vector<112x128xf32>
    %add3A_148 = arith.addf %add3A_142, %get3A_147 : vector<112x128xf32>
    %get3A_149 = arith.constant 25 : index
    %get3A_150 = arith.constant 0 : index
    %get3A_151 = arith.constant 0 : index
    %get3A_152 = vector.load %arg1[%get3A_149, %get3A_150, %get3A_151] : memref<32x112x128xf32, #tpu.memory_space<vmem>>, vector<1x112x128xf32>
    %get3A_153 = vector.shape_cast %get3A_152 : vector<1x112x128xf32> to vector<112x128xf32>
    %add3A_154 = arith.addf %add3A_148, %get3A_153 : vector<112x128xf32>
    %get3A_155 = arith.constant 26 : index
    %get3A_156 = arith.constant 0 : index
    %get3A_157 = arith.constant 0 : index
    %get3A_158 = vector.load %arg1[%get3A_155, %get3A_156, %get3A_157] : memref<32x112x128xf32, #tpu.memory_space<vmem>>, vector<1x112x128xf32>
    %get3A_159 = vector.shape_cast %get3A_158 : vector<1x112x128xf32> to vector<112x128xf32>
    %add3A_160 = arith.addf %add3A_154, %get3A_159 : vector<112x128xf32>
    %get3A_161 = arith.constant 27 : index
    %get3A_162 = arith.constant 0 : index
    %get3A_163 = arith.constant 0 : index
    %get3A_164 = vector.load %arg1[%get3A_161, %get3A_162, %get3A_163] : memref<32x112x128xf32, #tpu.memory_space<vmem>>, vector<1x112x128xf32>
    %get3A_165 = vector.shape_cast %get3A_164 : vector<1x112x128xf32> to vector<112x128xf32>
    %add3A_166 = arith.addf %add3A_160, %get3A_165 : vector<112x128xf32>
    %get3A_167 = arith.constant 28 : index
    %get3A_168 = arith.constant 0 : index
    %get3A_169 = arith.constant 0 : index
    %get3A_170 = vector.load %arg1[%get3A_167, %get3A_168, %get3A_169] : memref<32x112x128xf32, #tpu.memory_space<vmem>>, vector<1x112x128xf32>
    %get3A_171 = vector.shape_cast %get3A_170 : vector<1x112x128xf32> to vector<112x128xf32>
    %add3A_172 = arith.addf %add3A_166, %get3A_171 : vector<112x128xf32>
    %get3A_173 = arith.constant 29 : index
    %get3A_174 = arith.constant 0 : index
    %get3A_175 = arith.constant 0 : index
    %get3A_176 = vector.load %arg1[%get3A_173, %get3A_174, %get3A_175] : memref<32x112x128xf32, #tpu.memory_space<vmem>>, vector<1x112x128xf32>
    %get3A_177 = vector.shape_cast %get3A_176 : vector<1x112x128xf32> to vector<112x128xf32>
    %add3A_178 = arith.addf %add3A_172, %get3A_177 : vector<112x128xf32>
    %get3A_179 = arith.constant 30 : index
    %get3A_180 = arith.constant 0 : index
    %get3A_181 = arith.constant 0 : index
    %get3A_182 = vector.load %arg1[%get3A_179, %get3A_180, %get3A_181] : memref<32x112x128xf32, #tpu.memory_space<vmem>>, vector<1x112x128xf32>
    %get3A_183 = vector.shape_cast %get3A_182 : vector<1x112x128xf32> to vector<112x128xf32>
    %add3A_184 = arith.addf %add3A_178, %get3A_183 : vector<112x128xf32>
    %get3A_185 = arith.constant 31 : index
    %get3A_186 = arith.constant 0 : index
    %get3A_187 = arith.constant 0 : index
    %get3A_188 = vector.load %arg1[%get3A_185, %get3A_186, %get3A_187] : memref<32x112x128xf32, #tpu.memory_space<vmem>>, vector<1x112x128xf32>
    %get3A_189 = vector.shape_cast %get3A_188 : vector<1x112x128xf32> to vector<112x128xf32>
    %add3A_190 = arith.addf %add3A_184, %get3A_189 : vector<112x128xf32>
    %rsqrt3A = math.rsqrt %add3A_190 : vector<112x128xf32>
    %swap3A = arith.constant 0 : index
    %swap3A_191 = arith.constant 0 : index
    %swap3A_192 = vector.load %arg3[%swap3A, %swap3A_191] : memref<112x128xf32, #tpu.memory_space<vmem>>, vector<112x128xf32>
    tpu.vector_store %arg3[%swap3A, %swap3A_191], %rsqrt3A {strides = array<i32>} : memref<112x128xf32, #tpu.memory_space<vmem>>, vector<112x128xf32>,
    %get3A_193 = arith.constant 0 : index
    %get3A_194 = arith.constant 0 : index
    %get3A_195 = vector.load %arg2[%get3A_193, %get3A_194] : memref<112x128xf32, #tpu.memory_space<vmem>>, vector<112x128xf32>
    %mul3A = arith.mulf %get3A_195, %rsqrt3A : vector<112x128xf32>
    %swap3A_196 = arith.constant 0 : index
    %swap3A_197 = arith.constant 0 : index
    %swap3A_198 = vector.load %arg4[%swap3A_196, %swap3A_197] : memref<112x128xf32, #tpu.memory_space<vmem>>, vector<112x128xf32>
    tpu.vector_store %arg4[%swap3A_196, %swap3A_197], %mul3A {strides = array<i32>} : memref<112x128xf32, #tpu.memory_space<vmem>>, vector<112x128xf32>,
    return
  }
  func.func @transform_0(%arg0: i32) -> (i32, i32, i32) {
    %c0_i32 = arith.constant 0 : i32
    %c0_i32_0 = arith.constant 0 : i32
    %c0_i32_1 = arith.constant 0 : i32
    return %c0_i32, %arg0, %c0_i32_0 : i32, i32, i32
  }
  func.func @transform_1(%arg0: i32) -> (i32, i32) {
    %c0_i32 = arith.constant 0 : i32
    %c0_i32_0 = arith.constant 0 : i32
    return %arg0, %c0_i32 : i32, i32
  }
  func.func @transform_2(%arg0: i32) -> (i32, i32) {
    %c0_i32 = arith.constant 0 : i32
    %c0_i32_0 = arith.constant 0 : i32
    return %arg0, %c0_i32 : i32, i32
  }
  func.func @transform_3(%arg0: i32) -> (i32, i32) {
    %c0_i32 = arith.constant 0 : i32
    %c0_i32_0 = arith.constant 0 : i32
    return %arg0, %c0_i32 : i32, i32
  }
}

module attributes {stable_mosaic.version = 14 : i64} {
  func.func @_tc_final_body(%arg0: memref<1568x128xf32, #tpu.memory_space<vmem>>, %arg1: memref<1568x128xf32, #tpu.memory_space<vmem>>, %arg2: memref<784x128xf32, #tpu.memory_space<vmem>>, %arg3: memref<784x128xf32, #tpu.memory_space<vmem>>, %arg4: memref<8x128xf32, #tpu.memory_space<vmem>>, %arg5: memref<8x128xf32, #tpu.memory_space<vmem>>) attributes {dimension_semantics = [], scalar_prefetch = 0 : i64, scratch_operands = 0 : i64, tpu.core_type = #tpu.core_type<tc>} {
    %get3A = arith.constant 0 : index
    %get3A_0 = arith.constant 0 : index
    %get3A_1 = vector.load %arg0[%get3A, %get3A_0] : memref<1568x128xf32, #tpu.memory_space<vmem>>, vector<784x128xf32>
    %get3A_2 = arith.constant 784 : index
    %get3A_3 = arith.constant 0 : index
    %get3A_4 = vector.load %arg0[%get3A_2, %get3A_3] : memref<1568x128xf32, #tpu.memory_space<vmem>>, vector<784x128xf32>
    %add3A = arith.addf %get3A_1, %get3A_4 : vector<784x128xf32>
    %get3A_5 = arith.constant 0 : index
    %get3A_6 = arith.constant 0 : index
    %get3A_7 = vector.load %arg1[%get3A_5, %get3A_6] : memref<1568x128xf32, #tpu.memory_space<vmem>>, vector<784x128xf32>
    %get3A_8 = arith.constant 784 : index
    %get3A_9 = arith.constant 0 : index
    %get3A_10 = vector.load %arg1[%get3A_8, %get3A_9] : memref<1568x128xf32, #tpu.memory_space<vmem>>, vector<784x128xf32>
    %add3A_11 = arith.addf %get3A_7, %get3A_10 : vector<784x128xf32>
    %get3A_12 = arith.constant 0 : index
    %get3A_13 = arith.constant 0 : index
    %get3A_14 = vector.load %arg3[%get3A_12, %get3A_13] : memref<784x128xf32, #tpu.memory_space<vmem>>, vector<784x128xf32>
    %get3A_15 = arith.constant 0 : index
    %get3A_16 = arith.constant 0 : index
    %get3A_17 = vector.load %arg2[%get3A_15, %get3A_16] : memref<784x128xf32, #tpu.memory_space<vmem>>, vector<784x128xf32>
    %add3A_18 = arith.addf %add3A, %get3A_17 : vector<784x128xf32>
    %mul3A = arith.mulf %get3A_14, %add3A_18 : vector<784x128xf32>
    %iota3A = tpu.iota {dimensions = array<i32: 0>} : vector<784x128xi32>
    %iota3A_19 = tpu.iota {dimensions = array<i32: 1>} : vector<784x128xi32>
    %mul3A_20 = arith.constant 128 : i32
    %mul3A_21 = vector.broadcast %mul3A_20 : i32 to vector<784x128xi32>
    %mul3A_22 = arith.muli %iota3A, %mul3A_21 : vector<784x128xi32>
    %add3A_23 = arith.addi %mul3A_22, %iota3A_19 : vector<784x128xi32>
    %lt3A = arith.constant 100000 : i32
    %lt3A_24 = vector.broadcast %lt3A : i32 to vector<784x128xi32>
    %lt3A_25 = arith.cmpi slt, %add3A_23, %lt3A_24 : vector<784x128xi32>
    %eq3A = arith.constant 99999 : i32
    %eq3A_26 = vector.broadcast %eq3A : i32 to vector<784x128xi32>
    %eq3A_27 = arith.cmpi eq, %add3A_23, %eq3A_26 : vector<784x128xi32>
    %convert_element_type3A = arith.extui %eq3A_27 : vector<784x128xi1> to vector<784x128xi32>
    %convert_element_type3A_28 = arith.sitofp %convert_element_type3A : vector<784x128xi32> to vector<784x128xf32>
    %add3A_29 = arith.addf %add3A_11, %convert_element_type3A_28 : vector<784x128xf32>
    %mul3A_30 = arith.mulf %add3A_29, %get3A_14 : vector<784x128xf32>
    %jit3A = arith.constant 0.000000e+00 : f32
    %broadcast_in_dim3A = vector.broadcast %jit3A : f32 to vector<784x128xf32>
    %select_n3A = arith.select %lt3A_25, %mul3A_30, %broadcast_in_dim3A : vector<784x128xi1>, vector<784x128xf32>
    %get3A_31 = arith.constant 781 : index
    %get3A_32 = arith.constant 31 : index
    %get3A_33 = vector.load %arg3[%get3A_31, %get3A_32] : memref<784x128xf32, #tpu.memory_space<vmem>>, vector<1x1xf32>
    %get3A_34 = vector.extract %get3A_33[0, 0] : f32 from vector<1x1xf32>
    %get3A_35 = arith.constant 0 : index
    %get3A_36 = arith.constant 0 : index
    %get3A_37 = vector.load %arg4[%get3A_35, %get3A_36] : memref<8x128xf32, #tpu.memory_space<vmem>>, vector<1x1xf32>
    %get3A_38 = vector.extract %get3A_37[0, 0] : f32 from vector<1x1xf32>
    %get3A_39 = arith.constant 1 : index
    %get3A_40 = arith.constant 0 : index
    %get3A_41 = vector.load %arg4[%get3A_39, %get3A_40] : memref<8x128xf32, #tpu.memory_space<vmem>>, vector<1x1xf32>
    %get3A_42 = vector.extract %get3A_41[0, 0] : f32 from vector<1x1xf32>
    %mul3A_43 = vector.broadcast %get3A_38 : f32 to vector<784x128xf32>
    %mul3A_44 = arith.mulf %mul3A, %mul3A_43 : vector<784x128xf32>
    %add3A_45 = vector.broadcast %get3A_42 : f32 to vector<784x128xf32>
    %add3A_46 = arith.addf %mul3A_44, %add3A_45 : vector<784x128xf32>
    %max3A = arith.constant 0.000000e+00 : f32
    %max3A_47 = vector.broadcast %max3A : f32 to vector<784x128xf32>
    %max3A_48 = arith.maximumf %add3A_46, %max3A_47 : vector<784x128xf32>
    %mul3A_49 = arith.mulf %max3A_48, %select_n3A : vector<784x128xf32>
    %reduce_sum3A = vector.shape_cast %mul3A_49 : vector<784x128xf32> to vector<1x784x128xf32>
    %reduce_sum3A_50 = arith.constant dense<0.000000e+00> : vector<1xf32>
    %reduce_sum3A_51 = vector.multi_reduction <add>, %reduce_sum3A, %reduce_sum3A_50 [1, 2] : vector<1x784x128xf32> to vector<1xf32>
    %reduce_sum3A_52 = vector.shape_cast %reduce_sum3A_51 : vector<1xf32> to vector<1x1x1xf32>
    %reduce_sum3A_53 = vector.extract %reduce_sum3A_52[0, 0, 0] : f32 from vector<1x1x1xf32>
    %get3A_54 = arith.constant 0 : index
    %get3A_55 = arith.constant 1 : index
    %get3A_56 = vector.load %arg4[%get3A_54, %get3A_55] : memref<8x128xf32, #tpu.memory_space<vmem>>, vector<1x1xf32>
    %get3A_57 = vector.extract %get3A_56[0, 0] : f32 from vector<1x1xf32>
    %get3A_58 = arith.constant 1 : index
    %get3A_59 = arith.constant 1 : index
    %get3A_60 = vector.load %arg4[%get3A_58, %get3A_59] : memref<8x128xf32, #tpu.memory_space<vmem>>, vector<1x1xf32>
    %get3A_61 = vector.extract %get3A_60[0, 0] : f32 from vector<1x1xf32>
    %mul3A_62 = vector.broadcast %get3A_57 : f32 to vector<784x128xf32>
    %mul3A_63 = arith.mulf %mul3A, %mul3A_62 : vector<784x128xf32>
    %add3A_64 = vector.broadcast %get3A_61 : f32 to vector<784x128xf32>
    %add3A_65 = arith.addf %mul3A_63, %add3A_64 : vector<784x128xf32>
    %max3A_66 = arith.constant 0.000000e+00 : f32
    %max3A_67 = vector.broadcast %max3A_66 : f32 to vector<784x128xf32>
    %max3A_68 = arith.maximumf %add3A_65, %max3A_67 : vector<784x128xf32>
    %mul3A_69 = arith.mulf %max3A_68, %select_n3A : vector<784x128xf32>
    %reduce_sum3A_70 = vector.shape_cast %mul3A_69 : vector<784x128xf32> to vector<1x784x128xf32>
    %reduce_sum3A_71 = arith.constant dense<0.000000e+00> : vector<1xf32>
    %reduce_sum3A_72 = vector.multi_reduction <add>, %reduce_sum3A_70, %reduce_sum3A_71 [1, 2] : vector<1x784x128xf32> to vector<1xf32>
    %reduce_sum3A_73 = vector.shape_cast %reduce_sum3A_72 : vector<1xf32> to vector<1x1x1xf32>
    %reduce_sum3A_74 = vector.extract %reduce_sum3A_73[0, 0, 0] : f32 from vector<1x1x1xf32>
    %get3A_75 = arith.constant 0 : index
    %get3A_76 = arith.constant 2 : index
    %get3A_77 = vector.load %arg4[%get3A_75, %get3A_76] : memref<8x128xf32, #tpu.memory_space<vmem>>, vector<1x1xf32>
    %get3A_78 = vector.extract %get3A_77[0, 0] : f32 from vector<1x1xf32>
    %get3A_79 = arith.constant 1 : index
    %get3A_80 = arith.constant 2 : index
    %get3A_81 = vector.load %arg4[%get3A_79, %get3A_80] : memref<8x128xf32, #tpu.memory_space<vmem>>, vector<1x1xf32>
    %get3A_82 = vector.extract %get3A_81[0, 0] : f32 from vector<1x1xf32>
    %mul3A_83 = vector.broadcast %get3A_78 : f32 to vector<784x128xf32>
    %mul3A_84 = arith.mulf %mul3A, %mul3A_83 : vector<784x128xf32>
    %add3A_85 = vector.broadcast %get3A_82 : f32 to vector<784x128xf32>
    %add3A_86 = arith.addf %mul3A_84, %add3A_85 : vector<784x128xf32>
    %max3A_87 = arith.constant 0.000000e+00 : f32
    %max3A_88 = vector.broadcast %max3A_87 : f32 to vector<784x128xf32>
    %max3A_89 = arith.maximumf %add3A_86, %max3A_88 : vector<784x128xf32>
    %mul3A_90 = arith.mulf %max3A_89, %select_n3A : vector<784x128xf32>
    %reduce_sum3A_91 = vector.shape_cast %mul3A_90 : vector<784x128xf32> to vector<1x784x128xf32>
    %reduce_sum3A_92 = arith.constant dense<0.000000e+00> : vector<1xf32>
    %reduce_sum3A_93 = vector.multi_reduction <add>, %reduce_sum3A_91, %reduce_sum3A_92 [1, 2] : vector<1x784x128xf32> to vector<1xf32>
    %reduce_sum3A_94 = vector.shape_cast %reduce_sum3A_93 : vector<1xf32> to vector<1x1x1xf32>
    %reduce_sum3A_95 = vector.extract %reduce_sum3A_94[0, 0, 0] : f32 from vector<1x1x1xf32>
    %get3A_96 = arith.constant 0 : index
    %get3A_97 = arith.constant 3 : index
    %get3A_98 = vector.load %arg4[%get3A_96, %get3A_97] : memref<8x128xf32, #tpu.memory_space<vmem>>, vector<1x1xf32>
    %get3A_99 = vector.extract %get3A_98[0, 0] : f32 from vector<1x1xf32>
    %get3A_100 = arith.constant 1 : index
    %get3A_101 = arith.constant 3 : index
    %get3A_102 = vector.load %arg4[%get3A_100, %get3A_101] : memref<8x128xf32, #tpu.memory_space<vmem>>, vector<1x1xf32>
    %get3A_103 = vector.extract %get3A_102[0, 0] : f32 from vector<1x1xf32>
    %mul3A_104 = vector.broadcast %get3A_99 : f32 to vector<784x128xf32>
    %mul3A_105 = arith.mulf %mul3A, %mul3A_104 : vector<784x128xf32>
    %add3A_106 = vector.broadcast %get3A_103 : f32 to vector<784x128xf32>
    %add3A_107 = arith.addf %mul3A_105, %add3A_106 : vector<784x128xf32>
    %max3A_108 = arith.constant 0.000000e+00 : f32
    %max3A_109 = vector.broadcast %max3A_108 : f32 to vector<784x128xf32>
    %max3A_110 = arith.maximumf %add3A_107, %max3A_109 : vector<784x128xf32>
    %mul3A_111 = arith.mulf %max3A_110, %select_n3A : vector<784x128xf32>
    %reduce_sum3A_112 = vector.shape_cast %mul3A_111 : vector<784x128xf32> to vector<1x784x128xf32>
    %reduce_sum3A_113 = arith.constant dense<0.000000e+00> : vector<1xf32>
    %reduce_sum3A_114 = vector.multi_reduction <add>, %reduce_sum3A_112, %reduce_sum3A_113 [1, 2] : vector<1x784x128xf32> to vector<1xf32>
    %reduce_sum3A_115 = vector.shape_cast %reduce_sum3A_114 : vector<1xf32> to vector<1x1x1xf32>
    %reduce_sum3A_116 = vector.extract %reduce_sum3A_115[0, 0, 0] : f32 from vector<1x1x1xf32>
    %get3A_117 = arith.constant 0 : index
    %get3A_118 = arith.constant 4 : index
    %get3A_119 = vector.load %arg4[%get3A_117, %get3A_118] : memref<8x128xf32, #tpu.memory_space<vmem>>, vector<1x1xf32>
    %get3A_120 = vector.extract %get3A_119[0, 0] : f32 from vector<1x1xf32>
    %get3A_121 = arith.constant 1 : index
    %get3A_122 = arith.constant 4 : index
    %get3A_123 = vector.load %arg4[%get3A_121, %get3A_122] : memref<8x128xf32, #tpu.memory_space<vmem>>, vector<1x1xf32>
    %get3A_124 = vector.extract %get3A_123[0, 0] : f32 from vector<1x1xf32>
    %mul3A_125 = vector.broadcast %get3A_120 : f32 to vector<784x128xf32>
    %mul3A_126 = arith.mulf %mul3A, %mul3A_125 : vector<784x128xf32>
    %add3A_127 = vector.broadcast %get3A_124 : f32 to vector<784x128xf32>
    %add3A_128 = arith.addf %mul3A_126, %add3A_127 : vector<784x128xf32>
    %max3A_129 = arith.constant 0.000000e+00 : f32
    %max3A_130 = vector.broadcast %max3A_129 : f32 to vector<784x128xf32>
    %max3A_131 = arith.maximumf %add3A_128, %max3A_130 : vector<784x128xf32>
    %mul3A_132 = arith.mulf %max3A_131, %select_n3A : vector<784x128xf32>
    %reduce_sum3A_133 = vector.shape_cast %mul3A_132 : vector<784x128xf32> to vector<1x784x128xf32>
    %reduce_sum3A_134 = arith.constant dense<0.000000e+00> : vector<1xf32>
    %reduce_sum3A_135 = vector.multi_reduction <add>, %reduce_sum3A_133, %reduce_sum3A_134 [1, 2] : vector<1x784x128xf32> to vector<1xf32>
    %reduce_sum3A_136 = vector.shape_cast %reduce_sum3A_135 : vector<1xf32> to vector<1x1x1xf32>
    %reduce_sum3A_137 = vector.extract %reduce_sum3A_136[0, 0, 0] : f32 from vector<1x1x1xf32>
    %get3A_138 = arith.constant 0 : index
    %get3A_139 = arith.constant 5 : index
    %get3A_140 = vector.load %arg4[%get3A_138, %get3A_139] : memref<8x128xf32, #tpu.memory_space<vmem>>, vector<1x1xf32>
    %get3A_141 = vector.extract %get3A_140[0, 0] : f32 from vector<1x1xf32>
    %get3A_142 = arith.constant 1 : index
    %get3A_143 = arith.constant 5 : index
    %get3A_144 = vector.load %arg4[%get3A_142, %get3A_143] : memref<8x128xf32, #tpu.memory_space<vmem>>, vector<1x1xf32>
    %get3A_145 = vector.extract %get3A_144[0, 0] : f32 from vector<1x1xf32>
    %mul3A_146 = vector.broadcast %get3A_141 : f32 to vector<784x128xf32>
    %mul3A_147 = arith.mulf %mul3A, %mul3A_146 : vector<784x128xf32>
    %add3A_148 = vector.broadcast %get3A_145 : f32 to vector<784x128xf32>
    %add3A_149 = arith.addf %mul3A_147, %add3A_148 : vector<784x128xf32>
    %max3A_150 = arith.constant 0.000000e+00 : f32
    %max3A_151 = vector.broadcast %max3A_150 : f32 to vector<784x128xf32>
    %max3A_152 = arith.maximumf %add3A_149, %max3A_151 : vector<784x128xf32>
    %mul3A_153 = arith.mulf %max3A_152, %select_n3A : vector<784x128xf32>
    %reduce_sum3A_154 = vector.shape_cast %mul3A_153 : vector<784x128xf32> to vector<1x784x128xf32>
    %reduce_sum3A_155 = arith.constant dense<0.000000e+00> : vector<1xf32>
    %reduce_sum3A_156 = vector.multi_reduction <add>, %reduce_sum3A_154, %reduce_sum3A_155 [1, 2] : vector<1x784x128xf32> to vector<1xf32>
    %reduce_sum3A_157 = vector.shape_cast %reduce_sum3A_156 : vector<1xf32> to vector<1x1x1xf32>
    %reduce_sum3A_158 = vector.extract %reduce_sum3A_157[0, 0, 0] : f32 from vector<1x1x1xf32>
    %get3A_159 = arith.constant 0 : index
    %get3A_160 = arith.constant 6 : index
    %get3A_161 = vector.load %arg4[%get3A_159, %get3A_160] : memref<8x128xf32, #tpu.memory_space<vmem>>, vector<1x1xf32>
    %get3A_162 = vector.extract %get3A_161[0, 0] : f32 from vector<1x1xf32>
    %get3A_163 = arith.constant 1 : index
    %get3A_164 = arith.constant 6 : index
    %get3A_165 = vector.load %arg4[%get3A_163, %get3A_164] : memref<8x128xf32, #tpu.memory_space<vmem>>, vector<1x1xf32>
    %get3A_166 = vector.extract %get3A_165[0, 0] : f32 from vector<1x1xf32>
    %mul3A_167 = vector.broadcast %get3A_162 : f32 to vector<784x128xf32>
    %mul3A_168 = arith.mulf %mul3A, %mul3A_167 : vector<784x128xf32>
    %add3A_169 = vector.broadcast %get3A_166 : f32 to vector<784x128xf32>
    %add3A_170 = arith.addf %mul3A_168, %add3A_169 : vector<784x128xf32>
    %max3A_171 = arith.constant 0.000000e+00 : f32
    %max3A_172 = vector.broadcast %max3A_171 : f32 to vector<784x128xf32>
    %max3A_173 = arith.maximumf %add3A_170, %max3A_172 : vector<784x128xf32>
    %mul3A_174 = arith.mulf %max3A_173, %select_n3A : vector<784x128xf32>
    %reduce_sum3A_175 = vector.shape_cast %mul3A_174 : vector<784x128xf32> to vector<1x784x128xf32>
    %reduce_sum3A_176 = arith.constant dense<0.000000e+00> : vector<1xf32>
    %reduce_sum3A_177 = vector.multi_reduction <add>, %reduce_sum3A_175, %reduce_sum3A_176 [1, 2] : vector<1x784x128xf32> to vector<1xf32>
    %reduce_sum3A_178 = vector.shape_cast %reduce_sum3A_177 : vector<1xf32> to vector<1x1x1xf32>
    %reduce_sum3A_179 = vector.extract %reduce_sum3A_178[0, 0, 0] : f32 from vector<1x1x1xf32>
    %get3A_180 = arith.constant 0 : index
    %get3A_181 = arith.constant 7 : index
    %get3A_182 = vector.load %arg4[%get3A_180, %get3A_181] : memref<8x128xf32, #tpu.memory_space<vmem>>, vector<1x1xf32>
    %get3A_183 = vector.extract %get3A_182[0, 0] : f32 from vector<1x1xf32>
    %get3A_184 = arith.constant 1 : index
    %get3A_185 = arith.constant 7 : index
    %get3A_186 = vector.load %arg4[%get3A_184, %get3A_185] : memref<8x128xf32, #tpu.memory_space<vmem>>, vector<1x1xf32>
    %get3A_187 = vector.extract %get3A_186[0, 0] : f32 from vector<1x1xf32>
    %mul3A_188 = vector.broadcast %get3A_183 : f32 to vector<784x128xf32>
    %mul3A_189 = arith.mulf %mul3A, %mul3A_188 : vector<784x128xf32>
    %add3A_190 = vector.broadcast %get3A_187 : f32 to vector<784x128xf32>
    %add3A_191 = arith.addf %mul3A_189, %add3A_190 : vector<784x128xf32>
    %max3A_192 = arith.constant 0.000000e+00 : f32
    %max3A_193 = vector.broadcast %max3A_192 : f32 to vector<784x128xf32>
    %max3A_194 = arith.maximumf %add3A_191, %max3A_193 : vector<784x128xf32>
    %mul3A_195 = arith.mulf %max3A_194, %select_n3A : vector<784x128xf32>
    %reduce_sum3A_196 = vector.shape_cast %mul3A_195 : vector<784x128xf32> to vector<1x784x128xf32>
    %reduce_sum3A_197 = arith.constant dense<0.000000e+00> : vector<1xf32>
    %reduce_sum3A_198 = vector.multi_reduction <add>, %reduce_sum3A_196, %reduce_sum3A_197 [1, 2] : vector<1x784x128xf32> to vector<1xf32>
    %reduce_sum3A_199 = vector.shape_cast %reduce_sum3A_198 : vector<1xf32> to vector<1x1x1xf32>
    %reduce_sum3A_200 = vector.extract %reduce_sum3A_199[0, 0, 0] : f32 from vector<1x1x1xf32>
    %get3A_201 = arith.constant 0 : index
    %get3A_202 = arith.constant 8 : index
    %get3A_203 = vector.load %arg4[%get3A_201, %get3A_202] : memref<8x128xf32, #tpu.memory_space<vmem>>, vector<1x1xf32>
    %get3A_204 = vector.extract %get3A_203[0, 0] : f32 from vector<1x1xf32>
    %get3A_205 = arith.constant 1 : index
    %get3A_206 = arith.constant 8 : index
    %get3A_207 = vector.load %arg4[%get3A_205, %get3A_206] : memref<8x128xf32, #tpu.memory_space<vmem>>, vector<1x1xf32>
    %get3A_208 = vector.extract %get3A_207[0, 0] : f32 from vector<1x1xf32>
    %mul3A_209 = vector.broadcast %get3A_204 : f32 to vector<784x128xf32>
    %mul3A_210 = arith.mulf %mul3A, %mul3A_209 : vector<784x128xf32>
    %add3A_211 = vector.broadcast %get3A_208 : f32 to vector<784x128xf32>
    %add3A_212 = arith.addf %mul3A_210, %add3A_211 : vector<784x128xf32>
    %max3A_213 = arith.constant 0.000000e+00 : f32
    %max3A_214 = vector.broadcast %max3A_213 : f32 to vector<784x128xf32>
    %max3A_215 = arith.maximumf %add3A_212, %max3A_214 : vector<784x128xf32>
    %mul3A_216 = arith.mulf %max3A_215, %select_n3A : vector<784x128xf32>
    %reduce_sum3A_217 = vector.shape_cast %mul3A_216 : vector<784x128xf32> to vector<1x784x128xf32>
    %reduce_sum3A_218 = arith.constant dense<0.000000e+00> : vector<1xf32>
    %reduce_sum3A_219 = vector.multi_reduction <add>, %reduce_sum3A_217, %reduce_sum3A_218 [1, 2] : vector<1x784x128xf32> to vector<1xf32>
    %reduce_sum3A_220 = vector.shape_cast %reduce_sum3A_219 : vector<1xf32> to vector<1x1x1xf32>
    %reduce_sum3A_221 = vector.extract %reduce_sum3A_220[0, 0, 0] : f32 from vector<1x1x1xf32>
    %get3A_222 = arith.constant 0 : index
    %get3A_223 = arith.constant 9 : index
    %get3A_224 = vector.load %arg4[%get3A_222, %get3A_223] : memref<8x128xf32, #tpu.memory_space<vmem>>, vector<1x1xf32>
    %get3A_225 = vector.extract %get3A_224[0, 0] : f32 from vector<1x1xf32>
    %get3A_226 = arith.constant 1 : index
    %get3A_227 = arith.constant 9 : index
    %get3A_228 = vector.load %arg4[%get3A_226, %get3A_227] : memref<8x128xf32, #tpu.memory_space<vmem>>, vector<1x1xf32>
    %get3A_229 = vector.extract %get3A_228[0, 0] : f32 from vector<1x1xf32>
    %mul3A_230 = vector.broadcast %get3A_225 : f32 to vector<784x128xf32>
    %mul3A_231 = arith.mulf %mul3A, %mul3A_230 : vector<784x128xf32>
    %add3A_232 = vector.broadcast %get3A_229 : f32 to vector<784x128xf32>
    %add3A_233 = arith.addf %mul3A_231, %add3A_232 : vector<784x128xf32>
    %max3A_234 = arith.constant 0.000000e+00 : f32
    %max3A_235 = vector.broadcast %max3A_234 : f32 to vector<784x128xf32>
    %max3A_236 = arith.maximumf %add3A_233, %max3A_235 : vector<784x128xf32>
    %mul3A_237 = arith.mulf %max3A_236, %select_n3A : vector<784x128xf32>
    %reduce_sum3A_238 = vector.shape_cast %mul3A_237 : vector<784x128xf32> to vector<1x784x128xf32>
    %reduce_sum3A_239 = arith.constant dense<0.000000e+00> : vector<1xf32>
    %reduce_sum3A_240 = vector.multi_reduction <add>, %reduce_sum3A_238, %reduce_sum3A_239 [1, 2] : vector<1x784x128xf32> to vector<1xf32>
    %reduce_sum3A_241 = vector.shape_cast %reduce_sum3A_240 : vector<1xf32> to vector<1x1x1xf32>
    %reduce_sum3A_242 = vector.extract %reduce_sum3A_241[0, 0, 0] : f32 from vector<1x1x1xf32>
    %get3A_243 = arith.constant 0 : index
    %get3A_244 = arith.constant 10 : index
    %get3A_245 = vector.load %arg4[%get3A_243, %get3A_244] : memref<8x128xf32, #tpu.memory_space<vmem>>, vector<1x1xf32>
    %get3A_246 = vector.extract %get3A_245[0, 0] : f32 from vector<1x1xf32>
    %get3A_247 = arith.constant 1 : index
    %get3A_248 = arith.constant 10 : index
    %get3A_249 = vector.load %arg4[%get3A_247, %get3A_248] : memref<8x128xf32, #tpu.memory_space<vmem>>, vector<1x1xf32>
    %get3A_250 = vector.extract %get3A_249[0, 0] : f32 from vector<1x1xf32>
    %mul3A_251 = vector.broadcast %get3A_246 : f32 to vector<784x128xf32>
    %mul3A_252 = arith.mulf %mul3A, %mul3A_251 : vector<784x128xf32>
    %add3A_253 = vector.broadcast %get3A_250 : f32 to vector<784x128xf32>
    %add3A_254 = arith.addf %mul3A_252, %add3A_253 : vector<784x128xf32>
    %max3A_255 = arith.constant 0.000000e+00 : f32
    %max3A_256 = vector.broadcast %max3A_255 : f32 to vector<784x128xf32>
    %max3A_257 = arith.maximumf %add3A_254, %max3A_256 : vector<784x128xf32>
    %mul3A_258 = arith.mulf %max3A_257, %select_n3A : vector<784x128xf32>
    %reduce_sum3A_259 = vector.shape_cast %mul3A_258 : vector<784x128xf32> to vector<1x784x128xf32>
    %reduce_sum3A_260 = arith.constant dense<0.000000e+00> : vector<1xf32>
    %reduce_sum3A_261 = vector.multi_reduction <add>, %reduce_sum3A_259, %reduce_sum3A_260 [1, 2] : vector<1x784x128xf32> to vector<1xf32>
    %reduce_sum3A_262 = vector.shape_cast %reduce_sum3A_261 : vector<1xf32> to vector<1x1x1xf32>
    %reduce_sum3A_263 = vector.extract %reduce_sum3A_262[0, 0, 0] : f32 from vector<1x1x1xf32>
    %get3A_264 = arith.constant 0 : index
    %get3A_265 = arith.constant 11 : index
    %get3A_266 = vector.load %arg4[%get3A_264, %get3A_265] : memref<8x128xf32, #tpu.memory_space<vmem>>, vector<1x1xf32>
    %get3A_267 = vector.extract %get3A_266[0, 0] : f32 from vector<1x1xf32>
    %get3A_268 = arith.constant 1 : index
    %get3A_269 = arith.constant 11 : index
    %get3A_270 = vector.load %arg4[%get3A_268, %get3A_269] : memref<8x128xf32, #tpu.memory_space<vmem>>, vector<1x1xf32>
    %get3A_271 = vector.extract %get3A_270[0, 0] : f32 from vector<1x1xf32>
    %mul3A_272 = vector.broadcast %get3A_267 : f32 to vector<784x128xf32>
    %mul3A_273 = arith.mulf %mul3A, %mul3A_272 : vector<784x128xf32>
    %add3A_274 = vector.broadcast %get3A_271 : f32 to vector<784x128xf32>
    %add3A_275 = arith.addf %mul3A_273, %add3A_274 : vector<784x128xf32>
    %max3A_276 = arith.constant 0.000000e+00 : f32
    %max3A_277 = vector.broadcast %max3A_276 : f32 to vector<784x128xf32>
    %max3A_278 = arith.maximumf %add3A_275, %max3A_277 : vector<784x128xf32>
    %mul3A_279 = arith.mulf %max3A_278, %select_n3A : vector<784x128xf32>
    %reduce_sum3A_280 = vector.shape_cast %mul3A_279 : vector<784x128xf32> to vector<1x784x128xf32>
    %reduce_sum3A_281 = arith.constant dense<0.000000e+00> : vector<1xf32>
    %reduce_sum3A_282 = vector.multi_reduction <add>, %reduce_sum3A_280, %reduce_sum3A_281 [1, 2] : vector<1x784x128xf32> to vector<1xf32>
    %reduce_sum3A_283 = vector.shape_cast %reduce_sum3A_282 : vector<1xf32> to vector<1x1x1xf32>
    %reduce_sum3A_284 = vector.extract %reduce_sum3A_283[0, 0, 0] : f32 from vector<1x1x1xf32>
    %get3A_285 = arith.constant 0 : index
    %get3A_286 = arith.constant 12 : index
    %get3A_287 = vector.load %arg4[%get3A_285, %get3A_286] : memref<8x128xf32, #tpu.memory_space<vmem>>, vector<1x1xf32>
    %get3A_288 = vector.extract %get3A_287[0, 0] : f32 from vector<1x1xf32>
    %get3A_289 = arith.constant 1 : index
    %get3A_290 = arith.constant 12 : index
    %get3A_291 = vector.load %arg4[%get3A_289, %get3A_290] : memref<8x128xf32, #tpu.memory_space<vmem>>, vector<1x1xf32>
    %get3A_292 = vector.extract %get3A_291[0, 0] : f32 from vector<1x1xf32>
    %mul3A_293 = vector.broadcast %get3A_288 : f32 to vector<784x128xf32>
    %mul3A_294 = arith.mulf %mul3A, %mul3A_293 : vector<784x128xf32>
    %add3A_295 = vector.broadcast %get3A_292 : f32 to vector<784x128xf32>
    %add3A_296 = arith.addf %mul3A_294, %add3A_295 : vector<784x128xf32>
    %max3A_297 = arith.constant 0.000000e+00 : f32
    %max3A_298 = vector.broadcast %max3A_297 : f32 to vector<784x128xf32>
    %max3A_299 = arith.maximumf %add3A_296, %max3A_298 : vector<784x128xf32>
    %mul3A_300 = arith.mulf %max3A_299, %select_n3A : vector<784x128xf32>
    %reduce_sum3A_301 = vector.shape_cast %mul3A_300 : vector<784x128xf32> to vector<1x784x128xf32>
    %reduce_sum3A_302 = arith.constant dense<0.000000e+00> : vector<1xf32>
    %reduce_sum3A_303 = vector.multi_reduction <add>, %reduce_sum3A_301, %reduce_sum3A_302 [1, 2] : vector<1x784x128xf32> to vector<1xf32>
    %reduce_sum3A_304 = vector.shape_cast %reduce_sum3A_303 : vector<1xf32> to vector<1x1x1xf32>
    %reduce_sum3A_305 = vector.extract %reduce_sum3A_304[0, 0, 0] : f32 from vector<1x1x1xf32>
    %get3A_306 = arith.constant 0 : index
    %get3A_307 = arith.constant 13 : index
    %get3A_308 = vector.load %arg4[%get3A_306, %get3A_307] : memref<8x128xf32, #tpu.memory_space<vmem>>, vector<1x1xf32>
    %get3A_309 = vector.extract %get3A_308[0, 0] : f32 from vector<1x1xf32>
    %get3A_310 = arith.constant 1 : index
    %get3A_311 = arith.constant 13 : index
    %get3A_312 = vector.load %arg4[%get3A_310, %get3A_311] : memref<8x128xf32, #tpu.memory_space<vmem>>, vector<1x1xf32>
    %get3A_313 = vector.extract %get3A_312[0, 0] : f32 from vector<1x1xf32>
    %mul3A_314 = vector.broadcast %get3A_309 : f32 to vector<784x128xf32>
    %mul3A_315 = arith.mulf %mul3A, %mul3A_314 : vector<784x128xf32>
    %add3A_316 = vector.broadcast %get3A_313 : f32 to vector<784x128xf32>
    %add3A_317 = arith.addf %mul3A_315, %add3A_316 : vector<784x128xf32>
    %max3A_318 = arith.constant 0.000000e+00 : f32
    %max3A_319 = vector.broadcast %max3A_318 : f32 to vector<784x128xf32>
    %max3A_320 = arith.maximumf %add3A_317, %max3A_319 : vector<784x128xf32>
    %mul3A_321 = arith.mulf %max3A_320, %select_n3A : vector<784x128xf32>
    %reduce_sum3A_322 = vector.shape_cast %mul3A_321 : vector<784x128xf32> to vector<1x784x128xf32>
    %reduce_sum3A_323 = arith.constant dense<0.000000e+00> : vector<1xf32>
    %reduce_sum3A_324 = vector.multi_reduction <add>, %reduce_sum3A_322, %reduce_sum3A_323 [1, 2] : vector<1x784x128xf32> to vector<1xf32>
    %reduce_sum3A_325 = vector.shape_cast %reduce_sum3A_324 : vector<1xf32> to vector<1x1x1xf32>
    %reduce_sum3A_326 = vector.extract %reduce_sum3A_325[0, 0, 0] : f32 from vector<1x1x1xf32>
    %get3A_327 = arith.constant 0 : index
    %get3A_328 = arith.constant 14 : index
    %get3A_329 = vector.load %arg4[%get3A_327, %get3A_328] : memref<8x128xf32, #tpu.memory_space<vmem>>, vector<1x1xf32>
    %get3A_330 = vector.extract %get3A_329[0, 0] : f32 from vector<1x1xf32>
    %get3A_331 = arith.constant 1 : index
    %get3A_332 = arith.constant 14 : index
    %get3A_333 = vector.load %arg4[%get3A_331, %get3A_332] : memref<8x128xf32, #tpu.memory_space<vmem>>, vector<1x1xf32>
    %get3A_334 = vector.extract %get3A_333[0, 0] : f32 from vector<1x1xf32>
    %mul3A_335 = vector.broadcast %get3A_330 : f32 to vector<784x128xf32>
    %mul3A_336 = arith.mulf %mul3A, %mul3A_335 : vector<784x128xf32>
    %add3A_337 = vector.broadcast %get3A_334 : f32 to vector<784x128xf32>
    %add3A_338 = arith.addf %mul3A_336, %add3A_337 : vector<784x128xf32>
    %max3A_339 = arith.constant 0.000000e+00 : f32
    %max3A_340 = vector.broadcast %max3A_339 : f32 to vector<784x128xf32>
    %max3A_341 = arith.maximumf %add3A_338, %max3A_340 : vector<784x128xf32>
    %mul3A_342 = arith.mulf %max3A_341, %select_n3A : vector<784x128xf32>
    %reduce_sum3A_343 = vector.shape_cast %mul3A_342 : vector<784x128xf32> to vector<1x784x128xf32>
    %reduce_sum3A_344 = arith.constant dense<0.000000e+00> : vector<1xf32>
    %reduce_sum3A_345 = vector.multi_reduction <add>, %reduce_sum3A_343, %reduce_sum3A_344 [1, 2] : vector<1x784x128xf32> to vector<1xf32>
    %reduce_sum3A_346 = vector.shape_cast %reduce_sum3A_345 : vector<1xf32> to vector<1x1x1xf32>
    %reduce_sum3A_347 = vector.extract %reduce_sum3A_346[0, 0, 0] : f32 from vector<1x1x1xf32>
    %get3A_348 = arith.constant 0 : index
    %get3A_349 = arith.constant 15 : index
    %get3A_350 = vector.load %arg4[%get3A_348, %get3A_349] : memref<8x128xf32, #tpu.memory_space<vmem>>, vector<1x1xf32>
    %get3A_351 = vector.extract %get3A_350[0, 0] : f32 from vector<1x1xf32>
    %get3A_352 = arith.constant 1 : index
    %get3A_353 = arith.constant 15 : index
    %get3A_354 = vector.load %arg4[%get3A_352, %get3A_353] : memref<8x128xf32, #tpu.memory_space<vmem>>, vector<1x1xf32>
    %get3A_355 = vector.extract %get3A_354[0, 0] : f32 from vector<1x1xf32>
    %mul3A_356 = vector.broadcast %get3A_351 : f32 to vector<784x128xf32>
    %mul3A_357 = arith.mulf %mul3A, %mul3A_356 : vector<784x128xf32>
    %add3A_358 = vector.broadcast %get3A_355 : f32 to vector<784x128xf32>
    %add3A_359 = arith.addf %mul3A_357, %add3A_358 : vector<784x128xf32>
    %max3A_360 = arith.constant 0.000000e+00 : f32
    %max3A_361 = vector.broadcast %max3A_360 : f32 to vector<784x128xf32>
    %max3A_362 = arith.maximumf %add3A_359, %max3A_361 : vector<784x128xf32>
    %mul3A_363 = arith.mulf %max3A_362, %select_n3A : vector<784x128xf32>
    %reduce_sum3A_364 = vector.shape_cast %mul3A_363 : vector<784x128xf32> to vector<1x784x128xf32>
    %reduce_sum3A_365 = arith.constant dense<0.000000e+00> : vector<1xf32>
    %reduce_sum3A_366 = vector.multi_reduction <add>, %reduce_sum3A_364, %reduce_sum3A_365 [1, 2] : vector<1x784x128xf32> to vector<1xf32>
    %reduce_sum3A_367 = vector.shape_cast %reduce_sum3A_366 : vector<1xf32> to vector<1x1x1xf32>
    %reduce_sum3A_368 = vector.extract %reduce_sum3A_367[0, 0, 0] : f32 from vector<1x1x1xf32>
    %get3A_369 = arith.constant 5 : index
    %get3A_370 = arith.constant 0 : index
    %get3A_371 = vector.load %arg4[%get3A_369, %get3A_370] : memref<8x128xf32, #tpu.memory_space<vmem>>, vector<1x1xf32>
    %get3A_372 = vector.extract %get3A_371[0, 0] : f32 from vector<1x1xf32>
    %get3A_373 = arith.constant 2 : index
    %get3A_374 = arith.constant 0 : index
    %get3A_375 = vector.load %arg4[%get3A_373, %get3A_374] : memref<8x128xf32, #tpu.memory_space<vmem>>, vector<1x1xf32>
    %get3A_376 = vector.extract %get3A_375[0, 0] : f32 from vector<1x1xf32>
    %mul3A_377 = arith.mulf %reduce_sum3A_53, %get3A_376 : f32
    %get3A_378 = arith.constant 2 : index
    %get3A_379 = arith.constant 8 : index
    %get3A_380 = vector.load %arg4[%get3A_378, %get3A_379] : memref<8x128xf32, #tpu.memory_space<vmem>>, vector<1x1xf32>
    %get3A_381 = vector.extract %get3A_380[0, 0] : f32 from vector<1x1xf32>
    %mul3A_382 = arith.mulf %reduce_sum3A_74, %get3A_381 : f32
    %add3A_383 = arith.addf %mul3A_377, %mul3A_382 : f32
    %get3A_384 = arith.constant 2 : index
    %get3A_385 = arith.constant 16 : index
    %get3A_386 = vector.load %arg4[%get3A_384, %get3A_385] : memref<8x128xf32, #tpu.memory_space<vmem>>, vector<1x1xf32>
    %get3A_387 = vector.extract %get3A_386[0, 0] : f32 from vector<1x1xf32>
    %mul3A_388 = arith.mulf %reduce_sum3A_95, %get3A_387 : f32
    %add3A_389 = arith.addf %add3A_383, %mul3A_388 : f32
    %get3A_390 = arith.constant 2 : index
    %get3A_391 = arith.constant 24 : index
    %get3A_392 = vector.load %arg4[%get3A_390, %get3A_391] : memref<8x128xf32, #tpu.memory_space<vmem>>, vector<1x1xf32>
    %get3A_393 = vector.extract %get3A_392[0, 0] : f32 from vector<1x1xf32>
    %mul3A_394 = arith.mulf %reduce_sum3A_116, %get3A_393 : f32
    %add3A_395 = arith.addf %add3A_389, %mul3A_394 : f32
    %get3A_396 = arith.constant 2 : index
    %get3A_397 = arith.constant 32 : index
    %get3A_398 = vector.load %arg4[%get3A_396, %get3A_397] : memref<8x128xf32, #tpu.memory_space<vmem>>, vector<1x1xf32>
    %get3A_399 = vector.extract %get3A_398[0, 0] : f32 from vector<1x1xf32>
    %mul3A_400 = arith.mulf %reduce_sum3A_137, %get3A_399 : f32
    %add3A_401 = arith.addf %add3A_395, %mul3A_400 : f32
    %get3A_402 = arith.constant 2 : index
    %get3A_403 = arith.constant 40 : index
    %get3A_404 = vector.load %arg4[%get3A_402, %get3A_403] : memref<8x128xf32, #tpu.memory_space<vmem>>, vector<1x1xf32>
    %get3A_405 = vector.extract %get3A_404[0, 0] : f32 from vector<1x1xf32>
    %mul3A_406 = arith.mulf %reduce_sum3A_158, %get3A_405 : f32
    %add3A_407 = arith.addf %add3A_401, %mul3A_406 : f32
    %get3A_408 = arith.constant 2 : index
    %get3A_409 = arith.constant 48 : index
    %get3A_410 = vector.load %arg4[%get3A_408, %get3A_409] : memref<8x128xf32, #tpu.memory_space<vmem>>, vector<1x1xf32>
    %get3A_411 = vector.extract %get3A_410[0, 0] : f32 from vector<1x1xf32>
    %mul3A_412 = arith.mulf %reduce_sum3A_179, %get3A_411 : f32
    %add3A_413 = arith.addf %add3A_407, %mul3A_412 : f32
    %get3A_414 = arith.constant 2 : index
    %get3A_415 = arith.constant 56 : index
    %get3A_416 = vector.load %arg4[%get3A_414, %get3A_415] : memref<8x128xf32, #tpu.memory_space<vmem>>, vector<1x1xf32>
    %get3A_417 = vector.extract %get3A_416[0, 0] : f32 from vector<1x1xf32>
    %mul3A_418 = arith.mulf %reduce_sum3A_200, %get3A_417 : f32
    %add3A_419 = arith.addf %add3A_413, %mul3A_418 : f32
    %get3A_420 = arith.constant 2 : index
    %get3A_421 = arith.constant 64 : index
    %get3A_422 = vector.load %arg4[%get3A_420, %get3A_421] : memref<8x128xf32, #tpu.memory_space<vmem>>, vector<1x1xf32>
    %get3A_423 = vector.extract %get3A_422[0, 0] : f32 from vector<1x1xf32>
    %mul3A_424 = arith.mulf %reduce_sum3A_221, %get3A_423 : f32
    %add3A_425 = arith.addf %add3A_419, %mul3A_424 : f32
    %get3A_426 = arith.constant 2 : index
    %get3A_427 = arith.constant 72 : index
    %get3A_428 = vector.load %arg4[%get3A_426, %get3A_427] : memref<8x128xf32, #tpu.memory_space<vmem>>, vector<1x1xf32>
    %get3A_429 = vector.extract %get3A_428[0, 0] : f32 from vector<1x1xf32>
    %mul3A_430 = arith.mulf %reduce_sum3A_242, %get3A_429 : f32
    %add3A_431 = arith.addf %add3A_425, %mul3A_430 : f32
    %get3A_432 = arith.constant 2 : index
    %get3A_433 = arith.constant 80 : index
    %get3A_434 = vector.load %arg4[%get3A_432, %get3A_433] : memref<8x128xf32, #tpu.memory_space<vmem>>, vector<1x1xf32>
    %get3A_435 = vector.extract %get3A_434[0, 0] : f32 from vector<1x1xf32>
    %mul3A_436 = arith.mulf %reduce_sum3A_263, %get3A_435 : f32
    %add3A_437 = arith.addf %add3A_431, %mul3A_436 : f32
    %get3A_438 = arith.constant 2 : index
    %get3A_439 = arith.constant 88 : index
    %get3A_440 = vector.load %arg4[%get3A_438, %get3A_439] : memref<8x128xf32, #tpu.memory_space<vmem>>, vector<1x1xf32>
    %get3A_441 = vector.extract %get3A_440[0, 0] : f32 from vector<1x1xf32>
    %mul3A_442 = arith.mulf %reduce_sum3A_284, %get3A_441 : f32
    %add3A_443 = arith.addf %add3A_437, %mul3A_442 : f32
    %get3A_444 = arith.constant 2 : index
    %get3A_445 = arith.constant 96 : index
    %get3A_446 = vector.load %arg4[%get3A_444, %get3A_445] : memref<8x128xf32, #tpu.memory_space<vmem>>, vector<1x1xf32>
    %get3A_447 = vector.extract %get3A_446[0, 0] : f32 from vector<1x1xf32>
    %mul3A_448 = arith.mulf %reduce_sum3A_305, %get3A_447 : f32
    %add3A_449 = arith.addf %add3A_443, %mul3A_448 : f32
    %get3A_450 = arith.constant 2 : index
    %get3A_451 = arith.constant 104 : index
    %get3A_452 = vector.load %arg4[%get3A_450, %get3A_451] : memref<8x128xf32, #tpu.memory_space<vmem>>, vector<1x1xf32>
    %get3A_453 = vector.extract %get3A_452[0, 0] : f32 from vector<1x1xf32>
    %mul3A_454 = arith.mulf %reduce_sum3A_326, %get3A_453 : f32
    %add3A_455 = arith.addf %add3A_449, %mul3A_454 : f32
    %get3A_456 = arith.constant 2 : index
    %get3A_457 = arith.constant 112 : index
    %get3A_458 = vector.load %arg4[%get3A_456, %get3A_457] : memref<8x128xf32, #tpu.memory_space<vmem>>, vector<1x1xf32>
    %get3A_459 = vector.extract %get3A_458[0, 0] : f32 from vector<1x1xf32>
    %mul3A_460 = arith.mulf %reduce_sum3A_347, %get3A_459 : f32
    %add3A_461 = arith.addf %add3A_455, %mul3A_460 : f32
    %get3A_462 = arith.constant 2 : index
    %get3A_463 = arith.constant 120 : index
    %get3A_464 = vector.load %arg4[%get3A_462, %get3A_463] : memref<8x128xf32, #tpu.memory_space<vmem>>, vector<1x1xf32>
    %get3A_465 = vector.extract %get3A_464[0, 0] : f32 from vector<1x1xf32>
    %mul3A_466 = arith.mulf %reduce_sum3A_368, %get3A_465 : f32
    %add3A_467 = arith.addf %add3A_461, %mul3A_466 : f32
    %mul3A_468 = arith.mulf %add3A_467, %get3A_34 : f32
    %get3A_469 = arith.constant 3 : index
    %get3A_470 = arith.constant 0 : index
    %get3A_471 = vector.load %arg4[%get3A_469, %get3A_470] : memref<8x128xf32, #tpu.memory_space<vmem>>, vector<1x1xf32>
    %get3A_472 = vector.extract %get3A_471[0, 0] : f32 from vector<1x1xf32>
    %add3A_473 = arith.addf %mul3A_468, %get3A_472 : f32
    %max3A_474 = arith.constant 0.000000e+00 : f32
    %max3A_475 = arith.maximumf %add3A_473, %max3A_474 : f32
    %get3A_476 = arith.constant 4 : index
    %get3A_477 = arith.constant 0 : index
    %get3A_478 = vector.load %arg4[%get3A_476, %get3A_477] : memref<8x128xf32, #tpu.memory_space<vmem>>, vector<1x1xf32>
    %get3A_479 = vector.extract %get3A_478[0, 0] : f32 from vector<1x1xf32>
    %mul3A_480 = arith.mulf %max3A_475, %get3A_479 : f32
    %add3A_481 = arith.addf %get3A_372, %mul3A_480 : f32
    %get3A_482 = arith.constant 2 : index
    %get3A_483 = arith.constant 1 : index
    %get3A_484 = vector.load %arg4[%get3A_482, %get3A_483] : memref<8x128xf32, #tpu.memory_space<vmem>>, vector<1x1xf32>
    %get3A_485 = vector.extract %get3A_484[0, 0] : f32 from vector<1x1xf32>
    %mul3A_486 = arith.mulf %reduce_sum3A_53, %get3A_485 : f32
    %get3A_487 = arith.constant 2 : index
    %get3A_488 = arith.constant 9 : index
    %get3A_489 = vector.load %arg4[%get3A_487, %get3A_488] : memref<8x128xf32, #tpu.memory_space<vmem>>, vector<1x1xf32>
    %get3A_490 = vector.extract %get3A_489[0, 0] : f32 from vector<1x1xf32>
    %mul3A_491 = arith.mulf %reduce_sum3A_74, %get3A_490 : f32
    %add3A_492 = arith.addf %mul3A_486, %mul3A_491 : f32
    %get3A_493 = arith.constant 2 : index
    %get3A_494 = arith.constant 17 : index
    %get3A_495 = vector.load %arg4[%get3A_493, %get3A_494] : memref<8x128xf32, #tpu.memory_space<vmem>>, vector<1x1xf32>
    %get3A_496 = vector.extract %get3A_495[0, 0] : f32 from vector<1x1xf32>
    %mul3A_497 = arith.mulf %reduce_sum3A_95, %get3A_496 : f32
    %add3A_498 = arith.addf %add3A_492, %mul3A_497 : f32
    %get3A_499 = arith.constant 2 : index
    %get3A_500 = arith.constant 25 : index
    %get3A_501 = vector.load %arg4[%get3A_499, %get3A_500] : memref<8x128xf32, #tpu.memory_space<vmem>>, vector<1x1xf32>
    %get3A_502 = vector.extract %get3A_501[0, 0] : f32 from vector<1x1xf32>
    %mul3A_503 = arith.mulf %reduce_sum3A_116, %get3A_502 : f32
    %add3A_504 = arith.addf %add3A_498, %mul3A_503 : f32
    %get3A_505 = arith.constant 2 : index
    %get3A_506 = arith.constant 33 : index
    %get3A_507 = vector.load %arg4[%get3A_505, %get3A_506] : memref<8x128xf32, #tpu.memory_space<vmem>>, vector<1x1xf32>
    %get3A_508 = vector.extract %get3A_507[0, 0] : f32 from vector<1x1xf32>
    %mul3A_509 = arith.mulf %reduce_sum3A_137, %get3A_508 : f32
    %add3A_510 = arith.addf %add3A_504, %mul3A_509 : f32
    %get3A_511 = arith.constant 2 : index
    %get3A_512 = arith.constant 41 : index
    %get3A_513 = vector.load %arg4[%get3A_511, %get3A_512] : memref<8x128xf32, #tpu.memory_space<vmem>>, vector<1x1xf32>
    %get3A_514 = vector.extract %get3A_513[0, 0] : f32 from vector<1x1xf32>
    %mul3A_515 = arith.mulf %reduce_sum3A_158, %get3A_514 : f32
    %add3A_516 = arith.addf %add3A_510, %mul3A_515 : f32
    %get3A_517 = arith.constant 2 : index
    %get3A_518 = arith.constant 49 : index
    %get3A_519 = vector.load %arg4[%get3A_517, %get3A_518] : memref<8x128xf32, #tpu.memory_space<vmem>>, vector<1x1xf32>
    %get3A_520 = vector.extract %get3A_519[0, 0] : f32 from vector<1x1xf32>
    %mul3A_521 = arith.mulf %reduce_sum3A_179, %get3A_520 : f32
    %add3A_522 = arith.addf %add3A_516, %mul3A_521 : f32
    %get3A_523 = arith.constant 2 : index
    %get3A_524 = arith.constant 57 : index
    %get3A_525 = vector.load %arg4[%get3A_523, %get3A_524] : memref<8x128xf32, #tpu.memory_space<vmem>>, vector<1x1xf32>
    %get3A_526 = vector.extract %get3A_525[0, 0] : f32 from vector<1x1xf32>
    %mul3A_527 = arith.mulf %reduce_sum3A_200, %get3A_526 : f32
    %add3A_528 = arith.addf %add3A_522, %mul3A_527 : f32
    %get3A_529 = arith.constant 2 : index
    %get3A_530 = arith.constant 65 : index
    %get3A_531 = vector.load %arg4[%get3A_529, %get3A_530] : memref<8x128xf32, #tpu.memory_space<vmem>>, vector<1x1xf32>
    %get3A_532 = vector.extract %get3A_531[0, 0] : f32 from vector<1x1xf32>
    %mul3A_533 = arith.mulf %reduce_sum3A_221, %get3A_532 : f32
    %add3A_534 = arith.addf %add3A_528, %mul3A_533 : f32
    %get3A_535 = arith.constant 2 : index
    %get3A_536 = arith.constant 73 : index
    %get3A_537 = vector.load %arg4[%get3A_535, %get3A_536] : memref<8x128xf32, #tpu.memory_space<vmem>>, vector<1x1xf32>
    %get3A_538 = vector.extract %get3A_537[0, 0] : f32 from vector<1x1xf32>
    %mul3A_539 = arith.mulf %reduce_sum3A_242, %get3A_538 : f32
    %add3A_540 = arith.addf %add3A_534, %mul3A_539 : f32
    %get3A_541 = arith.constant 2 : index
    %get3A_542 = arith.constant 81 : index
    %get3A_543 = vector.load %arg4[%get3A_541, %get3A_542] : memref<8x128xf32, #tpu.memory_space<vmem>>, vector<1x1xf32>
    %get3A_544 = vector.extract %get3A_543[0, 0] : f32 from vector<1x1xf32>
    %mul3A_545 = arith.mulf %reduce_sum3A_263, %get3A_544 : f32
    %add3A_546 = arith.addf %add3A_540, %mul3A_545 : f32
    %get3A_547 = arith.constant 2 : index
    %get3A_548 = arith.constant 89 : index
    %get3A_549 = vector.load %arg4[%get3A_547, %get3A_548] : memref<8x128xf32, #tpu.memory_space<vmem>>, vector<1x1xf32>
    %get3A_550 = vector.extract %get3A_549[0, 0] : f32 from vector<1x1xf32>
    %mul3A_551 = arith.mulf %reduce_sum3A_284, %get3A_550 : f32
    %add3A_552 = arith.addf %add3A_546, %mul3A_551 : f32
    %get3A_553 = arith.constant 2 : index
    %get3A_554 = arith.constant 97 : index
    %get3A_555 = vector.load %arg4[%get3A_553, %get3A_554] : memref<8x128xf32, #tpu.memory_space<vmem>>, vector<1x1xf32>
    %get3A_556 = vector.extract %get3A_555[0, 0] : f32 from vector<1x1xf32>
    %mul3A_557 = arith.mulf %reduce_sum3A_305, %get3A_556 : f32
    %add3A_558 = arith.addf %add3A_552, %mul3A_557 : f32
    %get3A_559 = arith.constant 2 : index
    %get3A_560 = arith.constant 105 : index
    %get3A_561 = vector.load %arg4[%get3A_559, %get3A_560] : memref<8x128xf32, #tpu.memory_space<vmem>>, vector<1x1xf32>
    %get3A_562 = vector.extract %get3A_561[0, 0] : f32 from vector<1x1xf32>
    %mul3A_563 = arith.mulf %reduce_sum3A_326, %get3A_562 : f32
    %add3A_564 = arith.addf %add3A_558, %mul3A_563 : f32
    %get3A_565 = arith.constant 2 : index
    %get3A_566 = arith.constant 113 : index
    %get3A_567 = vector.load %arg4[%get3A_565, %get3A_566] : memref<8x128xf32, #tpu.memory_space<vmem>>, vector<1x1xf32>
    %get3A_568 = vector.extract %get3A_567[0, 0] : f32 from vector<1x1xf32>
    %mul3A_569 = arith.mulf %reduce_sum3A_347, %get3A_568 : f32
    %add3A_570 = arith.addf %add3A_564, %mul3A_569 : f32
    %get3A_571 = arith.constant 2 : index
    %get3A_572 = arith.constant 121 : index
    %get3A_573 = vector.load %arg4[%get3A_571, %get3A_572] : memref<8x128xf32, #tpu.memory_space<vmem>>, vector<1x1xf32>
    %get3A_574 = vector.extract %get3A_573[0, 0] : f32 from vector<1x1xf32>
    %mul3A_575 = arith.mulf %reduce_sum3A_368, %get3A_574 : f32
    %add3A_576 = arith.addf %add3A_570, %mul3A_575 : f32
    %mul3A_577 = arith.mulf %add3A_576, %get3A_34 : f32
    %get3A_578 = arith.constant 3 : index
    %get3A_579 = arith.constant 1 : index
    %get3A_580 = vector.load %arg4[%get3A_578, %get3A_579] : memref<8x128xf32, #tpu.memory_space<vmem>>, vector<1x1xf32>
    %get3A_581 = vector.extract %get3A_580[0, 0] : f32 from vector<1x1xf32>
    %add3A_582 = arith.addf %mul3A_577, %get3A_581 : f32
    %max3A_583 = arith.constant 0.000000e+00 : f32
    %max3A_584 = arith.maximumf %add3A_582, %max3A_583 : f32
    %get3A_585 = arith.constant 4 : index
    %get3A_586 = arith.constant 1 : index
    %get3A_587 = vector.load %arg4[%get3A_585, %get3A_586] : memref<8x128xf32, #tpu.memory_space<vmem>>, vector<1x1xf32>
    %get3A_588 = vector.extract %get3A_587[0, 0] : f32 from vector<1x1xf32>
    %mul3A_589 = arith.mulf %max3A_584, %get3A_588 : f32
    %add3A_590 = arith.addf %add3A_481, %mul3A_589 : f32
    %get3A_591 = arith.constant 2 : index
    %get3A_592 = arith.constant 2 : index
    %get3A_593 = vector.load %arg4[%get3A_591, %get3A_592] : memref<8x128xf32, #tpu.memory_space<vmem>>, vector<1x1xf32>
    %get3A_594 = vector.extract %get3A_593[0, 0] : f32 from vector<1x1xf32>
    %mul3A_595 = arith.mulf %reduce_sum3A_53, %get3A_594 : f32
    %get3A_596 = arith.constant 2 : index
    %get3A_597 = arith.constant 10 : index
    %get3A_598 = vector.load %arg4[%get3A_596, %get3A_597] : memref<8x128xf32, #tpu.memory_space<vmem>>, vector<1x1xf32>
    %get3A_599 = vector.extract %get3A_598[0, 0] : f32 from vector<1x1xf32>
    %mul3A_600 = arith.mulf %reduce_sum3A_74, %get3A_599 : f32
    %add3A_601 = arith.addf %mul3A_595, %mul3A_600 : f32
    %get3A_602 = arith.constant 2 : index
    %get3A_603 = arith.constant 18 : index
    %get3A_604 = vector.load %arg4[%get3A_602, %get3A_603] : memref<8x128xf32, #tpu.memory_space<vmem>>, vector<1x1xf32>
    %get3A_605 = vector.extract %get3A_604[0, 0] : f32 from vector<1x1xf32>
    %mul3A_606 = arith.mulf %reduce_sum3A_95, %get3A_605 : f32
    %add3A_607 = arith.addf %add3A_601, %mul3A_606 : f32
    %get3A_608 = arith.constant 2 : index
    %get3A_609 = arith.constant 26 : index
    %get3A_610 = vector.load %arg4[%get3A_608, %get3A_609] : memref<8x128xf32, #tpu.memory_space<vmem>>, vector<1x1xf32>
    %get3A_611 = vector.extract %get3A_610[0, 0] : f32 from vector<1x1xf32>
    %mul3A_612 = arith.mulf %reduce_sum3A_116, %get3A_611 : f32
    %add3A_613 = arith.addf %add3A_607, %mul3A_612 : f32
    %get3A_614 = arith.constant 2 : index
    %get3A_615 = arith.constant 34 : index
    %get3A_616 = vector.load %arg4[%get3A_614, %get3A_615] : memref<8x128xf32, #tpu.memory_space<vmem>>, vector<1x1xf32>
    %get3A_617 = vector.extract %get3A_616[0, 0] : f32 from vector<1x1xf32>
    %mul3A_618 = arith.mulf %reduce_sum3A_137, %get3A_617 : f32
    %add3A_619 = arith.addf %add3A_613, %mul3A_618 : f32
    %get3A_620 = arith.constant 2 : index
    %get3A_621 = arith.constant 42 : index
    %get3A_622 = vector.load %arg4[%get3A_620, %get3A_621] : memref<8x128xf32, #tpu.memory_space<vmem>>, vector<1x1xf32>
    %get3A_623 = vector.extract %get3A_622[0, 0] : f32 from vector<1x1xf32>
    %mul3A_624 = arith.mulf %reduce_sum3A_158, %get3A_623 : f32
    %add3A_625 = arith.addf %add3A_619, %mul3A_624 : f32
    %get3A_626 = arith.constant 2 : index
    %get3A_627 = arith.constant 50 : index
    %get3A_628 = vector.load %arg4[%get3A_626, %get3A_627] : memref<8x128xf32, #tpu.memory_space<vmem>>, vector<1x1xf32>
    %get3A_629 = vector.extract %get3A_628[0, 0] : f32 from vector<1x1xf32>
    %mul3A_630 = arith.mulf %reduce_sum3A_179, %get3A_629 : f32
    %add3A_631 = arith.addf %add3A_625, %mul3A_630 : f32
    %get3A_632 = arith.constant 2 : index
    %get3A_633 = arith.constant 58 : index
    %get3A_634 = vector.load %arg4[%get3A_632, %get3A_633] : memref<8x128xf32, #tpu.memory_space<vmem>>, vector<1x1xf32>
    %get3A_635 = vector.extract %get3A_634[0, 0] : f32 from vector<1x1xf32>
    %mul3A_636 = arith.mulf %reduce_sum3A_200, %get3A_635 : f32
    %add3A_637 = arith.addf %add3A_631, %mul3A_636 : f32
    %get3A_638 = arith.constant 2 : index
    %get3A_639 = arith.constant 66 : index
    %get3A_640 = vector.load %arg4[%get3A_638, %get3A_639] : memref<8x128xf32, #tpu.memory_space<vmem>>, vector<1x1xf32>
    %get3A_641 = vector.extract %get3A_640[0, 0] : f32 from vector<1x1xf32>
    %mul3A_642 = arith.mulf %reduce_sum3A_221, %get3A_641 : f32
    %add3A_643 = arith.addf %add3A_637, %mul3A_642 : f32
    %get3A_644 = arith.constant 2 : index
    %get3A_645 = arith.constant 74 : index
    %get3A_646 = vector.load %arg4[%get3A_644, %get3A_645] : memref<8x128xf32, #tpu.memory_space<vmem>>, vector<1x1xf32>
    %get3A_647 = vector.extract %get3A_646[0, 0] : f32 from vector<1x1xf32>
    %mul3A_648 = arith.mulf %reduce_sum3A_242, %get3A_647 : f32
    %add3A_649 = arith.addf %add3A_643, %mul3A_648 : f32
    %get3A_650 = arith.constant 2 : index
    %get3A_651 = arith.constant 82 : index
    %get3A_652 = vector.load %arg4[%get3A_650, %get3A_651] : memref<8x128xf32, #tpu.memory_space<vmem>>, vector<1x1xf32>
    %get3A_653 = vector.extract %get3A_652[0, 0] : f32 from vector<1x1xf32>
    %mul3A_654 = arith.mulf %reduce_sum3A_263, %get3A_653 : f32
    %add3A_655 = arith.addf %add3A_649, %mul3A_654 : f32
    %get3A_656 = arith.constant 2 : index
    %get3A_657 = arith.constant 90 : index
    %get3A_658 = vector.load %arg4[%get3A_656, %get3A_657] : memref<8x128xf32, #tpu.memory_space<vmem>>, vector<1x1xf32>
    %get3A_659 = vector.extract %get3A_658[0, 0] : f32 from vector<1x1xf32>
    %mul3A_660 = arith.mulf %reduce_sum3A_284, %get3A_659 : f32
    %add3A_661 = arith.addf %add3A_655, %mul3A_660 : f32
    %get3A_662 = arith.constant 2 : index
    %get3A_663 = arith.constant 98 : index
    %get3A_664 = vector.load %arg4[%get3A_662, %get3A_663] : memref<8x128xf32, #tpu.memory_space<vmem>>, vector<1x1xf32>
    %get3A_665 = vector.extract %get3A_664[0, 0] : f32 from vector<1x1xf32>
    %mul3A_666 = arith.mulf %reduce_sum3A_305, %get3A_665 : f32
    %add3A_667 = arith.addf %add3A_661, %mul3A_666 : f32
    %get3A_668 = arith.constant 2 : index
    %get3A_669 = arith.constant 106 : index
    %get3A_670 = vector.load %arg4[%get3A_668, %get3A_669] : memref<8x128xf32, #tpu.memory_space<vmem>>, vector<1x1xf32>
    %get3A_671 = vector.extract %get3A_670[0, 0] : f32 from vector<1x1xf32>
    %mul3A_672 = arith.mulf %reduce_sum3A_326, %get3A_671 : f32
    %add3A_673 = arith.addf %add3A_667, %mul3A_672 : f32
    %get3A_674 = arith.constant 2 : index
    %get3A_675 = arith.constant 114 : index
    %get3A_676 = vector.load %arg4[%get3A_674, %get3A_675] : memref<8x128xf32, #tpu.memory_space<vmem>>, vector<1x1xf32>
    %get3A_677 = vector.extract %get3A_676[0, 0] : f32 from vector<1x1xf32>
    %mul3A_678 = arith.mulf %reduce_sum3A_347, %get3A_677 : f32
    %add3A_679 = arith.addf %add3A_673, %mul3A_678 : f32
    %get3A_680 = arith.constant 2 : index
    %get3A_681 = arith.constant 122 : index
    %get3A_682 = vector.load %arg4[%get3A_680, %get3A_681] : memref<8x128xf32, #tpu.memory_space<vmem>>, vector<1x1xf32>
    %get3A_683 = vector.extract %get3A_682[0, 0] : f32 from vector<1x1xf32>
    %mul3A_684 = arith.mulf %reduce_sum3A_368, %get3A_683 : f32
    %add3A_685 = arith.addf %add3A_679, %mul3A_684 : f32
    %mul3A_686 = arith.mulf %add3A_685, %get3A_34 : f32
    %get3A_687 = arith.constant 3 : index
    %get3A_688 = arith.constant 2 : index
    %get3A_689 = vector.load %arg4[%get3A_687, %get3A_688] : memref<8x128xf32, #tpu.memory_space<vmem>>, vector<1x1xf32>
    %get3A_690 = vector.extract %get3A_689[0, 0] : f32 from vector<1x1xf32>
    %add3A_691 = arith.addf %mul3A_686, %get3A_690 : f32
    %max3A_692 = arith.constant 0.000000e+00 : f32
    %max3A_693 = arith.maximumf %add3A_691, %max3A_692 : f32
    %get3A_694 = arith.constant 4 : index
    %get3A_695 = arith.constant 2 : index
    %get3A_696 = vector.load %arg4[%get3A_694, %get3A_695] : memref<8x128xf32, #tpu.memory_space<vmem>>, vector<1x1xf32>
    %get3A_697 = vector.extract %get3A_696[0, 0] : f32 from vector<1x1xf32>
    %mul3A_698 = arith.mulf %max3A_693, %get3A_697 : f32
    %add3A_699 = arith.addf %add3A_590, %mul3A_698 : f32
    %get3A_700 = arith.constant 2 : index
    %get3A_701 = arith.constant 3 : index
    %get3A_702 = vector.load %arg4[%get3A_700, %get3A_701] : memref<8x128xf32, #tpu.memory_space<vmem>>, vector<1x1xf32>
    %get3A_703 = vector.extract %get3A_702[0, 0] : f32 from vector<1x1xf32>
    %mul3A_704 = arith.mulf %reduce_sum3A_53, %get3A_703 : f32
    %get3A_705 = arith.constant 2 : index
    %get3A_706 = arith.constant 11 : index
    %get3A_707 = vector.load %arg4[%get3A_705, %get3A_706] : memref<8x128xf32, #tpu.memory_space<vmem>>, vector<1x1xf32>
    %get3A_708 = vector.extract %get3A_707[0, 0] : f32 from vector<1x1xf32>
    %mul3A_709 = arith.mulf %reduce_sum3A_74, %get3A_708 : f32
    %add3A_710 = arith.addf %mul3A_704, %mul3A_709 : f32
    %get3A_711 = arith.constant 2 : index
    %get3A_712 = arith.constant 19 : index
    %get3A_713 = vector.load %arg4[%get3A_711, %get3A_712] : memref<8x128xf32, #tpu.memory_space<vmem>>, vector<1x1xf32>
    %get3A_714 = vector.extract %get3A_713[0, 0] : f32 from vector<1x1xf32>
    %mul3A_715 = arith.mulf %reduce_sum3A_95, %get3A_714 : f32
    %add3A_716 = arith.addf %add3A_710, %mul3A_715 : f32
    %get3A_717 = arith.constant 2 : index
    %get3A_718 = arith.constant 27 : index
    %get3A_719 = vector.load %arg4[%get3A_717, %get3A_718] : memref<8x128xf32, #tpu.memory_space<vmem>>, vector<1x1xf32>
    %get3A_720 = vector.extract %get3A_719[0, 0] : f32 from vector<1x1xf32>
    %mul3A_721 = arith.mulf %reduce_sum3A_116, %get3A_720 : f32
    %add3A_722 = arith.addf %add3A_716, %mul3A_721 : f32
    %get3A_723 = arith.constant 2 : index
    %get3A_724 = arith.constant 35 : index
    %get3A_725 = vector.load %arg4[%get3A_723, %get3A_724] : memref<8x128xf32, #tpu.memory_space<vmem>>, vector<1x1xf32>
    %get3A_726 = vector.extract %get3A_725[0, 0] : f32 from vector<1x1xf32>
    %mul3A_727 = arith.mulf %reduce_sum3A_137, %get3A_726 : f32
    %add3A_728 = arith.addf %add3A_722, %mul3A_727 : f32
    %get3A_729 = arith.constant 2 : index
    %get3A_730 = arith.constant 43 : index
    %get3A_731 = vector.load %arg4[%get3A_729, %get3A_730] : memref<8x128xf32, #tpu.memory_space<vmem>>, vector<1x1xf32>
    %get3A_732 = vector.extract %get3A_731[0, 0] : f32 from vector<1x1xf32>
    %mul3A_733 = arith.mulf %reduce_sum3A_158, %get3A_732 : f32
    %add3A_734 = arith.addf %add3A_728, %mul3A_733 : f32
    %get3A_735 = arith.constant 2 : index
    %get3A_736 = arith.constant 51 : index
    %get3A_737 = vector.load %arg4[%get3A_735, %get3A_736] : memref<8x128xf32, #tpu.memory_space<vmem>>, vector<1x1xf32>
    %get3A_738 = vector.extract %get3A_737[0, 0] : f32 from vector<1x1xf32>
    %mul3A_739 = arith.mulf %reduce_sum3A_179, %get3A_738 : f32
    %add3A_740 = arith.addf %add3A_734, %mul3A_739 : f32
    %get3A_741 = arith.constant 2 : index
    %get3A_742 = arith.constant 59 : index
    %get3A_743 = vector.load %arg4[%get3A_741, %get3A_742] : memref<8x128xf32, #tpu.memory_space<vmem>>, vector<1x1xf32>
    %get3A_744 = vector.extract %get3A_743[0, 0] : f32 from vector<1x1xf32>
    %mul3A_745 = arith.mulf %reduce_sum3A_200, %get3A_744 : f32
    %add3A_746 = arith.addf %add3A_740, %mul3A_745 : f32
    %get3A_747 = arith.constant 2 : index
    %get3A_748 = arith.constant 67 : index
    %get3A_749 = vector.load %arg4[%get3A_747, %get3A_748] : memref<8x128xf32, #tpu.memory_space<vmem>>, vector<1x1xf32>
    %get3A_750 = vector.extract %get3A_749[0, 0] : f32 from vector<1x1xf32>
    %mul3A_751 = arith.mulf %reduce_sum3A_221, %get3A_750 : f32
    %add3A_752 = arith.addf %add3A_746, %mul3A_751 : f32
    %get3A_753 = arith.constant 2 : index
    %get3A_754 = arith.constant 75 : index
    %get3A_755 = vector.load %arg4[%get3A_753, %get3A_754] : memref<8x128xf32, #tpu.memory_space<vmem>>, vector<1x1xf32>
    %get3A_756 = vector.extract %get3A_755[0, 0] : f32 from vector<1x1xf32>
    %mul3A_757 = arith.mulf %reduce_sum3A_242, %get3A_756 : f32
    %add3A_758 = arith.addf %add3A_752, %mul3A_757 : f32
    %get3A_759 = arith.constant 2 : index
    %get3A_760 = arith.constant 83 : index
    %get3A_761 = vector.load %arg4[%get3A_759, %get3A_760] : memref<8x128xf32, #tpu.memory_space<vmem>>, vector<1x1xf32>
    %get3A_762 = vector.extract %get3A_761[0, 0] : f32 from vector<1x1xf32>
    %mul3A_763 = arith.mulf %reduce_sum3A_263, %get3A_762 : f32
    %add3A_764 = arith.addf %add3A_758, %mul3A_763 : f32
    %get3A_765 = arith.constant 2 : index
    %get3A_766 = arith.constant 91 : index
    %get3A_767 = vector.load %arg4[%get3A_765, %get3A_766] : memref<8x128xf32, #tpu.memory_space<vmem>>, vector<1x1xf32>
    %get3A_768 = vector.extract %get3A_767[0, 0] : f32 from vector<1x1xf32>
    %mul3A_769 = arith.mulf %reduce_sum3A_284, %get3A_768 : f32
    %add3A_770 = arith.addf %add3A_764, %mul3A_769 : f32
    %get3A_771 = arith.constant 2 : index
    %get3A_772 = arith.constant 99 : index
    %get3A_773 = vector.load %arg4[%get3A_771, %get3A_772] : memref<8x128xf32, #tpu.memory_space<vmem>>, vector<1x1xf32>
    %get3A_774 = vector.extract %get3A_773[0, 0] : f32 from vector<1x1xf32>
    %mul3A_775 = arith.mulf %reduce_sum3A_305, %get3A_774 : f32
    %add3A_776 = arith.addf %add3A_770, %mul3A_775 : f32
    %get3A_777 = arith.constant 2 : index
    %get3A_778 = arith.constant 107 : index
    %get3A_779 = vector.load %arg4[%get3A_777, %get3A_778] : memref<8x128xf32, #tpu.memory_space<vmem>>, vector<1x1xf32>
    %get3A_780 = vector.extract %get3A_779[0, 0] : f32 from vector<1x1xf32>
    %mul3A_781 = arith.mulf %reduce_sum3A_326, %get3A_780 : f32
    %add3A_782 = arith.addf %add3A_776, %mul3A_781 : f32
    %get3A_783 = arith.constant 2 : index
    %get3A_784 = arith.constant 115 : index
    %get3A_785 = vector.load %arg4[%get3A_783, %get3A_784] : memref<8x128xf32, #tpu.memory_space<vmem>>, vector<1x1xf32>
    %get3A_786 = vector.extract %get3A_785[0, 0] : f32 from vector<1x1xf32>
    %mul3A_787 = arith.mulf %reduce_sum3A_347, %get3A_786 : f32
    %add3A_788 = arith.addf %add3A_782, %mul3A_787 : f32
    %get3A_789 = arith.constant 2 : index
    %get3A_790 = arith.constant 123 : index
    %get3A_791 = vector.load %arg4[%get3A_789, %get3A_790] : memref<8x128xf32, #tpu.memory_space<vmem>>, vector<1x1xf32>
    %get3A_792 = vector.extract %get3A_791[0, 0] : f32 from vector<1x1xf32>
    %mul3A_793 = arith.mulf %reduce_sum3A_368, %get3A_792 : f32
    %add3A_794 = arith.addf %add3A_788, %mul3A_793 : f32
    %mul3A_795 = arith.mulf %add3A_794, %get3A_34 : f32
    %get3A_796 = arith.constant 3 : index
    %get3A_797 = arith.constant 3 : index
    %get3A_798 = vector.load %arg4[%get3A_796, %get3A_797] : memref<8x128xf32, #tpu.memory_space<vmem>>, vector<1x1xf32>
    %get3A_799 = vector.extract %get3A_798[0, 0] : f32 from vector<1x1xf32>
    %add3A_800 = arith.addf %mul3A_795, %get3A_799 : f32
    %max3A_801 = arith.constant 0.000000e+00 : f32
    %max3A_802 = arith.maximumf %add3A_800, %max3A_801 : f32
    %get3A_803 = arith.constant 4 : index
    %get3A_804 = arith.constant 3 : index
    %get3A_805 = vector.load %arg4[%get3A_803, %get3A_804] : memref<8x128xf32, #tpu.memory_space<vmem>>, vector<1x1xf32>
    %get3A_806 = vector.extract %get3A_805[0, 0] : f32 from vector<1x1xf32>
    %mul3A_807 = arith.mulf %max3A_802, %get3A_806 : f32
    %add3A_808 = arith.addf %add3A_699, %mul3A_807 : f32
    %get3A_809 = arith.constant 2 : index
    %get3A_810 = arith.constant 4 : index
    %get3A_811 = vector.load %arg4[%get3A_809, %get3A_810] : memref<8x128xf32, #tpu.memory_space<vmem>>, vector<1x1xf32>
    %get3A_812 = vector.extract %get3A_811[0, 0] : f32 from vector<1x1xf32>
    %mul3A_813 = arith.mulf %reduce_sum3A_53, %get3A_812 : f32
    %get3A_814 = arith.constant 2 : index
    %get3A_815 = arith.constant 12 : index
    %get3A_816 = vector.load %arg4[%get3A_814, %get3A_815] : memref<8x128xf32, #tpu.memory_space<vmem>>, vector<1x1xf32>
    %get3A_817 = vector.extract %get3A_816[0, 0] : f32 from vector<1x1xf32>
    %mul3A_818 = arith.mulf %reduce_sum3A_74, %get3A_817 : f32
    %add3A_819 = arith.addf %mul3A_813, %mul3A_818 : f32
    %get3A_820 = arith.constant 2 : index
    %get3A_821 = arith.constant 20 : index
    %get3A_822 = vector.load %arg4[%get3A_820, %get3A_821] : memref<8x128xf32, #tpu.memory_space<vmem>>, vector<1x1xf32>
    %get3A_823 = vector.extract %get3A_822[0, 0] : f32 from vector<1x1xf32>
    %mul3A_824 = arith.mulf %reduce_sum3A_95, %get3A_823 : f32
    %add3A_825 = arith.addf %add3A_819, %mul3A_824 : f32
    %get3A_826 = arith.constant 2 : index
    %get3A_827 = arith.constant 28 : index
    %get3A_828 = vector.load %arg4[%get3A_826, %get3A_827] : memref<8x128xf32, #tpu.memory_space<vmem>>, vector<1x1xf32>
    %get3A_829 = vector.extract %get3A_828[0, 0] : f32 from vector<1x1xf32>
    %mul3A_830 = arith.mulf %reduce_sum3A_116, %get3A_829 : f32
    %add3A_831 = arith.addf %add3A_825, %mul3A_830 : f32
    %get3A_832 = arith.constant 2 : index
    %get3A_833 = arith.constant 36 : index
    %get3A_834 = vector.load %arg4[%get3A_832, %get3A_833] : memref<8x128xf32, #tpu.memory_space<vmem>>, vector<1x1xf32>
    %get3A_835 = vector.extract %get3A_834[0, 0] : f32 from vector<1x1xf32>
    %mul3A_836 = arith.mulf %reduce_sum3A_137, %get3A_835 : f32
    %add3A_837 = arith.addf %add3A_831, %mul3A_836 : f32
    %get3A_838 = arith.constant 2 : index
    %get3A_839 = arith.constant 44 : index
    %get3A_840 = vector.load %arg4[%get3A_838, %get3A_839] : memref<8x128xf32, #tpu.memory_space<vmem>>, vector<1x1xf32>
    %get3A_841 = vector.extract %get3A_840[0, 0] : f32 from vector<1x1xf32>
    %mul3A_842 = arith.mulf %reduce_sum3A_158, %get3A_841 : f32
    %add3A_843 = arith.addf %add3A_837, %mul3A_842 : f32
    %get3A_844 = arith.constant 2 : index
    %get3A_845 = arith.constant 52 : index
    %get3A_846 = vector.load %arg4[%get3A_844, %get3A_845] : memref<8x128xf32, #tpu.memory_space<vmem>>, vector<1x1xf32>
    %get3A_847 = vector.extract %get3A_846[0, 0] : f32 from vector<1x1xf32>
    %mul3A_848 = arith.mulf %reduce_sum3A_179, %get3A_847 : f32
    %add3A_849 = arith.addf %add3A_843, %mul3A_848 : f32
    %get3A_850 = arith.constant 2 : index
    %get3A_851 = arith.constant 60 : index
    %get3A_852 = vector.load %arg4[%get3A_850, %get3A_851] : memref<8x128xf32, #tpu.memory_space<vmem>>, vector<1x1xf32>
    %get3A_853 = vector.extract %get3A_852[0, 0] : f32 from vector<1x1xf32>
    %mul3A_854 = arith.mulf %reduce_sum3A_200, %get3A_853 : f32
    %add3A_855 = arith.addf %add3A_849, %mul3A_854 : f32
    %get3A_856 = arith.constant 2 : index
    %get3A_857 = arith.constant 68 : index
    %get3A_858 = vector.load %arg4[%get3A_856, %get3A_857] : memref<8x128xf32, #tpu.memory_space<vmem>>, vector<1x1xf32>
    %get3A_859 = vector.extract %get3A_858[0, 0] : f32 from vector<1x1xf32>
    %mul3A_860 = arith.mulf %reduce_sum3A_221, %get3A_859 : f32
    %add3A_861 = arith.addf %add3A_855, %mul3A_860 : f32
    %get3A_862 = arith.constant 2 : index
    %get3A_863 = arith.constant 76 : index
    %get3A_864 = vector.load %arg4[%get3A_862, %get3A_863] : memref<8x128xf32, #tpu.memory_space<vmem>>, vector<1x1xf32>
    %get3A_865 = vector.extract %get3A_864[0, 0] : f32 from vector<1x1xf32>
    %mul3A_866 = arith.mulf %reduce_sum3A_242, %get3A_865 : f32
    %add3A_867 = arith.addf %add3A_861, %mul3A_866 : f32
    %get3A_868 = arith.constant 2 : index
    %get3A_869 = arith.constant 84 : index
    %get3A_870 = vector.load %arg4[%get3A_868, %get3A_869] : memref<8x128xf32, #tpu.memory_space<vmem>>, vector<1x1xf32>
    %get3A_871 = vector.extract %get3A_870[0, 0] : f32 from vector<1x1xf32>
    %mul3A_872 = arith.mulf %reduce_sum3A_263, %get3A_871 : f32
    %add3A_873 = arith.addf %add3A_867, %mul3A_872 : f32
    %get3A_874 = arith.constant 2 : index
    %get3A_875 = arith.constant 92 : index
    %get3A_876 = vector.load %arg4[%get3A_874, %get3A_875] : memref<8x128xf32, #tpu.memory_space<vmem>>, vector<1x1xf32>
    %get3A_877 = vector.extract %get3A_876[0, 0] : f32 from vector<1x1xf32>
    %mul3A_878 = arith.mulf %reduce_sum3A_284, %get3A_877 : f32
    %add3A_879 = arith.addf %add3A_873, %mul3A_878 : f32
    %get3A_880 = arith.constant 2 : index
    %get3A_881 = arith.constant 100 : index
    %get3A_882 = vector.load %arg4[%get3A_880, %get3A_881] : memref<8x128xf32, #tpu.memory_space<vmem>>, vector<1x1xf32>
    %get3A_883 = vector.extract %get3A_882[0, 0] : f32 from vector<1x1xf32>
    %mul3A_884 = arith.mulf %reduce_sum3A_305, %get3A_883 : f32
    %add3A_885 = arith.addf %add3A_879, %mul3A_884 : f32
    %get3A_886 = arith.constant 2 : index
    %get3A_887 = arith.constant 108 : index
    %get3A_888 = vector.load %arg4[%get3A_886, %get3A_887] : memref<8x128xf32, #tpu.memory_space<vmem>>, vector<1x1xf32>
    %get3A_889 = vector.extract %get3A_888[0, 0] : f32 from vector<1x1xf32>
    %mul3A_890 = arith.mulf %reduce_sum3A_326, %get3A_889 : f32
    %add3A_891 = arith.addf %add3A_885, %mul3A_890 : f32
    %get3A_892 = arith.constant 2 : index
    %get3A_893 = arith.constant 116 : index
    %get3A_894 = vector.load %arg4[%get3A_892, %get3A_893] : memref<8x128xf32, #tpu.memory_space<vmem>>, vector<1x1xf32>
    %get3A_895 = vector.extract %get3A_894[0, 0] : f32 from vector<1x1xf32>
    %mul3A_896 = arith.mulf %reduce_sum3A_347, %get3A_895 : f32
    %add3A_897 = arith.addf %add3A_891, %mul3A_896 : f32
    %get3A_898 = arith.constant 2 : index
    %get3A_899 = arith.constant 124 : index
    %get3A_900 = vector.load %arg4[%get3A_898, %get3A_899] : memref<8x128xf32, #tpu.memory_space<vmem>>, vector<1x1xf32>
    %get3A_901 = vector.extract %get3A_900[0, 0] : f32 from vector<1x1xf32>
    %mul3A_902 = arith.mulf %reduce_sum3A_368, %get3A_901 : f32
    %add3A_903 = arith.addf %add3A_897, %mul3A_902 : f32
    %mul3A_904 = arith.mulf %add3A_903, %get3A_34 : f32
    %get3A_905 = arith.constant 3 : index
    %get3A_906 = arith.constant 4 : index
    %get3A_907 = vector.load %arg4[%get3A_905, %get3A_906] : memref<8x128xf32, #tpu.memory_space<vmem>>, vector<1x1xf32>
    %get3A_908 = vector.extract %get3A_907[0, 0] : f32 from vector<1x1xf32>
    %add3A_909 = arith.addf %mul3A_904, %get3A_908 : f32
    %max3A_910 = arith.constant 0.000000e+00 : f32
    %max3A_911 = arith.maximumf %add3A_909, %max3A_910 : f32
    %get3A_912 = arith.constant 4 : index
    %get3A_913 = arith.constant 4 : index
    %get3A_914 = vector.load %arg4[%get3A_912, %get3A_913] : memref<8x128xf32, #tpu.memory_space<vmem>>, vector<1x1xf32>
    %get3A_915 = vector.extract %get3A_914[0, 0] : f32 from vector<1x1xf32>
    %mul3A_916 = arith.mulf %max3A_911, %get3A_915 : f32
    %add3A_917 = arith.addf %add3A_808, %mul3A_916 : f32
    %get3A_918 = arith.constant 2 : index
    %get3A_919 = arith.constant 5 : index
    %get3A_920 = vector.load %arg4[%get3A_918, %get3A_919] : memref<8x128xf32, #tpu.memory_space<vmem>>, vector<1x1xf32>
    %get3A_921 = vector.extract %get3A_920[0, 0] : f32 from vector<1x1xf32>
    %mul3A_922 = arith.mulf %reduce_sum3A_53, %get3A_921 : f32
    %get3A_923 = arith.constant 2 : index
    %get3A_924 = arith.constant 13 : index
    %get3A_925 = vector.load %arg4[%get3A_923, %get3A_924] : memref<8x128xf32, #tpu.memory_space<vmem>>, vector<1x1xf32>
    %get3A_926 = vector.extract %get3A_925[0, 0] : f32 from vector<1x1xf32>
    %mul3A_927 = arith.mulf %reduce_sum3A_74, %get3A_926 : f32
    %add3A_928 = arith.addf %mul3A_922, %mul3A_927 : f32
    %get3A_929 = arith.constant 2 : index
    %get3A_930 = arith.constant 21 : index
    %get3A_931 = vector.load %arg4[%get3A_929, %get3A_930] : memref<8x128xf32, #tpu.memory_space<vmem>>, vector<1x1xf32>
    %get3A_932 = vector.extract %get3A_931[0, 0] : f32 from vector<1x1xf32>
    %mul3A_933 = arith.mulf %reduce_sum3A_95, %get3A_932 : f32
    %add3A_934 = arith.addf %add3A_928, %mul3A_933 : f32
    %get3A_935 = arith.constant 2 : index
    %get3A_936 = arith.constant 29 : index
    %get3A_937 = vector.load %arg4[%get3A_935, %get3A_936] : memref<8x128xf32, #tpu.memory_space<vmem>>, vector<1x1xf32>
    %get3A_938 = vector.extract %get3A_937[0, 0] : f32 from vector<1x1xf32>
    %mul3A_939 = arith.mulf %reduce_sum3A_116, %get3A_938 : f32
    %add3A_940 = arith.addf %add3A_934, %mul3A_939 : f32
    %get3A_941 = arith.constant 2 : index
    %get3A_942 = arith.constant 37 : index
    %get3A_943 = vector.load %arg4[%get3A_941, %get3A_942] : memref<8x128xf32, #tpu.memory_space<vmem>>, vector<1x1xf32>
    %get3A_944 = vector.extract %get3A_943[0, 0] : f32 from vector<1x1xf32>
    %mul3A_945 = arith.mulf %reduce_sum3A_137, %get3A_944 : f32
    %add3A_946 = arith.addf %add3A_940, %mul3A_945 : f32
    %get3A_947 = arith.constant 2 : index
    %get3A_948 = arith.constant 45 : index
    %get3A_949 = vector.load %arg4[%get3A_947, %get3A_948] : memref<8x128xf32, #tpu.memory_space<vmem>>, vector<1x1xf32>
    %get3A_950 = vector.extract %get3A_949[0, 0] : f32 from vector<1x1xf32>
    %mul3A_951 = arith.mulf %reduce_sum3A_158, %get3A_950 : f32
    %add3A_952 = arith.addf %add3A_946, %mul3A_951 : f32
    %get3A_953 = arith.constant 2 : index
    %get3A_954 = arith.constant 53 : index
    %get3A_955 = vector.load %arg4[%get3A_953, %get3A_954] : memref<8x128xf32, #tpu.memory_space<vmem>>, vector<1x1xf32>
    %get3A_956 = vector.extract %get3A_955[0, 0] : f32 from vector<1x1xf32>
    %mul3A_957 = arith.mulf %reduce_sum3A_179, %get3A_956 : f32
    %add3A_958 = arith.addf %add3A_952, %mul3A_957 : f32
    %get3A_959 = arith.constant 2 : index
    %get3A_960 = arith.constant 61 : index
    %get3A_961 = vector.load %arg4[%get3A_959, %get3A_960] : memref<8x128xf32, #tpu.memory_space<vmem>>, vector<1x1xf32>
    %get3A_962 = vector.extract %get3A_961[0, 0] : f32 from vector<1x1xf32>
    %mul3A_963 = arith.mulf %reduce_sum3A_200, %get3A_962 : f32
    %add3A_964 = arith.addf %add3A_958, %mul3A_963 : f32
    %get3A_965 = arith.constant 2 : index
    %get3A_966 = arith.constant 69 : index
    %get3A_967 = vector.load %arg4[%get3A_965, %get3A_966] : memref<8x128xf32, #tpu.memory_space<vmem>>, vector<1x1xf32>
    %get3A_968 = vector.extract %get3A_967[0, 0] : f32 from vector<1x1xf32>
    %mul3A_969 = arith.mulf %reduce_sum3A_221, %get3A_968 : f32
    %add3A_970 = arith.addf %add3A_964, %mul3A_969 : f32
    %get3A_971 = arith.constant 2 : index
    %get3A_972 = arith.constant 77 : index
    %get3A_973 = vector.load %arg4[%get3A_971, %get3A_972] : memref<8x128xf32, #tpu.memory_space<vmem>>, vector<1x1xf32>
    %get3A_974 = vector.extract %get3A_973[0, 0] : f32 from vector<1x1xf32>
    %mul3A_975 = arith.mulf %reduce_sum3A_242, %get3A_974 : f32
    %add3A_976 = arith.addf %add3A_970, %mul3A_975 : f32
    %get3A_977 = arith.constant 2 : index
    %get3A_978 = arith.constant 85 : index
    %get3A_979 = vector.load %arg4[%get3A_977, %get3A_978] : memref<8x128xf32, #tpu.memory_space<vmem>>, vector<1x1xf32>
    %get3A_980 = vector.extract %get3A_979[0, 0] : f32 from vector<1x1xf32>
    %mul3A_981 = arith.mulf %reduce_sum3A_263, %get3A_980 : f32
    %add3A_982 = arith.addf %add3A_976, %mul3A_981 : f32
    %get3A_983 = arith.constant 2 : index
    %get3A_984 = arith.constant 93 : index
    %get3A_985 = vector.load %arg4[%get3A_983, %get3A_984] : memref<8x128xf32, #tpu.memory_space<vmem>>, vector<1x1xf32>
    %get3A_986 = vector.extract %get3A_985[0, 0] : f32 from vector<1x1xf32>
    %mul3A_987 = arith.mulf %reduce_sum3A_284, %get3A_986 : f32
    %add3A_988 = arith.addf %add3A_982, %mul3A_987 : f32
    %get3A_989 = arith.constant 2 : index
    %get3A_990 = arith.constant 101 : index
    %get3A_991 = vector.load %arg4[%get3A_989, %get3A_990] : memref<8x128xf32, #tpu.memory_space<vmem>>, vector<1x1xf32>
    %get3A_992 = vector.extract %get3A_991[0, 0] : f32 from vector<1x1xf32>
    %mul3A_993 = arith.mulf %reduce_sum3A_305, %get3A_992 : f32
    %add3A_994 = arith.addf %add3A_988, %mul3A_993 : f32
    %get3A_995 = arith.constant 2 : index
    %get3A_996 = arith.constant 109 : index
    %get3A_997 = vector.load %arg4[%get3A_995, %get3A_996] : memref<8x128xf32, #tpu.memory_space<vmem>>, vector<1x1xf32>
    %get3A_998 = vector.extract %get3A_997[0, 0] : f32 from vector<1x1xf32>
    %mul3A_999 = arith.mulf %reduce_sum3A_326, %get3A_998 : f32
    %add3A_1000 = arith.addf %add3A_994, %mul3A_999 : f32
    %get3A_1001 = arith.constant 2 : index
    %get3A_1002 = arith.constant 117 : index
    %get3A_1003 = vector.load %arg4[%get3A_1001, %get3A_1002] : memref<8x128xf32, #tpu.memory_space<vmem>>, vector<1x1xf32>
    %get3A_1004 = vector.extract %get3A_1003[0, 0] : f32 from vector<1x1xf32>
    %mul3A_1005 = arith.mulf %reduce_sum3A_347, %get3A_1004 : f32
    %add3A_1006 = arith.addf %add3A_1000, %mul3A_1005 : f32
    %get3A_1007 = arith.constant 2 : index
    %get3A_1008 = arith.constant 125 : index
    %get3A_1009 = vector.load %arg4[%get3A_1007, %get3A_1008] : memref<8x128xf32, #tpu.memory_space<vmem>>, vector<1x1xf32>
    %get3A_1010 = vector.extract %get3A_1009[0, 0] : f32 from vector<1x1xf32>
    %mul3A_1011 = arith.mulf %reduce_sum3A_368, %get3A_1010 : f32
    %add3A_1012 = arith.addf %add3A_1006, %mul3A_1011 : f32
    %mul3A_1013 = arith.mulf %add3A_1012, %get3A_34 : f32
    %get3A_1014 = arith.constant 3 : index
    %get3A_1015 = arith.constant 5 : index
    %get3A_1016 = vector.load %arg4[%get3A_1014, %get3A_1015] : memref<8x128xf32, #tpu.memory_space<vmem>>, vector<1x1xf32>
    %get3A_1017 = vector.extract %get3A_1016[0, 0] : f32 from vector<1x1xf32>
    %add3A_1018 = arith.addf %mul3A_1013, %get3A_1017 : f32
    %max3A_1019 = arith.constant 0.000000e+00 : f32
    %max3A_1020 = arith.maximumf %add3A_1018, %max3A_1019 : f32
    %get3A_1021 = arith.constant 4 : index
    %get3A_1022 = arith.constant 5 : index
    %get3A_1023 = vector.load %arg4[%get3A_1021, %get3A_1022] : memref<8x128xf32, #tpu.memory_space<vmem>>, vector<1x1xf32>
    %get3A_1024 = vector.extract %get3A_1023[0, 0] : f32 from vector<1x1xf32>
    %mul3A_1025 = arith.mulf %max3A_1020, %get3A_1024 : f32
    %add3A_1026 = arith.addf %add3A_917, %mul3A_1025 : f32
    %get3A_1027 = arith.constant 2 : index
    %get3A_1028 = arith.constant 6 : index
    %get3A_1029 = vector.load %arg4[%get3A_1027, %get3A_1028] : memref<8x128xf32, #tpu.memory_space<vmem>>, vector<1x1xf32>
    %get3A_1030 = vector.extract %get3A_1029[0, 0] : f32 from vector<1x1xf32>
    %mul3A_1031 = arith.mulf %reduce_sum3A_53, %get3A_1030 : f32
    %get3A_1032 = arith.constant 2 : index
    %get3A_1033 = arith.constant 14 : index
    %get3A_1034 = vector.load %arg4[%get3A_1032, %get3A_1033] : memref<8x128xf32, #tpu.memory_space<vmem>>, vector<1x1xf32>
    %get3A_1035 = vector.extract %get3A_1034[0, 0] : f32 from vector<1x1xf32>
    %mul3A_1036 = arith.mulf %reduce_sum3A_74, %get3A_1035 : f32
    %add3A_1037 = arith.addf %mul3A_1031, %mul3A_1036 : f32
    %get3A_1038 = arith.constant 2 : index
    %get3A_1039 = arith.constant 22 : index
    %get3A_1040 = vector.load %arg4[%get3A_1038, %get3A_1039] : memref<8x128xf32, #tpu.memory_space<vmem>>, vector<1x1xf32>
    %get3A_1041 = vector.extract %get3A_1040[0, 0] : f32 from vector<1x1xf32>
    %mul3A_1042 = arith.mulf %reduce_sum3A_95, %get3A_1041 : f32
    %add3A_1043 = arith.addf %add3A_1037, %mul3A_1042 : f32
    %get3A_1044 = arith.constant 2 : index
    %get3A_1045 = arith.constant 30 : index
    %get3A_1046 = vector.load %arg4[%get3A_1044, %get3A_1045] : memref<8x128xf32, #tpu.memory_space<vmem>>, vector<1x1xf32>
    %get3A_1047 = vector.extract %get3A_1046[0, 0] : f32 from vector<1x1xf32>
    %mul3A_1048 = arith.mulf %reduce_sum3A_116, %get3A_1047 : f32
    %add3A_1049 = arith.addf %add3A_1043, %mul3A_1048 : f32
    %get3A_1050 = arith.constant 2 : index
    %get3A_1051 = arith.constant 38 : index
    %get3A_1052 = vector.load %arg4[%get3A_1050, %get3A_1051] : memref<8x128xf32, #tpu.memory_space<vmem>>, vector<1x1xf32>
    %get3A_1053 = vector.extract %get3A_1052[0, 0] : f32 from vector<1x1xf32>
    %mul3A_1054 = arith.mulf %reduce_sum3A_137, %get3A_1053 : f32
    %add3A_1055 = arith.addf %add3A_1049, %mul3A_1054 : f32
    %get3A_1056 = arith.constant 2 : index
    %get3A_1057 = arith.constant 46 : index
    %get3A_1058 = vector.load %arg4[%get3A_1056, %get3A_1057] : memref<8x128xf32, #tpu.memory_space<vmem>>, vector<1x1xf32>
    %get3A_1059 = vector.extract %get3A_1058[0, 0] : f32 from vector<1x1xf32>
    %mul3A_1060 = arith.mulf %reduce_sum3A_158, %get3A_1059 : f32
    %add3A_1061 = arith.addf %add3A_1055, %mul3A_1060 : f32
    %get3A_1062 = arith.constant 2 : index
    %get3A_1063 = arith.constant 54 : index
    %get3A_1064 = vector.load %arg4[%get3A_1062, %get3A_1063] : memref<8x128xf32, #tpu.memory_space<vmem>>, vector<1x1xf32>
    %get3A_1065 = vector.extract %get3A_1064[0, 0] : f32 from vector<1x1xf32>
    %mul3A_1066 = arith.mulf %reduce_sum3A_179, %get3A_1065 : f32
    %add3A_1067 = arith.addf %add3A_1061, %mul3A_1066 : f32
    %get3A_1068 = arith.constant 2 : index
    %get3A_1069 = arith.constant 62 : index
    %get3A_1070 = vector.load %arg4[%get3A_1068, %get3A_1069] : memref<8x128xf32, #tpu.memory_space<vmem>>, vector<1x1xf32>
    %get3A_1071 = vector.extract %get3A_1070[0, 0] : f32 from vector<1x1xf32>
    %mul3A_1072 = arith.mulf %reduce_sum3A_200, %get3A_1071 : f32
    %add3A_1073 = arith.addf %add3A_1067, %mul3A_1072 : f32
    %get3A_1074 = arith.constant 2 : index
    %get3A_1075 = arith.constant 70 : index
    %get3A_1076 = vector.load %arg4[%get3A_1074, %get3A_1075] : memref<8x128xf32, #tpu.memory_space<vmem>>, vector<1x1xf32>
    %get3A_1077 = vector.extract %get3A_1076[0, 0] : f32 from vector<1x1xf32>
    %mul3A_1078 = arith.mulf %reduce_sum3A_221, %get3A_1077 : f32
    %add3A_1079 = arith.addf %add3A_1073, %mul3A_1078 : f32
    %get3A_1080 = arith.constant 2 : index
    %get3A_1081 = arith.constant 78 : index
    %get3A_1082 = vector.load %arg4[%get3A_1080, %get3A_1081] : memref<8x128xf32, #tpu.memory_space<vmem>>, vector<1x1xf32>
    %get3A_1083 = vector.extract %get3A_1082[0, 0] : f32 from vector<1x1xf32>
    %mul3A_1084 = arith.mulf %reduce_sum3A_242, %get3A_1083 : f32
    %add3A_1085 = arith.addf %add3A_1079, %mul3A_1084 : f32
    %get3A_1086 = arith.constant 2 : index
    %get3A_1087 = arith.constant 86 : index
    %get3A_1088 = vector.load %arg4[%get3A_1086, %get3A_1087] : memref<8x128xf32, #tpu.memory_space<vmem>>, vector<1x1xf32>
    %get3A_1089 = vector.extract %get3A_1088[0, 0] : f32 from vector<1x1xf32>
    %mul3A_1090 = arith.mulf %reduce_sum3A_263, %get3A_1089 : f32
    %add3A_1091 = arith.addf %add3A_1085, %mul3A_1090 : f32
    %get3A_1092 = arith.constant 2 : index
    %get3A_1093 = arith.constant 94 : index
    %get3A_1094 = vector.load %arg4[%get3A_1092, %get3A_1093] : memref<8x128xf32, #tpu.memory_space<vmem>>, vector<1x1xf32>
    %get3A_1095 = vector.extract %get3A_1094[0, 0] : f32 from vector<1x1xf32>
    %mul3A_1096 = arith.mulf %reduce_sum3A_284, %get3A_1095 : f32
    %add3A_1097 = arith.addf %add3A_1091, %mul3A_1096 : f32
    %get3A_1098 = arith.constant 2 : index
    %get3A_1099 = arith.constant 102 : index
    %get3A_1100 = vector.load %arg4[%get3A_1098, %get3A_1099] : memref<8x128xf32, #tpu.memory_space<vmem>>, vector<1x1xf32>
    %get3A_1101 = vector.extract %get3A_1100[0, 0] : f32 from vector<1x1xf32>
    %mul3A_1102 = arith.mulf %reduce_sum3A_305, %get3A_1101 : f32
    %add3A_1103 = arith.addf %add3A_1097, %mul3A_1102 : f32
    %get3A_1104 = arith.constant 2 : index
    %get3A_1105 = arith.constant 110 : index
    %get3A_1106 = vector.load %arg4[%get3A_1104, %get3A_1105] : memref<8x128xf32, #tpu.memory_space<vmem>>, vector<1x1xf32>
    %get3A_1107 = vector.extract %get3A_1106[0, 0] : f32 from vector<1x1xf32>
    %mul3A_1108 = arith.mulf %reduce_sum3A_326, %get3A_1107 : f32
    %add3A_1109 = arith.addf %add3A_1103, %mul3A_1108 : f32
    %get3A_1110 = arith.constant 2 : index
    %get3A_1111 = arith.constant 118 : index
    %get3A_1112 = vector.load %arg4[%get3A_1110, %get3A_1111] : memref<8x128xf32, #tpu.memory_space<vmem>>, vector<1x1xf32>
    %get3A_1113 = vector.extract %get3A_1112[0, 0] : f32 from vector<1x1xf32>
    %mul3A_1114 = arith.mulf %reduce_sum3A_347, %get3A_1113 : f32
    %add3A_1115 = arith.addf %add3A_1109, %mul3A_1114 : f32
    %get3A_1116 = arith.constant 2 : index
    %get3A_1117 = arith.constant 126 : index
    %get3A_1118 = vector.load %arg4[%get3A_1116, %get3A_1117] : memref<8x128xf32, #tpu.memory_space<vmem>>, vector<1x1xf32>
    %get3A_1119 = vector.extract %get3A_1118[0, 0] : f32 from vector<1x1xf32>
    %mul3A_1120 = arith.mulf %reduce_sum3A_368, %get3A_1119 : f32
    %add3A_1121 = arith.addf %add3A_1115, %mul3A_1120 : f32
    %mul3A_1122 = arith.mulf %add3A_1121, %get3A_34 : f32
    %get3A_1123 = arith.constant 3 : index
    %get3A_1124 = arith.constant 6 : index
    %get3A_1125 = vector.load %arg4[%get3A_1123, %get3A_1124] : memref<8x128xf32, #tpu.memory_space<vmem>>, vector<1x1xf32>
    %get3A_1126 = vector.extract %get3A_1125[0, 0] : f32 from vector<1x1xf32>
    %add3A_1127 = arith.addf %mul3A_1122, %get3A_1126 : f32
    %max3A_1128 = arith.constant 0.000000e+00 : f32
    %max3A_1129 = arith.maximumf %add3A_1127, %max3A_1128 : f32
    %get3A_1130 = arith.constant 4 : index
    %get3A_1131 = arith.constant 6 : index
    %get3A_1132 = vector.load %arg4[%get3A_1130, %get3A_1131] : memref<8x128xf32, #tpu.memory_space<vmem>>, vector<1x1xf32>
    %get3A_1133 = vector.extract %get3A_1132[0, 0] : f32 from vector<1x1xf32>
    %mul3A_1134 = arith.mulf %max3A_1129, %get3A_1133 : f32
    %add3A_1135 = arith.addf %add3A_1026, %mul3A_1134 : f32
    %get3A_1136 = arith.constant 2 : index
    %get3A_1137 = arith.constant 7 : index
    %get3A_1138 = vector.load %arg4[%get3A_1136, %get3A_1137] : memref<8x128xf32, #tpu.memory_space<vmem>>, vector<1x1xf32>
    %get3A_1139 = vector.extract %get3A_1138[0, 0] : f32 from vector<1x1xf32>
    %mul3A_1140 = arith.mulf %reduce_sum3A_53, %get3A_1139 : f32
    %get3A_1141 = arith.constant 2 : index
    %get3A_1142 = arith.constant 15 : index
    %get3A_1143 = vector.load %arg4[%get3A_1141, %get3A_1142] : memref<8x128xf32, #tpu.memory_space<vmem>>, vector<1x1xf32>
    %get3A_1144 = vector.extract %get3A_1143[0, 0] : f32 from vector<1x1xf32>
    %mul3A_1145 = arith.mulf %reduce_sum3A_74, %get3A_1144 : f32
    %add3A_1146 = arith.addf %mul3A_1140, %mul3A_1145 : f32
    %get3A_1147 = arith.constant 2 : index
    %get3A_1148 = arith.constant 23 : index
    %get3A_1149 = vector.load %arg4[%get3A_1147, %get3A_1148] : memref<8x128xf32, #tpu.memory_space<vmem>>, vector<1x1xf32>
    %get3A_1150 = vector.extract %get3A_1149[0, 0] : f32 from vector<1x1xf32>
    %mul3A_1151 = arith.mulf %reduce_sum3A_95, %get3A_1150 : f32
    %add3A_1152 = arith.addf %add3A_1146, %mul3A_1151 : f32
    %get3A_1153 = arith.constant 2 : index
    %get3A_1154 = arith.constant 31 : index
    %get3A_1155 = vector.load %arg4[%get3A_1153, %get3A_1154] : memref<8x128xf32, #tpu.memory_space<vmem>>, vector<1x1xf32>
    %get3A_1156 = vector.extract %get3A_1155[0, 0] : f32 from vector<1x1xf32>
    %mul3A_1157 = arith.mulf %reduce_sum3A_116, %get3A_1156 : f32
    %add3A_1158 = arith.addf %add3A_1152, %mul3A_1157 : f32
    %get3A_1159 = arith.constant 2 : index
    %get3A_1160 = arith.constant 39 : index
    %get3A_1161 = vector.load %arg4[%get3A_1159, %get3A_1160] : memref<8x128xf32, #tpu.memory_space<vmem>>, vector<1x1xf32>
    %get3A_1162 = vector.extract %get3A_1161[0, 0] : f32 from vector<1x1xf32>
    %mul3A_1163 = arith.mulf %reduce_sum3A_137, %get3A_1162 : f32
    %add3A_1164 = arith.addf %add3A_1158, %mul3A_1163 : f32
    %get3A_1165 = arith.constant 2 : index
    %get3A_1166 = arith.constant 47 : index
    %get3A_1167 = vector.load %arg4[%get3A_1165, %get3A_1166] : memref<8x128xf32, #tpu.memory_space<vmem>>, vector<1x1xf32>
    %get3A_1168 = vector.extract %get3A_1167[0, 0] : f32 from vector<1x1xf32>
    %mul3A_1169 = arith.mulf %reduce_sum3A_158, %get3A_1168 : f32
    %add3A_1170 = arith.addf %add3A_1164, %mul3A_1169 : f32
    %get3A_1171 = arith.constant 2 : index
    %get3A_1172 = arith.constant 55 : index
    %get3A_1173 = vector.load %arg4[%get3A_1171, %get3A_1172] : memref<8x128xf32, #tpu.memory_space<vmem>>, vector<1x1xf32>
    %get3A_1174 = vector.extract %get3A_1173[0, 0] : f32 from vector<1x1xf32>
    %mul3A_1175 = arith.mulf %reduce_sum3A_179, %get3A_1174 : f32
    %add3A_1176 = arith.addf %add3A_1170, %mul3A_1175 : f32
    %get3A_1177 = arith.constant 2 : index
    %get3A_1178 = arith.constant 63 : index
    %get3A_1179 = vector.load %arg4[%get3A_1177, %get3A_1178] : memref<8x128xf32, #tpu.memory_space<vmem>>, vector<1x1xf32>
    %get3A_1180 = vector.extract %get3A_1179[0, 0] : f32 from vector<1x1xf32>
    %mul3A_1181 = arith.mulf %reduce_sum3A_200, %get3A_1180 : f32
    %add3A_1182 = arith.addf %add3A_1176, %mul3A_1181 : f32
    %get3A_1183 = arith.constant 2 : index
    %get3A_1184 = arith.constant 71 : index
    %get3A_1185 = vector.load %arg4[%get3A_1183, %get3A_1184] : memref<8x128xf32, #tpu.memory_space<vmem>>, vector<1x1xf32>
    %get3A_1186 = vector.extract %get3A_1185[0, 0] : f32 from vector<1x1xf32>
    %mul3A_1187 = arith.mulf %reduce_sum3A_221, %get3A_1186 : f32
    %add3A_1188 = arith.addf %add3A_1182, %mul3A_1187 : f32
    %get3A_1189 = arith.constant 2 : index
    %get3A_1190 = arith.constant 79 : index
    %get3A_1191 = vector.load %arg4[%get3A_1189, %get3A_1190] : memref<8x128xf32, #tpu.memory_space<vmem>>, vector<1x1xf32>
    %get3A_1192 = vector.extract %get3A_1191[0, 0] : f32 from vector<1x1xf32>
    %mul3A_1193 = arith.mulf %reduce_sum3A_242, %get3A_1192 : f32
    %add3A_1194 = arith.addf %add3A_1188, %mul3A_1193 : f32
    %get3A_1195 = arith.constant 2 : index
    %get3A_1196 = arith.constant 87 : index
    %get3A_1197 = vector.load %arg4[%get3A_1195, %get3A_1196] : memref<8x128xf32, #tpu.memory_space<vmem>>, vector<1x1xf32>
    %get3A_1198 = vector.extract %get3A_1197[0, 0] : f32 from vector<1x1xf32>
    %mul3A_1199 = arith.mulf %reduce_sum3A_263, %get3A_1198 : f32
    %add3A_1200 = arith.addf %add3A_1194, %mul3A_1199 : f32
    %get3A_1201 = arith.constant 2 : index
    %get3A_1202 = arith.constant 95 : index
    %get3A_1203 = vector.load %arg4[%get3A_1201, %get3A_1202] : memref<8x128xf32, #tpu.memory_space<vmem>>, vector<1x1xf32>
    %get3A_1204 = vector.extract %get3A_1203[0, 0] : f32 from vector<1x1xf32>
    %mul3A_1205 = arith.mulf %reduce_sum3A_284, %get3A_1204 : f32
    %add3A_1206 = arith.addf %add3A_1200, %mul3A_1205 : f32
    %get3A_1207 = arith.constant 2 : index
    %get3A_1208 = arith.constant 103 : index
    %get3A_1209 = vector.load %arg4[%get3A_1207, %get3A_1208] : memref<8x128xf32, #tpu.memory_space<vmem>>, vector<1x1xf32>
    %get3A_1210 = vector.extract %get3A_1209[0, 0] : f32 from vector<1x1xf32>
    %mul3A_1211 = arith.mulf %reduce_sum3A_305, %get3A_1210 : f32
    %add3A_1212 = arith.addf %add3A_1206, %mul3A_1211 : f32
    %get3A_1213 = arith.constant 2 : index
    %get3A_1214 = arith.constant 111 : index
    %get3A_1215 = vector.load %arg4[%get3A_1213, %get3A_1214] : memref<8x128xf32, #tpu.memory_space<vmem>>, vector<1x1xf32>
    %get3A_1216 = vector.extract %get3A_1215[0, 0] : f32 from vector<1x1xf32>
    %mul3A_1217 = arith.mulf %reduce_sum3A_326, %get3A_1216 : f32
    %add3A_1218 = arith.addf %add3A_1212, %mul3A_1217 : f32
    %get3A_1219 = arith.constant 2 : index
    %get3A_1220 = arith.constant 119 : index
    %get3A_1221 = vector.load %arg4[%get3A_1219, %get3A_1220] : memref<8x128xf32, #tpu.memory_space<vmem>>, vector<1x1xf32>
    %get3A_1222 = vector.extract %get3A_1221[0, 0] : f32 from vector<1x1xf32>
    %mul3A_1223 = arith.mulf %reduce_sum3A_347, %get3A_1222 : f32
    %add3A_1224 = arith.addf %add3A_1218, %mul3A_1223 : f32
    %get3A_1225 = arith.constant 2 : index
    %get3A_1226 = arith.constant 127 : index
    %get3A_1227 = vector.load %arg4[%get3A_1225, %get3A_1226] : memref<8x128xf32, #tpu.memory_space<vmem>>, vector<1x1xf32>
    %get3A_1228 = vector.extract %get3A_1227[0, 0] : f32 from vector<1x1xf32>
    %mul3A_1229 = arith.mulf %reduce_sum3A_368, %get3A_1228 : f32
    %add3A_1230 = arith.addf %add3A_1224, %mul3A_1229 : f32
    %mul3A_1231 = arith.mulf %add3A_1230, %get3A_34 : f32
    %get3A_1232 = arith.constant 3 : index
    %get3A_1233 = arith.constant 7 : index
    %get3A_1234 = vector.load %arg4[%get3A_1232, %get3A_1233] : memref<8x128xf32, #tpu.memory_space<vmem>>, vector<1x1xf32>
    %get3A_1235 = vector.extract %get3A_1234[0, 0] : f32 from vector<1x1xf32>
    %add3A_1236 = arith.addf %mul3A_1231, %get3A_1235 : f32
    %max3A_1237 = arith.constant 0.000000e+00 : f32
    %max3A_1238 = arith.maximumf %add3A_1236, %max3A_1237 : f32
    %get3A_1239 = arith.constant 4 : index
    %get3A_1240 = arith.constant 7 : index
    %get3A_1241 = vector.load %arg4[%get3A_1239, %get3A_1240] : memref<8x128xf32, #tpu.memory_space<vmem>>, vector<1x1xf32>
    %get3A_1242 = vector.extract %get3A_1241[0, 0] : f32 from vector<1x1xf32>
    %mul3A_1243 = arith.mulf %max3A_1238, %get3A_1242 : f32
    %add3A_1244 = arith.addf %add3A_1135, %mul3A_1243 : f32
    %broadcast_in_dim3A_1245 = vector.broadcast %add3A_1244 : f32 to vector<8x128xf32>
    %swap3A = arith.constant 0 : index
    %swap3A_1246 = arith.constant 0 : index
    %swap3A_1247 = vector.load %arg5[%swap3A, %swap3A_1246] : memref<8x128xf32, #tpu.memory_space<vmem>>, vector<8x128xf32>
    tpu.vector_store %arg5[%swap3A, %swap3A_1246], %broadcast_in_dim3A_1245 {strides = array<i32>} : memref<8x128xf32, #tpu.memory_space<vmem>>, vector<8x128xf32>,
    return
  }
}

</mosaic_0001>

<sc_bundles>
// kernel: kernel.6.cloned.1.call-start
scs
__scs_entry_jumppad:
0x0: {  	(pc) =	sbr.rel $0x88, $3  }
0x1: {  	(tag) =	ssettag $0x0;
	lr =	simm.s32 $0x1  }
0x2: {  	[smem:$0x3F99] =	sst lr;
	_ =	strace $0xD0000000  }
0x3: {  	_ = 	snop  }
0x4: {  	_ = 	snop  }
0x5: {  	_ = 	snop  }
0x6: {  	_ = 	snop  }
0x7: {  	_ = 	snop  }
__scs_overlays_trampoline_lowered:
0x8: {  	[smem:$0x3FA8] =	sst s0  }
0x9: {  	[smem:$0x3FA9] =	sst s1  }
0xa: {  	[smem:$0x3FAA] =	sst s2  }
0xb: {  	[smem:$0x3FAB] =	sst s3  }
0xc: {  	[smem:$0x3FAC] =	sst s4  }
0xd: {  	[smem:$0x3FAD] =	sst s5  }
0xe: {  	[smem:$0x3FAE] =	sst s6  }
0xf: {  	[smem:$0x3FAF] =	sst s7  }
0x10: {  	[smem:$0x3FB0] =	sst s8  }
0x11: {  	[smem:$0x3FB1] =	sst s9;
	s0 =	simm.s32 @!p0 $0x0  }
0x12: {  	s1 =	sld [smem:$0x3F97];
	s0 =	simm.s32 @p0 $0x1  }
0x13: {  	[smem:$0x3FB2] =	sst s0;
	s0 =	simm.s32 @!p1 $0x0  }
0x14: {  	s2 =	sld [smem:$0x3F96];
	s0 =	simm.s32 @p1 $0x1  }
0x15: {  	[smem:$0x3FB3] =	sst s0;
	s0 =	simm.s32 @!p2 $0x0  }
0x16: {  	s3 =	sld [smem:$0x3FDB];
	s0 =	simm.s32 @p2 $0x1  }
0x17: {  	s4 =	simm.s32 $0x1BF5;
	[smem:$0x3FB5] =	sst s0  }
0x18: {  	s0 =	sld [smem:$0x3F98];
	_ =	swait.ge [sflag:s4], $0x0  }
0x19: {  	s7 =	sld [smem:$0x3F99]  }
0x1a: {  	s8 =	sadd.s32 $0xFFFFE003, lr  }
0x1b: {  	s9 =	sadd.s32 $0xFFFFFEF7, lr;
	s5 =	simm.s32 $0xFFFFFFFF;
	p2 =	slt.u32 s8, $0xFFFFF086  }
0x1c: {  	p1 =	slt.u32 s9, $0xF7A;
	s5 =	simm.s32 @!p2 $0x0  }
0x1d: {  	s5 =	simm.s32 @p1 $0x1;
	p0 =	seq.s32 s7, s2  }
0x1e: {  	s7 =	smul.u32 @!p0 $0xF7A, s2;
	p2 =	seq.s32 @!p0 s5, $0x0  }
0x1f: {  	s9 =	smul.u32 $0xF7A, s1;
	s8 =	simm.s32 @!p0 $0x1BF5;
	p2 =	por !p2, p0  }
0x20: {  	[sflag:s8] =	ssyncset.s32 @!p0 $0xFFFFF086;
	s6 =	sadd.s32 @!p0 s3, s7;
	s7 =	simm.s32 @!p0 $0x108  }
0x21: {  	s3 =	sadd.s32 s3, s9;
	s6 =	sadd.s32 @!p0 $0x88, s6;
	s7 =	simm.s32 @p2 $0x1082  }
0x22: {  	[simem:s7], [sflag:s8] =	dma.local @!p0 [hbm:s6], $0xF7A  }
0x23: {  	s9 =	sor.u32 $0xD0000000, s2;
	s6 =	simm.s32 $0x108;
	_ =	swait.ge @!p0 [sflag:s8], $0x0  }
0x24: {  	s3 =	sadd.s32 $0x88, s3;
	s6 =	simm.s32 @!p1 $0x1082;
	[sflag:s4] =	ssyncset.s32 $0xFFFFF086  }
0x25: {  	[simem:s6], [sflag:s4] =	dma.local [hbm:s3], $0xF7A  }
0x26: {  	[smem:$0x3F99] =	sst s1;
	(tag) =	ssettag s2;
	_ =	strace s9  }
0x27: {  	s1 =	sld [smem:$0x3FA9]  }
0x28: {  	s2 =	sld [smem:$0x3FAA]  }
0x29: {  	s4 =	sld [smem:$0x3FAC]  }
0x2a: {  	p0 =	seq.s32 s5, $0x0;
	s5 =	sld [smem:$0x3FAD]  }
0x2b: {  	s6 =	sld [smem:$0x3FAE]  }
0x2c: {  	s7 =	sld [smem:$0x3FAF]  }
0x2d: {  	s3 =	simm.s32 $0x108;
	s8 =	sld [smem:$0x3FB0]  }
0x2e: {  	s3 =	simm.s32 @!p0 $0x1082;
	s9 =	sld [smem:$0x3FB1]  }
0x2f: {  	lr =	sadd.s32 s0, s3;
	s0 =	sld [smem:$0x3FA8]  }
0x30: {  	s3 =	sld [smem:$0x3FAB]  }
0x31: {  	[smem:$0x3FB4] =	sst s10  }
0x32: {  	s10 =	sld [smem:$0x3FB2];
	_ =	sdelay $0x3  }
0x33: {  	p0 =	seq.s32 s10, $0x1;
	s10 =	sld [smem:$0x3FB4];
	_ =	sdelay $0x3  }
0x34: {  	[smem:$0x3FB4] =	sst s10  }
0x35: {  	s10 =	sld [smem:$0x3FB3];
	_ =	sdelay $0x3  }
0x36: {  	p1 =	seq.s32 s10, $0x1;
	s10 =	sld [smem:$0x3FB4];
	_ =	sdelay $0x3  }
0x37: {  	[smem:$0x3FB4] =	sst s10  }
0x38: {  	s10 =	sld [smem:$0x3FB5]  }
0x39: {  	_ = 	snop;
	(pc) =	sbr.ind lr, $3  }
0x3a: {  	_ = 	snop  }
0x3b: {  	_ = 	snop  }
0x3c: {  	p2 =	seq.s32 s10, $0x1;
	s10 =	sld [smem:$0x3FB4]  }
0x3d: {  	_ =	shalt  }
0x3e: {  	_ =	shalt  }
0x3f: {  	_ =	shalt  }
0x40: {  	_ =	shalt  }
0x41: {  	_ =	shalt  }
0x42: {  	_ =	shalt  }
0x43: {  	_ =	shalt  }
0x44: {  	_ =	shalt  }
0x45: {  	_ =	shalt  }
0x46: {  	_ =	shalt  }
0x47: {  	_ =	shalt  }
0x48: {  	_ =	shalt  }
0x49: {  	_ =	shalt  }
0x4a: {  	_ =	shalt  }
0x4b: {  	_ =	shalt  }
0x4c: {  	_ =	shalt  }
0x4d: {  	_ =	shalt  }
0x4e: {  	_ =	shalt  }
0x4f: {  	_ =	shalt  }
0x50: {  	_ =	shalt  }
0x51: {  	_ =	shalt  }
0x52: {  	_ =	shalt  }
0x53: {  	_ =	shalt  }
0x54: {  	_ =	shalt  }
0x55: {  	_ =	shalt  }
0x56: {  	_ =	shalt  }
0x57: {  	_ =	shalt  }
0x58: {  	_ =	shalt  }
0x59: {  	_ =	shalt  }
0x5a: {  	_ =	shalt  }
0x5b: {  	_ =	shalt  }
0x5c: {  	_ =	shalt  }
0x5d: {  	_ =	shalt  }
0x5e: {  	_ =	shalt  }
0x5f: {  	_ =	shalt  }
0x60: {  	_ =	shalt  }
0x61: {  	_ =	shalt  }
0x62: {  	_ =	shalt  }
0x63: {  	_ =	shalt  }
0x64: {  	_ =	shalt  }
0x65: {  	_ =	shalt  }
0x66: {  	_ =	shalt  }
0x67: {  	_ =	shalt  }
0x68: {  	_ =	shalt  }
0x69: {  	_ =	shalt  }
0x6a: {  	_ =	shalt  }
0x6b: {  	_ =	shalt  }
0x6c: {  	_ =	shalt  }
0x6d: {  	_ =	shalt  }
0x6e: {  	_ =	shalt  }
0x6f: {  	_ =	shalt  }
0x70: {  	_ =	shalt  }
0x71: {  	_ =	shalt  }
0x72: {  	_ =	shalt  }
0x73: {  	_ =	shalt  }
0x74: {  	_ =	shalt  }
0x75: {  	_ =	shalt  }
0x76: {  	_ =	shalt  }
0x77: {  	_ =	shalt  }
0x78: {  	_ =	shalt  }
0x79: {  	_ =	shalt  }
0x7a: {  	_ =	shalt  }
0x7b: {  	_ =	shalt  }
0x7c: {  	_ =	shalt  }
0x7d: {  	_ =	shalt  }
0x7e: {  	_ =	shalt  }
0x7f: {  	_ =	shalt  }
0x80: {  	_ =	shalt  }
0x81: {  	_ =	shalt  }
0x82: {  	_ =	shalt  }
0x83: {  	_ =	shalt  }
0x84: {  	_ =	shalt  }
0x85: {  	_ =	shalt  }
0x86: {  	_ =	shalt  }
0x87: {  	_ =	shalt  }
.Lfunc_end0:
.L_simem_size_0:
called_computation_lowered:
.L_overlay_start_0:
0x88: {  	s2 =	sld [smem:$0x3FD9]  }
0x89: {  	s3 =	sld [smem:$0x3FFE];
	_ =	sdelay $0x1  }
0x8a: {  	s1 =	srdreg.scid  }
0x8b: {  	s0 =	sand.u32 $0x1, s1  }
0x8c: {  	s16 =	sshll.u32 s0, $0xA;
	s2 =	sadd.s32 s3, s2  }
0x8d: {  	s2 =	sadd.s32 s2, s16  }
0x8e: {  	[smem:$0x3FC0] =	sst s2  }
0x8f: {  	_ = 	snop  }
0x90: {  	(tm) =	ssettm $0x1  }
0x91: {  	s17 =	sld [smem:$0x3FFB];
	_ =	sdelay $0x3  }
0x92: {  	_ =	strace s17  }
0x93: {  	s2 =	sld [smem:$0x3FFC];
	_ =	sdelay $0x3  }
0x94: {  	_ =	strace s2  }
0x95: {  	s2 =	sld [smem:$0x3FFD];
	_ =	sdelay $0x3  }
0x96: {  	_ =	strace s2  }
0x97: {  	_ =	strace $0x8FFFFFFF  }
0x98: {  	s18 =	sld [smem:$0x3FDB];
	_ =	sdelay $0x1  }
0x99: {  	s19 =	simm.s32 $_scs_section_size  }
0x9a: {  	s4 =	simm.s32 $_size__tile_overlayer_lowered;
	s5 =	simm.s32 $_tile_overlayer_lowered  }
0x9b: {  	s22 =	simm.s32 $0x1BFF;
	s21 =	sshll.u32 s5, $0x1;
	s2 =	sadd.s32 s19, s18  }
0x9c: {  	s6 =	simm.s32 $0x0;
	s20 =	sshll.u32 s4, $0x1;
	s4 =	sadd.s32 s21, s2  }
0x9d: {  	[timem:s6], [sflag:s22] =	dma.local [hbm:s4], s20  }
0x9e: {  	_ =	swait.ge [sflag:s22], s20  }
0x9f: {  	s3 =	ssub.s32 $0x0, s20;
	[sflag:s22] =	ssyncset.done $0x0  }
0xa0: {  	[sflag:s22] =	ssyncadd.s32 s3;
	_ =	sdelay $0x1  }
0xa1: {  	s23 =	simm.s32 $0x1B8B  }
0xa2: {  	_ =	swait.ge [sflag:s23], $0x1  }
0xa3: {  	[sflag:s23] =	ssyncset.done $0x0  }
0xa4: {  	s25 =	simm.s32 $0x1B8E;
	s24 =	sld [smem:$0x3FFE];
	[sflag:s23] =	ssyncadd.s32 $0xFFFFFFFF  }
0xa5: {  	s26 =	simm.s32 $execute0_lowered;
	[smem:$0x3FD2] =	sst s25  }
0xa6: {  	s4 =	sshll.u32 s26, $0x1;
	_ =	strace $0x80000046;
	[dreg:$0x1] =	wrdreg $0xFFFFFFFF  }
0xa7: {  	s28 =	simm.s32 $_size_execute0_lowered;
	s2 =	sadd.s32 s2, s4;
	[dreg:$0x0] =	wrdreg $0x0  }
0xa8: {  	s4 =	sshll.u32 s28, $0x1;
	[dreg:$0x2] =	wrdreg s2  }
0xa9: {  	[dreg:$0x3] =	wrdreg s4  }
0xaa: {  	[dreg:$0x4] =	wrdreg $0xC0  }
0xab: {  	_ =	task [dreg:s6], $0x5FFFF  }
0xac: {  	[dreg:$0x1] =	wrdreg $0xFFFFFFFF  }
0xad: {  	[dreg:$0x0] =	wrdreg $0x60  }
0xae: {  	[dreg:$0x2] =	wrdreg s24  }
0xaf: {  	[dreg:$0x3] =	wrdreg $0x9  }
0xb0: {  	_ =	task.clear_ibuf [dreg:s6], $0x4FFFF;
	_ =	strace $0x90000046  }
0xb1: {  	s29 =	simm.s32 $0x9;
	_ =	strace $0x80000048  }
0xb2: {  	_ =	swait.ge [sflag:s29], $0x1  }
0xb3: {  	[sflag:s29] =	ssyncadd.s32 $0xFFFFFFFF  }
0xb4: {  	_ =	strace $0x90000048  }
0xb5: {  	_ =	sfence  }
0xb6: {  	s30 =	sld [smem:$0x0];
	_ =	sdelay $0x2  }
0xb7: {  	s31 =	sshll.u32 s1, $0xD;
	s1 =	sshrl.u32 s1, $0x2  }
0xb8: {  	s3 =	sand.u32 $0x4000, s31;
	s1 =	sadd.s32 s1, s30  }
0xb9: {  	s0 =	sor.u32 s3, s0;
	s1 =	sshll.u32 s1, $0x11  }
0xba: {  	s0 =	sor.u32 s1, s0  }
0xbb: {  	s0 =	sadd.s32 $0x8F2B, s0  }
0xbc: {  	[sflag:s0] =	ssyncadd.remote.s32 $0x1  }
0xbd: {  	_ =	sfence.sel $0xFFFF  }
0xbe: {  	[dreg:$0x0] =	wrdreg $0xFFFFFFFF;
	(pc) =	sbr.abs _section_cstart, $3  }
0xbf: {  	[dreg:$0x1] =	wrdreg $0xFFFFFFFF  }
0xc0: {  	_ =	task.clear_ibuf [dreg:s6], $0x2FFFF;
	_ =	strace $0x9FFFFFFF  }
0xc1: {  	(tm) =	ssettm $0x7FFFFFFF  }
tec
execute0_lowered:
.L_overlay_start_1:
0x0: {  	(tag) =	ssettag $0x1  }
0x1: {  	s0 =	srdreg.scid;
	s4 =	rddreg [dreg:$0x0];
	s2 =	simm.s32 $0x0  }
0x2: {  	s11 =	simm.s32 $0x19000;
	s12 =	simm.s32 $0x2;
	s13 =	simm.s32 $0x80  }
0x3: {  	s14 =	simm.s32 $0x400;
	s15 =	simm.s32 $0x3;
	s3 =	sand.u32 $0x1, s0  }
0x4: {  	s16 =	simm.s32 $0x1;
	s0 =	stileid.u32;
	s1 =	sshll.u32 s3, $0x4  }
0x5: {  	s17 =	simm.s32 $0x0;
	[smem:$0x7FF] =	sst s2;
	s6 =	sor.u32 s0, s1  }
0x6: {  	s7 =	sshll.u32 s0, $0x7;
	s30 =	ssub.s32 $0x2, s3;
	s1 =	sshrl.u32 s6, $0x3  }
0x7: {  	s3 =	sadd.s32 $0x1C00, s4;
	s7 =	sand.u32 $0x380, s7;
	s5 =	smul.u32 $0xC4000, s1  }
0x8: {  	s31 =	sshrl.u32 s30, $0x1;
	p0 =	slt.u32 s6, $0x15;
	s9 =	sshll.u32 s6, $0x8  }
.Ltmp0:
0x9: {  	s10 =	ssub.s32 s30, s31;
	s5 =	sor.u32 s7, s5;
	(pc) =	sbr.rel .LBB2_1-.Ltmp0, $4  }
0xa: {  	s6 =	sshll.u32 s6, $0xB;
	s1 =	rddreg [dreg:$0x1];
	s5 =	sshrl.u32 s5, $0x3  }
0xb: {  	_ =	strace $0x80000047;
	s8 =	sadd.s32 s5, s4;
	s4 =	simm.s32 $0x62  }
0xc: {  	s5 =	sadd.s32 s3, s9;
	s9 =	smax.u32 s10, $0x1;
	s10 =	simm.s32 $0x18800  }
0xd: {  	v0 =	vimm.f32 $0.0e+00;
	v1 =	vimm.f32 $1.000000000e+00;
	s4 =	simm.s32 @!p0 $0x61;
	s7 =	sadd.s32 $0x2000, s5;
	s8 =	sadd.s32 $0x188800, s8  }
.LBB2_12:
0xe: {  	s17 =	sadd.s32 $0x1, s17  }
0xf: {  	p0 =	sne.s32 s17, s9  }
.Ltmp1:
0x10: {  	_ = 	snop;
	(pc) =	sbr.rel @!p0 .LBB2_13-.Ltmp1, $4  }
0x11: {  	[hbm4b:s8+s13] =	stream.strided.scatter [tilespmem:s2], [sflag:$0x3], $0x18800, s14, s13, $0x38;
	[tilespmem:$0x19800] =	vst v63  }
0x12: {  	_ =	swait.ge [sflag:s15], $0x18800  }
0x13: {  	[sflag:s15] =	ssyncset.done $0x0  }
0x14: {  	[sflag:s15] =	ssyncadd.s32 $0xFFFE7800  }
.LBB2_1:
0x15: {  	s18 =	simm.s32 $0x0;
	s19 =	simm.s32 $0x200  }
.LBB2_2:
0x16: {  	p0 =	sne.s32 s19, $0x61E00;
	[tilespmem:s18+$0x70] =	vst v0  }
0x17: {  	[tilespmem:s18+$0x0] =	vst v0  }
0x18: {  	[tilespmem:s18+$0x10] =	vst v0  }
.Ltmp2:
0x19: {  	[tilespmem:s18+$0x20] =	vst v0;
	(pc) =	sbr.rel @p0 .LBB2_2-.Ltmp2, $4  }
0x1a: {  	[tilespmem:s18+$0x30] =	vst v0  }
0x1b: {  	[tilespmem:s18+$0x40] =	vst v0  }
0x1c: {  	[tilespmem:s18+$0x50] =	vst v0  }
0x1d: {  	[tilespmem:s18+$0x60] =	vst v0;
	s18 =	sshra.s32 s19, $0x2;
	s19 =	sadd.s32 $0x200, s19  }
0x1e: {  	[tilespmem:s18+$0x70] =	vst v0  }
0x1f: {  	[tilespmem:s18+$0x0] =	vst v0  }
0x20: {  	[tilespmem:s18+$0x10] =	vst v0  }
0x21: {  	[tilespmem:s18+$0x20] =	vst v0  }
0x22: {  	[tilespmem:s18+$0x30] =	vst v0  }
0x23: {  	[tilespmem:s18+$0x40] =	vst v0  }
.Ltmp3:
0x24: {  	[tilespmem:s18+$0x50] =	vst v0;
	(pc) =	sbr.rel .LBB2_4-.Ltmp3, $4  }
0x25: {  	[tilespmem:s18+$0x60] =	vst v0;
	s18 =	simm.s32 $0x0  }
0x26: {  	[tilespmem:s10], [sflag:$0x1] =	stream.linear.gather [hbm4b:s5+s18], $0x800, $0x38;
	[tilespmem:$0x19800] =	vst v63  }
0x27: {  	_ = 	snop  }
0x28: {  	[tilespmem:s11], [sflag:$0x2] =	stream.linear.gather [hbm4b:s7+s18], $0x800, $0x38;
	[tilespmem:$0x19800] =	vst v63  }
.LBB2_11:
0x29: {  	s18 =	sadd.s32 $0x1, s18  }
0x2a: {  	p0 =	sne.s32 s18, s4  }
.Ltmp4:
0x2b: {  	_ = 	snop;
	(pc) =	sbr.rel @!p0 .LBB2_12-.Ltmp4, $1  }
0x2c: {  	_ =	sdelay $0x3  }
.LBB2_4:
0x2d: {  	s19 =	sand.u32 $0x1, s18  }
0x2e: {  	p0 =	seq.s32 s19, $0x1  }
.Ltmp5:
0x2f: {  	_ = 	snop;
	(pc) =	sbr.rel @p0 .LBB2_8-.Ltmp5, $1  }
0x30: {  	_ =	sdelay $0x3  }
0x31: {  	_ =	swait.ge [sflag:s16], $0x800  }
0x32: {  	[sflag:s16] =	ssyncset.done $0x0  }
0x33: {  	s20 =	simm.s32 $0x0;
	[sflag:s16] =	ssyncadd.s32 $0xFFFFF800  }
.LBB2_6:
0x34: {  	s21 =	sshra.s32 s20, $0x2  }
0x35: {  	v2 =	vld [tilespmem:s21+$0x18800];
	_ =	sdelay $0x7  }
0x36: {  	[tilespmem:v2+s2+$0x0] =	vst.idx.add.f32.msk $0xffff, v1  }
0x37: {  	v2 =	vld [tilespmem:s21+$0x18810];
	_ =	sdelay $0x7  }
0x38: {  	[tilespmem:v2+s2+$0x0] =	vst.idx.add.f32.msk $0xffff, v1  }
0x39: {  	v2 =	vld [tilespmem:s21+$0x18820];
	_ =	sdelay $0x7  }
0x3a: {  	[tilespmem:v2+s2+$0x0] =	vst.idx.add.f32.msk $0xffff, v1  }
0x3b: {  	v2 =	vld [tilespmem:s21+$0x18830];
	_ =	sdelay $0x7  }
0x3c: {  	[tilespmem:v2+s2+$0x0] =	vst.idx.add.f32.msk $0xffff, v1  }
0x3d: {  	v2 =	vld [tilespmem:s21+$0x18840];
	_ =	sdelay $0x7  }
0x3e: {  	[tilespmem:v2+s2+$0x0] =	vst.idx.add.f32.msk $0xffff, v1  }
0x3f: {  	v2 =	vld [tilespmem:s21+$0x18850];
	_ =	sdelay $0x7  }
0x40: {  	[tilespmem:v2+s2+$0x0] =	vst.idx.add.f32.msk $0xffff, v1  }
0x41: {  	v2 =	vld [tilespmem:s21+$0x18860];
	_ =	sdelay $0x7  }
0x42: {  	[tilespmem:v2+s2+$0x0] =	vst.idx.add.f32.msk $0xffff, v1  }
0x43: {  	v2 =	vld [tilespmem:s21+$0x18870];
	_ =	sdelay $0x2  }
0x44: {  	p0 =	sne.s32 s20, $0x1E00  }
.Ltmp6:
0x45: {  	_ = 	snop;
	(pc) =	sbr.rel @p0 .LBB2_6-.Ltmp6, $2  }
0x46: {  	_ =	sdelay $0x2  }
0x47: {  	s20 =	sadd.s32 $0x200, s20;
	[tilespmem:v2+s2+$0x0] =	vst.idx.add.f32.msk $0xffff, v1  }
0x48: {  	s20 =	sadd.s32 $0x2, s18  }
0x49: {  	p0 =	sge.u32 s20, s4  }
0x4a: {  	s20 =	sshll.u32 @!p0 s20, $0x10  }
0x4b: {  	s20 =	sor.u32 @!p0 s6, s20  }
0x4c: {  	s20 =	sshrl.u32 @!p0 s20, $0x3  }
0x4d: {  	s21 =	simm.s32 @!p0 $0x0;
	s22 =	simm.s32 @!p0 $0x18800;
	s20 =	sadd.s32 @!p0 s3, s20  }
0x4e: {  	[tilespmem:s22], [sflag:$0x1] =	stream.linear.gather @!p0 [hbm4b:s20+s21], $0x800, $0x38;
	[tilespmem:$0x19800] =	vst v63  }
0x4f: {  	p0 =	seq.s32 s19, $0x0  }
.Ltmp7:
0x50: {  	_ = 	snop;
	(pc) =	sbr.rel @p0 .LBB2_11-.Ltmp7, $1  }
0x51: {  	_ =	sdelay $0x3  }
.LBB2_8:
0x52: {  	_ =	swait.ge [sflag:s12], $0x800  }
0x53: {  	[sflag:s12] =	ssyncset.done $0x0  }
0x54: {  	s19 =	simm.s32 $0x0;
	[sflag:s12] =	ssyncadd.s32 $0xFFFFF800  }
.LBB2_9:
0x55: {  	s20 =	sshra.s32 s19, $0x2  }
0x56: {  	v2 =	vld [tilespmem:s20+$0x19000];
	_ =	sdelay $0x7  }
0x57: {  	[tilespmem:v2+s2+$0x0] =	vst.idx.add.f32.msk $0xffff, v1  }
0x58: {  	v2 =	vld [tilespmem:s20+$0x19010];
	_ =	sdelay $0x7  }
0x59: {  	[tilespmem:v2+s2+$0x0] =	vst.idx.add.f32.msk $0xffff, v1  }
0x5a: {  	v2 =	vld [tilespmem:s20+$0x19020];
	_ =	sdelay $0x7  }
0x5b: {  	[tilespmem:v2+s2+$0x0] =	vst.idx.add.f32.msk $0xffff, v1  }
0x5c: {  	v2 =	vld [tilespmem:s20+$0x19030];
	_ =	sdelay $0x7  }
0x5d: {  	[tilespmem:v2+s2+$0x0] =	vst.idx.add.f32.msk $0xffff, v1  }
0x5e: {  	v2 =	vld [tilespmem:s20+$0x19040];
	_ =	sdelay $0x7  }
0x5f: {  	[tilespmem:v2+s2+$0x0] =	vst.idx.add.f32.msk $0xffff, v1  }
0x60: {  	v2 =	vld [tilespmem:s20+$0x19050];
	_ =	sdelay $0x7  }
0x61: {  	[tilespmem:v2+s2+$0x0] =	vst.idx.add.f32.msk $0xffff, v1  }
0x62: {  	v2 =	vld [tilespmem:s20+$0x19060];
	_ =	sdelay $0x7  }
0x63: {  	[tilespmem:v2+s2+$0x0] =	vst.idx.add.f32.msk $0xffff, v1  }
0x64: {  	v2 =	vld [tilespmem:s20+$0x19070];
	_ =	sdelay $0x2  }
0x65: {  	p0 =	sne.s32 s19, $0x1E00  }
.Ltmp8:
0x66: {  	_ = 	snop;
	(pc) =	sbr.rel @p0 .LBB2_9-.Ltmp8, $2  }
0x67: {  	_ =	sdelay $0x2  }
0x68: {  	s19 =	sadd.s32 $0x200, s19;
	[tilespmem:v2+s2+$0x0] =	vst.idx.add.f32.msk $0xffff, v1  }
0x69: {  	s19 =	sadd.s32 $0x2, s18  }
0x6a: {  	p0 =	sge.u32 s19, s4  }
.Ltmp9:
0x6b: {  	s19 =	sshll.u32 @!p0 s19, $0x10;
	(pc) =	sbr.rel .LBB2_11-.Ltmp9, $4  }
0x6c: {  	s19 =	sor.u32 @!p0 s6, s19  }
0x6d: {  	s19 =	sshrl.u32 @!p0 s19, $0x3  }
0x6e: {  	s20 =	simm.s32 @!p0 $0x0;
	s21 =	simm.s32 @!p0 $0x19000;
	s19 =	sadd.s32 @!p0 s3, s19  }
0x6f: {  	[tilespmem:s21], [sflag:$0x2] =	stream.linear.gather @!p0 [hbm4b:s19+s20], $0x800, $0x38;
	[tilespmem:$0x19800] =	vst v63  }
.LBB2_13:
0x70: {  	_ =	sfence.sel $0x180000  }
0x71: {  	[bflag:$0x0] =	sbarrier.arrive $0xFFFF  }
0x72: {  	p0 =	sne.s32 s0, $0x0;
	_ =	strace $0x90000047  }
0x73: {  	s0 =	sadd.s32 @!p0 $0x100000, s1;
	[bflag:$0x2] =	sbarrier.arrive $0xFFFF  }
0x74: {  	[sflag:s0] =	ssyncadd.tile.s32 @!p0 $0x1;
	_ =	shalt  }
.Lfunc_end2:
_tile_overlayer_lowered:
.L_overlay_start_2:
0x75: {  	(tag) =	ssettag $0x2  }
0x76: {  	s0 =	rddreg [dreg:$0x0];
	s2 =	stileid.u32  }
0x77: {  	s1 =	rddreg [dreg:$0x1];
	p0 =	sne.s32 s2, $0x0  }
0x78: {  	s3 =	rddreg [dreg:$0x2];
	[bflag:$0x3] =	sbarrier.arrive $0xFFFF;
	s2 =	simm.s32 @!p0 $0x1C03  }
0x79: {  	[timem:s3], [sflag:s2] =	dma.local @!p0 [hbm:s0], s1  }
0x7a: {  	s0 =	simm.s32 @!p0 $0x3  }
0x7b: {  	_ =	swait.ge @!p0 [sflag:s0], s1  }
0x7c: {  	s1 =	ssub.s32 @!p0 $0x0, s1;
	[sflag:s0] =	ssyncset.done @!p0 $0x0  }
0x7d: {  	[sflag:s0] =	ssyncadd.s32 @!p0 s1  }
0x7e: {  	[bflag:$0x3] =	sbarrier.arrive $0xFFFF  }
0x7f: {  	_ =	shalt  }

// kernel: kernel.9.cloned.1.call-start
scs
__scs_entry_jumppad:
0x0: {  	(pc) =	sbr.rel $0x88, $3  }
0x1: {  	(tag) =	ssettag $0x0;
	lr =	simm.s32 $0x1  }
0x2: {  	[smem:$0x3F99] =	sst lr;
	_ =	strace $0xD0000000  }
0x3: {  	_ = 	snop  }
0x4: {  	_ = 	snop  }
0x5: {  	_ = 	snop  }
0x6: {  	_ = 	snop  }
0x7: {  	_ = 	snop  }
__scs_overlays_trampoline_lowered:
0x8: {  	[smem:$0x3FA8] =	sst s0  }
0x9: {  	[smem:$0x3FA9] =	sst s1  }
0xa: {  	[smem:$0x3FAA] =	sst s2  }
0xb: {  	[smem:$0x3FAB] =	sst s3  }
0xc: {  	[smem:$0x3FAC] =	sst s4  }
0xd: {  	[smem:$0x3FAD] =	sst s5  }
0xe: {  	[smem:$0x3FAE] =	sst s6  }
0xf: {  	[smem:$0x3FAF] =	sst s7  }
0x10: {  	[smem:$0x3FB0] =	sst s8  }
0x11: {  	[smem:$0x3FB1] =	sst s9;
	s0 =	simm.s32 @!p0 $0x0  }
0x12: {  	s1 =	sld [smem:$0x3F97];
	s0 =	simm.s32 @p0 $0x1  }
0x13: {  	[smem:$0x3FB2] =	sst s0;
	s0 =	simm.s32 @!p1 $0x0  }
0x14: {  	s2 =	sld [smem:$0x3F96];
	s0 =	simm.s32 @p1 $0x1  }
0x15: {  	[smem:$0x3FB3] =	sst s0;
	s0 =	simm.s32 @!p2 $0x0  }
0x16: {  	s3 =	sld [smem:$0x3FDB];
	s0 =	simm.s32 @p2 $0x1  }
0x17: {  	s4 =	simm.s32 $0x1BF5;
	[smem:$0x3FB5] =	sst s0  }
0x18: {  	s0 =	sld [smem:$0x3F98];
	_ =	swait.ge [sflag:s4], $0x0  }
0x19: {  	s7 =	sld [smem:$0x3F99]  }
0x1a: {  	s8 =	sadd.s32 $0xFFFFE003, lr  }
0x1b: {  	s9 =	sadd.s32 $0xFFFFFEF7, lr;
	s5 =	simm.s32 $0xFFFFFFFF;
	p2 =	slt.u32 s8, $0xFFFFF086  }
0x1c: {  	p1 =	slt.u32 s9, $0xF7A;
	s5 =	simm.s32 @!p2 $0x0  }
0x1d: {  	s5 =	simm.s32 @p1 $0x1;
	p0 =	seq.s32 s7, s2  }
0x1e: {  	s7 =	smul.u32 @!p0 $0xF7A, s2;
	p2 =	seq.s32 @!p0 s5, $0x0  }
0x1f: {  	s9 =	smul.u32 $0xF7A, s1;
	s8 =	simm.s32 @!p0 $0x1BF5;
	p2 =	por !p2, p0  }
0x20: {  	[sflag:s8] =	ssyncset.s32 @!p0 $0xFFFFF086;
	s6 =	sadd.s32 @!p0 s3, s7;
	s7 =	simm.s32 @!p0 $0x108  }
0x21: {  	s3 =	sadd.s32 s3, s9;
	s6 =	sadd.s32 @!p0 $0x88, s6;
	s7 =	simm.s32 @p2 $0x1082  }
0x22: {  	[simem:s7], [sflag:s8] =	dma.local @!p0 [hbm:s6], $0xF7A  }
0x23: {  	s9 =	sor.u32 $0xD0000000, s2;
	s6 =	simm.s32 $0x108;
	_ =	swait.ge @!p0 [sflag:s8], $0x0  }
0x24: {  	s3 =	sadd.s32 $0x88, s3;
	s6 =	simm.s32 @!p1 $0x1082;
	[sflag:s4] =	ssyncset.s32 $0xFFFFF086  }
0x25: {  	[simem:s6], [sflag:s4] =	dma.local [hbm:s3], $0xF7A  }
0x26: {  	[smem:$0x3F99] =	sst s1;
	(tag) =	ssettag s2;
	_ =	strace s9  }
0x27: {  	s1 =	sld [smem:$0x3FA9]  }
0x28: {  	s2 =	sld [smem:$0x3FAA]  }
0x29: {  	s4 =	sld [smem:$0x3FAC]  }
0x2a: {  	p0 =	seq.s32 s5, $0x0;
	s5 =	sld [smem:$0x3FAD]  }
0x2b: {  	s6 =	sld [smem:$0x3FAE]  }
0x2c: {  	s7 =	sld [smem:$0x3FAF]  }
0x2d: {  	s3 =	simm.s32 $0x108;
	s8 =	sld [smem:$0x3FB0]  }
0x2e: {  	s3 =	simm.s32 @!p0 $0x1082;
	s9 =	sld [smem:$0x3FB1]  }
0x2f: {  	lr =	sadd.s32 s0, s3;
	s0 =	sld [smem:$0x3FA8]  }
0x30: {  	s3 =	sld [smem:$0x3FAB]  }
0x31: {  	[smem:$0x3FB4] =	sst s10  }
0x32: {  	s10 =	sld [smem:$0x3FB2];
	_ =	sdelay $0x3  }
0x33: {  	p0 =	seq.s32 s10, $0x1;
	s10 =	sld [smem:$0x3FB4];
	_ =	sdelay $0x3  }
0x34: {  	[smem:$0x3FB4] =	sst s10  }
0x35: {  	s10 =	sld [smem:$0x3FB3];
	_ =	sdelay $0x3  }
0x36: {  	p1 =	seq.s32 s10, $0x1;
	s10 =	sld [smem:$0x3FB4];
	_ =	sdelay $0x3  }
0x37: {  	[smem:$0x3FB4] =	sst s10  }
0x38: {  	s10 =	sld [smem:$0x3FB5]  }
0x39: {  	_ = 	snop;
	(pc) =	sbr.ind lr, $3  }
0x3a: {  	_ = 	snop  }
0x3b: {  	_ = 	snop  }
0x3c: {  	p2 =	seq.s32 s10, $0x1;
	s10 =	sld [smem:$0x3FB4]  }
0x3d: {  	_ =	shalt  }
0x3e: {  	_ =	shalt  }
0x3f: {  	_ =	shalt  }
0x40: {  	_ =	shalt  }
0x41: {  	_ =	shalt  }
0x42: {  	_ =	shalt  }
0x43: {  	_ =	shalt  }
0x44: {  	_ =	shalt  }
0x45: {  	_ =	shalt  }
0x46: {  	_ =	shalt  }
0x47: {  	_ =	shalt  }
0x48: {  	_ =	shalt  }
0x49: {  	_ =	shalt  }
0x4a: {  	_ =	shalt  }
0x4b: {  	_ =	shalt  }
0x4c: {  	_ =	shalt  }
0x4d: {  	_ =	shalt  }
0x4e: {  	_ =	shalt  }
0x4f: {  	_ =	shalt  }
0x50: {  	_ =	shalt  }
0x51: {  	_ =	shalt  }
0x52: {  	_ =	shalt  }
0x53: {  	_ =	shalt  }
0x54: {  	_ =	shalt  }
0x55: {  	_ =	shalt  }
0x56: {  	_ =	shalt  }
0x57: {  	_ =	shalt  }
0x58: {  	_ =	shalt  }
0x59: {  	_ =	shalt  }
0x5a: {  	_ =	shalt  }
0x5b: {  	_ =	shalt  }
0x5c: {  	_ =	shalt  }
0x5d: {  	_ =	shalt  }
0x5e: {  	_ =	shalt  }
0x5f: {  	_ =	shalt  }
0x60: {  	_ =	shalt  }
0x61: {  	_ =	shalt  }
0x62: {  	_ =	shalt  }
0x63: {  	_ =	shalt  }
0x64: {  	_ =	shalt  }
0x65: {  	_ =	shalt  }
0x66: {  	_ =	shalt  }
0x67: {  	_ =	shalt  }
0x68: {  	_ =	shalt  }
0x69: {  	_ =	shalt  }
0x6a: {  	_ =	shalt  }
0x6b: {  	_ =	shalt  }
0x6c: {  	_ =	shalt  }
0x6d: {  	_ =	shalt  }
0x6e: {  	_ =	shalt  }
0x6f: {  	_ =	shalt  }
0x70: {  	_ =	shalt  }
0x71: {  	_ =	shalt  }
0x72: {  	_ =	shalt  }
0x73: {  	_ =	shalt  }
0x74: {  	_ =	shalt  }
0x75: {  	_ =	shalt  }
0x76: {  	_ =	shalt  }
0x77: {  	_ =	shalt  }
0x78: {  	_ =	shalt  }
0x79: {  	_ =	shalt  }
0x7a: {  	_ =	shalt  }
0x7b: {  	_ =	shalt  }
0x7c: {  	_ =	shalt  }
0x7d: {  	_ =	shalt  }
0x7e: {  	_ =	shalt  }
0x7f: {  	_ =	shalt  }
0x80: {  	_ =	shalt  }
0x81: {  	_ =	shalt  }
0x82: {  	_ =	shalt  }
0x83: {  	_ =	shalt  }
0x84: {  	_ =	shalt  }
0x85: {  	_ =	shalt  }
0x86: {  	_ =	shalt  }
0x87: {  	_ =	shalt  }
.Lfunc_end0:
.L_simem_size_0:
called_computation.1_lowered:
.L_overlay_start_0:
0x88: {  	s2 =	sld [smem:$0x3FD9]  }
0x89: {  	s3 =	sld [smem:$0x3FFE];
	_ =	sdelay $0x1  }
0x8a: {  	s1 =	srdreg.scid  }
0x8b: {  	s0 =	sand.u32 $0x1, s1  }
0x8c: {  	s16 =	sshll.u32 s0, $0xA;
	s2 =	sadd.s32 s3, s2  }
0x8d: {  	s2 =	sadd.s32 s2, s16  }
0x8e: {  	[smem:$0x3FC0] =	sst s2  }
0x8f: {  	_ = 	snop  }
0x90: {  	(tm) =	ssettm $0x1  }
0x91: {  	s17 =	sld [smem:$0x3FFB];
	_ =	sdelay $0x3  }
0x92: {  	_ =	strace s17  }
0x93: {  	s2 =	sld [smem:$0x3FFC];
	_ =	sdelay $0x3  }
0x94: {  	_ =	strace s2  }
0x95: {  	s2 =	sld [smem:$0x3FFD];
	_ =	sdelay $0x3  }
0x96: {  	_ =	strace s2  }
0x97: {  	_ =	strace $0x8FFFFFFF  }
0x98: {  	s18 =	sld [smem:$0x3FDB];
	_ =	sdelay $0x1  }
0x99: {  	s19 =	simm.s32 $_scs_section_size  }
0x9a: {  	s4 =	simm.s32 $_size__tile_overlayer_lowered;
	s5 =	simm.s32 $_tile_overlayer_lowered  }
0x9b: {  	s22 =	simm.s32 $0x1BFF;
	s21 =	sshll.u32 s5, $0x1;
	s2 =	sadd.s32 s19, s18  }
0x9c: {  	s6 =	simm.s32 $0x0;
	s20 =	sshll.u32 s4, $0x1;
	s4 =	sadd.s32 s21, s2  }
0x9d: {  	[timem:s6], [sflag:s22] =	dma.local [hbm:s4], s20  }
0x9e: {  	_ =	swait.ge [sflag:s22], s20  }
0x9f: {  	s3 =	ssub.s32 $0x0, s20;
	[sflag:s22] =	ssyncset.done $0x0  }
0xa0: {  	[sflag:s22] =	ssyncadd.s32 s3;
	_ =	sdelay $0x1  }
0xa1: {  	s23 =	simm.s32 $0x1B8B  }
0xa2: {  	_ =	swait.ge [sflag:s23], $0x1  }
0xa3: {  	[sflag:s23] =	ssyncset.done $0x0  }
0xa4: {  	s25 =	simm.s32 $0x1B8E;
	s24 =	sld [smem:$0x3FFE];
	[sflag:s23] =	ssyncadd.s32 $0xFFFFFFFF  }
0xa5: {  	s26 =	simm.s32 $execute0_lowered;
	[smem:$0x3FD2] =	sst s25  }
0xa6: {  	s4 =	sshll.u32 s26, $0x1;
	_ =	strace $0x80000049;
	[dreg:$0x1] =	wrdreg $0xFFFFFFFF  }
0xa7: {  	s28 =	simm.s32 $_size_execute0_lowered;
	s2 =	sadd.s32 s2, s4;
	[dreg:$0x0] =	wrdreg $0x0  }
0xa8: {  	s4 =	sshll.u32 s28, $0x1;
	[dreg:$0x2] =	wrdreg s2  }
0xa9: {  	[dreg:$0x3] =	wrdreg s4  }
0xaa: {  	[dreg:$0x4] =	wrdreg $0xC0  }
0xab: {  	_ =	task [dreg:s6], $0x5FFFF  }
0xac: {  	[dreg:$0x1] =	wrdreg $0xFFFFFFFF  }
0xad: {  	[dreg:$0x0] =	wrdreg $0x60  }
0xae: {  	[dreg:$0x2] =	wrdreg s24  }
0xaf: {  	[dreg:$0x3] =	wrdreg $0x1B9000  }
0xb0: {  	[dreg:$0x4] =	wrdreg $0x1D1800  }
0xb1: {  	[dreg:$0x5] =	wrdreg $0x9  }
0xb2: {  	_ =	task.clear_ibuf [dreg:s6], $0x6FFFF;
	_ =	strace $0x90000049  }
0xb3: {  	s29 =	simm.s32 $0x9;
	_ =	strace $0x8000004B  }
0xb4: {  	_ =	swait.ge [sflag:s29], $0x1  }
0xb5: {  	[sflag:s29] =	ssyncadd.s32 $0xFFFFFFFF  }
0xb6: {  	_ =	strace $0x9000004B  }
0xb7: {  	_ =	sfence  }
0xb8: {  	s30 =	sld [smem:$0x0];
	_ =	sdelay $0x2  }
0xb9: {  	s31 =	sshll.u32 s1, $0xD;
	s1 =	sshrl.u32 s1, $0x2  }
0xba: {  	s3 =	sand.u32 $0x4000, s31;
	s1 =	sadd.s32 s1, s30  }
0xbb: {  	s0 =	sor.u32 s3, s0;
	s1 =	sshll.u32 s1, $0x11  }
0xbc: {  	s0 =	sor.u32 s1, s0  }
0xbd: {  	s0 =	sadd.s32 $0x8F2B, s0  }
0xbe: {  	[sflag:s0] =	ssyncadd.remote.s32 $0x1  }
0xbf: {  	_ =	sfence.sel $0xFFFF  }
0xc0: {  	[dreg:$0x0] =	wrdreg $0xFFFFFFFF;
	(pc) =	sbr.abs _section_cstart, $3  }
0xc1: {  	[dreg:$0x1] =	wrdreg $0xFFFFFFFF  }
0xc2: {  	_ =	task.clear_ibuf [dreg:s6], $0x2FFFF;
	_ =	strace $0x9FFFFFFF  }
0xc3: {  	(tm) =	ssettm $0x7FFFFFFF  }
tec
execute0_lowered:
.L_overlay_start_1:
0x0: {  	(tag) =	ssettag $0x1  }
0x1: {  	s0 =	rddreg [dreg:$0x0]  }
0x2: {  	s1 =	rddreg [dreg:$0x1]  }
0x3: {  	s2 =	rddreg [dreg:$0x2];
	s4 =	simm.s32 $0x0  }
0x4: {  	s3 =	srdreg.scid;
	s11 =	stileid.u32;
	s15 =	simm.s32 $0x1B880  }
0x5: {  	s16 =	simm.s32 $0x5;
	s17 =	simm.s32 $0x18800;
	s18 =	simm.s32 $0x19800  }
0x6: {  	s28 =	simm.s32 $0x1A780;
	s29 =	simm.s32 $0x1;
	s30 =	simm.s32 $0x2  }
0x7: {  	s31 =	simm.s32 $0x19000;
	[smem:$0x7FF] =	sst s4;
	s7 =	smul.u32 $0x3100, s11  }
0x8: {  	s3 =	sand.u32 $0x1, s3;
	s5 =	sadd.s32 $0xC5200, s0;
	s10 =	smul.u32 $0x1880, s11  }
0x9: {  	s6 =	sadd.s32 $0x1C00, s0;
	s9 =	sadd.s32 $0x188800, s0;
	s22 =	smul.u32 $0x6200, s11  }
0xa: {  	_ =	strace $0x8000004A;
	s8 =	sshll.u32 s3, $0x7;
	[dreg:$0x4] =	wrdreg s9  }
0xb: {  	s19 =	ssub.s32 $0x2, s3;
	s3 =	sshll.u32 s3, $0x4;
	s7 =	sor.u32 s8, s7  }
0xc: {  	s20 =	sshrl.u32 s19, $0x1;
	s3 =	sor.u32 s11, s3;
	s8 =	simm.s32 $0x62  }
0xd: {  	s24 =	sadd.s32 s10, s1;
	s25 =	sadd.s32 s10, s2;
	s7 =	sshrl.u32 s7, $0x3  }
0xe: {  	s21 =	ssub.s32 s19, s20;
	p0 =	slt.u32 s3, $0x15;
	s9 =	sshll.u32 s3, $0xB  }
0xf: {  	s3 =	sshrl.u32 s22, $0x2;
	s19 =	simm.s32 $0x3;
	s20 =	simm.s32 $0x4  }
0x10: {  	s26 =	sshrl.u32 s24, $0x3;
	s22 =	simm.s32 $0x1A680;
	s0 =	sadd.s32 s7, s0  }
0x11: {  	s8 =	simm.s32 @!p0 $0x61;
	s7 =	smax.u32 s21, $0x1;
	s13 =	sadd.s32 s3, s1  }
.Ltmp0:
0x12: {  	s14 =	sadd.s32 s3, s2;
	[dreg:$0x8] =	wrdreg s26;
	(pc) =	sbr.rel .LBB2_1-.Ltmp0, $4  }
0x13: {  	s21 =	simm.s32 $0x80;
	s23 =	sadd.s32 $0x18BA00, s0;
	[dreg:$0x7] =	wrdreg s7  }
0x14: {  	s26 =	simm.s32 $0x1B800;
	s0 =	sadd.s32 $0x191C00, s0;
	[dreg:$0x5] =	wrdreg s23  }
0x15: {  	s3 =	simm.s32 $0x0;
	[dreg:$0x6] =	wrdreg s0;
	s0 =	sshrl.u32 s25, $0x3  }
0x16: {  	v0 =	vimm.f32 $1.000000000e+00;
	v1 =	vimm.f32 $0.0e+00;
	v2 =	vimm.s32 $0x0;
	s25 =	simm.s32 $0x1A600;
	s23 =	simm.s32 $0x1A700;
	[dreg:$0x9] =	wrdreg s0  }
.LBB2_17:
0x17: {  	_ =	swait.ge [sflag:s29], $0x80  }
0x18: {  	[sflag:s29] =	ssyncset.done $0x0  }
0x19: {  	[sflag:s29] =	ssyncadd.s32 $0xFFFFFF80  }
0x1a: {  	_ =	swait.ge [sflag:s29], $0x80  }
0x1b: {  	[sflag:s29] =	ssyncset.done $0x0  }
0x1c: {  	[sflag:s29] =	ssyncadd.s32 $0xFFFFFF80  }
0x1d: {  	_ =	swait.ge [sflag:s29], $0x80  }
0x1e: {  	[sflag:s29] =	ssyncset.done $0x0  }
0x1f: {  	[sflag:s29] =	ssyncadd.s32 $0xFFFFFF80  }
0x20: {  	_ =	swait.ge [sflag:s29], $0x80  }
0x21: {  	[sflag:s29] =	ssyncset.done $0x0  }
0x22: {  	[sflag:s29] =	ssyncadd.s32 $0xFFFFFF80  }
0x23: {  	_ =	swait.ge [sflag:s29], $0x80  }
0x24: {  	[sflag:s29] =	ssyncset.done $0x0  }
0x25: {  	[sflag:s29] =	ssyncadd.s32 $0xFFFFFF80  }
0x26: {  	_ =	swait.ge [sflag:s29], $0x80  }
0x27: {  	[sflag:s29] =	ssyncset.done $0x0  }
0x28: {  	[sflag:s29] =	ssyncadd.s32 $0xFFFFFF80  }
0x29: {  	_ =	swait.ge [sflag:s29], $0x80  }
0x2a: {  	[sflag:s29] =	ssyncset.done $0x0  }
0x2b: {  	[sflag:s29] =	ssyncadd.s32 $0xFFFFFF80  }
0x2c: {  	_ =	swait.ge [sflag:s29], $0x80  }
0x2d: {  	[sflag:s29] =	ssyncset.done $0x0  }
0x2e: {  	[sflag:s29] =	ssyncadd.s32 $0xFFFFFF80  }
0x2f: {  	_ =	swait.ge [sflag:s29], $0x80  }
0x30: {  	[sflag:s29] =	ssyncset.done $0x0  }
0x31: {  	[sflag:s29] =	ssyncadd.s32 $0xFFFFFF80  }
0x32: {  	_ =	swait.ge [sflag:s29], $0x80  }
0x33: {  	[sflag:s29] =	ssyncset.done $0x0  }
0x34: {  	[sflag:s29] =	ssyncadd.s32 $0xFFFFFF80  }
0x35: {  	_ =	swait.ge [sflag:s29], $0x80  }
0x36: {  	[sflag:s29] =	ssyncset.done $0x0  }
0x37: {  	[sflag:s29] =	ssyncadd.s32 $0xFFFFFF80  }
0x38: {  	_ =	swait.ge [sflag:s29], $0x80  }
0x39: {  	[sflag:s29] =	ssyncset.done $0x0  }
0x3a: {  	[sflag:s29] =	ssyncadd.s32 $0xFFFFFF80  }
0x3b: {  	_ =	swait.ge [sflag:s29], $0x80  }
0x3c: {  	[sflag:s29] =	ssyncset.done $0x0  }
0x3d: {  	[sflag:s29] =	ssyncadd.s32 $0xFFFFFF80  }
0x3e: {  	_ =	swait.ge [sflag:s29], $0x80  }
0x3f: {  	[sflag:s29] =	ssyncset.done $0x0  }
0x40: {  	[sflag:s29] =	ssyncadd.s32 $0xFFFFFF80  }
0x41: {  	_ =	swait.ge [sflag:s29], $0x80  }
0x42: {  	[sflag:s29] =	ssyncset.done $0x0  }
0x43: {  	[sflag:s29] =	ssyncadd.s32 $0xFFFFFF80  }
0x44: {  	_ =	swait.ge [sflag:s29], $0x80  }
0x45: {  	[sflag:s29] =	ssyncset.done $0x0  }
0x46: {  	[sflag:s29] =	ssyncadd.s32 $0xFFFFFF80  }
0x47: {  	_ =	swait.ge [sflag:s30], $0x80  }
0x48: {  	[sflag:s30] =	ssyncset.done $0x0  }
0x49: {  	[sflag:s30] =	ssyncadd.s32 $0xFFFFFF80  }
0x4a: {  	_ =	swait.ge [sflag:s30], $0x80  }
0x4b: {  	[sflag:s30] =	ssyncset.done $0x0  }
0x4c: {  	[sflag:s30] =	ssyncadd.s32 $0xFFFFFF80  }
0x4d: {  	_ =	swait.ge [sflag:s30], $0x80  }
0x4e: {  	[sflag:s30] =	ssyncset.done $0x0  }
0x4f: {  	[sflag:s30] =	ssyncadd.s32 $0xFFFFFF80  }
0x50: {  	_ =	swait.ge [sflag:s30], $0x80  }
0x51: {  	[sflag:s30] =	ssyncset.done $0x0  }
0x52: {  	[sflag:s30] =	ssyncadd.s32 $0xFFFFFF80  }
0x53: {  	_ =	swait.ge [sflag:s30], $0x80  }
0x54: {  	[sflag:s30] =	ssyncset.done $0x0  }
0x55: {  	[sflag:s30] =	ssyncadd.s32 $0xFFFFFF80  }
0x56: {  	_ =	swait.ge [sflag:s30], $0x80  }
0x57: {  	[sflag:s30] =	ssyncset.done $0x0  }
0x58: {  	[sflag:s30] =	ssyncadd.s32 $0xFFFFFF80  }
0x59: {  	_ =	swait.ge [sflag:s30], $0x80  }
0x5a: {  	[sflag:s30] =	ssyncset.done $0x0  }
0x5b: {  	[sflag:s30] =	ssyncadd.s32 $0xFFFFFF80  }
0x5c: {  	_ =	swait.ge [sflag:s30], $0x80  }
0x5d: {  	[sflag:s30] =	ssyncset.done $0x0  }
0x5e: {  	[sflag:s30] =	ssyncadd.s32 $0xFFFFFF80  }
0x5f: {  	_ =	swait.ge [sflag:s30], $0x80  }
0x60: {  	[sflag:s30] =	ssyncset.done $0x0  }
0x61: {  	[sflag:s30] =	ssyncadd.s32 $0xFFFFFF80  }
0x62: {  	_ =	swait.ge [sflag:s30], $0x80  }
0x63: {  	[sflag:s30] =	ssyncset.done $0x0  }
0x64: {  	[sflag:s30] =	ssyncadd.s32 $0xFFFFFF80  }
0x65: {  	_ =	swait.ge [sflag:s30], $0x80  }
0x66: {  	[sflag:s30] =	ssyncset.done $0x0  }
0x67: {  	[sflag:s30] =	ssyncadd.s32 $0xFFFFFF80  }
0x68: {  	_ =	swait.ge [sflag:s30], $0x80  }
0x69: {  	[sflag:s30] =	ssyncset.done $0x0  }
0x6a: {  	[sflag:s30] =	ssyncadd.s32 $0xFFFFFF80  }
0x6b: {  	_ =	swait.ge [sflag:s30], $0x80  }
0x6c: {  	[sflag:s30] =	ssyncset.done $0x0  }
0x6d: {  	[sflag:s30] =	ssyncadd.s32 $0xFFFFFF80  }
0x6e: {  	_ =	swait.ge [sflag:s30], $0x80  }
0x6f: {  	[sflag:s30] =	ssyncset.done $0x0  }
0x70: {  	[sflag:s30] =	ssyncadd.s32 $0xFFFFFF80  }
0x71: {  	_ =	swait.ge [sflag:s30], $0x80  }
0x72: {  	[sflag:s30] =	ssyncset.done $0x0  }
0x73: {  	[sflag:s30] =	ssyncadd.s32 $0xFFFFFF80  }
0x74: {  	_ =	swait.ge [sflag:s30], $0x80  }
0x75: {  	[sflag:s30] =	ssyncset.done $0x0  }
0x76: {  	[sflag:s30] =	ssyncadd.s32 $0xFFFFFF80  }
0x77: {  	s0 =	stileid.u32;
	[bflag:$0x0] =	sbarrier.arrive $0xFFFF  }
0x78: {  	s10 =	simm.s32 $0x20;
	s0 =	sshll.u32 s0, $0x6;
	s3 =	rddreg [dreg:$0x5]  }
0x79: {  	s11 =	simm.s32 $0x10;
	s0 =	sor.u32 $0x1C05, s0;
	s7 =	rddreg [dreg:$0x8]  }
0x7a: {  	[hbm:s3@s10], [sflag:s0] =	dma.strided [spmem:s7@s11], $0x310, s29, $0x10   }
0x7b: {  	_ =	swait.ge [sflag:s16], $0x310  }
0x7c: {  	[sflag:s16] =	ssyncset.done $0x0;
	s12 =	rddreg [dreg:$0x6]  }
0x7d: {  	s24 =	rddreg [dreg:$0x9];
	[sflag:s16] =	ssyncadd.s32 $0xFFFFFCF0  }
0x7e: {  	[hbm:s12@s10], [sflag:s0] =	dma.strided [spmem:s24@s11], $0x310, s29, $0x10   }
0x7f: {  	_ =	swait.ge [sflag:s16], $0x310  }
0x80: {  	s12 =	rddreg [dreg:$0xa]  }
0x81: {  	s24 =	rddreg [dreg:$0x7];
	s3 =	sadd.s32 $0x1, s12  }
0x82: {  	p0 =	sne.s32 s3, s24  }
.Ltmp1:
0x83: {  	_ = 	snop;
	(pc) =	sbr.rel @!p0 .LBB2_18-.Ltmp1, $3  }
0x84: {  	_ =	sdelay $0x1  }
0x85: {  	[sflag:s16] =	ssyncset.done $0x0  }
0x86: {  	[sflag:s16] =	ssyncadd.s32 $0xFFFFFCF0  }
.LBB2_1:
0x87: {  	[tilespmem:$0x1B800] =	vst v0  }
0x88: {  	[tilespmem:$0x1B880] =	vst v1  }
0x89: {  	[tilespmem:$0x1B810] =	vst v0  }
0x8a: {  	[tilespmem:$0x1B890] =	vst v1  }
0x8b: {  	[tilespmem:$0x1B820] =	vst v0  }
0x8c: {  	[tilespmem:$0x1B8A0] =	vst v1  }
0x8d: {  	[tilespmem:$0x1B830] =	vst v0  }
0x8e: {  	[tilespmem:$0x1B8B0] =	vst v1  }
0x8f: {  	[tilespmem:$0x1B840] =	vst v0  }
0x90: {  	[tilespmem:$0x1B8C0] =	vst v1  }
0x91: {  	[tilespmem:$0x1B850] =	vst v0  }
0x92: {  	[tilespmem:$0x1B8D0] =	vst v1  }
0x93: {  	[tilespmem:$0x1B860] =	vst v0  }
0x94: {  	[tilespmem:$0x1B8E0] =	vst v1  }
0x95: {  	[tilespmem:$0x1B870] =	vst v0  }
0x96: {  	[dreg:$0xa] =	wrdreg s3;
	[tilespmem:$0x1B8F0] =	vst v1;
	s0 =	sadd.s32 $0x0, s13  }
0x97: {  	[spmem:s0] =	stream.linear.scatter [tilespmem:s15], [sflag:$0x5], $0x80, $0x38;
	[tilespmem:$0x1EA00] =	vst v63  }
0x98: {  	s0 =	simm.s32 $0x200;
	_ =	swait.ge [sflag:s16], $0x80  }
.LBB2_2:
0x99: {  	s3 =	sshra.s32 s0, $0x2;
	[sflag:s16] =	ssyncset.done $0x0;
	p0 =	sne.s32 s0, $0x6000  }
.Ltmp2:
0x9a: {  	s3 =	sadd.s32 s3, s13;
	[sflag:s16] =	ssyncadd.s32 $0xFFFFFF80;
	(pc) =	sbr.rel @p0 .LBB2_2-.Ltmp2, $3  }
0x9b: {  	[spmem:s3] =	stream.linear.scatter [tilespmem:s15], [sflag:$0x5], $0x80, $0x38;
	[tilespmem:$0x1EA00] =	vst v63  }
0x9c: {  	s0 =	sadd.s32 $0x200, s0;
	_ =	sdelay $0x1  }
0x9d: {  	_ =	swait.ge [sflag:s16], $0x80  }
0x9e: {  	[sflag:s16] =	ssyncset.done $0x0  }
0x9f: {  	s0 =	sadd.s32 $0x0, s14;
	[sflag:s16] =	ssyncadd.s32 $0xFFFFFF80  }
0xa0: {  	[spmem:s0] =	stream.linear.scatter [tilespmem:s15], [sflag:$0x5], $0x80, $0x38;
	[tilespmem:$0x1EA00] =	vst v63  }
0xa1: {  	s0 =	simm.s32 $0x200;
	_ =	swait.ge [sflag:s16], $0x80  }
.LBB2_4:
0xa2: {  	s3 =	sshra.s32 s0, $0x2;
	[sflag:s16] =	ssyncset.done $0x0;
	p0 =	sne.s32 s0, $0x6000  }
.Ltmp3:
0xa3: {  	s3 =	sadd.s32 s3, s14;
	[sflag:s16] =	ssyncadd.s32 $0xFFFFFF80;
	(pc) =	sbr.rel @p0 .LBB2_4-.Ltmp3, $3  }
0xa4: {  	[spmem:s3] =	stream.linear.scatter [tilespmem:s15], [sflag:$0x5], $0x80, $0x38;
	[tilespmem:$0x1EA00] =	vst v63  }
0xa5: {  	s0 =	sadd.s32 $0x200, s0;
	_ =	sdelay $0x1  }
0xa6: {  	_ =	swait.ge [sflag:s16], $0x80  }
0xa7: {  	[sflag:s16] =	ssyncset.done $0x0  }
0xa8: {  	s0 =	simm.s32 $0x0;
	s3 =	rddreg [dreg:$0x4];
	[sflag:s16] =	ssyncadd.s32 $0xFFFFFF80  }
0xa9: {  	[tilespmem:s0], [sflag:$0x5] =	stream.linear.gather [hbm4b:s3+s0], $0x18800, $0x38;
	[tilespmem:$0x1EA00] =	vst v63  }
.Ltmp4:
0xaa: {  	_ =	swait.ge [sflag:s16], $0x18800;
	(pc) =	sbr.rel .LBB2_6-.Ltmp4, $3  }
0xab: {  	[sflag:s16] =	ssyncset.done $0x0  }
0xac: {  	[sflag:s16] =	ssyncadd.s32 $0xFFFE7800  }
0xad: {  	[bflag:$0x0] =	sbarrier.arrive $0xFFFF;
	_ =	sdelay $0x1  }
.LBB2_16:
0xae: {  	s0 =	sadd.s32 $0x1, s0  }
0xaf: {  	p0 =	sne.s32 s0, s8  }
.Ltmp5:
0xb0: {  	_ = 	snop;
	(pc) =	sbr.rel @!p0 .LBB2_17-.Ltmp5, $1  }
0xb1: {  	_ =	sdelay $0x3  }
.LBB2_6:
0xb2: {  	s7 =	sand.u32 $0x1, s0  }
0xb3: {  	p0 =	seq.s32 s7, $0x1  }
.Ltmp6:
0xb4: {  	_ = 	snop;
	(pc) =	sbr.rel @p0 .LBB2_12-.Ltmp6, $4  }
0xb5: {  	s3 =	sshll.u32 s0, $0x10  }
0xb6: {  	s3 =	sor.u32 s9, s3  }
0xb7: {  	s3 =	sshrl.u32 s3, $0x3  }
0xb8: {  	s10 =	sadd.s32 s5, s3  }
0xb9: {  	[tilespmem:s17], [sflag:$0x3] =	stream.linear.gather [hbm4b:s10+s4], $0x800, $0x38;
	[tilespmem:$0x1EA00] =	vst v63  }
0xba: {  	p0 =	slt.u32 s0, $0x2  }
0xbb: {  	s11 =	simm.s32 @!p0 $0x1  }
0xbc: {  	_ =	swait.ge @!p0 [sflag:s11], $0x80  }
0xbd: {  	[sflag:s11] =	ssyncset.done @!p0 $0x0  }
0xbe: {  	[sflag:s11] =	ssyncadd.s32 @!p0 $0xFFFFFF80  }
0xbf: {  	_ =	swait.ge @!p0 [sflag:s11], $0x80  }
0xc0: {  	[sflag:s11] =	ssyncset.done @!p0 $0x0  }
0xc1: {  	[sflag:s11] =	ssyncadd.s32 @!p0 $0xFFFFFF80  }
0xc2: {  	_ =	swait.ge @!p0 [sflag:s11], $0x80  }
0xc3: {  	[sflag:s11] =	ssyncset.done @!p0 $0x0  }
0xc4: {  	[sflag:s11] =	ssyncadd.s32 @!p0 $0xFFFFFF80  }
0xc5: {  	_ =	swait.ge @!p0 [sflag:s11], $0x80  }
0xc6: {  	[sflag:s11] =	ssyncset.done @!p0 $0x0  }
0xc7: {  	[sflag:s11] =	ssyncadd.s32 @!p0 $0xFFFFFF80  }
0xc8: {  	_ =	swait.ge @!p0 [sflag:s11], $0x80  }
0xc9: {  	[sflag:s11] =	ssyncset.done @!p0 $0x0  }
0xca: {  	[sflag:s11] =	ssyncadd.s32 @!p0 $0xFFFFFF80  }
0xcb: {  	_ =	swait.ge @!p0 [sflag:s11], $0x80  }
0xcc: {  	[sflag:s11] =	ssyncset.done @!p0 $0x0  }
0xcd: {  	[sflag:s11] =	ssyncadd.s32 @!p0 $0xFFFFFF80  }
0xce: {  	_ =	swait.ge @!p0 [sflag:s11], $0x80  }
0xcf: {  	[sflag:s11] =	ssyncset.done @!p0 $0x0  }
0xd0: {  	[sflag:s11] =	ssyncadd.s32 @!p0 $0xFFFFFF80  }
0xd1: {  	_ =	swait.ge @!p0 [sflag:s11], $0x80  }
0xd2: {  	[sflag:s11] =	ssyncset.done @!p0 $0x0  }
0xd3: {  	[sflag:s11] =	ssyncadd.s32 @!p0 $0xFFFFFF80  }
0xd4: {  	_ =	swait.ge @!p0 [sflag:s11], $0x80  }
0xd5: {  	[sflag:s11] =	ssyncset.done @!p0 $0x0  }
0xd6: {  	[sflag:s11] =	ssyncadd.s32 @!p0 $0xFFFFFF80  }
0xd7: {  	_ =	swait.ge @!p0 [sflag:s11], $0x80  }
0xd8: {  	[sflag:s11] =	ssyncset.done @!p0 $0x0  }
0xd9: {  	[sflag:s11] =	ssyncadd.s32 @!p0 $0xFFFFFF80  }
0xda: {  	_ =	swait.ge @!p0 [sflag:s11], $0x80  }
0xdb: {  	[sflag:s11] =	ssyncset.done @!p0 $0x0  }
0xdc: {  	[sflag:s11] =	ssyncadd.s32 @!p0 $0xFFFFFF80  }
0xdd: {  	_ =	swait.ge @!p0 [sflag:s11], $0x80  }
0xde: {  	[sflag:s11] =	ssyncset.done @!p0 $0x0  }
0xdf: {  	[sflag:s11] =	ssyncadd.s32 @!p0 $0xFFFFFF80  }
0xe0: {  	_ =	swait.ge @!p0 [sflag:s11], $0x80  }
0xe1: {  	[sflag:s11] =	ssyncset.done @!p0 $0x0  }
0xe2: {  	[sflag:s11] =	ssyncadd.s32 @!p0 $0xFFFFFF80  }
0xe3: {  	_ =	swait.ge @!p0 [sflag:s11], $0x80  }
0xe4: {  	[sflag:s11] =	ssyncset.done @!p0 $0x0  }
0xe5: {  	[sflag:s11] =	ssyncadd.s32 @!p0 $0xFFFFFF80  }
0xe6: {  	_ =	swait.ge @!p0 [sflag:s11], $0x80  }
0xe7: {  	[sflag:s11] =	ssyncset.done @!p0 $0x0  }
0xe8: {  	[sflag:s11] =	ssyncadd.s32 @!p0 $0xFFFFFF80  }
0xe9: {  	_ =	swait.ge @!p0 [sflag:s11], $0x80  }
0xea: {  	[sflag:s11] =	ssyncset.done @!p0 $0x0  }
0xeb: {  	s24 =	sadd.s32 s6, s3;
	s12 =	simm.s32 $0x0;
	[sflag:s11] =	ssyncadd.s32 @!p0 $0xFFFFFF80  }
0xec: {  	[tilespmem:s31], [sflag:$0x4] =	stream.linear.gather [hbm4b:s24+s12], $0x800, $0x38;
	[tilespmem:$0x1EA00] =	vst v63  }
0xed: {  	_ =	swait.ge [sflag:s19], $0x800  }
0xee: {  	[sflag:s19] =	ssyncset.done $0x0  }
0xef: {  	[sflag:s19] =	ssyncadd.s32 $0xFFFFF800  }
0xf0: {  	_ =	swait.ge [sflag:s20], $0x800  }
0xf1: {  	[sflag:s20] =	ssyncset.done $0x0  }
0xf2: {  	s11 =	simm.s32 $0x0;
	[sflag:s20] =	ssyncadd.s32 $0xFFFFF800  }
0xf3: {  	v4 =	vld [tilespmem:s11+$0x18800];
	_ =	sdelay $0x1  }
0xf4: {  	v5 =	vld [tilespmem:s11+$0x19000];
	_ =	sdelay $0x4  }
0xf5: {  	vm6 =	veq.s32 v5, $0x1869F;
	v5 =	vld [tilespmem:s11+$0x18810]  }
0xf6: {  	v6 =	vnsel vm6, $0x18780, v4;
	v4 =	vld.idx.msk [tilespmem:v4+s4+$0x0], $0xffff  }
0xf7: {  	[tilespmem:s11+$0x1A000] =	vst v6;
	v6 =	vld [tilespmem:s11+$0x19010];
	_ =	sdelay $0x4  }
0xf8: {  	[tilespmem:s11+$0x1A800] =	vst v4;
	v4 =	vld [tilespmem:s11+$0x18820];
	vm0 =	veq.s32 v6, $0x1869F  }
0xf9: {  	v6 =	vld.idx.msk [tilespmem:v5+s4+$0x0], $0xffff;
	v5 =	vnsel vm0, $0x18780, v5  }
0xfa: {  	[tilespmem:s11+$0x1A010] =	vst v5;
	v5 =	vld [tilespmem:s11+$0x19020];
	_ =	sdelay $0x3  }
0xfb: {  	[tilespmem:s11+$0x1A810] =	vst v6;
	v6 =	vld [tilespmem:s11+$0x18830]  }
0xfc: {  	vm1 =	veq.s32 v5, $0x1869F  }
0xfd: {  	v5 =	vld.idx.msk [tilespmem:v4+s4+$0x0], $0xffff;
	v4 =	vnsel vm1, $0x18780, v4  }
0xfe: {  	[tilespmem:s11+$0x1A020] =	vst v4;
	v4 =	vld [tilespmem:s11+$0x19030];
	_ =	sdelay $0x3  }
0xff: {  	[tilespmem:s11+$0x1A820] =	vst v5;
	v5 =	vld [tilespmem:s11+$0x18840]  }
0x100: {  	vm2 =	veq.s32 v4, $0x1869F;
	v4 =	vld.idx.msk [tilespmem:v6+s4+$0x0], $0xffff  }
0x101: {  	v6 =	vnsel vm2, $0x18780, v6  }
0x102: {  	[tilespmem:s11+$0x1A030] =	vst v6;
	v6 =	vld [tilespmem:s11+$0x19040];
	_ =	sdelay $0x2  }
0x103: {  	[tilespmem:s11+$0x1A830] =	vst v4;
	v4 =	vld [tilespmem:s11+$0x18850];
	_ =	sdelay $0x1  }
0x104: {  	vm3 =	veq.s32 v6, $0x1869F;
	v6 =	vld.idx.msk [tilespmem:v5+s4+$0x0], $0xffff  }
0x105: {  	v5 =	vnsel vm3, $0x18780, v5  }
0x106: {  	[tilespmem:s11+$0x1A040] =	vst v5;
	v5 =	vld [tilespmem:s11+$0x19050];
	_ =	sdelay $0x1  }
0x107: {  	v8 =	vld [tilespmem:s11+$0x18860]  }
0x108: {  	[tilespmem:s11+$0x1A840] =	vst v6  }
0x109: {  	v6 =	vld.idx.msk [tilespmem:v4+s4+$0x0], $0xffff  }
0x10a: {  	vm4 =	veq.s32 v5, $0x1869F  }
0x10b: {  	v4 =	vnsel vm4, $0x18780, v4  }
0x10c: {  	[tilespmem:s11+$0x1A050] =	vst v4;
	v4 =	vld [tilespmem:s11+$0x19060]  }
0x10d: {  	v9 =	vld [tilespmem:s11+$0x19070]  }
0x10e: {  	[tilespmem:s11+$0x1A850] =	vst v6;
	v6 =	vld [tilespmem:s11+$0x18870]  }
0x10f: {  	v7 =	vld.idx.msk [tilespmem:v8+s4+$0x0], $0xffff;
	_ =	sdelay $0x1  }
0x110: {  	vm5 =	veq.s32 v4, $0x1869F  }
0x111: {  	s12 =	simm.s32 $0x80;
	v8 =	vnsel vm5, $0x18780, v8  }
0x112: {  	v3 =	vimm.s32 $0x0;
	s24 =	simm.s32 $0x400;
	vm7 =	veq.s32 v9, $0x1869F;
	v5 =	vld [tilespmem:s12+$0x19000];
	v4 =	vsel vm6, $0x1, v2;
	[tilespmem:s11+$0x1A060] =	vst v8  }
.LBB2_8:
0x113: {  	p0 =	seq.s32 s24, $0x1E00;
	v8 =	vld [tilespmem:s12+$0x18800];
	v3 =	vadd.s32 v4, v3;
	v4 =	vsel vm0, $0x1, v2;
	[tilespmem:s11+$0x1A860] =	vst v7;
	v7 =	vnsel vm7, $0x18780, v6  }
0x114: {  	v3 =	vadd.s32 v4, v3;
	v4 =	vsel vm1, $0x1, v2;
	v6 =	vld.idx.msk [tilespmem:v6+s4+$0x0], $0xffff;
	[tilespmem:s11+$0x1A070] =	vst v7  }
0x115: {  	v3 =	vadd.s32 v4, v3;
	v4 =	vsel vm2, $0x1, v2  }
0x116: {  	v3 =	vadd.s32 v4, v3;
	v4 =	vsel vm3, $0x1, v2  }
0x117: {  	v3 =	vadd.s32 v4, v3;
	v4 =	vsel vm4, $0x1, v2  }
0x118: {  	v3 =	vadd.s32 v4, v3;
	v4 =	vsel vm5, $0x1, v2  }
0x119: {  	vm6 =	veq.s32 v5, $0x1869F;
	v3 =	vadd.s32 v4, v3;
	v4 =	vsel vm7, $0x1, v2  }
0x11a: {  	v5 =	vnsel vm6, $0x18780, v8;
	v7 =	vld [tilespmem:s12+$0x18810];
	[tilespmem:s11+$0x1A870] =	vst v6;
	v3 =	vadd.s32 v4, v3;
	s11 =	smov.u32 s12  }
0x11b: {  	v4 =	vld.idx.msk [tilespmem:v8+s4+$0x0], $0xffff;
	[tilespmem:s11+$0x1A000] =	vst v5;
	_ =	sdelay $0x4  }
0x11c: {  	v5 =	vld [tilespmem:s11+$0x19010]  }
0x11d: {  	[tilespmem:s11+$0x1A800] =	vst v4;
	v4 =	vld [tilespmem:s11+$0x18820]  }
0x11e: {  	v6 =	vld.idx.msk [tilespmem:v7+s4+$0x0], $0xffff;
	_ =	sdelay $0x2  }
0x11f: {  	vm0 =	veq.s32 v5, $0x1869F  }
0x120: {  	v5 =	vnsel vm0, $0x18780, v7  }
0x121: {  	[tilespmem:s11+$0x1A010] =	vst v5;
	v5 =	vld [tilespmem:s11+$0x19020]  }
0x122: {  	[tilespmem:s11+$0x1A810] =	vst v6;
	v6 =	vld [tilespmem:s11+$0x18830]  }
0x123: {  	v7 =	vld.idx.msk [tilespmem:v4+s4+$0x0], $0xffff;
	_ =	sdelay $0x2  }
0x124: {  	vm1 =	veq.s32 v5, $0x1869F  }
0x125: {  	v4 =	vnsel vm1, $0x18780, v4  }
0x126: {  	[tilespmem:s11+$0x1A020] =	vst v4;
	v4 =	vld [tilespmem:s11+$0x19030]  }
0x127: {  	[tilespmem:s11+$0x1A820] =	vst v7;
	v5 =	vld [tilespmem:s11+$0x18840]  }
0x128: {  	v7 =	vld.idx.msk [tilespmem:v6+s4+$0x0], $0xffff;
	_ =	sdelay $0x2  }
0x129: {  	vm2 =	veq.s32 v4, $0x1869F  }
0x12a: {  	v4 =	vnsel vm2, $0x18780, v6  }
0x12b: {  	[tilespmem:s11+$0x1A030] =	vst v4;
	v4 =	vld [tilespmem:s11+$0x19040]  }
0x12c: {  	[tilespmem:s11+$0x1A830] =	vst v7;
	v6 =	vld [tilespmem:s11+$0x18850]  }
0x12d: {  	v7 =	vld.idx.msk [tilespmem:v5+s4+$0x0], $0xffff;
	_ =	sdelay $0x2  }
0x12e: {  	vm3 =	veq.s32 v4, $0x1869F  }
0x12f: {  	v4 =	vnsel vm3, $0x18780, v5  }
0x130: {  	[tilespmem:s11+$0x1A040] =	vst v4;
	v4 =	vld [tilespmem:s11+$0x19050]  }
0x131: {  	[tilespmem:s11+$0x1A840] =	vst v7;
	v5 =	vld [tilespmem:s11+$0x18860]  }
0x132: {  	v7 =	vld.idx.msk [tilespmem:v6+s4+$0x0], $0xffff;
	_ =	sdelay $0x2  }
0x133: {  	vm4 =	veq.s32 v4, $0x1869F  }
0x134: {  	v4 =	vnsel vm4, $0x18780, v6;
	v8 =	vld [tilespmem:s11+$0x19070]  }
0x135: {  	[tilespmem:s11+$0x1A050] =	vst v4;
	v4 =	vld [tilespmem:s11+$0x19060]  }
0x136: {  	[tilespmem:s11+$0x1A850] =	vst v7;
	v6 =	vld [tilespmem:s11+$0x18870]  }
0x137: {  	v7 =	vld.idx.msk [tilespmem:v5+s4+$0x0], $0xffff  }
.Ltmp7:
0x138: {  	(pc) =	sbr.rel @!p0 .LBB2_8-.Ltmp7, $4  }
0x139: {  	_ = 	snop  }
0x13a: {  	vm5 =	veq.s32 v4, $0x1869F  }
0x13b: {  	s12 =	sshra.s32 s24, $0x2;
	v9 =	vnsel vm5, $0x18780, v5  }
0x13c: {  	s24 =	sadd.s32 $0x200, s24;
	vm7 =	veq.s32 v8, $0x1869F;
	v4 =	vsel vm6, $0x1, v2;
	v5 =	vld [tilespmem:s12+$0x19000];
	[tilespmem:s11+$0x1A060] =	vst v9  }
0x13d: {  	_ =	sdelay $0x1  }
0x13e: {  	v8 =	vld [tilespmem:s12+$0x18800]  }
0x13f: {  	[tilespmem:s11+$0x1A860] =	vst v7  }
0x140: {  	v7 =	vld.idx.msk [tilespmem:v6+s4+$0x0], $0xffff;
	_ =	sdelay $0x1  }
0x141: {  	v30 =	vnsel vm7, $0x18780, v6  }
0x142: {  	[tilespmem:s11+$0x1A070] =	vst v30  }
0x143: {  	v6 =	vld [tilespmem:s12+$0x18810]  }
0x144: {  	[tilespmem:s11+$0x1A870] =	vst v7  }
0x145: {  	v7 =	vld.idx.msk [tilespmem:v8+s4+$0x0], $0xffff;
	_ =	sdelay $0x1  }
0x146: {  	vm6 =	veq.s32 v5, $0x1869F  }
0x147: {  	v5 =	vnsel vm6, $0x18780, v8;
	v31 =	vld [tilespmem:s12+$0x19010]  }
0x148: {  	v32 =	vld [tilespmem:s12+$0x18820];
	[tilespmem:s12+$0x1A000] =	vst v5  }
0x149: {  	[tilespmem:s12+$0x1A800] =	vst v7  }
0x14a: {  	v33 =	vld.idx.msk [tilespmem:v6+s4+$0x0], $0xffff;
	_ =	sdelay $0x1  }
0x14b: {  	vm8 =	veq.s32 v31, $0x1869F  }
0x14c: {  	v34 =	vld [tilespmem:s12+$0x19020];
	v6 =	vnsel vm8, $0x18780, v6  }
0x14d: {  	v35 =	vld [tilespmem:s12+$0x18830];
	[tilespmem:s12+$0x1A010] =	vst v6  }
0x14e: {  	[tilespmem:s12+$0x1A810] =	vst v33  }
0x14f: {  	v36 =	vld.idx.msk [tilespmem:v32+s4+$0x0], $0xffff;
	_ =	sdelay $0x1  }
0x150: {  	vm9 =	veq.s32 v34, $0x1869F  }
0x151: {  	v37 =	vld [tilespmem:s12+$0x19030];
	v7 =	vnsel vm9, $0x18780, v32  }
0x152: {  	v38 =	vld [tilespmem:s12+$0x18840];
	[tilespmem:s12+$0x1A020] =	vst v7  }
0x153: {  	[tilespmem:s12+$0x1A820] =	vst v36  }
0x154: {  	v39 =	vld.idx.msk [tilespmem:v35+s4+$0x0], $0xffff;
	_ =	sdelay $0x1  }
0x155: {  	vm10 =	veq.s32 v37, $0x1869F  }
0x156: {  	v40 =	vld [tilespmem:s12+$0x19040];
	v5 =	vnsel vm10, $0x18780, v35  }
0x157: {  	v41 =	vld [tilespmem:s12+$0x18850];
	[tilespmem:s12+$0x1A030] =	vst v5  }
0x158: {  	[tilespmem:s12+$0x1A830] =	vst v39  }
0x159: {  	v42 =	vld.idx.msk [tilespmem:v38+s4+$0x0], $0xffff;
	_ =	sdelay $0x1  }
0x15a: {  	vm11 =	veq.s32 v40, $0x1869F  }
0x15b: {  	v43 =	vld [tilespmem:s12+$0x19050];
	v5 =	vnsel vm11, $0x18780, v38  }
0x15c: {  	v44 =	vld [tilespmem:s12+$0x18860];
	[tilespmem:s12+$0x1A040] =	vst v5  }
0x15d: {  	[tilespmem:s12+$0x1A840] =	vst v42  }
0x15e: {  	v8 =	vld.idx.msk [tilespmem:v41+s4+$0x0], $0xffff;
	_ =	sdelay $0x1  }
0x15f: {  	vm12 =	veq.s32 v43, $0x1869F  }
0x160: {  	v47 =	vld [tilespmem:s12+$0x19060];
	v5 =	vnsel vm12, $0x18780, v41  }
0x161: {  	v49 =	vld [tilespmem:s12+$0x18870];
	[tilespmem:s12+$0x1A050] =	vst v5  }
0x162: {  	[tilespmem:s12+$0x1A850] =	vst v8  }
0x163: {  	v52 =	vld.idx.msk [tilespmem:v44+s4+$0x0], $0xffff;
	_ =	sdelay $0x1  }
0x164: {  	vm14 =	veq.s32 v47, $0x1869F  }
0x165: {  	v3 =	vadd.s32 v4, v3;
	v45 =	vld [tilespmem:s12+$0x19070];
	v4 =	vnsel vm14, $0x18780, v44  }
0x166: {  	[tilespmem:s12+$0x1A060] =	vst v4  }
0x167: {  	v46 =	vsel vm0, $0x1, v2;
	[tilespmem:s12+$0x1A860] =	vst v52  }
0x168: {  	v9 =	vsel vm1, $0x1, v2;
	v3 =	vadd.s32 v46, v3;
	v57 =	vld.idx.msk [tilespmem:v49+s4+$0x0], $0xffff  }
0x169: {  	v48 =	vsel vm2, $0x1, v2;
	v3 =	vadd.s32 v9, v3  }
0x16a: {  	v50 =	vsel vm3, $0x1, v2;
	v3 =	vadd.s32 v48, v3;
	vm15 =	veq.s32 v45, $0x1869F  }
0x16b: {  	v51 =	vsel vm4, $0x1, v2;
	v3 =	vadd.s32 v50, v3;
	v61 =	vnsel vm15, $0x18780, v49  }
0x16c: {  	v10 =	vsel vm5, $0x1, v2;
	v3 =	vadd.s32 v51, v3;
	[tilespmem:s12+$0x1A070] =	vst v61  }
0x16d: {  	v53 =	vsel vm7, $0x1, v2;
	s24 =	simm.s32 $0x1A800;
	v3 =	vadd.s32 v10, v3;
	[tilespmem:s12+$0x1A870] =	vst v57  }
0x16e: {  	v54 =	vsel vm6, $0x1, v2;
	v3 =	vadd.s32 v53, v3;
	[spmem:s1] =	stream.indirect.scatter.add.f32 [tilespmem:s24], [sflag:$0x1], $0x1, s31, s21, $0xb8;
	[tilespmem:$0x1EA00] =	vst v63  }
0x16f: {  	v3 =	vadd.s32 v54, v3;
	v55 =	vsel vm8, $0x1, v2;
	s12 =	simm.s32 $0x19080;
	s24 =	simm.s32 $0x1A880  }
0x170: {  	v56 =	vsel vm9, $0x1, v2;
	v3 =	vadd.s32 v55, v3;
	[spmem:s1] =	stream.indirect.scatter.add.f32 [tilespmem:s24], [sflag:$0x1], $0x1, s12, s21, $0xb8;
	[tilespmem:$0x1EA00] =	vst v63  }
0x171: {  	v58 =	vsel vm10, $0x1, v2;
	v3 =	vadd.s32 v56, v3;
	s12 =	simm.s32 $0x19100;
	s24 =	simm.s32 $0x1A900  }
0x172: {  	v59 =	vsel vm11, $0x1, v2;
	v3 =	vadd.s32 v58, v3;
	[spmem:s1] =	stream.indirect.scatter.add.f32 [tilespmem:s24], [sflag:$0x1], $0x1, s12, s21, $0xb8;
	[tilespmem:$0x1EA00] =	vst v63  }
0x173: {  	v60 =	vsel vm12, $0x1, v2;
	v3 =	vadd.s32 v59, v3;
	s12 =	simm.s32 $0x19180;
	s24 =	simm.s32 $0x1A980  }
0x174: {  	v62 =	vsel vm14, $0x1, v2;
	v3 =	vadd.s32 v60, v3;
	[spmem:s1] =	stream.indirect.scatter.add.f32 [tilespmem:s24], [sflag:$0x1], $0x1, s12, s21, $0xb8;
	[tilespmem:$0x1EA00] =	vst v63  }
0x175: {  	v63 =	vsel vm15, $0x1, v2;
	v3 =	vadd.s32 v62, v3;
	s12 =	simm.s32 $0x19200;
	s24 =	simm.s32 $0x1AA00  }
0x176: {  	v3 =	vadd.s32 v63, v3;
	[spmem:s1] =	stream.indirect.scatter.add.f32 [tilespmem:s24], [sflag:$0x1], $0x1, s12, s21, $0xb8;
	[tilespmem:$0x1EA00] =	vst v63  }
0x177: {  	(xrf0) =	vadd.scan.msk.s32 $0xffff, v3;
	s12 =	simm.s32 $0x19280;
	s24 =	simm.s32 $0x1AA80  }
0x178: {  	[spmem:s1] =	stream.indirect.scatter.add.f32 [tilespmem:s24], [sflag:$0x1], $0x1, s12, s21, $0xb8;
	[tilespmem:$0x1EA00] =	vst v63  }
0x179: {  	s12 =	simm.s32 $0x19300;
	s24 =	simm.s32 $0x1AB00  }
0x17a: {  	[spmem:s1] =	stream.indirect.scatter.add.f32 [tilespmem:s24], [sflag:$0x1], $0x1, s12, s21, $0xb8;
	[tilespmem:$0x1EA00] =	vst v63  }
0x17b: {  	s12 =	simm.s32 $0x19380;
	s24 =	simm.s32 $0x1AB80  }
0x17c: {  	[spmem:s1] =	stream.indirect.scatter.add.f32 [tilespmem:s24], [sflag:$0x1], $0x1, s12, s21, $0xb8;
	[tilespmem:$0x1EA00] =	vst v63  }
0x17d: {  	v3, _, _ =	vpop (xrf0);
	s12 =	simm.s32 $0x19400;
	s24 =	simm.s32 $0x1AC00  }
0x17e: {  	(v2sf) =	vpush v3, $0xF;
	[spmem:s1] =	stream.indirect.scatter.add.f32 [tilespmem:s24], [sflag:$0x1], $0x1, s12, s21, $0xb8;
	[tilespmem:$0x1EA00] =	vst v63  }
0x17f: {  	s12 =	simm.s32 $0x19480;
	s24 =	simm.s32 $0x1AC80  }
0x180: {  	[spmem:s1] =	stream.indirect.scatter.add.f32 [tilespmem:s24], [sflag:$0x1], $0x1, s12, s21, $0xb8;
	[tilespmem:$0x1EA00] =	vst v63  }
0x181: {  	s12 =	simm.s32 $0x19500;
	s24 =	simm.s32 $0x1AD00  }
0x182: {  	[spmem:s1] =	stream.indirect.scatter.add.f32 [tilespmem:s24], [sflag:$0x1], $0x1, s12, s21, $0xb8;
	[tilespmem:$0x1EA00] =	vst v63  }
0x183: {  	s12 =	simm.s32 $0x19580;
	s24 =	simm.s32 $0x1AD80  }
0x184: {  	[spmem:s1] =	stream.indirect.scatter.add.f32 [tilespmem:s24], [sflag:$0x1], $0x1, s12, s21, $0xb8;
	[tilespmem:$0x1EA00] =	vst v63  }
0x185: {  	s12 =	simm.s32 $0x19600;
	s24 =	simm.s32 $0x1AE00  }
0x186: {  	[spmem:s1] =	stream.indirect.scatter.add.f32 [tilespmem:s24], [sflag:$0x1], $0x1, s12, s21, $0xb8;
	[tilespmem:$0x1EA00] =	vst v63  }
0x187: {  	s12 =	simm.s32 $0x19680;
	s24 =	simm.s32 $0x1AE80  }
0x188: {  	[spmem:s1] =	stream.indirect.scatter.add.f32 [tilespmem:s24], [sflag:$0x1], $0x1, s12, s21, $0xb8;
	[tilespmem:$0x1EA00] =	vst v63  }
0x189: {  	s12 =	simm.s32 $0x19700;
	s24 =	simm.s32 $0x1AF00  }
0x18a: {  	[spmem:s1] =	stream.indirect.scatter.add.f32 [tilespmem:s24], [sflag:$0x1], $0x1, s12, s21, $0xb8;
	[tilespmem:$0x1EA00] =	vst v63  }
0x18b: {  	s12 =	simm.s32 $0x19780;
	s24 =	simm.s32 $0x1AF80  }
0x18c: {  	[spmem:s1] =	stream.indirect.scatter.add.f32 [tilespmem:s24], [sflag:$0x1], $0x1, s12, s21, $0xb8;
	[tilespmem:$0x1EA00] =	vst v63  }
0x18d: {  	s24 =	spop (v2sf)  }
0x18e: {  	p0 =	sgt.s32 s24, $0x0  }
.Ltmp8:
0x18f: {  	_ = 	snop;
	(pc) =	sbr.rel @!p0 .LBB2_11-.Ltmp8, $1  }
0x190: {  	_ =	sdelay $0x3  }
0x191: {  	s11 =	simm.s32 $0x1A000  }
0x192: {  	[spmem:s2] =	stream.indirect.scatter.add.f32 [tilespmem:s26], [sflag:$0x5], $0x1, s11, s21, $0xb8;
	[tilespmem:$0x1EA00] =	vst v63  }
0x193: {  	_ =	swait.ge [sflag:s16], $0x80  }
0x194: {  	[sflag:s16] =	ssyncset.done $0x0  }
0x195: {  	s24 =	simm.s32 $0x1A080;
	[sflag:s16] =	ssyncadd.s32 $0xFFFFFF80  }
0x196: {  	[spmem:s2] =	stream.indirect.scatter.add.f32 [tilespmem:s26], [sflag:$0x5], $0x1, s24, s21, $0xb8;
	[tilespmem:$0x1EA00] =	vst v63  }
0x197: {  	_ =	swait.ge [sflag:s16], $0x80  }
0x198: {  	[sflag:s16] =	ssyncset.done $0x0  }
0x199: {  	s12 =	simm.s32 $0x1A100;
	[sflag:s16] =	ssyncadd.s32 $0xFFFFFF80  }
0x19a: {  	[spmem:s2] =	stream.indirect.scatter.add.f32 [tilespmem:s26], [sflag:$0x5], $0x1, s12, s21, $0xb8;
	[tilespmem:$0x1EA00] =	vst v63  }
0x19b: {  	_ =	swait.ge [sflag:s16], $0x80  }
0x19c: {  	[sflag:s16] =	ssyncset.done $0x0  }
0x19d: {  	s24 =	simm.s32 $0x1A180;
	[sflag:s16] =	ssyncadd.s32 $0xFFFFFF80  }
0x19e: {  	[spmem:s2] =	stream.indirect.scatter.add.f32 [tilespmem:s26], [sflag:$0x5], $0x1, s24, s21, $0xb8;
	[tilespmem:$0x1EA00] =	vst v63  }
0x19f: {  	_ =	swait.ge [sflag:s16], $0x80  }
0x1a0: {  	[sflag:s16] =	ssyncset.done $0x0  }
0x1a1: {  	s12 =	simm.s32 $0x1A200;
	[sflag:s16] =	ssyncadd.s32 $0xFFFFFF80  }
0x1a2: {  	[spmem:s2] =	stream.indirect.scatter.add.f32 [tilespmem:s26], [sflag:$0x5], $0x1, s12, s21, $0xb8;
	[tilespmem:$0x1EA00] =	vst v63  }
0x1a3: {  	_ =	swait.ge [sflag:s16], $0x80  }
0x1a4: {  	[sflag:s16] =	ssyncset.done $0x0  }
0x1a5: {  	s24 =	simm.s32 $0x1A280;
	[sflag:s16] =	ssyncadd.s32 $0xFFFFFF80  }
0x1a6: {  	[spmem:s2] =	stream.indirect.scatter.add.f32 [tilespmem:s26], [sflag:$0x5], $0x1, s24, s21, $0xb8;
	[tilespmem:$0x1EA00] =	vst v63  }
0x1a7: {  	_ =	swait.ge [sflag:s16], $0x80  }
0x1a8: {  	[sflag:s16] =	ssyncset.done $0x0  }
0x1a9: {  	s12 =	simm.s32 $0x1A300;
	[sflag:s16] =	ssyncadd.s32 $0xFFFFFF80  }
0x1aa: {  	[spmem:s2] =	stream.indirect.scatter.add.f32 [tilespmem:s26], [sflag:$0x5], $0x1, s12, s21, $0xb8;
	[tilespmem:$0x1EA00] =	vst v63  }
0x1ab: {  	_ =	swait.ge [sflag:s16], $0x80  }
0x1ac: {  	[sflag:s16] =	ssyncset.done $0x0  }
0x1ad: {  	s24 =	simm.s32 $0x1A380;
	[sflag:s16] =	ssyncadd.s32 $0xFFFFFF80  }
0x1ae: {  	[spmem:s2] =	stream.indirect.scatter.add.f32 [tilespmem:s26], [sflag:$0x5], $0x1, s24, s21, $0xb8;
	[tilespmem:$0x1EA00] =	vst v63  }
0x1af: {  	_ =	swait.ge [sflag:s16], $0x80  }
0x1b0: {  	[sflag:s16] =	ssyncset.done $0x0  }
0x1b1: {  	s12 =	simm.s32 $0x1A400;
	[sflag:s16] =	ssyncadd.s32 $0xFFFFFF80  }
0x1b2: {  	[spmem:s2] =	stream.indirect.scatter.add.f32 [tilespmem:s26], [sflag:$0x5], $0x1, s12, s21, $0xb8;
	[tilespmem:$0x1EA00] =	vst v63  }
0x1b3: {  	_ =	swait.ge [sflag:s16], $0x80  }
0x1b4: {  	[sflag:s16] =	ssyncset.done $0x0  }
0x1b5: {  	s24 =	simm.s32 $0x1A480;
	[sflag:s16] =	ssyncadd.s32 $0xFFFFFF80  }
0x1b6: {  	[spmem:s2] =	stream.indirect.scatter.add.f32 [tilespmem:s26], [sflag:$0x5], $0x1, s24, s21, $0xb8;
	[tilespmem:$0x1EA00] =	vst v63  }
0x1b7: {  	_ =	swait.ge [sflag:s16], $0x80  }
0x1b8: {  	[sflag:s16] =	ssyncset.done $0x0  }
0x1b9: {  	s12 =	simm.s32 $0x1A500;
	[sflag:s16] =	ssyncadd.s32 $0xFFFFFF80  }
0x1ba: {  	[spmem:s2] =	stream.indirect.scatter.add.f32 [tilespmem:s26], [sflag:$0x5], $0x1, s12, s21, $0xb8;
	[tilespmem:$0x1EA00] =	vst v63  }
0x1bb: {  	_ =	swait.ge [sflag:s16], $0x80  }
0x1bc: {  	[sflag:s16] =	ssyncset.done $0x0  }
0x1bd: {  	s24 =	simm.s32 $0x1A580;
	[sflag:s16] =	ssyncadd.s32 $0xFFFFFF80  }
0x1be: {  	[spmem:s2] =	stream.indirect.scatter.add.f32 [tilespmem:s26], [sflag:$0x5], $0x1, s24, s21, $0xb8;
	[tilespmem:$0x1EA00] =	vst v63  }
0x1bf: {  	_ =	swait.ge [sflag:s16], $0x80  }
0x1c0: {  	[sflag:s16] =	ssyncset.done $0x0  }
0x1c1: {  	[sflag:s16] =	ssyncadd.s32 $0xFFFFFF80  }
0x1c2: {  	[spmem:s2] =	stream.indirect.scatter.add.f32 [tilespmem:s26], [sflag:$0x5], $0x1, s25, s21, $0xb8;
	[tilespmem:$0x1EA00] =	vst v63  }
0x1c3: {  	_ =	swait.ge [sflag:s16], $0x80  }
0x1c4: {  	[sflag:s16] =	ssyncset.done $0x0  }
0x1c5: {  	[sflag:s16] =	ssyncadd.s32 $0xFFFFFF80  }
0x1c6: {  	[spmem:s2] =	stream.indirect.scatter.add.f32 [tilespmem:s26], [sflag:$0x5], $0x1, s22, s21, $0xb8;
	[tilespmem:$0x1EA00] =	vst v63  }
0x1c7: {  	_ =	swait.ge [sflag:s16], $0x80  }
0x1c8: {  	[sflag:s16] =	ssyncset.done $0x0  }
0x1c9: {  	[sflag:s16] =	ssyncadd.s32 $0xFFFFFF80  }
0x1ca: {  	[spmem:s2] =	stream.indirect.scatter.add.f32 [tilespmem:s26], [sflag:$0x5], $0x1, s23, s21, $0xb8;
	[tilespmem:$0x1EA00] =	vst v63  }
0x1cb: {  	_ =	swait.ge [sflag:s16], $0x80  }
0x1cc: {  	[sflag:s16] =	ssyncset.done $0x0  }
0x1cd: {  	[sflag:s16] =	ssyncadd.s32 $0xFFFFFF80  }
0x1ce: {  	[spmem:s2] =	stream.indirect.scatter.add.f32 [tilespmem:s26], [sflag:$0x5], $0x1, s28, s21, $0xb8;
	[tilespmem:$0x1EA00] =	vst v63  }
0x1cf: {  	_ =	swait.ge [sflag:s16], $0x80  }
0x1d0: {  	[sflag:s16] =	ssyncset.done $0x0  }
0x1d1: {  	[sflag:s16] =	ssyncadd.s32 $0xFFFFFF80  }
.LBB2_11:
0x1d2: {  	p0 =	seq.s32 s7, $0x0  }
.Ltmp9:
0x1d3: {  	_ = 	snop;
	(pc) =	sbr.rel @p0 .LBB2_16-.Ltmp9, $1  }
0x1d4: {  	_ =	sdelay $0x3  }
.LBB2_12:
0x1d5: {  	[tilespmem:s17], [sflag:$0x3] =	stream.linear.gather [hbm4b:s10+s4], $0x800, $0x38;
	[tilespmem:$0x1EA00] =	vst v63  }
0x1d6: {  	p0 =	slt.u32 s0, $0x2  }
0x1d7: {  	s7 =	simm.s32 @!p0 $0x2  }
0x1d8: {  	_ =	swait.ge @!p0 [sflag:s7], $0x80  }
0x1d9: {  	[sflag:s7] =	ssyncset.done @!p0 $0x0  }
0x1da: {  	[sflag:s7] =	ssyncadd.s32 @!p0 $0xFFFFFF80  }
0x1db: {  	_ =	swait.ge @!p0 [sflag:s7], $0x80  }
0x1dc: {  	[sflag:s7] =	ssyncset.done @!p0 $0x0  }
0x1dd: {  	[sflag:s7] =	ssyncadd.s32 @!p0 $0xFFFFFF80  }
0x1de: {  	_ =	swait.ge @!p0 [sflag:s7], $0x80  }
0x1df: {  	[sflag:s7] =	ssyncset.done @!p0 $0x0  }
0x1e0: {  	[sflag:s7] =	ssyncadd.s32 @!p0 $0xFFFFFF80  }
0x1e1: {  	_ =	swait.ge @!p0 [sflag:s7], $0x80  }
0x1e2: {  	[sflag:s7] =	ssyncset.done @!p0 $0x0  }
0x1e3: {  	[sflag:s7] =	ssyncadd.s32 @!p0 $0xFFFFFF80  }
0x1e4: {  	_ =	swait.ge @!p0 [sflag:s7], $0x80  }
0x1e5: {  	[sflag:s7] =	ssyncset.done @!p0 $0x0  }
0x1e6: {  	[sflag:s7] =	ssyncadd.s32 @!p0 $0xFFFFFF80  }
0x1e7: {  	_ =	swait.ge @!p0 [sflag:s7], $0x80  }
0x1e8: {  	[sflag:s7] =	ssyncset.done @!p0 $0x0  }
0x1e9: {  	[sflag:s7] =	ssyncadd.s32 @!p0 $0xFFFFFF80  }
0x1ea: {  	_ =	swait.ge @!p0 [sflag:s7], $0x80  }
0x1eb: {  	[sflag:s7] =	ssyncset.done @!p0 $0x0  }
0x1ec: {  	[sflag:s7] =	ssyncadd.s32 @!p0 $0xFFFFFF80  }
0x1ed: {  	_ =	swait.ge @!p0 [sflag:s7], $0x80  }
0x1ee: {  	[sflag:s7] =	ssyncset.done @!p0 $0x0  }
0x1ef: {  	[sflag:s7] =	ssyncadd.s32 @!p0 $0xFFFFFF80  }
0x1f0: {  	_ =	swait.ge @!p0 [sflag:s7], $0x80  }
0x1f1: {  	[sflag:s7] =	ssyncset.done @!p0 $0x0  }
0x1f2: {  	[sflag:s7] =	ssyncadd.s32 @!p0 $0xFFFFFF80  }
0x1f3: {  	_ =	swait.ge @!p0 [sflag:s7], $0x80  }
0x1f4: {  	[sflag:s7] =	ssyncset.done @!p0 $0x0  }
0x1f5: {  	[sflag:s7] =	ssyncadd.s32 @!p0 $0xFFFFFF80  }
0x1f6: {  	_ =	swait.ge @!p0 [sflag:s7], $0x80  }
0x1f7: {  	[sflag:s7] =	ssyncset.done @!p0 $0x0  }
0x1f8: {  	[sflag:s7] =	ssyncadd.s32 @!p0 $0xFFFFFF80  }
0x1f9: {  	_ =	swait.ge @!p0 [sflag:s7], $0x80  }
0x1fa: {  	[sflag:s7] =	ssyncset.done @!p0 $0x0  }
0x1fb: {  	[sflag:s7] =	ssyncadd.s32 @!p0 $0xFFFFFF80  }
0x1fc: {  	_ =	swait.ge @!p0 [sflag:s7], $0x80  }
0x1fd: {  	[sflag:s7] =	ssyncset.done @!p0 $0x0  }
0x1fe: {  	[sflag:s7] =	ssyncadd.s32 @!p0 $0xFFFFFF80  }
0x1ff: {  	_ =	swait.ge @!p0 [sflag:s7], $0x80  }
0x200: {  	[sflag:s7] =	ssyncset.done @!p0 $0x0  }
0x201: {  	[sflag:s7] =	ssyncadd.s32 @!p0 $0xFFFFFF80  }
0x202: {  	_ =	swait.ge @!p0 [sflag:s7], $0x80  }
0x203: {  	[sflag:s7] =	ssyncset.done @!p0 $0x0  }
0x204: {  	[sflag:s7] =	ssyncadd.s32 @!p0 $0xFFFFFF80  }
0x205: {  	_ =	swait.ge @!p0 [sflag:s7], $0x80  }
0x206: {  	[sflag:s7] =	ssyncset.done @!p0 $0x0  }
0x207: {  	s3 =	sadd.s32 s6, s3;
	s24 =	simm.s32 $0x0;
	[sflag:s7] =	ssyncadd.s32 @!p0 $0xFFFFFF80  }
0x208: {  	[tilespmem:s18], [sflag:$0x4] =	stream.linear.gather [hbm4b:s3+s24], $0x800, $0x38;
	[tilespmem:$0x1EA00] =	vst v63  }
0x209: {  	_ =	swait.ge [sflag:s19], $0x800  }
0x20a: {  	[sflag:s19] =	ssyncset.done $0x0  }
0x20b: {  	[sflag:s19] =	ssyncadd.s32 $0xFFFFF800  }
0x20c: {  	_ =	swait.ge [sflag:s20], $0x800  }
0x20d: {  	[sflag:s20] =	ssyncset.done $0x0  }
0x20e: {  	s3 =	simm.s32 $0x0;
	[sflag:s20] =	ssyncadd.s32 $0xFFFFF800  }
0x20f: {  	v4 =	vld [tilespmem:s3+$0x18800];
	_ =	sdelay $0x1  }
0x210: {  	v5 =	vld [tilespmem:s3+$0x19800];
	_ =	sdelay $0x4  }
0x211: {  	vm6 =	veq.s32 v5, $0x1869F;
	v5 =	vld [tilespmem:s3+$0x18810]  }
0x212: {  	v6 =	vnsel vm6, $0x18780, v4;
	v4 =	vld.idx.msk [tilespmem:v4+s4+$0x0], $0xffff  }
0x213: {  	[tilespmem:s3+$0x1A000] =	vst v6;
	v6 =	vld [tilespmem:s3+$0x19810];
	_ =	sdelay $0x4  }
0x214: {  	[tilespmem:s3+$0x1B000] =	vst v4;
	v4 =	vld [tilespmem:s3+$0x18820];
	vm0 =	veq.s32 v6, $0x1869F  }
0x215: {  	v6 =	vld.idx.msk [tilespmem:v5+s4+$0x0], $0xffff;
	v5 =	vnsel vm0, $0x18780, v5  }
0x216: {  	[tilespmem:s3+$0x1A010] =	vst v5;
	v5 =	vld [tilespmem:s3+$0x19820];
	_ =	sdelay $0x3  }
0x217: {  	[tilespmem:s3+$0x1B010] =	vst v6;
	v6 =	vld [tilespmem:s3+$0x18830]  }
0x218: {  	vm1 =	veq.s32 v5, $0x1869F  }
0x219: {  	v5 =	vld.idx.msk [tilespmem:v4+s4+$0x0], $0xffff;
	v4 =	vnsel vm1, $0x18780, v4  }
0x21a: {  	[tilespmem:s3+$0x1A020] =	vst v4;
	v4 =	vld [tilespmem:s3+$0x19830];
	_ =	sdelay $0x3  }
0x21b: {  	[tilespmem:s3+$0x1B020] =	vst v5;
	v5 =	vld [tilespmem:s3+$0x18840]  }
0x21c: {  	vm2 =	veq.s32 v4, $0x1869F;
	v4 =	vld.idx.msk [tilespmem:v6+s4+$0x0], $0xffff  }
0x21d: {  	v6 =	vnsel vm2, $0x18780, v6  }
0x21e: {  	[tilespmem:s3+$0x1A030] =	vst v6;
	v6 =	vld [tilespmem:s3+$0x19840];
	_ =	sdelay $0x2  }
0x21f: {  	[tilespmem:s3+$0x1B030] =	vst v4;
	v4 =	vld [tilespmem:s3+$0x18850];
	_ =	sdelay $0x1  }
0x220: {  	vm3 =	veq.s32 v6, $0x1869F;
	v6 =	vld.idx.msk [tilespmem:v5+s4+$0x0], $0xffff  }
0x221: {  	v5 =	vnsel vm3, $0x18780, v5  }
0x222: {  	[tilespmem:s3+$0x1A040] =	vst v5;
	v5 =	vld [tilespmem:s3+$0x19850];
	_ =	sdelay $0x1  }
0x223: {  	v8 =	vld [tilespmem:s3+$0x18860]  }
0x224: {  	[tilespmem:s3+$0x1B040] =	vst v6  }
0x225: {  	v6 =	vld.idx.msk [tilespmem:v4+s4+$0x0], $0xffff  }
0x226: {  	vm4 =	veq.s32 v5, $0x1869F  }
0x227: {  	v4 =	vnsel vm4, $0x18780, v4  }
0x228: {  	[tilespmem:s3+$0x1A050] =	vst v4;
	v4 =	vld [tilespmem:s3+$0x19860]  }
0x229: {  	v9 =	vld [tilespmem:s3+$0x19870]  }
0x22a: {  	[tilespmem:s3+$0x1B050] =	vst v6;
	v6 =	vld [tilespmem:s3+$0x18870]  }
0x22b: {  	v7 =	vld.idx.msk [tilespmem:v8+s4+$0x0], $0xffff;
	_ =	sdelay $0x1  }
0x22c: {  	vm5 =	veq.s32 v4, $0x1869F  }
0x22d: {  	s7 =	simm.s32 $0x80;
	v8 =	vnsel vm5, $0x18780, v8  }
0x22e: {  	v3 =	vimm.s32 $0x0;
	s10 =	simm.s32 $0x400;
	vm7 =	veq.s32 v9, $0x1869F;
	v5 =	vld [tilespmem:s7+$0x19800];
	v4 =	vsel vm6, $0x1, v2;
	[tilespmem:s3+$0x1A060] =	vst v8  }
.LBB2_13:
0x22f: {  	p0 =	seq.s32 s10, $0x1E00;
	v8 =	vld [tilespmem:s7+$0x18800];
	v3 =	vadd.s32 v4, v3;
	v4 =	vsel vm0, $0x1, v2;
	[tilespmem:s3+$0x1B060] =	vst v7;
	v7 =	vnsel vm7, $0x18780, v6  }
0x230: {  	v3 =	vadd.s32 v4, v3;
	v4 =	vsel vm1, $0x1, v2;
	v6 =	vld.idx.msk [tilespmem:v6+s4+$0x0], $0xffff;
	[tilespmem:s3+$0x1A070] =	vst v7  }
0x231: {  	v3 =	vadd.s32 v4, v3;
	v4 =	vsel vm2, $0x1, v2  }
0x232: {  	v3 =	vadd.s32 v4, v3;
	v4 =	vsel vm3, $0x1, v2  }
0x233: {  	v3 =	vadd.s32 v4, v3;
	v4 =	vsel vm4, $0x1, v2  }
0x234: {  	v3 =	vadd.s32 v4, v3;
	v4 =	vsel vm5, $0x1, v2  }
0x235: {  	vm6 =	veq.s32 v5, $0x1869F;
	v3 =	vadd.s32 v4, v3;
	v4 =	vsel vm7, $0x1, v2  }
0x236: {  	v5 =	vnsel vm6, $0x18780, v8;
	v7 =	vld [tilespmem:s7+$0x18810];
	[tilespmem:s3+$0x1B070] =	vst v6;
	v3 =	vadd.s32 v4, v3;
	s3 =	smov.u32 s7  }
0x237: {  	v4 =	vld.idx.msk [tilespmem:v8+s4+$0x0], $0xffff;
	[tilespmem:s3+$0x1A000] =	vst v5;
	_ =	sdelay $0x4  }
0x238: {  	v5 =	vld [tilespmem:s3+$0x19810]  }
0x239: {  	[tilespmem:s3+$0x1B000] =	vst v4;
	v4 =	vld [tilespmem:s3+$0x18820]  }
0x23a: {  	v6 =	vld.idx.msk [tilespmem:v7+s4+$0x0], $0xffff;
	_ =	sdelay $0x2  }
0x23b: {  	vm0 =	veq.s32 v5, $0x1869F  }
0x23c: {  	v5 =	vnsel vm0, $0x18780, v7  }
0x23d: {  	[tilespmem:s3+$0x1A010] =	vst v5;
	v5 =	vld [tilespmem:s3+$0x19820]  }
0x23e: {  	[tilespmem:s3+$0x1B010] =	vst v6;
	v6 =	vld [tilespmem:s3+$0x18830]  }
0x23f: {  	v7 =	vld.idx.msk [tilespmem:v4+s4+$0x0], $0xffff;
	_ =	sdelay $0x2  }
0x240: {  	vm1 =	veq.s32 v5, $0x1869F  }
0x241: {  	v4 =	vnsel vm1, $0x18780, v4  }
0x242: {  	[tilespmem:s3+$0x1A020] =	vst v4;
	v4 =	vld [tilespmem:s3+$0x19830]  }
0x243: {  	[tilespmem:s3+$0x1B020] =	vst v7;
	v5 =	vld [tilespmem:s3+$0x18840]  }
0x244: {  	v7 =	vld.idx.msk [tilespmem:v6+s4+$0x0], $0xffff;
	_ =	sdelay $0x2  }
0x245: {  	vm2 =	veq.s32 v4, $0x1869F  }
0x246: {  	v4 =	vnsel vm2, $0x18780, v6  }
0x247: {  	[tilespmem:s3+$0x1A030] =	vst v4;
	v4 =	vld [tilespmem:s3+$0x19840]  }
0x248: {  	[tilespmem:s3+$0x1B030] =	vst v7;
	v6 =	vld [tilespmem:s3+$0x18850]  }
0x249: {  	v7 =	vld.idx.msk [tilespmem:v5+s4+$0x0], $0xffff;
	_ =	sdelay $0x2  }
0x24a: {  	vm3 =	veq.s32 v4, $0x1869F  }
0x24b: {  	v4 =	vnsel vm3, $0x18780, v5  }
0x24c: {  	[tilespmem:s3+$0x1A040] =	vst v4;
	v4 =	vld [tilespmem:s3+$0x19850]  }
0x24d: {  	[tilespmem:s3+$0x1B040] =	vst v7;
	v5 =	vld [tilespmem:s3+$0x18860]  }
0x24e: {  	v7 =	vld.idx.msk [tilespmem:v6+s4+$0x0], $0xffff;
	_ =	sdelay $0x2  }
0x24f: {  	vm4 =	veq.s32 v4, $0x1869F  }
0x250: {  	v4 =	vnsel vm4, $0x18780, v6;
	v8 =	vld [tilespmem:s3+$0x19870]  }
0x251: {  	[tilespmem:s3+$0x1A050] =	vst v4;
	v4 =	vld [tilespmem:s3+$0x19860]  }
0x252: {  	[tilespmem:s3+$0x1B050] =	vst v7;
	v6 =	vld [tilespmem:s3+$0x18870]  }
0x253: {  	v7 =	vld.idx.msk [tilespmem:v5+s4+$0x0], $0xffff  }
.Ltmp10:
0x254: {  	(pc) =	sbr.rel @!p0 .LBB2_13-.Ltmp10, $4  }
0x255: {  	_ = 	snop  }
0x256: {  	vm5 =	veq.s32 v4, $0x1869F  }
0x257: {  	s7 =	sshra.s32 s10, $0x2;
	v9 =	vnsel vm5, $0x18780, v5  }
0x258: {  	s10 =	sadd.s32 $0x200, s10;
	vm7 =	veq.s32 v8, $0x1869F;
	v4 =	vsel vm6, $0x1, v2;
	v5 =	vld [tilespmem:s7+$0x19800];
	[tilespmem:s3+$0x1A060] =	vst v9  }
0x259: {  	_ =	sdelay $0x1  }
0x25a: {  	v8 =	vld [tilespmem:s7+$0x18800]  }
0x25b: {  	[tilespmem:s3+$0x1B060] =	vst v7  }
0x25c: {  	v7 =	vld.idx.msk [tilespmem:v6+s4+$0x0], $0xffff;
	_ =	sdelay $0x1  }
0x25d: {  	v30 =	vnsel vm7, $0x18780, v6  }
0x25e: {  	[tilespmem:s3+$0x1A070] =	vst v30  }
0x25f: {  	v6 =	vld [tilespmem:s7+$0x18810]  }
0x260: {  	[tilespmem:s3+$0x1B070] =	vst v7  }
0x261: {  	v7 =	vld.idx.msk [tilespmem:v8+s4+$0x0], $0xffff;
	_ =	sdelay $0x1  }
0x262: {  	vm6 =	veq.s32 v5, $0x1869F  }
0x263: {  	v5 =	vnsel vm6, $0x18780, v8;
	v31 =	vld [tilespmem:s7+$0x19810]  }
0x264: {  	v32 =	vld [tilespmem:s7+$0x18820];
	[tilespmem:s7+$0x1A000] =	vst v5  }
0x265: {  	[tilespmem:s7+$0x1B000] =	vst v7  }
0x266: {  	v33 =	vld.idx.msk [tilespmem:v6+s4+$0x0], $0xffff;
	_ =	sdelay $0x1  }
0x267: {  	vm8 =	veq.s32 v31, $0x1869F  }
0x268: {  	v34 =	vld [tilespmem:s7+$0x19820];
	v6 =	vnsel vm8, $0x18780, v6  }
0x269: {  	v35 =	vld [tilespmem:s7+$0x18830];
	[tilespmem:s7+$0x1A010] =	vst v6  }
0x26a: {  	[tilespmem:s7+$0x1B010] =	vst v33  }
0x26b: {  	v36 =	vld.idx.msk [tilespmem:v32+s4+$0x0], $0xffff;
	_ =	sdelay $0x1  }
0x26c: {  	vm9 =	veq.s32 v34, $0x1869F  }
0x26d: {  	v37 =	vld [tilespmem:s7+$0x19830];
	v7 =	vnsel vm9, $0x18780, v32  }
0x26e: {  	v38 =	vld [tilespmem:s7+$0x18840];
	[tilespmem:s7+$0x1A020] =	vst v7  }
0x26f: {  	[tilespmem:s7+$0x1B020] =	vst v36  }
0x270: {  	v39 =	vld.idx.msk [tilespmem:v35+s4+$0x0], $0xffff;
	_ =	sdelay $0x1  }
0x271: {  	vm10 =	veq.s32 v37, $0x1869F  }
0x272: {  	v40 =	vld [tilespmem:s7+$0x19840];
	v5 =	vnsel vm10, $0x18780, v35  }
0x273: {  	v41 =	vld [tilespmem:s7+$0x18850];
	[tilespmem:s7+$0x1A030] =	vst v5  }
0x274: {  	[tilespmem:s7+$0x1B030] =	vst v39  }
0x275: {  	v42 =	vld.idx.msk [tilespmem:v38+s4+$0x0], $0xffff;
	_ =	sdelay $0x1  }
0x276: {  	vm11 =	veq.s32 v40, $0x1869F  }
0x277: {  	v43 =	vld [tilespmem:s7+$0x19850];
	v5 =	vnsel vm11, $0x18780, v38  }
0x278: {  	v44 =	vld [tilespmem:s7+$0x18860];
	[tilespmem:s7+$0x1A040] =	vst v5  }
0x279: {  	[tilespmem:s7+$0x1B040] =	vst v42  }
0x27a: {  	v8 =	vld.idx.msk [tilespmem:v41+s4+$0x0], $0xffff;
	_ =	sdelay $0x1  }
0x27b: {  	vm12 =	veq.s32 v43, $0x1869F  }
0x27c: {  	v47 =	vld [tilespmem:s7+$0x19860];
	v5 =	vnsel vm12, $0x18780, v41  }
0x27d: {  	v49 =	vld [tilespmem:s7+$0x18870];
	[tilespmem:s7+$0x1A050] =	vst v5  }
0x27e: {  	[tilespmem:s7+$0x1B050] =	vst v8  }
0x27f: {  	v52 =	vld.idx.msk [tilespmem:v44+s4+$0x0], $0xffff  }
0x280: {  	v46 =	vsel vm0, $0x1, v2;
	v3 =	vadd.s32 v4, v3  }
0x281: {  	v9 =	vsel vm1, $0x1, v2;
	v3 =	vadd.s32 v46, v3;
	vm14 =	veq.s32 v47, $0x1869F  }
0x282: {  	v48 =	vsel vm2, $0x1, v2;
	v3 =	vadd.s32 v9, v3;
	v45 =	vld [tilespmem:s7+$0x19870];
	v4 =	vnsel vm14, $0x18780, v44  }
0x283: {  	v50 =	vsel vm3, $0x1, v2;
	v3 =	vadd.s32 v48, v3;
	[tilespmem:s7+$0x1A060] =	vst v4  }
0x284: {  	v51 =	vsel vm4, $0x1, v2;
	v3 =	vadd.s32 v50, v3;
	[tilespmem:s7+$0x1B060] =	vst v52  }
0x285: {  	v10 =	vsel vm5, $0x1, v2;
	v3 =	vadd.s32 v51, v3;
	v57 =	vld.idx.msk [tilespmem:v49+s4+$0x0], $0xffff  }
0x286: {  	v53 =	vsel vm7, $0x1, v2;
	v3 =	vadd.s32 v10, v3  }
0x287: {  	v54 =	vsel vm6, $0x1, v2;
	v3 =	vadd.s32 v53, v3;
	vm15 =	veq.s32 v45, $0x1869F  }
0x288: {  	v3 =	vadd.s32 v54, v3;
	v55 =	vsel vm8, $0x1, v2;
	v61 =	vnsel vm15, $0x18780, v49  }
0x289: {  	v56 =	vsel vm9, $0x1, v2;
	v3 =	vadd.s32 v55, v3;
	[tilespmem:s7+$0x1A070] =	vst v61  }
0x28a: {  	s11 =	simm.s32 $0x1B000;
	v58 =	vsel vm10, $0x1, v2;
	v3 =	vadd.s32 v56, v3;
	[tilespmem:s7+$0x1B070] =	vst v57  }
0x28b: {  	v59 =	vsel vm11, $0x1, v2;
	v3 =	vadd.s32 v58, v3;
	[spmem:s1] =	stream.indirect.scatter.add.f32 [tilespmem:s11], [sflag:$0x2], $0x1, s18, s21, $0xb8;
	[tilespmem:$0x1EA00] =	vst v63  }
0x28c: {  	s12 =	simm.s32 $0x19880;
	s24 =	simm.s32 $0x1B080;
	v60 =	vsel vm12, $0x1, v2;
	v3 =	vadd.s32 v59, v3  }
0x28d: {  	v62 =	vsel vm14, $0x1, v2;
	v3 =	vadd.s32 v60, v3;
	[spmem:s1] =	stream.indirect.scatter.add.f32 [tilespmem:s24], [sflag:$0x2], $0x1, s12, s21, $0xb8;
	[tilespmem:$0x1EA00] =	vst v63  }
0x28e: {  	s10 =	simm.s32 $0x19900;
	v63 =	vsel vm15, $0x1, v2;
	v3 =	vadd.s32 v62, v3;
	s11 =	simm.s32 $0x1B100  }
0x28f: {  	v3 =	vadd.s32 v63, v3;
	[spmem:s1] =	stream.indirect.scatter.add.f32 [tilespmem:s11], [sflag:$0x2], $0x1, s10, s21, $0xb8;
	[tilespmem:$0x1EA00] =	vst v63  }
0x290: {  	(xrf0) =	vadd.scan.msk.s32 $0xffff, v3;
	s12 =	simm.s32 $0x19980;
	s24 =	simm.s32 $0x1B180  }
0x291: {  	[spmem:s1] =	stream.indirect.scatter.add.f32 [tilespmem:s24], [sflag:$0x2], $0x1, s12, s21, $0xb8;
	[tilespmem:$0x1EA00] =	vst v63  }
0x292: {  	s10 =	simm.s32 $0x19A00;
	s11 =	simm.s32 $0x1B200  }
0x293: {  	[spmem:s1] =	stream.indirect.scatter.add.f32 [tilespmem:s11], [sflag:$0x2], $0x1, s10, s21, $0xb8;
	[tilespmem:$0x1EA00] =	vst v63  }
0x294: {  	s12 =	simm.s32 $0x19A80;
	s24 =	simm.s32 $0x1B280  }
0x295: {  	[spmem:s1] =	stream.indirect.scatter.add.f32 [tilespmem:s24], [sflag:$0x2], $0x1, s12, s21, $0xb8;
	[tilespmem:$0x1EA00] =	vst v63  }
0x296: {  	v3, _, _ =	vpop (xrf0);
	s10 =	simm.s32 $0x19B00;
	s11 =	simm.s32 $0x1B300  }
0x297: {  	(v2sf) =	vpush v3, $0xF;
	[spmem:s1] =	stream.indirect.scatter.add.f32 [tilespmem:s11], [sflag:$0x2], $0x1, s10, s21, $0xb8;
	[tilespmem:$0x1EA00] =	vst v63  }
0x298: {  	s12 =	simm.s32 $0x19B80;
	s24 =	simm.s32 $0x1B380  }
0x299: {  	[spmem:s1] =	stream.indirect.scatter.add.f32 [tilespmem:s24], [sflag:$0x2], $0x1, s12, s21, $0xb8;
	[tilespmem:$0x1EA00] =	vst v63  }
0x29a: {  	s10 =	simm.s32 $0x19C00;
	s11 =	simm.s32 $0x1B400  }
0x29b: {  	[spmem:s1] =	stream.indirect.scatter.add.f32 [tilespmem:s11], [sflag:$0x2], $0x1, s10, s21, $0xb8;
	[tilespmem:$0x1EA00] =	vst v63  }
0x29c: {  	s12 =	simm.s32 $0x19C80;
	s24 =	simm.s32 $0x1B480  }
0x29d: {  	[spmem:s1] =	stream.indirect.scatter.add.f32 [tilespmem:s24], [sflag:$0x2], $0x1, s12, s21, $0xb8;
	[tilespmem:$0x1EA00] =	vst v63  }
0x29e: {  	s10 =	simm.s32 $0x19D00;
	s11 =	simm.s32 $0x1B500  }
0x29f: {  	[spmem:s1] =	stream.indirect.scatter.add.f32 [tilespmem:s11], [sflag:$0x2], $0x1, s10, s21, $0xb8;
	[tilespmem:$0x1EA00] =	vst v63  }
0x2a0: {  	s12 =	simm.s32 $0x19D80;
	s24 =	simm.s32 $0x1B580  }
0x2a1: {  	[spmem:s1] =	stream.indirect.scatter.add.f32 [tilespmem:s24], [sflag:$0x2], $0x1, s12, s21, $0xb8;
	[tilespmem:$0x1EA00] =	vst v63  }
0x2a2: {  	s10 =	simm.s32 $0x19E00;
	s11 =	simm.s32 $0x1B600  }
0x2a3: {  	[spmem:s1] =	stream.indirect.scatter.add.f32 [tilespmem:s11], [sflag:$0x2], $0x1, s10, s21, $0xb8;
	[tilespmem:$0x1EA00] =	vst v63  }
0x2a4: {  	s12 =	simm.s32 $0x19E80;
	s24 =	simm.s32 $0x1B680  }
0x2a5: {  	[spmem:s1] =	stream.indirect.scatter.add.f32 [tilespmem:s24], [sflag:$0x2], $0x1, s12, s21, $0xb8;
	[tilespmem:$0x1EA00] =	vst v63  }
0x2a6: {  	s24 =	spop (v2sf)  }
0x2a7: {  	p0 =	sgt.s32 s24, $0x0  }
.Ltmp11:
0x2a8: {  	_ = 	snop;
	(pc) =	sbr.rel @!p0 .LBB2_16-.Ltmp11, $4  }
0x2a9: {  	s7 =	simm.s32 $0x19F00;
	s10 =	simm.s32 $0x1B700  }
0x2aa: {  	[spmem:s1] =	stream.indirect.scatter.add.f32 [tilespmem:s10], [sflag:$0x2], $0x1, s7, s21, $0xb8;
	[tilespmem:$0x1EA00] =	vst v63  }
0x2ab: {  	s11 =	simm.s32 $0x19F80;
	s12 =	simm.s32 $0x1B780  }
0x2ac: {  	[spmem:s1] =	stream.indirect.scatter.add.f32 [tilespmem:s12], [sflag:$0x2], $0x1, s11, s21, $0xb8;
	[tilespmem:$0x1EA00] =	vst v63  }
0x2ad: {  	s3 =	simm.s32 $0x1A000  }
0x2ae: {  	[spmem:s2] =	stream.indirect.scatter.add.f32 [tilespmem:s26], [sflag:$0x5], $0x1, s3, s21, $0xb8;
	[tilespmem:$0x1EA00] =	vst v63  }
0x2af: {  	_ =	swait.ge [sflag:s16], $0x80  }
0x2b0: {  	[sflag:s16] =	ssyncset.done $0x0  }
0x2b1: {  	s24 =	simm.s32 $0x1A080;
	[sflag:s16] =	ssyncadd.s32 $0xFFFFFF80  }
0x2b2: {  	[spmem:s2] =	stream.indirect.scatter.add.f32 [tilespmem:s26], [sflag:$0x5], $0x1, s24, s21, $0xb8;
	[tilespmem:$0x1EA00] =	vst v63  }
0x2b3: {  	_ =	swait.ge [sflag:s16], $0x80  }
0x2b4: {  	[sflag:s16] =	ssyncset.done $0x0  }
0x2b5: {  	s7 =	simm.s32 $0x1A100;
	[sflag:s16] =	ssyncadd.s32 $0xFFFFFF80  }
0x2b6: {  	[spmem:s2] =	stream.indirect.scatter.add.f32 [tilespmem:s26], [sflag:$0x5], $0x1, s7, s21, $0xb8;
	[tilespmem:$0x1EA00] =	vst v63  }
0x2b7: {  	_ =	swait.ge [sflag:s16], $0x80  }
0x2b8: {  	[sflag:s16] =	ssyncset.done $0x0  }
0x2b9: {  	s10 =	simm.s32 $0x1A180;
	[sflag:s16] =	ssyncadd.s32 $0xFFFFFF80  }
0x2ba: {  	[spmem:s2] =	stream.indirect.scatter.add.f32 [tilespmem:s26], [sflag:$0x5], $0x1, s10, s21, $0xb8;
	[tilespmem:$0x1EA00] =	vst v63  }
0x2bb: {  	_ =	swait.ge [sflag:s16], $0x80  }
0x2bc: {  	[sflag:s16] =	ssyncset.done $0x0  }
0x2bd: {  	s11 =	simm.s32 $0x1A200;
	[sflag:s16] =	ssyncadd.s32 $0xFFFFFF80  }
0x2be: {  	[spmem:s2] =	stream.indirect.scatter.add.f32 [tilespmem:s26], [sflag:$0x5], $0x1, s11, s21, $0xb8;
	[tilespmem:$0x1EA00] =	vst v63  }
0x2bf: {  	_ =	swait.ge [sflag:s16], $0x80  }
0x2c0: {  	[sflag:s16] =	ssyncset.done $0x0  }
0x2c1: {  	s12 =	simm.s32 $0x1A280;
	[sflag:s16] =	ssyncadd.s32 $0xFFFFFF80  }
0x2c2: {  	[spmem:s2] =	stream.indirect.scatter.add.f32 [tilespmem:s26], [sflag:$0x5], $0x1, s12, s21, $0xb8;
	[tilespmem:$0x1EA00] =	vst v63  }
0x2c3: {  	_ =	swait.ge [sflag:s16], $0x80  }
0x2c4: {  	[sflag:s16] =	ssyncset.done $0x0  }
0x2c5: {  	s24 =	simm.s32 $0x1A300;
	[sflag:s16] =	ssyncadd.s32 $0xFFFFFF80  }
0x2c6: {  	[spmem:s2] =	stream.indirect.scatter.add.f32 [tilespmem:s26], [sflag:$0x5], $0x1, s24, s21, $0xb8;
	[tilespmem:$0x1EA00] =	vst v63  }
0x2c7: {  	_ =	swait.ge [sflag:s16], $0x80  }
0x2c8: {  	[sflag:s16] =	ssyncset.done $0x0  }
0x2c9: {  	s7 =	simm.s32 $0x1A380;
	[sflag:s16] =	ssyncadd.s32 $0xFFFFFF80  }
0x2ca: {  	[spmem:s2] =	stream.indirect.scatter.add.f32 [tilespmem:s26], [sflag:$0x5], $0x1, s7, s21, $0xb8;
	[tilespmem:$0x1EA00] =	vst v63  }
0x2cb: {  	_ =	swait.ge [sflag:s16], $0x80  }
0x2cc: {  	[sflag:s16] =	ssyncset.done $0x0  }
0x2cd: {  	s10 =	simm.s32 $0x1A400;
	[sflag:s16] =	ssyncadd.s32 $0xFFFFFF80  }
0x2ce: {  	[spmem:s2] =	stream.indirect.scatter.add.f32 [tilespmem:s26], [sflag:$0x5], $0x1, s10, s21, $0xb8;
	[tilespmem:$0x1EA00] =	vst v63  }
0x2cf: {  	_ =	swait.ge [sflag:s16], $0x80  }
0x2d0: {  	[sflag:s16] =	ssyncset.done $0x0  }
0x2d1: {  	s11 =	simm.s32 $0x1A480;
	[sflag:s16] =	ssyncadd.s32 $0xFFFFFF80  }
0x2d2: {  	[spmem:s2] =	stream.indirect.scatter.add.f32 [tilespmem:s26], [sflag:$0x5], $0x1, s11, s21, $0xb8;
	[tilespmem:$0x1EA00] =	vst v63  }
0x2d3: {  	_ =	swait.ge [sflag:s16], $0x80  }
0x2d4: {  	[sflag:s16] =	ssyncset.done $0x0  }
0x2d5: {  	s12 =	simm.s32 $0x1A500;
	[sflag:s16] =	ssyncadd.s32 $0xFFFFFF80  }
0x2d6: {  	[spmem:s2] =	stream.indirect.scatter.add.f32 [tilespmem:s26], [sflag:$0x5], $0x1, s12, s21, $0xb8;
	[tilespmem:$0x1EA00] =	vst v63  }
0x2d7: {  	_ =	swait.ge [sflag:s16], $0x80  }
0x2d8: {  	[sflag:s16] =	ssyncset.done $0x0  }
0x2d9: {  	s24 =	simm.s32 $0x1A580;
	[sflag:s16] =	ssyncadd.s32 $0xFFFFFF80  }
0x2da: {  	[spmem:s2] =	stream.indirect.scatter.add.f32 [tilespmem:s26], [sflag:$0x5], $0x1, s24, s21, $0xb8;
	[tilespmem:$0x1EA00] =	vst v63  }
0x2db: {  	_ =	swait.ge [sflag:s16], $0x80  }
0x2dc: {  	[sflag:s16] =	ssyncset.done $0x0  }
0x2dd: {  	[sflag:s16] =	ssyncadd.s32 $0xFFFFFF80  }
0x2de: {  	[spmem:s2] =	stream.indirect.scatter.add.f32 [tilespmem:s26], [sflag:$0x5], $0x1, s25, s21, $0xb8;
	[tilespmem:$0x1EA00] =	vst v63  }
0x2df: {  	_ =	swait.ge [sflag:s16], $0x80  }
0x2e0: {  	[sflag:s16] =	ssyncset.done $0x0  }
0x2e1: {  	[sflag:s16] =	ssyncadd.s32 $0xFFFFFF80  }
0x2e2: {  	[spmem:s2] =	stream.indirect.scatter.add.f32 [tilespmem:s26], [sflag:$0x5], $0x1, s22, s21, $0xb8;
	[tilespmem:$0x1EA00] =	vst v63  }
0x2e3: {  	_ =	swait.ge [sflag:s16], $0x80  }
0x2e4: {  	[sflag:s16] =	ssyncset.done $0x0  }
0x2e5: {  	[sflag:s16] =	ssyncadd.s32 $0xFFFFFF80  }
0x2e6: {  	[spmem:s2] =	stream.indirect.scatter.add.f32 [tilespmem:s26], [sflag:$0x5], $0x1, s23, s21, $0xb8;
	[tilespmem:$0x1EA00] =	vst v63  }
0x2e7: {  	_ =	swait.ge [sflag:s16], $0x80  }
0x2e8: {  	[sflag:s16] =	ssyncset.done $0x0  }
.Ltmp12:
0x2e9: {  	[sflag:s16] =	ssyncadd.s32 $0xFFFFFF80;
	(pc) =	sbr.rel .LBB2_16-.Ltmp12, $4  }
0x2ea: {  	[spmem:s2] =	stream.indirect.scatter.add.f32 [tilespmem:s26], [sflag:$0x5], $0x1, s28, s21, $0xb8;
	[tilespmem:$0x1EA00] =	vst v63  }
0x2eb: {  	_ =	swait.ge [sflag:s16], $0x80  }
0x2ec: {  	[sflag:s16] =	ssyncset.done $0x0  }
0x2ed: {  	[sflag:s16] =	ssyncadd.s32 $0xFFFFFF80  }
.LBB2_18:
0x2ee: {  	_ =	sfence.sel $0x180000  }
0x2ef: {  	[bflag:$0x0] =	sbarrier.arrive $0xFFFF  }
0x2f0: {  	_ =	strace $0x9000004A  }
0x2f1: {  	s0 =	stileid.u32;
	[bflag:$0x2] =	sbarrier.arrive $0xFFFF  }
0x2f2: {  	p0 =	sne.s32 s0, $0x0;
	s0 =	rddreg [dreg:$0x3]  }
0x2f3: {  	s0 =	sadd.s32 @!p0 $0x100000, s0  }
0x2f4: {  	[sflag:s0] =	ssyncadd.tile.s32 @!p0 $0x1;
	_ =	shalt  }
.Lfunc_end2:
_tile_overlayer_lowered:
.L_overlay_start_2:
0x2f5: {  	(tag) =	ssettag $0x2  }
0x2f6: {  	s0 =	rddreg [dreg:$0x0];
	s2 =	stileid.u32  }
0x2f7: {  	s1 =	rddreg [dreg:$0x1];
	p0 =	sne.s32 s2, $0x0  }
0x2f8: {  	s3 =	rddreg [dreg:$0x2];
	[bflag:$0x3] =	sbarrier.arrive $0xFFFF;
	s2 =	simm.s32 @!p0 $0x1C05  }
0x2f9: {  	[timem:s3], [sflag:s2] =	dma.local @!p0 [hbm:s0], s1  }
0x2fa: {  	s0 =	simm.s32 @!p0 $0x5  }
0x2fb: {  	_ =	swait.ge @!p0 [sflag:s0], s1  }
0x2fc: {  	s1 =	ssub.s32 @!p0 $0x0, s1;
	[sflag:s0] =	ssyncset.done @!p0 $0x0  }
0x2fd: {  	[sflag:s0] =	ssyncadd.s32 @!p0 s1  }
0x2fe: {  	[bflag:$0x3] =	sbarrier.arrive $0xFFFF  }
0x2ff: {  	_ =	shalt  }

</sc_bundles>
